<compile_context>
chip_gen: v7x
topology: tpu7x:2x2x1
jax: 0.10.2.dev20260603
libtpu: 0.0.44.dev20260713+nightly
codegen_flags: <defaults>
</compile_context>

<pallas_src>
import functools

import jax
import jax.numpy as jnp
from jax import lax
from jax.experimental import pallas as pl
from jax.experimental.pallas import tpu as pltpu
from jax.experimental.pallas import tpu_sc as plsc

B, L, D = 4096, 200, 64
K1, K2, K3 = 5, 21, 85
KTOT = K1 + K2 + K3
KPAD = 112
NC, NS, LANES = 2, 16, 16
NW = NC * NS
ROWS_PER_W = B // NW
GRP = 64
NGRP = ROWS_PER_W // GRP
ROW_ELEMS = L * D
NCHUNK = 13


def _sc_embed(t1, t2, t3, tabflat, fcv, fcbv):
    mesh = plsc.VectorSubcoreMesh(core_axis_name="c", subcore_axis_name="s")

    @functools.partial(
        pl.kernel,
        out_type=jax.ShapeDtypeStruct((B, ROW_ELEMS), jnp.float32),
        mesh=mesh,
        scratch_types=[
            pltpu.VMEM((KPAD * D,), jnp.float32),
            pltpu.VMEM((128,), jnp.float32),
            pltpu.VMEM((LANES,), jnp.float32),
            pltpu.VMEM((128,), jnp.float32),
            pltpu.VMEM((GRP, L), jnp.int32),
            pltpu.VMEM((GRP, L), jnp.int32),
            pltpu.VMEM((GRP, L), jnp.int32),
            pltpu.VMEM((L,), jnp.float32),
            pltpu.VMEM((L,), jnp.float32),
            pltpu.VMEM((L,), jnp.float32),
            pltpu.VMEM((ROW_ELEMS,), jnp.float32),
            pltpu.VMEM((ROW_ELEMS,), jnp.float32),
            pltpu.SemaphoreType.DMA,
            pltpu.SemaphoreType.DMA,
        ],
        compiler_params=pltpu.CompilerParams(needs_layout_passes=False),
    )
    def k(t1h, t2h, t3h, tabh, fch, fcbh, outh,
          tab_v, fc_v, fcb_v, lt_v, i1_v, i2_v, i3_v, w1_v, w2_v, w3_v,
          ob0_v, ob1_v, sem0, sem1):
        wid = lax.axis_index("s") * NC + lax.axis_index("c")

        pltpu.sync_copy(tabh, tab_v)
        pltpu.sync_copy(fch, fc_v)
        pltpu.sync_copy(fcbh, fcb_v)

        iota = lax.iota(jnp.int32, LANES)
        iota_d = iota * D
        tail_keep = iota >= 8
        zero_v = jnp.zeros((LANES,), jnp.float32)

        def lt_chunk(kc, _):
            rows = iota + kc * LANES
            def dbody(d, carry):
                acc, idx = carry
                fd = plsc.load_gather(fc_v, [lax.broadcast(d, (LANES,))])
                val = plsc.load_gather(tab_v, [idx])
                return acc + val * fd, idx + 1
            acc0 = fcb_v[...]
            acc, _ = lax.fori_loop(0, D, dbody, (acc0, rows * D))
            lt_v[pl.ds(kc * LANES, LANES)] = acc
            return 0
        lax.fori_loop(0, KPAD // LANES, lt_chunk, 0)

        def softmax_weights(idx_ref, w_ref, l_off, r):
            lg = []
            for v in range(NCHUNK):
                off = 184 if v == NCHUNK - 1 else 16 * v
                tv = idx_ref[r, pl.ds(off, 16)]
                if l_off:
                    tv = tv + l_off
                lg.append(plsc.load_gather(lt_v, [tv]))
            m = lg[0]
            for v in range(1, NCHUNK):
                m = jnp.maximum(m, lg[v])
            mb = lax.broadcast(jnp.max(m), (LANES,))
            es = [jnp.exp(x - mb) for x in lg]
            s = es[0]
            for v in range(1, NCHUNK - 1):
                s = s + es[v]
            s = s + jnp.where(tail_keep, es[NCHUNK - 1], zero_v)
            rec = 1.0 / lax.broadcast(jnp.sum(s), (LANES,))
            for v in range(NCHUNK):
                off = 184 if v == NCHUNK - 1 else 16 * v
                w_ref[pl.ds(off, 16)] = es[v] * rec
            return

        row_base = wid * ROWS_PER_W


        def fuse_row(r, ob_v):
            softmax_weights(i1_v, w1_v, 0, r)
            softmax_weights(i2_v, w2_v, K1, r)
            softmax_weights(i3_v, w3_v, K1 + K2, r)

            def chunk_body(c):
                off = jnp.minimum(c * 16, 184)
                t1v = i1_v[r, pl.ds(off, 16)]
                t2v = i2_v[r, pl.ds(off, 16)]
                t3v = i3_v[r, pl.ds(off, 16)]
                w1v = w1_v[pl.ds(off, 16)]
                w2v = w2_v[pl.ds(off, 16)]
                w3v = w3_v[pl.ds(off, 16)]
                b1 = t1v * D
                b2 = t2v * D + K1 * D
                b3 = t3v * D + (K1 + K2) * D
                obb = iota_d + lax.broadcast(off * D, (LANES,))

                def dbody(_d, dvec):
                    g1 = plsc.load_gather(tab_v, [b1 + dvec])
                    g2 = plsc.load_gather(tab_v, [b2 + dvec])
                    g3 = plsc.load_gather(tab_v, [b3 + dvec])
                    val = w1v * g1 + w2v * g2 + w3v * g3
                    plsc.store_scatter(ob_v, [obb + dvec], val)
                    return (dvec + 1) & (D - 1)

                plsc.parallel_loop(0, D, carry=iota, unroll=2)(dbody)

            plsc.parallel_loop(0, NCHUNK)(chunk_body)

        def grp_body(g, _):
            row0 = row_base + g * GRP
            pltpu.sync_copy(t1h.at[pl.ds(row0, GRP)], i1_v)
            pltpu.sync_copy(t2h.at[pl.ds(row0, GRP)], i2_v)
            pltpu.sync_copy(t3h.at[pl.ds(row0, GRP)], i3_v)

            fuse_row(0, ob0_v)
            pltpu.async_copy(ob0_v, outh.at[row0], sem0)
            fuse_row(1, ob1_v)
            pltpu.async_copy(ob1_v, outh.at[row0 + 1], sem1)

            def pair_body(p, _):
                r = 2 * p
                pltpu.make_async_copy(ob0_v, outh.at[row0 + r], sem0).wait()
                fuse_row(r, ob0_v)
                pltpu.async_copy(ob0_v, outh.at[row0 + r], sem0)
                pltpu.make_async_copy(
                    ob1_v, outh.at[row0 + r + 1], sem1).wait()
                fuse_row(r + 1, ob1_v)
                pltpu.async_copy(ob1_v, outh.at[row0 + r + 1], sem1)
                return 0

            lax.fori_loop(1, GRP // 2, pair_body, 0)
            pltpu.make_async_copy(ob0_v, outh.at[row0], sem0).wait()
            pltpu.make_async_copy(ob1_v, outh.at[row0 + 1], sem1).wait()
            return 0

        lax.fori_loop(0, ROWS_PER_W // GRP, grp_body, 0)

    return k(t1, t2, t3, tabflat, fcv, fcbv)


def kernel(t1, t2, t3, W1, W2, W3, fc_w, fc_b):
    tab = jnp.concatenate([W1, W2, W3], axis=0)
    tab = jnp.pad(tab, ((0, KPAD - KTOT), (0, 0)))
    tabflat = tab.reshape(-1)
    fcv = jnp.pad(fc_w.reshape(D), (0, 128 - D))
    fcbv = jnp.full((LANES,), fc_b[0], jnp.float32)
    out = _sc_embed(t1.astype(jnp.int32), t2.astype(jnp.int32),
                    t3.astype(jnp.int32), tabflat, fcv, fcbv)
    return out.reshape(B, L, D)

# --- scband reference (transcript-rebuilt; emitter-appended) ---
"""Pipeline reference for scband-embedding-layer-13872744366725 (READ-ONLY COPY).

The authoritative reference and input builder live on the scoring server;
editing this copy changes nothing except your own understanding.
"""

import jax, jax.numpy as jnp
import numpy as np

B, L, D = 4096, 200, 64

def setup_inputs(seed: int = 0) -> dict:
    key = jax.random.key(seed)
    ks = jax.random.split(key, 8)
    t1 = jax.random.randint(ks[0], (B, L), 0, 5, dtype=jnp.int64 if jax.config.jax_enable_x64 else jnp.int32)
    t2 = jax.random.randint(ks[1], (B, L), 0, 21, dtype=t1.dtype)
    t3 = jax.random.randint(ks[2], (B, L), 0, 85, dtype=t1.dtype)
    W1 = jax.random.normal(ks[3], (5, D), dtype=jnp.float32)
    W2 = jax.random.normal(ks[4], (21, D), dtype=jnp.float32)
    W3 = jax.random.normal(ks[5], (85, D), dtype=jnp.float32)
    # padding_idx=0: zero row 0 as torch initializes padding row to zeros
    W1 = W1.at[0].set(0.0)
    W2 = W2.at[0].set(0.0)
    W3 = W3.at[0].set(0.0)
    fc_w = jax.random.normal(ks[6], (1, D), dtype=jnp.float32) * (1.0 / np.sqrt(D))
    fc_b = jax.random.normal(ks[7], (1,), dtype=jnp.float32) * 0.01
    return {"t1": t1, "t2": t2, "t3": t3, "W1": W1, "W2": W2, "W3": W3, "fc_w": fc_w, "fc_b": fc_b}

def reference(t1, t2, t3, W1, W2, W3, fc_w, fc_b):
    # embedding lookups (gather)
    em1 = jnp.take(W1, t1, axis=0)  # [B, L, D]
    em2 = jnp.take(W2, t2, axis=0)
    em3 = jnp.take(W3, t3, axis=0)
    def weight(t):
        logits = jnp.einsum('bld,od->blo', t, fc_w) + fc_b  # [B, L, 1]
        return jax.nn.softmax(logits, axis=1)  # softmax over dim=1 (seq)
    w1 = weight(em1)
    w2 = weight(em2)
    w3 = weight(em3)
    fused = w1 * em1 + w2 * em2 + w3 * em3
    return fused

if __name__ == "__main__":
    import jax
    _d = setup_inputs()
    print(jax.jit(kernel)(*tuple(_d.values())))

</pallas_src>

<mosaic_0001>
#map = affine_map<(d0, d1) -> (0, 0)>
#map1 = affine_map<(d0, d1) -> (0)>
module attributes {stable_mosaic.version = 14 : i64} {
  func.func @k(%arg0: i32, %arg1: i32, %arg2: memref<4096x200xi32, #tpu.memory_space<hbm>>, %arg3: memref<4096x200xi32, #tpu.memory_space<hbm>>, %arg4: memref<4096x200xi32, #tpu.memory_space<hbm>>, %arg5: memref<7168xf32, #tpu.memory_space<hbm>>, %arg6: memref<128xf32, #tpu.memory_space<hbm>>, %arg7: memref<16xf32, #tpu.memory_space<hbm>>, %arg8: memref<4096x12800xf32, #tpu.memory_space<hbm>>, %arg9: memref<7168xf32, #tpu.memory_space<vmem>>, %arg10: memref<128xf32, #tpu.memory_space<vmem>>, %arg11: memref<16xf32, #tpu.memory_space<vmem>>, %arg12: memref<128xf32, #tpu.memory_space<vmem>>, %arg13: memref<64x200xi32, #tpu.memory_space<vmem>>, %arg14: memref<64x200xi32, #tpu.memory_space<vmem>>, %arg15: memref<64x200xi32, #tpu.memory_space<vmem>>, %arg16: memref<200xf32, #tpu.memory_space<vmem>>, %arg17: memref<200xf32, #tpu.memory_space<vmem>>, %arg18: memref<200xf32, #tpu.memory_space<vmem>>, %arg19: memref<12800xf32, #tpu.memory_space<vmem>>, %arg20: memref<12800xf32, #tpu.memory_space<vmem>>, %arg21: memref<!tpu.dma_semaphore, #tpu.memory_space<semaphore_mem>>, %arg22: memref<!tpu.dma_semaphore, #tpu.memory_space<semaphore_mem>>) attributes {dimension_semantics = [#tpu.dimension_semantics<core_parallel>, #tpu.dimension_semantics<subcore_parallel>], iteration_bounds = array<i64: 2, 16>, scalar_prefetch = 0 : i64, scratch_operands = 14 : i64, tpu.core_type = #tpu.core_type<sc_vector_subcore>, window_params = [{transform_indices = #map}, {transform_indices = #map}, {transform_indices = #map}, {transform_indices = #map1}, {transform_indices = #map1}, {transform_indices = #map1}, {transform_indices = #map}]} {
    %mul3A = arith.constant 2 : i32
    %mul3A_0 = arith.muli %arg1, %mul3A : i32
    %add3A = arith.addi %mul3A_0, %arg0 : i32
    "tpu.region"() ({
      %run_scoped3A = tpu.sem_alloc : memref<!tpu.dma_semaphore, #tpu.memory_space<semaphore_mem>>
      tpu.enqueue_dma source(%arg5 : memref<7168xf32, #tpu.memory_space<hbm>>) target(%arg9 : memref<7168xf32, #tpu.memory_space<vmem>>) target_semaphore(%run_scoped3A : memref<!tpu.dma_semaphore, #tpu.memory_space<semaphore_mem>>)
      tpu.wait_dma2 semaphore(%run_scoped3A : memref<!tpu.dma_semaphore, #tpu.memory_space<semaphore_mem>>) src(%arg5 : memref<7168xf32, #tpu.memory_space<hbm>>) dst(%arg9 : memref<7168xf32, #tpu.memory_space<vmem>>)
      tpu.yield
    }) : () -> ()
    "tpu.region"() ({
      %run_scoped3A = tpu.sem_alloc : memref<!tpu.dma_semaphore, #tpu.memory_space<semaphore_mem>>
      tpu.enqueue_dma source(%arg6 : memref<128xf32, #tpu.memory_space<hbm>>) target(%arg10 : memref<128xf32, #tpu.memory_space<vmem>>) target_semaphore(%run_scoped3A : memref<!tpu.dma_semaphore, #tpu.memory_space<semaphore_mem>>)
      tpu.wait_dma2 semaphore(%run_scoped3A : memref<!tpu.dma_semaphore, #tpu.memory_space<semaphore_mem>>) src(%arg6 : memref<128xf32, #tpu.memory_space<hbm>>) dst(%arg10 : memref<128xf32, #tpu.memory_space<vmem>>)
      tpu.yield
    }) : () -> ()
    "tpu.region"() ({
      %run_scoped3A = tpu.sem_alloc : memref<!tpu.dma_semaphore, #tpu.memory_space<semaphore_mem>>
      tpu.enqueue_dma source(%arg7 : memref<16xf32, #tpu.memory_space<hbm>>) target(%arg11 : memref<16xf32, #tpu.memory_space<vmem>>) target_semaphore(%run_scoped3A : memref<!tpu.dma_semaphore, #tpu.memory_space<semaphore_mem>>)
      tpu.wait_dma2 semaphore(%run_scoped3A : memref<!tpu.dma_semaphore, #tpu.memory_space<semaphore_mem>>) src(%arg7 : memref<16xf32, #tpu.memory_space<hbm>>) dst(%arg11 : memref<16xf32, #tpu.memory_space<vmem>>)
      tpu.yield
    }) : () -> ()
    %iota3A = tpu.iota {dimensions = array<i32: 0>} : vector<16xi32>
    %mul3A_1 = arith.constant 64 : i32
    %mul3A_2 = vector.broadcast %mul3A_1 : i32 to vector<16xi32>
    %mul3A_3 = arith.muli %iota3A, %mul3A_2 : vector<16xi32>
    %ge3A = arith.constant 8 : i32
    %ge3A_4 = vector.broadcast %ge3A : i32 to vector<16xi32>
    %ge3A_5 = arith.cmpi sge, %iota3A, %ge3A_4 : vector<16xi32>
    %broadcast_in_dim3A = arith.constant 0.000000e+00 : f32
    %broadcast_in_dim3A_6 = vector.broadcast %broadcast_in_dim3A : f32 to vector<16xf32>
    %scan3A = arith.constant 0 : i32
    %scan3A_7 = arith.constant 0 : i32
    %scan3A_8 = arith.constant 7 : i32
    %scan3A_9 = arith.addi %scan3A_7, %scan3A_8 : i32
    %scan3A_10 = arith.constant 1 : i32
    %scan3A_11 = scf.for %scan3A_22 = %scan3A_7 to %scan3A_9 step %scan3A_10 iter_args(%scan3A_23 = %scan3A) -> (i32)  : i32 {
      %mul3A_24 = arith.constant 16 : i32
      %mul3A_25 = arith.muli %scan3A_22, %mul3A_24 : i32
      %add3A_26 = vector.broadcast %mul3A_25 : i32 to vector<16xi32>
      %add3A_27 = arith.addi %iota3A, %add3A_26 : vector<16xi32>
      %get3A = arith.constant 0 : index
      %get3A_28 = tpu.vector_load %arg11[%get3A] {strides = array<i32>} : memref<16xf32, #tpu.memory_space<vmem>>, vector<16xf32>,
      %mul3A_29 = arith.constant 64 : i32
      %mul3A_30 = vector.broadcast %mul3A_29 : i32 to vector<16xi32>
      %mul3A_31 = arith.muli %add3A_27, %mul3A_30 : vector<16xi32>
      %scan3A_32 = arith.constant 0 : i32
      %scan3A_33 = arith.constant 64 : i32
      %scan3A_34 = arith.addi %scan3A_32, %scan3A_33 : i32
      %scan3A_35 = arith.constant 1 : i32
      %scan3A_36:2 = scf.for %scan3A_42 = %scan3A_32 to %scan3A_34 step %scan3A_35 iter_args(%scan3A_43 = %get3A_28, %scan3A_44 = %mul3A_31) -> (vector<16xf32>, vector<16xi32>)  : i32 {
        %broadcast_in_dim3A_45 = vector.broadcast %scan3A_42 : i32 to vector<16xi32>
        %gather3A = tpu.vector_load_idx %arg10[%broadcast_in_dim3A_45] : memref<128xf32, #tpu.memory_space<vmem>>[vector<16xi32>], vector<16xf32>,
        %gather3A_46 = tpu.vector_load_idx %arg9[%scan3A_44] : memref<7168xf32, #tpu.memory_space<vmem>>[vector<16xi32>], vector<16xf32>,
        %mul3A_47 = arith.mulf %gather3A_46, %gather3A : vector<16xf32>
        %add3A_48 = arith.addf %scan3A_43, %mul3A_47 : vector<16xf32>
        %add3A_49 = arith.constant 1 : i32
        %add3A_50 = vector.broadcast %add3A_49 : i32 to vector<16xi32>
        %add3A_51 = arith.addi %scan3A_44, %add3A_50 : vector<16xi32>
        scf.yield %add3A_48, %add3A_51 : vector<16xf32>, vector<16xi32>
      }
      %scan3A_37 = arith.constant 64 : i32
      %mul3A_38 = arith.constant 16 : i32
      %mul3A_39 = arith.muli %scan3A_22, %mul3A_38 : i32
      %swap3A = arith.index_cast %mul3A_39 : i32 to index
      %swap3A_40 = tpu.vector_load %arg12[%swap3A] {strides = array<i32>} : memref<128xf32, #tpu.memory_space<vmem>>, vector<16xf32>,
      tpu.vector_store %arg12[%swap3A], %scan3A_36#0 {strides = array<i32>} : memref<128xf32, #tpu.memory_space<vmem>>, vector<16xf32>,
      %scan3A_41 = arith.constant 0 : i32
      scf.yield %scan3A_41 : i32
    }
    %scan3A_12 = arith.constant 7 : i32
    %mul3A_13 = arith.constant 128 : i32
    %mul3A_14 = arith.muli %add3A, %mul3A_13 : i32
    %scan3A_15 = arith.constant 0 : i32
    %scan3A_16 = arith.constant 0 : i32
    %scan3A_17 = arith.constant 2 : i32
    %scan3A_18 = arith.addi %scan3A_16, %scan3A_17 : i32
    %scan3A_19 = arith.constant 1 : i32
    %scan3A_20 = scf.for %scan3A_22 = %scan3A_16 to %scan3A_18 step %scan3A_19 iter_args(%scan3A_23 = %scan3A_15) -> (i32)  : i32 {
      %mul3A_24 = arith.constant 64 : i32
      %mul3A_25 = arith.muli %scan3A_22, %mul3A_24 : i32
      %add3A_26 = arith.addi %mul3A_14, %mul3A_25 : i32
      "tpu.region"() ({
        %run_scoped3A = tpu.sem_alloc : memref<!tpu.dma_semaphore, #tpu.memory_space<semaphore_mem>>
        %dma_start3A_1220 = arith.constant 0 : i32
        %dma_start3A_1221 = tpu.memref_slice %arg2[%add3A_26, %dma_start3A_1220] : memref<4096x200xi32, #tpu.memory_space<hbm>> -> memref<64x200xi32, #tpu.memory_space<hbm>>
        %dma_start3A_1222 = arith.constant 0 : i32
        %dma_start3A_1223 = tpu.memref_slice %arg2[%add3A_26, %dma_start3A_1222] : memref<4096x200xi32, #tpu.memory_space<hbm>> -> memref<64x200xi32, #tpu.memory_space<hbm>>
        tpu.enqueue_dma source(%dma_start3A_1223 : memref<64x200xi32, #tpu.memory_space<hbm>>) target(%arg13 : memref<64x200xi32, #tpu.memory_space<vmem>>) target_semaphore(%run_scoped3A : memref<!tpu.dma_semaphore, #tpu.memory_space<semaphore_mem>>)
        %dma_wait3A_1224 = arith.constant 0 : i32
        %dma_wait3A_1225 = tpu.memref_slice %arg2[%add3A_26, %dma_wait3A_1224] : memref<4096x200xi32, #tpu.memory_space<hbm>> -> memref<64x200xi32, #tpu.memory_space<hbm>>
        %dma_wait3A_1226 = arith.constant 0 : i32
        %dma_wait3A_1227 = tpu.memref_slice %arg2[%add3A_26, %dma_wait3A_1226] : memref<4096x200xi32, #tpu.memory_space<hbm>> -> memref<64x200xi32, #tpu.memory_space<hbm>>
        tpu.wait_dma2 semaphore(%run_scoped3A : memref<!tpu.dma_semaphore, #tpu.memory_space<semaphore_mem>>) src(%dma_wait3A_1227 : memref<64x200xi32, #tpu.memory_space<hbm>>) dst(%arg13 : memref<64x200xi32, #tpu.memory_space<vmem>>)
        tpu.yield
      }) : () -> ()
      "tpu.region"() ({
        %run_scoped3A = tpu.sem_alloc : memref<!tpu.dma_semaphore, #tpu.memory_space<semaphore_mem>>
        %dma_start3A_1220 = arith.constant 0 : i32
        %dma_start3A_1221 = tpu.memref_slice %arg3[%add3A_26, %dma_start3A_1220] : memref<4096x200xi32, #tpu.memory_space<hbm>> -> memref<64x200xi32, #tpu.memory_space<hbm>>
        %dma_start3A_1222 = arith.constant 0 : i32
        %dma_start3A_1223 = tpu.memref_slice %arg3[%add3A_26, %dma_start3A_1222] : memref<4096x200xi32, #tpu.memory_space<hbm>> -> memref<64x200xi32, #tpu.memory_space<hbm>>
        tpu.enqueue_dma source(%dma_start3A_1223 : memref<64x200xi32, #tpu.memory_space<hbm>>) target(%arg14 : memref<64x200xi32, #tpu.memory_space<vmem>>) target_semaphore(%run_scoped3A : memref<!tpu.dma_semaphore, #tpu.memory_space<semaphore_mem>>)
        %dma_wait3A_1224 = arith.constant 0 : i32
        %dma_wait3A_1225 = tpu.memref_slice %arg3[%add3A_26, %dma_wait3A_1224] : memref<4096x200xi32, #tpu.memory_space<hbm>> -> memref<64x200xi32, #tpu.memory_space<hbm>>
        %dma_wait3A_1226 = arith.constant 0 : i32
        %dma_wait3A_1227 = tpu.memref_slice %arg3[%add3A_26, %dma_wait3A_1226] : memref<4096x200xi32, #tpu.memory_space<hbm>> -> memref<64x200xi32, #tpu.memory_space<hbm>>
        tpu.wait_dma2 semaphore(%run_scoped3A : memref<!tpu.dma_semaphore, #tpu.memory_space<semaphore_mem>>) src(%dma_wait3A_1227 : memref<64x200xi32, #tpu.memory_space<hbm>>) dst(%arg14 : memref<64x200xi32, #tpu.memory_space<vmem>>)
        tpu.yield
      }) : () -> ()
      "tpu.region"() ({
        %run_scoped3A = tpu.sem_alloc : memref<!tpu.dma_semaphore, #tpu.memory_space<semaphore_mem>>
        %dma_start3A_1220 = arith.constant 0 : i32
        %dma_start3A_1221 = tpu.memref_slice %arg4[%add3A_26, %dma_start3A_1220] : memref<4096x200xi32, #tpu.memory_space<hbm>> -> memref<64x200xi32, #tpu.memory_space<hbm>>
        %dma_start3A_1222 = arith.constant 0 : i32
        %dma_start3A_1223 = tpu.memref_slice %arg4[%add3A_26, %dma_start3A_1222] : memref<4096x200xi32, #tpu.memory_space<hbm>> -> memref<64x200xi32, #tpu.memory_space<hbm>>
        tpu.enqueue_dma source(%dma_start3A_1223 : memref<64x200xi32, #tpu.memory_space<hbm>>) target(%arg15 : memref<64x200xi32, #tpu.memory_space<vmem>>) target_semaphore(%run_scoped3A : memref<!tpu.dma_semaphore, #tpu.memory_space<semaphore_mem>>)
        %dma_wait3A_1224 = arith.constant 0 : i32
        %dma_wait3A_1225 = tpu.memref_slice %arg4[%add3A_26, %dma_wait3A_1224] : memref<4096x200xi32, #tpu.memory_space<hbm>> -> memref<64x200xi32, #tpu.memory_space<hbm>>
        %dma_wait3A_1226 = arith.constant 0 : i32
        %dma_wait3A_1227 = tpu.memref_slice %arg4[%add3A_26, %dma_wait3A_1226] : memref<4096x200xi32, #tpu.memory_space<hbm>> -> memref<64x200xi32, #tpu.memory_space<hbm>>
        tpu.wait_dma2 semaphore(%run_scoped3A : memref<!tpu.dma_semaphore, #tpu.memory_space<semaphore_mem>>) src(%dma_wait3A_1227 : memref<64x200xi32, #tpu.memory_space<hbm>>) dst(%arg15 : memref<64x200xi32, #tpu.memory_space<vmem>>)
        tpu.yield
      }) : () -> ()
      %get3A = arith.constant 0 : i32
      %get3A_27 = arith.index_cast %get3A : i32 to index
      %get3A_28 = arith.constant 0 : index
      %get3A_29 = tpu.vector_load %arg13[%get3A_27, %get3A_28] {strides = array<i32>} : memref<64x200xi32, #tpu.memory_space<vmem>>, vector<16xi32>,
      %gather3A = tpu.vector_load_idx %arg12[%get3A_29] : memref<128xf32, #tpu.memory_space<vmem>>[vector<16xi32>], vector<16xf32>,
      %get3A_30 = arith.constant 0 : i32
      %get3A_31 = arith.index_cast %get3A_30 : i32 to index
      %get3A_32 = arith.constant 16 : index
      %get3A_33 = tpu.vector_load %arg13[%get3A_31, %get3A_32] {strides = array<i32>} : memref<64x200xi32, #tpu.memory_space<vmem>>, vector<16xi32>,
      %gather3A_34 = tpu.vector_load_idx %arg12[%get3A_33] : memref<128xf32, #tpu.memory_space<vmem>>[vector<16xi32>], vector<16xf32>,
      %get3A_35 = arith.constant 0 : i32
      %get3A_36 = arith.index_cast %get3A_35 : i32 to index
      %get3A_37 = arith.constant 32 : index
      %get3A_38 = tpu.vector_load %arg13[%get3A_36, %get3A_37] {strides = array<i32>} : memref<64x200xi32, #tpu.memory_space<vmem>>, vector<16xi32>,
      %gather3A_39 = tpu.vector_load_idx %arg12[%get3A_38] : memref<128xf32, #tpu.memory_space<vmem>>[vector<16xi32>], vector<16xf32>,
      %get3A_40 = arith.constant 0 : i32
      %get3A_41 = arith.index_cast %get3A_40 : i32 to index
      %get3A_42 = arith.constant 48 : index
      %get3A_43 = tpu.vector_load %arg13[%get3A_41, %get3A_42] {strides = array<i32>} : memref<64x200xi32, #tpu.memory_space<vmem>>, vector<16xi32>,
      %gather3A_44 = tpu.vector_load_idx %arg12[%get3A_43] : memref<128xf32, #tpu.memory_space<vmem>>[vector<16xi32>], vector<16xf32>,
      %get3A_45 = arith.constant 0 : i32
      %get3A_46 = arith.index_cast %get3A_45 : i32 to index
      %get3A_47 = arith.constant 64 : index
      %get3A_48 = tpu.vector_load %arg13[%get3A_46, %get3A_47] {strides = array<i32>} : memref<64x200xi32, #tpu.memory_space<vmem>>, vector<16xi32>,
      %gather3A_49 = tpu.vector_load_idx %arg12[%get3A_48] : memref<128xf32, #tpu.memory_space<vmem>>[vector<16xi32>], vector<16xf32>,
      %get3A_50 = arith.constant 0 : i32
      %get3A_51 = arith.index_cast %get3A_50 : i32 to index
      %get3A_52 = arith.constant 80 : index
      %get3A_53 = tpu.vector_load %arg13[%get3A_51, %get3A_52] {strides = array<i32>} : memref<64x200xi32, #tpu.memory_space<vmem>>, vector<16xi32>,
      %gather3A_54 = tpu.vector_load_idx %arg12[%get3A_53] : memref<128xf32, #tpu.memory_space<vmem>>[vector<16xi32>], vector<16xf32>,
      %get3A_55 = arith.constant 0 : i32
      %get3A_56 = arith.index_cast %get3A_55 : i32 to index
      %get3A_57 = arith.constant 96 : index
      %get3A_58 = tpu.vector_load %arg13[%get3A_56, %get3A_57] {strides = array<i32>} : memref<64x200xi32, #tpu.memory_space<vmem>>, vector<16xi32>,
      %gather3A_59 = tpu.vector_load_idx %arg12[%get3A_58] : memref<128xf32, #tpu.memory_space<vmem>>[vector<16xi32>], vector<16xf32>,
      %get3A_60 = arith.constant 0 : i32
      %get3A_61 = arith.index_cast %get3A_60 : i32 to index
      %get3A_62 = arith.constant 112 : index
      %get3A_63 = tpu.vector_load %arg13[%get3A_61, %get3A_62] {strides = array<i32>} : memref<64x200xi32, #tpu.memory_space<vmem>>, vector<16xi32>,
      %gather3A_64 = tpu.vector_load_idx %arg12[%get3A_63] : memref<128xf32, #tpu.memory_space<vmem>>[vector<16xi32>], vector<16xf32>,
      %get3A_65 = arith.constant 0 : i32
      %get3A_66 = arith.index_cast %get3A_65 : i32 to index
      %get3A_67 = arith.constant 128 : index
      %get3A_68 = tpu.vector_load %arg13[%get3A_66, %get3A_67] {strides = array<i32>} : memref<64x200xi32, #tpu.memory_space<vmem>>, vector<16xi32>,
      %gather3A_69 = tpu.vector_load_idx %arg12[%get3A_68] : memref<128xf32, #tpu.memory_space<vmem>>[vector<16xi32>], vector<16xf32>,
      %get3A_70 = arith.constant 0 : i32
      %get3A_71 = arith.index_cast %get3A_70 : i32 to index
      %get3A_72 = arith.constant 144 : index
      %get3A_73 = tpu.vector_load %arg13[%get3A_71, %get3A_72] {strides = array<i32>} : memref<64x200xi32, #tpu.memory_space<vmem>>, vector<16xi32>,
      %gather3A_74 = tpu.vector_load_idx %arg12[%get3A_73] : memref<128xf32, #tpu.memory_space<vmem>>[vector<16xi32>], vector<16xf32>,
      %get3A_75 = arith.constant 0 : i32
      %get3A_76 = arith.index_cast %get3A_75 : i32 to index
      %get3A_77 = arith.constant 160 : index
      %get3A_78 = tpu.vector_load %arg13[%get3A_76, %get3A_77] {strides = array<i32>} : memref<64x200xi32, #tpu.memory_space<vmem>>, vector<16xi32>,
      %gather3A_79 = tpu.vector_load_idx %arg12[%get3A_78] : memref<128xf32, #tpu.memory_space<vmem>>[vector<16xi32>], vector<16xf32>,
      %get3A_80 = arith.constant 0 : i32
      %get3A_81 = arith.index_cast %get3A_80 : i32 to index
      %get3A_82 = arith.constant 176 : index
      %get3A_83 = tpu.vector_load %arg13[%get3A_81, %get3A_82] {strides = array<i32>} : memref<64x200xi32, #tpu.memory_space<vmem>>, vector<16xi32>,
      %gather3A_84 = tpu.vector_load_idx %arg12[%get3A_83] : memref<128xf32, #tpu.memory_space<vmem>>[vector<16xi32>], vector<16xf32>,
      %get3A_85 = arith.constant 0 : i32
      %get3A_86 = arith.index_cast %get3A_85 : i32 to index
      %get3A_87 = arith.constant 184 : index
      %get3A_88 = tpu.vector_load %arg13[%get3A_86, %get3A_87] {strides = array<i32>} : memref<64x200xi32, #tpu.memory_space<vmem>>, vector<16xi32>,
      %gather3A_89 = tpu.vector_load_idx %arg12[%get3A_88] : memref<128xf32, #tpu.memory_space<vmem>>[vector<16xi32>], vector<16xf32>,
      %max3A = arith.maximumf %gather3A, %gather3A_34 : vector<16xf32>
      %max3A_90 = arith.maximumf %max3A, %gather3A_39 : vector<16xf32>
      %max3A_91 = arith.maximumf %max3A_90, %gather3A_44 : vector<16xf32>
      %max3A_92 = arith.maximumf %max3A_91, %gather3A_49 : vector<16xf32>
      %max3A_93 = arith.maximumf %max3A_92, %gather3A_54 : vector<16xf32>
      %max3A_94 = arith.maximumf %max3A_93, %gather3A_59 : vector<16xf32>
      %max3A_95 = arith.maximumf %max3A_94, %gather3A_64 : vector<16xf32>
      %max3A_96 = arith.maximumf %max3A_95, %gather3A_69 : vector<16xf32>
      %max3A_97 = arith.maximumf %max3A_96, %gather3A_74 : vector<16xf32>
      %max3A_98 = arith.maximumf %max3A_97, %gather3A_79 : vector<16xf32>
      %max3A_99 = arith.maximumf %max3A_98, %gather3A_84 : vector<16xf32>
      %max3A_100 = arith.maximumf %max3A_99, %gather3A_89 : vector<16xf32>
      %reduce_max3A = arith.constant true
      %reduce_max3A_101 = vector.broadcast %reduce_max3A : i1 to vector<16xi1>
      %reduce_max3A_102 = tpu.scan <max>, %max3A_100 masked %reduce_max3A_101 : vector<16xf32>, vector<16xi1> -> vector<16xf32>
      %reduce_max3A_103 = vector.extract %reduce_max3A_102[15] : f32 from vector<16xf32>
      %broadcast_in_dim3A_104 = vector.broadcast %reduce_max3A_103 : f32 to vector<16xf32>
      %sub3A = arith.subf %gather3A, %broadcast_in_dim3A_104 : vector<16xf32>
      %exp3A = math.exp %sub3A : vector<16xf32>
      %sub3A_105 = arith.subf %gather3A_34, %broadcast_in_dim3A_104 : vector<16xf32>
      %exp3A_106 = math.exp %sub3A_105 : vector<16xf32>
      %sub3A_107 = arith.subf %gather3A_39, %broadcast_in_dim3A_104 : vector<16xf32>
      %exp3A_108 = math.exp %sub3A_107 : vector<16xf32>
      %sub3A_109 = arith.subf %gather3A_44, %broadcast_in_dim3A_104 : vector<16xf32>
      %exp3A_110 = math.exp %sub3A_109 : vector<16xf32>
      %sub3A_111 = arith.subf %gather3A_49, %broadcast_in_dim3A_104 : vector<16xf32>
      %exp3A_112 = math.exp %sub3A_111 : vector<16xf32>
      %sub3A_113 = arith.subf %gather3A_54, %broadcast_in_dim3A_104 : vector<16xf32>
      %exp3A_114 = math.exp %sub3A_113 : vector<16xf32>
      %sub3A_115 = arith.subf %gather3A_59, %broadcast_in_dim3A_104 : vector<16xf32>
      %exp3A_116 = math.exp %sub3A_115 : vector<16xf32>
      %sub3A_117 = arith.subf %gather3A_64, %broadcast_in_dim3A_104 : vector<16xf32>
      %exp3A_118 = math.exp %sub3A_117 : vector<16xf32>
      %sub3A_119 = arith.subf %gather3A_69, %broadcast_in_dim3A_104 : vector<16xf32>
      %exp3A_120 = math.exp %sub3A_119 : vector<16xf32>
      %sub3A_121 = arith.subf %gather3A_74, %broadcast_in_dim3A_104 : vector<16xf32>
      %exp3A_122 = math.exp %sub3A_121 : vector<16xf32>
      %sub3A_123 = arith.subf %gather3A_79, %broadcast_in_dim3A_104 : vector<16xf32>
      %exp3A_124 = math.exp %sub3A_123 : vector<16xf32>
      %sub3A_125 = arith.subf %gather3A_84, %broadcast_in_dim3A_104 : vector<16xf32>
      %exp3A_126 = math.exp %sub3A_125 : vector<16xf32>
      %sub3A_127 = arith.subf %gather3A_89, %broadcast_in_dim3A_104 : vector<16xf32>
      %exp3A_128 = math.exp %sub3A_127 : vector<16xf32>
      %add3A_129 = arith.addf %exp3A, %exp3A_106 : vector<16xf32>
      %add3A_130 = arith.addf %add3A_129, %exp3A_108 : vector<16xf32>
      %add3A_131 = arith.addf %add3A_130, %exp3A_110 : vector<16xf32>
      %add3A_132 = arith.addf %add3A_131, %exp3A_112 : vector<16xf32>
      %add3A_133 = arith.addf %add3A_132, %exp3A_114 : vector<16xf32>
      %add3A_134 = arith.addf %add3A_133, %exp3A_116 : vector<16xf32>
      %add3A_135 = arith.addf %add3A_134, %exp3A_118 : vector<16xf32>
      %add3A_136 = arith.addf %add3A_135, %exp3A_120 : vector<16xf32>
      %add3A_137 = arith.addf %add3A_136, %exp3A_122 : vector<16xf32>
      %add3A_138 = arith.addf %add3A_137, %exp3A_124 : vector<16xf32>
      %add3A_139 = arith.addf %add3A_138, %exp3A_126 : vector<16xf32>
      %select_n3A = arith.select %ge3A_5, %exp3A_128, %broadcast_in_dim3A_6 : vector<16xi1>, vector<16xf32>
      %add3A_140 = arith.addf %add3A_139, %select_n3A : vector<16xf32>
      %reduce_sum3A = arith.constant true
      %reduce_sum3A_141 = vector.broadcast %reduce_sum3A : i1 to vector<16xi1>
      %reduce_sum3A_142 = tpu.scan <sum>, %add3A_140 masked %reduce_sum3A_141 : vector<16xf32>, vector<16xi1> -> vector<16xf32>
      %reduce_sum3A_143 = vector.extract %reduce_sum3A_142[15] : f32 from vector<16xf32>
      %broadcast_in_dim3A_144 = vector.broadcast %reduce_sum3A_143 : f32 to vector<16xf32>
      %div3A = arith.constant 1.000000e+00 : f32
      %div3A_145 = vector.broadcast %div3A : f32 to vector<16xf32>
      %div3A_146 = arith.divf %div3A_145, %broadcast_in_dim3A_144 : vector<16xf32>
      %mul3A_147 = arith.mulf %exp3A, %div3A_146 : vector<16xf32>
      %swap3A = arith.constant 0 : index
      %swap3A_148 = tpu.vector_load %arg16[%swap3A] {strides = array<i32>} : memref<200xf32, #tpu.memory_space<vmem>>, vector<16xf32>,
      tpu.vector_store %arg16[%swap3A], %mul3A_147 {strides = array<i32>} : memref<200xf32, #tpu.memory_space<vmem>>, vector<16xf32>,
      %mul3A_149 = arith.mulf %exp3A_106, %div3A_146 : vector<16xf32>
      %swap3A_150 = arith.constant 16 : index
      %swap3A_151 = tpu.vector_load %arg16[%swap3A_150] {strides = array<i32>} : memref<200xf32, #tpu.memory_space<vmem>>, vector<16xf32>,
      tpu.vector_store %arg16[%swap3A_150], %mul3A_149 {strides = array<i32>} : memref<200xf32, #tpu.memory_space<vmem>>, vector<16xf32>,
      %mul3A_152 = arith.mulf %exp3A_108, %div3A_146 : vector<16xf32>
      %swap3A_153 = arith.constant 32 : index
      %swap3A_154 = tpu.vector_load %arg16[%swap3A_153] {strides = array<i32>} : memref<200xf32, #tpu.memory_space<vmem>>, vector<16xf32>,
      tpu.vector_store %arg16[%swap3A_153], %mul3A_152 {strides = array<i32>} : memref<200xf32, #tpu.memory_space<vmem>>, vector<16xf32>,
      %mul3A_155 = arith.mulf %exp3A_110, %div3A_146 : vector<16xf32>
      %swap3A_156 = arith.constant 48 : index
      %swap3A_157 = tpu.vector_load %arg16[%swap3A_156] {strides = array<i32>} : memref<200xf32, #tpu.memory_space<vmem>>, vector<16xf32>,
      tpu.vector_store %arg16[%swap3A_156], %mul3A_155 {strides = array<i32>} : memref<200xf32, #tpu.memory_space<vmem>>, vector<16xf32>,
      %mul3A_158 = arith.mulf %exp3A_112, %div3A_146 : vector<16xf32>
      %swap3A_159 = arith.constant 64 : index
      %swap3A_160 = tpu.vector_load %arg16[%swap3A_159] {strides = array<i32>} : memref<200xf32, #tpu.memory_space<vmem>>, vector<16xf32>,
      tpu.vector_store %arg16[%swap3A_159], %mul3A_158 {strides = array<i32>} : memref<200xf32, #tpu.memory_space<vmem>>, vector<16xf32>,
      %mul3A_161 = arith.mulf %exp3A_114, %div3A_146 : vector<16xf32>
      %swap3A_162 = arith.constant 80 : index
      %swap3A_163 = tpu.vector_load %arg16[%swap3A_162] {strides = array<i32>} : memref<200xf32, #tpu.memory_space<vmem>>, vector<16xf32>,
      tpu.vector_store %arg16[%swap3A_162], %mul3A_161 {strides = array<i32>} : memref<200xf32, #tpu.memory_space<vmem>>, vector<16xf32>,
      %mul3A_164 = arith.mulf %exp3A_116, %div3A_146 : vector<16xf32>
      %swap3A_165 = arith.constant 96 : index
      %swap3A_166 = tpu.vector_load %arg16[%swap3A_165] {strides = array<i32>} : memref<200xf32, #tpu.memory_space<vmem>>, vector<16xf32>,
      tpu.vector_store %arg16[%swap3A_165], %mul3A_164 {strides = array<i32>} : memref<200xf32, #tpu.memory_space<vmem>>, vector<16xf32>,
      %mul3A_167 = arith.mulf %exp3A_118, %div3A_146 : vector<16xf32>
      %swap3A_168 = arith.constant 112 : index
      %swap3A_169 = tpu.vector_load %arg16[%swap3A_168] {strides = array<i32>} : memref<200xf32, #tpu.memory_space<vmem>>, vector<16xf32>,
      tpu.vector_store %arg16[%swap3A_168], %mul3A_167 {strides = array<i32>} : memref<200xf32, #tpu.memory_space<vmem>>, vector<16xf32>,
      %mul3A_170 = arith.mulf %exp3A_120, %div3A_146 : vector<16xf32>
      %swap3A_171 = arith.constant 128 : index
      %swap3A_172 = tpu.vector_load %arg16[%swap3A_171] {strides = array<i32>} : memref<200xf32, #tpu.memory_space<vmem>>, vector<16xf32>,
      tpu.vector_store %arg16[%swap3A_171], %mul3A_170 {strides = array<i32>} : memref<200xf32, #tpu.memory_space<vmem>>, vector<16xf32>,
      %mul3A_173 = arith.mulf %exp3A_122, %div3A_146 : vector<16xf32>
      %swap3A_174 = arith.constant 144 : index
      %swap3A_175 = tpu.vector_load %arg16[%swap3A_174] {strides = array<i32>} : memref<200xf32, #tpu.memory_space<vmem>>, vector<16xf32>,
      tpu.vector_store %arg16[%swap3A_174], %mul3A_173 {strides = array<i32>} : memref<200xf32, #tpu.memory_space<vmem>>, vector<16xf32>,
      %mul3A_176 = arith.mulf %exp3A_124, %div3A_146 : vector<16xf32>
      %swap3A_177 = arith.constant 160 : index
      %swap3A_178 = tpu.vector_load %arg16[%swap3A_177] {strides = array<i32>} : memref<200xf32, #tpu.memory_space<vmem>>, vector<16xf32>,
      tpu.vector_store %arg16[%swap3A_177], %mul3A_176 {strides = array<i32>} : memref<200xf32, #tpu.memory_space<vmem>>, vector<16xf32>,
      %mul3A_179 = arith.mulf %exp3A_126, %div3A_146 : vector<16xf32>
      %swap3A_180 = arith.constant 176 : index
      %swap3A_181 = tpu.vector_load %arg16[%swap3A_180] {strides = array<i32>} : memref<200xf32, #tpu.memory_space<vmem>>, vector<16xf32>,
      tpu.vector_store %arg16[%swap3A_180], %mul3A_179 {strides = array<i32>} : memref<200xf32, #tpu.memory_space<vmem>>, vector<16xf32>,
      %mul3A_182 = arith.mulf %exp3A_128, %div3A_146 : vector<16xf32>
      %swap3A_183 = arith.constant 184 : index
      %swap3A_184 = tpu.vector_load %arg16[%swap3A_183] {strides = array<i32>} : memref<200xf32, #tpu.memory_space<vmem>>, vector<16xf32>,
      tpu.vector_store %arg16[%swap3A_183], %mul3A_182 {strides = array<i32>} : memref<200xf32, #tpu.memory_space<vmem>>, vector<16xf32>,
      %get3A_185 = arith.constant 0 : i32
      %get3A_186 = arith.index_cast %get3A_185 : i32 to index
      %get3A_187 = arith.constant 0 : index
      %get3A_188 = tpu.vector_load %arg14[%get3A_186, %get3A_187] {strides = array<i32>} : memref<64x200xi32, #tpu.memory_space<vmem>>, vector<16xi32>,
      %add3A_189 = arith.constant 5 : i32
      %add3A_190 = vector.broadcast %add3A_189 : i32 to vector<16xi32>
      %add3A_191 = arith.addi %get3A_188, %add3A_190 : vector<16xi32>
      %gather3A_192 = tpu.vector_load_idx %arg12[%add3A_191] : memref<128xf32, #tpu.memory_space<vmem>>[vector<16xi32>], vector<16xf32>,
      %get3A_193 = arith.constant 0 : i32
      %get3A_194 = arith.index_cast %get3A_193 : i32 to index
      %get3A_195 = arith.constant 16 : index
      %get3A_196 = tpu.vector_load %arg14[%get3A_194, %get3A_195] {strides = array<i32>} : memref<64x200xi32, #tpu.memory_space<vmem>>, vector<16xi32>,
      %add3A_197 = arith.constant 5 : i32
      %add3A_198 = vector.broadcast %add3A_197 : i32 to vector<16xi32>
      %add3A_199 = arith.addi %get3A_196, %add3A_198 : vector<16xi32>
      %gather3A_200 = tpu.vector_load_idx %arg12[%add3A_199] : memref<128xf32, #tpu.memory_space<vmem>>[vector<16xi32>], vector<16xf32>,
      %get3A_201 = arith.constant 0 : i32
      %get3A_202 = arith.index_cast %get3A_201 : i32 to index
      %get3A_203 = arith.constant 32 : index
      %get3A_204 = tpu.vector_load %arg14[%get3A_202, %get3A_203] {strides = array<i32>} : memref<64x200xi32, #tpu.memory_space<vmem>>, vector<16xi32>,
      %add3A_205 = arith.constant 5 : i32
      %add3A_206 = vector.broadcast %add3A_205 : i32 to vector<16xi32>
      %add3A_207 = arith.addi %get3A_204, %add3A_206 : vector<16xi32>
      %gather3A_208 = tpu.vector_load_idx %arg12[%add3A_207] : memref<128xf32, #tpu.memory_space<vmem>>[vector<16xi32>], vector<16xf32>,
      %get3A_209 = arith.constant 0 : i32
      %get3A_210 = arith.index_cast %get3A_209 : i32 to index
      %get3A_211 = arith.constant 48 : index
      %get3A_212 = tpu.vector_load %arg14[%get3A_210, %get3A_211] {strides = array<i32>} : memref<64x200xi32, #tpu.memory_space<vmem>>, vector<16xi32>,
      %add3A_213 = arith.constant 5 : i32
      %add3A_214 = vector.broadcast %add3A_213 : i32 to vector<16xi32>
      %add3A_215 = arith.addi %get3A_212, %add3A_214 : vector<16xi32>
      %gather3A_216 = tpu.vector_load_idx %arg12[%add3A_215] : memref<128xf32, #tpu.memory_space<vmem>>[vector<16xi32>], vector<16xf32>,
      %get3A_217 = arith.constant 0 : i32
      %get3A_218 = arith.index_cast %get3A_217 : i32 to index
      %get3A_219 = arith.constant 64 : index
      %get3A_220 = tpu.vector_load %arg14[%get3A_218, %get3A_219] {strides = array<i32>} : memref<64x200xi32, #tpu.memory_space<vmem>>, vector<16xi32>,
      %add3A_221 = arith.constant 5 : i32
      %add3A_222 = vector.broadcast %add3A_221 : i32 to vector<16xi32>
      %add3A_223 = arith.addi %get3A_220, %add3A_222 : vector<16xi32>
      %gather3A_224 = tpu.vector_load_idx %arg12[%add3A_223] : memref<128xf32, #tpu.memory_space<vmem>>[vector<16xi32>], vector<16xf32>,
      %get3A_225 = arith.constant 0 : i32
      %get3A_226 = arith.index_cast %get3A_225 : i32 to index
      %get3A_227 = arith.constant 80 : index
      %get3A_228 = tpu.vector_load %arg14[%get3A_226, %get3A_227] {strides = array<i32>} : memref<64x200xi32, #tpu.memory_space<vmem>>, vector<16xi32>,
      %add3A_229 = arith.constant 5 : i32
      %add3A_230 = vector.broadcast %add3A_229 : i32 to vector<16xi32>
      %add3A_231 = arith.addi %get3A_228, %add3A_230 : vector<16xi32>
      %gather3A_232 = tpu.vector_load_idx %arg12[%add3A_231] : memref<128xf32, #tpu.memory_space<vmem>>[vector<16xi32>], vector<16xf32>,
      %get3A_233 = arith.constant 0 : i32
      %get3A_234 = arith.index_cast %get3A_233 : i32 to index
      %get3A_235 = arith.constant 96 : index
      %get3A_236 = tpu.vector_load %arg14[%get3A_234, %get3A_235] {strides = array<i32>} : memref<64x200xi32, #tpu.memory_space<vmem>>, vector<16xi32>,
      %add3A_237 = arith.constant 5 : i32
      %add3A_238 = vector.broadcast %add3A_237 : i32 to vector<16xi32>
      %add3A_239 = arith.addi %get3A_236, %add3A_238 : vector<16xi32>
      %gather3A_240 = tpu.vector_load_idx %arg12[%add3A_239] : memref<128xf32, #tpu.memory_space<vmem>>[vector<16xi32>], vector<16xf32>,
      %get3A_241 = arith.constant 0 : i32
      %get3A_242 = arith.index_cast %get3A_241 : i32 to index
      %get3A_243 = arith.constant 112 : index
      %get3A_244 = tpu.vector_load %arg14[%get3A_242, %get3A_243] {strides = array<i32>} : memref<64x200xi32, #tpu.memory_space<vmem>>, vector<16xi32>,
      %add3A_245 = arith.constant 5 : i32
      %add3A_246 = vector.broadcast %add3A_245 : i32 to vector<16xi32>
      %add3A_247 = arith.addi %get3A_244, %add3A_246 : vector<16xi32>
      %gather3A_248 = tpu.vector_load_idx %arg12[%add3A_247] : memref<128xf32, #tpu.memory_space<vmem>>[vector<16xi32>], vector<16xf32>,
      %get3A_249 = arith.constant 0 : i32
      %get3A_250 = arith.index_cast %get3A_249 : i32 to index
      %get3A_251 = arith.constant 128 : index
      %get3A_252 = tpu.vector_load %arg14[%get3A_250, %get3A_251] {strides = array<i32>} : memref<64x200xi32, #tpu.memory_space<vmem>>, vector<16xi32>,
      %add3A_253 = arith.constant 5 : i32
      %add3A_254 = vector.broadcast %add3A_253 : i32 to vector<16xi32>
      %add3A_255 = arith.addi %get3A_252, %add3A_254 : vector<16xi32>
      %gather3A_256 = tpu.vector_load_idx %arg12[%add3A_255] : memref<128xf32, #tpu.memory_space<vmem>>[vector<16xi32>], vector<16xf32>,
      %get3A_257 = arith.constant 0 : i32
      %get3A_258 = arith.index_cast %get3A_257 : i32 to index
      %get3A_259 = arith.constant 144 : index
      %get3A_260 = tpu.vector_load %arg14[%get3A_258, %get3A_259] {strides = array<i32>} : memref<64x200xi32, #tpu.memory_space<vmem>>, vector<16xi32>,
      %add3A_261 = arith.constant 5 : i32
      %add3A_262 = vector.broadcast %add3A_261 : i32 to vector<16xi32>
      %add3A_263 = arith.addi %get3A_260, %add3A_262 : vector<16xi32>
      %gather3A_264 = tpu.vector_load_idx %arg12[%add3A_263] : memref<128xf32, #tpu.memory_space<vmem>>[vector<16xi32>], vector<16xf32>,
      %get3A_265 = arith.constant 0 : i32
      %get3A_266 = arith.index_cast %get3A_265 : i32 to index
      %get3A_267 = arith.constant 160 : index
      %get3A_268 = tpu.vector_load %arg14[%get3A_266, %get3A_267] {strides = array<i32>} : memref<64x200xi32, #tpu.memory_space<vmem>>, vector<16xi32>,
      %add3A_269 = arith.constant 5 : i32
      %add3A_270 = vector.broadcast %add3A_269 : i32 to vector<16xi32>
      %add3A_271 = arith.addi %get3A_268, %add3A_270 : vector<16xi32>
      %gather3A_272 = tpu.vector_load_idx %arg12[%add3A_271] : memref<128xf32, #tpu.memory_space<vmem>>[vector<16xi32>], vector<16xf32>,
      %get3A_273 = arith.constant 0 : i32
      %get3A_274 = arith.index_cast %get3A_273 : i32 to index
      %get3A_275 = arith.constant 176 : index
      %get3A_276 = tpu.vector_load %arg14[%get3A_274, %get3A_275] {strides = array<i32>} : memref<64x200xi32, #tpu.memory_space<vmem>>, vector<16xi32>,
      %add3A_277 = arith.constant 5 : i32
      %add3A_278 = vector.broadcast %add3A_277 : i32 to vector<16xi32>
      %add3A_279 = arith.addi %get3A_276, %add3A_278 : vector<16xi32>
      %gather3A_280 = tpu.vector_load_idx %arg12[%add3A_279] : memref<128xf32, #tpu.memory_space<vmem>>[vector<16xi32>], vector<16xf32>,
      %get3A_281 = arith.constant 0 : i32
      %get3A_282 = arith.index_cast %get3A_281 : i32 to index
      %get3A_283 = arith.constant 184 : index
      %get3A_284 = tpu.vector_load %arg14[%get3A_282, %get3A_283] {strides = array<i32>} : memref<64x200xi32, #tpu.memory_space<vmem>>, vector<16xi32>,
      %add3A_285 = arith.constant 5 : i32
      %add3A_286 = vector.broadcast %add3A_285 : i32 to vector<16xi32>
      %add3A_287 = arith.addi %get3A_284, %add3A_286 : vector<16xi32>
      %gather3A_288 = tpu.vector_load_idx %arg12[%add3A_287] : memref<128xf32, #tpu.memory_space<vmem>>[vector<16xi32>], vector<16xf32>,
      %max3A_289 = arith.maximumf %gather3A_192, %gather3A_200 : vector<16xf32>
      %max3A_290 = arith.maximumf %max3A_289, %gather3A_208 : vector<16xf32>
      %max3A_291 = arith.maximumf %max3A_290, %gather3A_216 : vector<16xf32>
      %max3A_292 = arith.maximumf %max3A_291, %gather3A_224 : vector<16xf32>
      %max3A_293 = arith.maximumf %max3A_292, %gather3A_232 : vector<16xf32>
      %max3A_294 = arith.maximumf %max3A_293, %gather3A_240 : vector<16xf32>
      %max3A_295 = arith.maximumf %max3A_294, %gather3A_248 : vector<16xf32>
      %max3A_296 = arith.maximumf %max3A_295, %gather3A_256 : vector<16xf32>
      %max3A_297 = arith.maximumf %max3A_296, %gather3A_264 : vector<16xf32>
      %max3A_298 = arith.maximumf %max3A_297, %gather3A_272 : vector<16xf32>
      %max3A_299 = arith.maximumf %max3A_298, %gather3A_280 : vector<16xf32>
      %max3A_300 = arith.maximumf %max3A_299, %gather3A_288 : vector<16xf32>
      %reduce_max3A_301 = arith.constant true
      %reduce_max3A_302 = vector.broadcast %reduce_max3A_301 : i1 to vector<16xi1>
      %reduce_max3A_303 = tpu.scan <max>, %max3A_300 masked %reduce_max3A_302 : vector<16xf32>, vector<16xi1> -> vector<16xf32>
      %reduce_max3A_304 = vector.extract %reduce_max3A_303[15] : f32 from vector<16xf32>
      %broadcast_in_dim3A_305 = vector.broadcast %reduce_max3A_304 : f32 to vector<16xf32>
      %sub3A_306 = arith.subf %gather3A_192, %broadcast_in_dim3A_305 : vector<16xf32>
      %exp3A_307 = math.exp %sub3A_306 : vector<16xf32>
      %sub3A_308 = arith.subf %gather3A_200, %broadcast_in_dim3A_305 : vector<16xf32>
      %exp3A_309 = math.exp %sub3A_308 : vector<16xf32>
      %sub3A_310 = arith.subf %gather3A_208, %broadcast_in_dim3A_305 : vector<16xf32>
      %exp3A_311 = math.exp %sub3A_310 : vector<16xf32>
      %sub3A_312 = arith.subf %gather3A_216, %broadcast_in_dim3A_305 : vector<16xf32>
      %exp3A_313 = math.exp %sub3A_312 : vector<16xf32>
      %sub3A_314 = arith.subf %gather3A_224, %broadcast_in_dim3A_305 : vector<16xf32>
      %exp3A_315 = math.exp %sub3A_314 : vector<16xf32>
      %sub3A_316 = arith.subf %gather3A_232, %broadcast_in_dim3A_305 : vector<16xf32>
      %exp3A_317 = math.exp %sub3A_316 : vector<16xf32>
      %sub3A_318 = arith.subf %gather3A_240, %broadcast_in_dim3A_305 : vector<16xf32>
      %exp3A_319 = math.exp %sub3A_318 : vector<16xf32>
      %sub3A_320 = arith.subf %gather3A_248, %broadcast_in_dim3A_305 : vector<16xf32>
      %exp3A_321 = math.exp %sub3A_320 : vector<16xf32>
      %sub3A_322 = arith.subf %gather3A_256, %broadcast_in_dim3A_305 : vector<16xf32>
      %exp3A_323 = math.exp %sub3A_322 : vector<16xf32>
      %sub3A_324 = arith.subf %gather3A_264, %broadcast_in_dim3A_305 : vector<16xf32>
      %exp3A_325 = math.exp %sub3A_324 : vector<16xf32>
      %sub3A_326 = arith.subf %gather3A_272, %broadcast_in_dim3A_305 : vector<16xf32>
      %exp3A_327 = math.exp %sub3A_326 : vector<16xf32>
      %sub3A_328 = arith.subf %gather3A_280, %broadcast_in_dim3A_305 : vector<16xf32>
      %exp3A_329 = math.exp %sub3A_328 : vector<16xf32>
      %sub3A_330 = arith.subf %gather3A_288, %broadcast_in_dim3A_305 : vector<16xf32>
      %exp3A_331 = math.exp %sub3A_330 : vector<16xf32>
      %add3A_332 = arith.addf %exp3A_307, %exp3A_309 : vector<16xf32>
      %add3A_333 = arith.addf %add3A_332, %exp3A_311 : vector<16xf32>
      %add3A_334 = arith.addf %add3A_333, %exp3A_313 : vector<16xf32>
      %add3A_335 = arith.addf %add3A_334, %exp3A_315 : vector<16xf32>
      %add3A_336 = arith.addf %add3A_335, %exp3A_317 : vector<16xf32>
      %add3A_337 = arith.addf %add3A_336, %exp3A_319 : vector<16xf32>
      %add3A_338 = arith.addf %add3A_337, %exp3A_321 : vector<16xf32>
      %add3A_339 = arith.addf %add3A_338, %exp3A_323 : vector<16xf32>
      %add3A_340 = arith.addf %add3A_339, %exp3A_325 : vector<16xf32>
      %add3A_341 = arith.addf %add3A_340, %exp3A_327 : vector<16xf32>
      %add3A_342 = arith.addf %add3A_341, %exp3A_329 : vector<16xf32>
      %select_n3A_343 = arith.select %ge3A_5, %exp3A_331, %broadcast_in_dim3A_6 : vector<16xi1>, vector<16xf32>
      %add3A_344 = arith.addf %add3A_342, %select_n3A_343 : vector<16xf32>
      %reduce_sum3A_345 = arith.constant true
      %reduce_sum3A_346 = vector.broadcast %reduce_sum3A_345 : i1 to vector<16xi1>
      %reduce_sum3A_347 = tpu.scan <sum>, %add3A_344 masked %reduce_sum3A_346 : vector<16xf32>, vector<16xi1> -> vector<16xf32>
      %reduce_sum3A_348 = vector.extract %reduce_sum3A_347[15] : f32 from vector<16xf32>
      %broadcast_in_dim3A_349 = vector.broadcast %reduce_sum3A_348 : f32 to vector<16xf32>
      %div3A_350 = arith.constant 1.000000e+00 : f32
      %div3A_351 = vector.broadcast %div3A_350 : f32 to vector<16xf32>
      %div3A_352 = arith.divf %div3A_351, %broadcast_in_dim3A_349 : vector<16xf32>
      %mul3A_353 = arith.mulf %exp3A_307, %div3A_352 : vector<16xf32>
      %swap3A_354 = arith.constant 0 : index
      %swap3A_355 = tpu.vector_load %arg17[%swap3A_354] {strides = array<i32>} : memref<200xf32, #tpu.memory_space<vmem>>, vector<16xf32>,
      tpu.vector_store %arg17[%swap3A_354], %mul3A_353 {strides = array<i32>} : memref<200xf32, #tpu.memory_space<vmem>>, vector<16xf32>,
      %mul3A_356 = arith.mulf %exp3A_309, %div3A_352 : vector<16xf32>
      %swap3A_357 = arith.constant 16 : index
      %swap3A_358 = tpu.vector_load %arg17[%swap3A_357] {strides = array<i32>} : memref<200xf32, #tpu.memory_space<vmem>>, vector<16xf32>,
      tpu.vector_store %arg17[%swap3A_357], %mul3A_356 {strides = array<i32>} : memref<200xf32, #tpu.memory_space<vmem>>, vector<16xf32>,
      %mul3A_359 = arith.mulf %exp3A_311, %div3A_352 : vector<16xf32>
      %swap3A_360 = arith.constant 32 : index
      %swap3A_361 = tpu.vector_load %arg17[%swap3A_360] {strides = array<i32>} : memref<200xf32, #tpu.memory_space<vmem>>, vector<16xf32>,
      tpu.vector_store %arg17[%swap3A_360], %mul3A_359 {strides = array<i32>} : memref<200xf32, #tpu.memory_space<vmem>>, vector<16xf32>,
      %mul3A_362 = arith.mulf %exp3A_313, %div3A_352 : vector<16xf32>
      %swap3A_363 = arith.constant 48 : index
      %swap3A_364 = tpu.vector_load %arg17[%swap3A_363] {strides = array<i32>} : memref<200xf32, #tpu.memory_space<vmem>>, vector<16xf32>,
      tpu.vector_store %arg17[%swap3A_363], %mul3A_362 {strides = array<i32>} : memref<200xf32, #tpu.memory_space<vmem>>, vector<16xf32>,
      %mul3A_365 = arith.mulf %exp3A_315, %div3A_352 : vector<16xf32>
      %swap3A_366 = arith.constant 64 : index
      %swap3A_367 = tpu.vector_load %arg17[%swap3A_366] {strides = array<i32>} : memref<200xf32, #tpu.memory_space<vmem>>, vector<16xf32>,
      tpu.vector_store %arg17[%swap3A_366], %mul3A_365 {strides = array<i32>} : memref<200xf32, #tpu.memory_space<vmem>>, vector<16xf32>,
      %mul3A_368 = arith.mulf %exp3A_317, %div3A_352 : vector<16xf32>
      %swap3A_369 = arith.constant 80 : index
      %swap3A_370 = tpu.vector_load %arg17[%swap3A_369] {strides = array<i32>} : memref<200xf32, #tpu.memory_space<vmem>>, vector<16xf32>,
      tpu.vector_store %arg17[%swap3A_369], %mul3A_368 {strides = array<i32>} : memref<200xf32, #tpu.memory_space<vmem>>, vector<16xf32>,
      %mul3A_371 = arith.mulf %exp3A_319, %div3A_352 : vector<16xf32>
      %swap3A_372 = arith.constant 96 : index
      %swap3A_373 = tpu.vector_load %arg17[%swap3A_372] {strides = array<i32>} : memref<200xf32, #tpu.memory_space<vmem>>, vector<16xf32>,
      tpu.vector_store %arg17[%swap3A_372], %mul3A_371 {strides = array<i32>} : memref<200xf32, #tpu.memory_space<vmem>>, vector<16xf32>,
      %mul3A_374 = arith.mulf %exp3A_321, %div3A_352 : vector<16xf32>
      %swap3A_375 = arith.constant 112 : index
      %swap3A_376 = tpu.vector_load %arg17[%swap3A_375] {strides = array<i32>} : memref<200xf32, #tpu.memory_space<vmem>>, vector<16xf32>,
      tpu.vector_store %arg17[%swap3A_375], %mul3A_374 {strides = array<i32>} : memref<200xf32, #tpu.memory_space<vmem>>, vector<16xf32>,
      %mul3A_377 = arith.mulf %exp3A_323, %div3A_352 : vector<16xf32>
      %swap3A_378 = arith.constant 128 : index
      %swap3A_379 = tpu.vector_load %arg17[%swap3A_378] {strides = array<i32>} : memref<200xf32, #tpu.memory_space<vmem>>, vector<16xf32>,
      tpu.vector_store %arg17[%swap3A_378], %mul3A_377 {strides = array<i32>} : memref<200xf32, #tpu.memory_space<vmem>>, vector<16xf32>,
      %mul3A_380 = arith.mulf %exp3A_325, %div3A_352 : vector<16xf32>
      %swap3A_381 = arith.constant 144 : index
      %swap3A_382 = tpu.vector_load %arg17[%swap3A_381] {strides = array<i32>} : memref<200xf32, #tpu.memory_space<vmem>>, vector<16xf32>,
      tpu.vector_store %arg17[%swap3A_381], %mul3A_380 {strides = array<i32>} : memref<200xf32, #tpu.memory_space<vmem>>, vector<16xf32>,
      %mul3A_383 = arith.mulf %exp3A_327, %div3A_352 : vector<16xf32>
      %swap3A_384 = arith.constant 160 : index
      %swap3A_385 = tpu.vector_load %arg17[%swap3A_384] {strides = array<i32>} : memref<200xf32, #tpu.memory_space<vmem>>, vector<16xf32>,
      tpu.vector_store %arg17[%swap3A_384], %mul3A_383 {strides = array<i32>} : memref<200xf32, #tpu.memory_space<vmem>>, vector<16xf32>,
      %mul3A_386 = arith.mulf %exp3A_329, %div3A_352 : vector<16xf32>
      %swap3A_387 = arith.constant 176 : index
      %swap3A_388 = tpu.vector_load %arg17[%swap3A_387] {strides = array<i32>} : memref<200xf32, #tpu.memory_space<vmem>>, vector<16xf32>,
      tpu.vector_store %arg17[%swap3A_387], %mul3A_386 {strides = array<i32>} : memref<200xf32, #tpu.memory_space<vmem>>, vector<16xf32>,
      %mul3A_389 = arith.mulf %exp3A_331, %div3A_352 : vector<16xf32>
      %swap3A_390 = arith.constant 184 : index
      %swap3A_391 = tpu.vector_load %arg17[%swap3A_390] {strides = array<i32>} : memref<200xf32, #tpu.memory_space<vmem>>, vector<16xf32>,
      tpu.vector_store %arg17[%swap3A_390], %mul3A_389 {strides = array<i32>} : memref<200xf32, #tpu.memory_space<vmem>>, vector<16xf32>,
      %get3A_392 = arith.constant 0 : i32
      %get3A_393 = arith.index_cast %get3A_392 : i32 to index
      %get3A_394 = arith.constant 0 : index
      %get3A_395 = tpu.vector_load %arg15[%get3A_393, %get3A_394] {strides = array<i32>} : memref<64x200xi32, #tpu.memory_space<vmem>>, vector<16xi32>,
      %add3A_396 = arith.constant 26 : i32
      %add3A_397 = vector.broadcast %add3A_396 : i32 to vector<16xi32>
      %add3A_398 = arith.addi %get3A_395, %add3A_397 : vector<16xi32>
      %gather3A_399 = tpu.vector_load_idx %arg12[%add3A_398] : memref<128xf32, #tpu.memory_space<vmem>>[vector<16xi32>], vector<16xf32>,
      %get3A_400 = arith.constant 0 : i32
      %get3A_401 = arith.index_cast %get3A_400 : i32 to index
      %get3A_402 = arith.constant 16 : index
      %get3A_403 = tpu.vector_load %arg15[%get3A_401, %get3A_402] {strides = array<i32>} : memref<64x200xi32, #tpu.memory_space<vmem>>, vector<16xi32>,
      %add3A_404 = arith.constant 26 : i32
      %add3A_405 = vector.broadcast %add3A_404 : i32 to vector<16xi32>
      %add3A_406 = arith.addi %get3A_403, %add3A_405 : vector<16xi32>
      %gather3A_407 = tpu.vector_load_idx %arg12[%add3A_406] : memref<128xf32, #tpu.memory_space<vmem>>[vector<16xi32>], vector<16xf32>,
      %get3A_408 = arith.constant 0 : i32
      %get3A_409 = arith.index_cast %get3A_408 : i32 to index
      %get3A_410 = arith.constant 32 : index
      %get3A_411 = tpu.vector_load %arg15[%get3A_409, %get3A_410] {strides = array<i32>} : memref<64x200xi32, #tpu.memory_space<vmem>>, vector<16xi32>,
      %add3A_412 = arith.constant 26 : i32
      %add3A_413 = vector.broadcast %add3A_412 : i32 to vector<16xi32>
      %add3A_414 = arith.addi %get3A_411, %add3A_413 : vector<16xi32>
      %gather3A_415 = tpu.vector_load_idx %arg12[%add3A_414] : memref<128xf32, #tpu.memory_space<vmem>>[vector<16xi32>], vector<16xf32>,
      %get3A_416 = arith.constant 0 : i32
      %get3A_417 = arith.index_cast %get3A_416 : i32 to index
      %get3A_418 = arith.constant 48 : index
      %get3A_419 = tpu.vector_load %arg15[%get3A_417, %get3A_418] {strides = array<i32>} : memref<64x200xi32, #tpu.memory_space<vmem>>, vector<16xi32>,
      %add3A_420 = arith.constant 26 : i32
      %add3A_421 = vector.broadcast %add3A_420 : i32 to vector<16xi32>
      %add3A_422 = arith.addi %get3A_419, %add3A_421 : vector<16xi32>
      %gather3A_423 = tpu.vector_load_idx %arg12[%add3A_422] : memref<128xf32, #tpu.memory_space<vmem>>[vector<16xi32>], vector<16xf32>,
      %get3A_424 = arith.constant 0 : i32
      %get3A_425 = arith.index_cast %get3A_424 : i32 to index
      %get3A_426 = arith.constant 64 : index
      %get3A_427 = tpu.vector_load %arg15[%get3A_425, %get3A_426] {strides = array<i32>} : memref<64x200xi32, #tpu.memory_space<vmem>>, vector<16xi32>,
      %add3A_428 = arith.constant 26 : i32
      %add3A_429 = vector.broadcast %add3A_428 : i32 to vector<16xi32>
      %add3A_430 = arith.addi %get3A_427, %add3A_429 : vector<16xi32>
      %gather3A_431 = tpu.vector_load_idx %arg12[%add3A_430] : memref<128xf32, #tpu.memory_space<vmem>>[vector<16xi32>], vector<16xf32>,
      %get3A_432 = arith.constant 0 : i32
      %get3A_433 = arith.index_cast %get3A_432 : i32 to index
      %get3A_434 = arith.constant 80 : index
      %get3A_435 = tpu.vector_load %arg15[%get3A_433, %get3A_434] {strides = array<i32>} : memref<64x200xi32, #tpu.memory_space<vmem>>, vector<16xi32>,
      %add3A_436 = arith.constant 26 : i32
      %add3A_437 = vector.broadcast %add3A_436 : i32 to vector<16xi32>
      %add3A_438 = arith.addi %get3A_435, %add3A_437 : vector<16xi32>
      %gather3A_439 = tpu.vector_load_idx %arg12[%add3A_438] : memref<128xf32, #tpu.memory_space<vmem>>[vector<16xi32>], vector<16xf32>,
      %get3A_440 = arith.constant 0 : i32
      %get3A_441 = arith.index_cast %get3A_440 : i32 to index
      %get3A_442 = arith.constant 96 : index
      %get3A_443 = tpu.vector_load %arg15[%get3A_441, %get3A_442] {strides = array<i32>} : memref<64x200xi32, #tpu.memory_space<vmem>>, vector<16xi32>,
      %add3A_444 = arith.constant 26 : i32
      %add3A_445 = vector.broadcast %add3A_444 : i32 to vector<16xi32>
      %add3A_446 = arith.addi %get3A_443, %add3A_445 : vector<16xi32>
      %gather3A_447 = tpu.vector_load_idx %arg12[%add3A_446] : memref<128xf32, #tpu.memory_space<vmem>>[vector<16xi32>], vector<16xf32>,
      %get3A_448 = arith.constant 0 : i32
      %get3A_449 = arith.index_cast %get3A_448 : i32 to index
      %get3A_450 = arith.constant 112 : index
      %get3A_451 = tpu.vector_load %arg15[%get3A_449, %get3A_450] {strides = array<i32>} : memref<64x200xi32, #tpu.memory_space<vmem>>, vector<16xi32>,
      %add3A_452 = arith.constant 26 : i32
      %add3A_453 = vector.broadcast %add3A_452 : i32 to vector<16xi32>
      %add3A_454 = arith.addi %get3A_451, %add3A_453 : vector<16xi32>
      %gather3A_455 = tpu.vector_load_idx %arg12[%add3A_454] : memref<128xf32, #tpu.memory_space<vmem>>[vector<16xi32>], vector<16xf32>,
      %get3A_456 = arith.constant 0 : i32
      %get3A_457 = arith.index_cast %get3A_456 : i32 to index
      %get3A_458 = arith.constant 128 : index
      %get3A_459 = tpu.vector_load %arg15[%get3A_457, %get3A_458] {strides = array<i32>} : memref<64x200xi32, #tpu.memory_space<vmem>>, vector<16xi32>,
      %add3A_460 = arith.constant 26 : i32
      %add3A_461 = vector.broadcast %add3A_460 : i32 to vector<16xi32>
      %add3A_462 = arith.addi %get3A_459, %add3A_461 : vector<16xi32>
      %gather3A_463 = tpu.vector_load_idx %arg12[%add3A_462] : memref<128xf32, #tpu.memory_space<vmem>>[vector<16xi32>], vector<16xf32>,
      %get3A_464 = arith.constant 0 : i32
      %get3A_465 = arith.index_cast %get3A_464 : i32 to index
      %get3A_466 = arith.constant 144 : index
      %get3A_467 = tpu.vector_load %arg15[%get3A_465, %get3A_466] {strides = array<i32>} : memref<64x200xi32, #tpu.memory_space<vmem>>, vector<16xi32>,
      %add3A_468 = arith.constant 26 : i32
      %add3A_469 = vector.broadcast %add3A_468 : i32 to vector<16xi32>
      %add3A_470 = arith.addi %get3A_467, %add3A_469 : vector<16xi32>
      %gather3A_471 = tpu.vector_load_idx %arg12[%add3A_470] : memref<128xf32, #tpu.memory_space<vmem>>[vector<16xi32>], vector<16xf32>,
      %get3A_472 = arith.constant 0 : i32
      %get3A_473 = arith.index_cast %get3A_472 : i32 to index
      %get3A_474 = arith.constant 160 : index
      %get3A_475 = tpu.vector_load %arg15[%get3A_473, %get3A_474] {strides = array<i32>} : memref<64x200xi32, #tpu.memory_space<vmem>>, vector<16xi32>,
      %add3A_476 = arith.constant 26 : i32
      %add3A_477 = vector.broadcast %add3A_476 : i32 to vector<16xi32>
      %add3A_478 = arith.addi %get3A_475, %add3A_477 : vector<16xi32>
      %gather3A_479 = tpu.vector_load_idx %arg12[%add3A_478] : memref<128xf32, #tpu.memory_space<vmem>>[vector<16xi32>], vector<16xf32>,
      %get3A_480 = arith.constant 0 : i32
      %get3A_481 = arith.index_cast %get3A_480 : i32 to index
      %get3A_482 = arith.constant 176 : index
      %get3A_483 = tpu.vector_load %arg15[%get3A_481, %get3A_482] {strides = array<i32>} : memref<64x200xi32, #tpu.memory_space<vmem>>, vector<16xi32>,
      %add3A_484 = arith.constant 26 : i32
      %add3A_485 = vector.broadcast %add3A_484 : i32 to vector<16xi32>
      %add3A_486 = arith.addi %get3A_483, %add3A_485 : vector<16xi32>
      %gather3A_487 = tpu.vector_load_idx %arg12[%add3A_486] : memref<128xf32, #tpu.memory_space<vmem>>[vector<16xi32>], vector<16xf32>,
      %get3A_488 = arith.constant 0 : i32
      %get3A_489 = arith.index_cast %get3A_488 : i32 to index
      %get3A_490 = arith.constant 184 : index
      %get3A_491 = tpu.vector_load %arg15[%get3A_489, %get3A_490] {strides = array<i32>} : memref<64x200xi32, #tpu.memory_space<vmem>>, vector<16xi32>,
      %add3A_492 = arith.constant 26 : i32
      %add3A_493 = vector.broadcast %add3A_492 : i32 to vector<16xi32>
      %add3A_494 = arith.addi %get3A_491, %add3A_493 : vector<16xi32>
      %gather3A_495 = tpu.vector_load_idx %arg12[%add3A_494] : memref<128xf32, #tpu.memory_space<vmem>>[vector<16xi32>], vector<16xf32>,
      %max3A_496 = arith.maximumf %gather3A_399, %gather3A_407 : vector<16xf32>
      %max3A_497 = arith.maximumf %max3A_496, %gather3A_415 : vector<16xf32>
      %max3A_498 = arith.maximumf %max3A_497, %gather3A_423 : vector<16xf32>
      %max3A_499 = arith.maximumf %max3A_498, %gather3A_431 : vector<16xf32>
      %max3A_500 = arith.maximumf %max3A_499, %gather3A_439 : vector<16xf32>
      %max3A_501 = arith.maximumf %max3A_500, %gather3A_447 : vector<16xf32>
      %max3A_502 = arith.maximumf %max3A_501, %gather3A_455 : vector<16xf32>
      %max3A_503 = arith.maximumf %max3A_502, %gather3A_463 : vector<16xf32>
      %max3A_504 = arith.maximumf %max3A_503, %gather3A_471 : vector<16xf32>
      %max3A_505 = arith.maximumf %max3A_504, %gather3A_479 : vector<16xf32>
      %max3A_506 = arith.maximumf %max3A_505, %gather3A_487 : vector<16xf32>
      %max3A_507 = arith.maximumf %max3A_506, %gather3A_495 : vector<16xf32>
      %reduce_max3A_508 = arith.constant true
      %reduce_max3A_509 = vector.broadcast %reduce_max3A_508 : i1 to vector<16xi1>
      %reduce_max3A_510 = tpu.scan <max>, %max3A_507 masked %reduce_max3A_509 : vector<16xf32>, vector<16xi1> -> vector<16xf32>
      %reduce_max3A_511 = vector.extract %reduce_max3A_510[15] : f32 from vector<16xf32>
      %broadcast_in_dim3A_512 = vector.broadcast %reduce_max3A_511 : f32 to vector<16xf32>
      %sub3A_513 = arith.subf %gather3A_399, %broadcast_in_dim3A_512 : vector<16xf32>
      %exp3A_514 = math.exp %sub3A_513 : vector<16xf32>
      %sub3A_515 = arith.subf %gather3A_407, %broadcast_in_dim3A_512 : vector<16xf32>
      %exp3A_516 = math.exp %sub3A_515 : vector<16xf32>
      %sub3A_517 = arith.subf %gather3A_415, %broadcast_in_dim3A_512 : vector<16xf32>
      %exp3A_518 = math.exp %sub3A_517 : vector<16xf32>
      %sub3A_519 = arith.subf %gather3A_423, %broadcast_in_dim3A_512 : vector<16xf32>
      %exp3A_520 = math.exp %sub3A_519 : vector<16xf32>
      %sub3A_521 = arith.subf %gather3A_431, %broadcast_in_dim3A_512 : vector<16xf32>
      %exp3A_522 = math.exp %sub3A_521 : vector<16xf32>
      %sub3A_523 = arith.subf %gather3A_439, %broadcast_in_dim3A_512 : vector<16xf32>
      %exp3A_524 = math.exp %sub3A_523 : vector<16xf32>
      %sub3A_525 = arith.subf %gather3A_447, %broadcast_in_dim3A_512 : vector<16xf32>
      %exp3A_526 = math.exp %sub3A_525 : vector<16xf32>
      %sub3A_527 = arith.subf %gather3A_455, %broadcast_in_dim3A_512 : vector<16xf32>
      %exp3A_528 = math.exp %sub3A_527 : vector<16xf32>
      %sub3A_529 = arith.subf %gather3A_463, %broadcast_in_dim3A_512 : vector<16xf32>
      %exp3A_530 = math.exp %sub3A_529 : vector<16xf32>
      %sub3A_531 = arith.subf %gather3A_471, %broadcast_in_dim3A_512 : vector<16xf32>
      %exp3A_532 = math.exp %sub3A_531 : vector<16xf32>
      %sub3A_533 = arith.subf %gather3A_479, %broadcast_in_dim3A_512 : vector<16xf32>
      %exp3A_534 = math.exp %sub3A_533 : vector<16xf32>
      %sub3A_535 = arith.subf %gather3A_487, %broadcast_in_dim3A_512 : vector<16xf32>
      %exp3A_536 = math.exp %sub3A_535 : vector<16xf32>
      %sub3A_537 = arith.subf %gather3A_495, %broadcast_in_dim3A_512 : vector<16xf32>
      %exp3A_538 = math.exp %sub3A_537 : vector<16xf32>
      %add3A_539 = arith.addf %exp3A_514, %exp3A_516 : vector<16xf32>
      %add3A_540 = arith.addf %add3A_539, %exp3A_518 : vector<16xf32>
      %add3A_541 = arith.addf %add3A_540, %exp3A_520 : vector<16xf32>
      %add3A_542 = arith.addf %add3A_541, %exp3A_522 : vector<16xf32>
      %add3A_543 = arith.addf %add3A_542, %exp3A_524 : vector<16xf32>
      %add3A_544 = arith.addf %add3A_543, %exp3A_526 : vector<16xf32>
      %add3A_545 = arith.addf %add3A_544, %exp3A_528 : vector<16xf32>
      %add3A_546 = arith.addf %add3A_545, %exp3A_530 : vector<16xf32>
      %add3A_547 = arith.addf %add3A_546, %exp3A_532 : vector<16xf32>
      %add3A_548 = arith.addf %add3A_547, %exp3A_534 : vector<16xf32>
      %add3A_549 = arith.addf %add3A_548, %exp3A_536 : vector<16xf32>
      %select_n3A_550 = arith.select %ge3A_5, %exp3A_538, %broadcast_in_dim3A_6 : vector<16xi1>, vector<16xf32>
      %add3A_551 = arith.addf %add3A_549, %select_n3A_550 : vector<16xf32>
      %reduce_sum3A_552 = arith.constant true
      %reduce_sum3A_553 = vector.broadcast %reduce_sum3A_552 : i1 to vector<16xi1>
      %reduce_sum3A_554 = tpu.scan <sum>, %add3A_551 masked %reduce_sum3A_553 : vector<16xf32>, vector<16xi1> -> vector<16xf32>
      %reduce_sum3A_555 = vector.extract %reduce_sum3A_554[15] : f32 from vector<16xf32>
      %broadcast_in_dim3A_556 = vector.broadcast %reduce_sum3A_555 : f32 to vector<16xf32>
      %div3A_557 = arith.constant 1.000000e+00 : f32
      %div3A_558 = vector.broadcast %div3A_557 : f32 to vector<16xf32>
      %div3A_559 = arith.divf %div3A_558, %broadcast_in_dim3A_556 : vector<16xf32>
      %mul3A_560 = arith.mulf %exp3A_514, %div3A_559 : vector<16xf32>
      %swap3A_561 = arith.constant 0 : index
      %swap3A_562 = tpu.vector_load %arg18[%swap3A_561] {strides = array<i32>} : memref<200xf32, #tpu.memory_space<vmem>>, vector<16xf32>,
      tpu.vector_store %arg18[%swap3A_561], %mul3A_560 {strides = array<i32>} : memref<200xf32, #tpu.memory_space<vmem>>, vector<16xf32>,
      %mul3A_563 = arith.mulf %exp3A_516, %div3A_559 : vector<16xf32>
      %swap3A_564 = arith.constant 16 : index
      %swap3A_565 = tpu.vector_load %arg18[%swap3A_564] {strides = array<i32>} : memref<200xf32, #tpu.memory_space<vmem>>, vector<16xf32>,
      tpu.vector_store %arg18[%swap3A_564], %mul3A_563 {strides = array<i32>} : memref<200xf32, #tpu.memory_space<vmem>>, vector<16xf32>,
      %mul3A_566 = arith.mulf %exp3A_518, %div3A_559 : vector<16xf32>
      %swap3A_567 = arith.constant 32 : index
      %swap3A_568 = tpu.vector_load %arg18[%swap3A_567] {strides = array<i32>} : memref<200xf32, #tpu.memory_space<vmem>>, vector<16xf32>,
      tpu.vector_store %arg18[%swap3A_567], %mul3A_566 {strides = array<i32>} : memref<200xf32, #tpu.memory_space<vmem>>, vector<16xf32>,
      %mul3A_569 = arith.mulf %exp3A_520, %div3A_559 : vector<16xf32>
      %swap3A_570 = arith.constant 48 : index
      %swap3A_571 = tpu.vector_load %arg18[%swap3A_570] {strides = array<i32>} : memref<200xf32, #tpu.memory_space<vmem>>, vector<16xf32>,
      tpu.vector_store %arg18[%swap3A_570], %mul3A_569 {strides = array<i32>} : memref<200xf32, #tpu.memory_space<vmem>>, vector<16xf32>,
      %mul3A_572 = arith.mulf %exp3A_522, %div3A_559 : vector<16xf32>
      %swap3A_573 = arith.constant 64 : index
      %swap3A_574 = tpu.vector_load %arg18[%swap3A_573] {strides = array<i32>} : memref<200xf32, #tpu.memory_space<vmem>>, vector<16xf32>,
      tpu.vector_store %arg18[%swap3A_573], %mul3A_572 {strides = array<i32>} : memref<200xf32, #tpu.memory_space<vmem>>, vector<16xf32>,
      %mul3A_575 = arith.mulf %exp3A_524, %div3A_559 : vector<16xf32>
      %swap3A_576 = arith.constant 80 : index
      %swap3A_577 = tpu.vector_load %arg18[%swap3A_576] {strides = array<i32>} : memref<200xf32, #tpu.memory_space<vmem>>, vector<16xf32>,
      tpu.vector_store %arg18[%swap3A_576], %mul3A_575 {strides = array<i32>} : memref<200xf32, #tpu.memory_space<vmem>>, vector<16xf32>,
      %mul3A_578 = arith.mulf %exp3A_526, %div3A_559 : vector<16xf32>
      %swap3A_579 = arith.constant 96 : index
      %swap3A_580 = tpu.vector_load %arg18[%swap3A_579] {strides = array<i32>} : memref<200xf32, #tpu.memory_space<vmem>>, vector<16xf32>,
      tpu.vector_store %arg18[%swap3A_579], %mul3A_578 {strides = array<i32>} : memref<200xf32, #tpu.memory_space<vmem>>, vector<16xf32>,
      %mul3A_581 = arith.mulf %exp3A_528, %div3A_559 : vector<16xf32>
      %swap3A_582 = arith.constant 112 : index
      %swap3A_583 = tpu.vector_load %arg18[%swap3A_582] {strides = array<i32>} : memref<200xf32, #tpu.memory_space<vmem>>, vector<16xf32>,
      tpu.vector_store %arg18[%swap3A_582], %mul3A_581 {strides = array<i32>} : memref<200xf32, #tpu.memory_space<vmem>>, vector<16xf32>,
      %mul3A_584 = arith.mulf %exp3A_530, %div3A_559 : vector<16xf32>
      %swap3A_585 = arith.constant 128 : index
      %swap3A_586 = tpu.vector_load %arg18[%swap3A_585] {strides = array<i32>} : memref<200xf32, #tpu.memory_space<vmem>>, vector<16xf32>,
      tpu.vector_store %arg18[%swap3A_585], %mul3A_584 {strides = array<i32>} : memref<200xf32, #tpu.memory_space<vmem>>, vector<16xf32>,
      %mul3A_587 = arith.mulf %exp3A_532, %div3A_559 : vector<16xf32>
      %swap3A_588 = arith.constant 144 : index
      %swap3A_589 = tpu.vector_load %arg18[%swap3A_588] {strides = array<i32>} : memref<200xf32, #tpu.memory_space<vmem>>, vector<16xf32>,
      tpu.vector_store %arg18[%swap3A_588], %mul3A_587 {strides = array<i32>} : memref<200xf32, #tpu.memory_space<vmem>>, vector<16xf32>,
      %mul3A_590 = arith.mulf %exp3A_534, %div3A_559 : vector<16xf32>
      %swap3A_591 = arith.constant 160 : index
      %swap3A_592 = tpu.vector_load %arg18[%swap3A_591] {strides = array<i32>} : memref<200xf32, #tpu.memory_space<vmem>>, vector<16xf32>,
      tpu.vector_store %arg18[%swap3A_591], %mul3A_590 {strides = array<i32>} : memref<200xf32, #tpu.memory_space<vmem>>, vector<16xf32>,
      %mul3A_593 = arith.mulf %exp3A_536, %div3A_559 : vector<16xf32>
      %swap3A_594 = arith.constant 176 : index
      %swap3A_595 = tpu.vector_load %arg18[%swap3A_594] {strides = array<i32>} : memref<200xf32, #tpu.memory_space<vmem>>, vector<16xf32>,
      tpu.vector_store %arg18[%swap3A_594], %mul3A_593 {strides = array<i32>} : memref<200xf32, #tpu.memory_space<vmem>>, vector<16xf32>,
      %mul3A_596 = arith.mulf %exp3A_538, %div3A_559 : vector<16xf32>
      %swap3A_597 = arith.constant 184 : index
      %swap3A_598 = tpu.vector_load %arg18[%swap3A_597] {strides = array<i32>} : memref<200xf32, #tpu.memory_space<vmem>>, vector<16xf32>,
      tpu.vector_store %arg18[%swap3A_597], %mul3A_596 {strides = array<i32>} : memref<200xf32, #tpu.memory_space<vmem>>, vector<16xf32>,
      %parallel_loop3A = arith.constant 0 : i32
      %parallel_loop3A_599 = arith.constant 13 : i32
      %parallel_loop3A_600 = arith.constant 1 : i32
      scf.for %parallel_loop3A_1220 = %parallel_loop3A to %parallel_loop3A_599 step %parallel_loop3A_600  : i32 {
        %parallel_loop3A_1221 = arith.constant 16 : i32
        %parallel_loop3A_1222 = arith.muli %parallel_loop3A_1220, %parallel_loop3A_1221 : i32
        %parallel_loop3A_1223 = arith.constant 184 : i32
        %parallel_loop3A_1224 = arith.minsi %parallel_loop3A_1222, %parallel_loop3A_1223 : i32
        %parallel_loop3A_1225 = arith.constant 0 : i32
        %parallel_loop3A_1226 = arith.index_cast %parallel_loop3A_1225 : i32 to index
        %parallel_loop3A_1227 = arith.index_cast %parallel_loop3A_1224 : i32 to index
        %parallel_loop3A_1228 = tpu.vector_load %arg13[%parallel_loop3A_1226, %parallel_loop3A_1227] {strides = array<i32>} : memref<64x200xi32, #tpu.memory_space<vmem>>, vector<16xi32>,
        %parallel_loop3A_1229 = arith.constant 0 : i32
        %parallel_loop3A_1230 = arith.index_cast %parallel_loop3A_1229 : i32 to index
        %parallel_loop3A_1231 = arith.index_cast %parallel_loop3A_1224 : i32 to index
        %parallel_loop3A_1232 = tpu.vector_load %arg14[%parallel_loop3A_1230, %parallel_loop3A_1231] {strides = array<i32>} : memref<64x200xi32, #tpu.memory_space<vmem>>, vector<16xi32>,
        %parallel_loop3A_1233 = arith.constant 0 : i32
        %parallel_loop3A_1234 = arith.index_cast %parallel_loop3A_1233 : i32 to index
        %parallel_loop3A_1235 = arith.index_cast %parallel_loop3A_1224 : i32 to index
        %parallel_loop3A_1236 = tpu.vector_load %arg15[%parallel_loop3A_1234, %parallel_loop3A_1235] {strides = array<i32>} : memref<64x200xi32, #tpu.memory_space<vmem>>, vector<16xi32>,
        %parallel_loop3A_1237 = arith.index_cast %parallel_loop3A_1224 : i32 to index
        %parallel_loop3A_1238 = tpu.vector_load %arg16[%parallel_loop3A_1237] {strides = array<i32>} : memref<200xf32, #tpu.memory_space<vmem>>, vector<16xf32>,
        %parallel_loop3A_1239 = arith.index_cast %parallel_loop3A_1224 : i32 to index
        %parallel_loop3A_1240 = tpu.vector_load %arg17[%parallel_loop3A_1239] {strides = array<i32>} : memref<200xf32, #tpu.memory_space<vmem>>, vector<16xf32>,
        %parallel_loop3A_1241 = arith.index_cast %parallel_loop3A_1224 : i32 to index
        %parallel_loop3A_1242 = tpu.vector_load %arg18[%parallel_loop3A_1241] {strides = array<i32>} : memref<200xf32, #tpu.memory_space<vmem>>, vector<16xf32>,
        %parallel_loop3A_1243 = arith.constant 64 : i32
        %parallel_loop3A_1244 = vector.broadcast %parallel_loop3A_1243 : i32 to vector<16xi32>
        %parallel_loop3A_1245 = arith.muli %parallel_loop3A_1228, %parallel_loop3A_1244 : vector<16xi32>
        %parallel_loop3A_1246 = arith.constant 64 : i32
        %parallel_loop3A_1247 = vector.broadcast %parallel_loop3A_1246 : i32 to vector<16xi32>
        %parallel_loop3A_1248 = arith.muli %parallel_loop3A_1232, %parallel_loop3A_1247 : vector<16xi32>
        %parallel_loop3A_1249 = arith.constant 320 : i32
        %parallel_loop3A_1250 = vector.broadcast %parallel_loop3A_1249 : i32 to vector<16xi32>
        %parallel_loop3A_1251 = arith.addi %parallel_loop3A_1248, %parallel_loop3A_1250 : vector<16xi32>
        %parallel_loop3A_1252 = arith.constant 64 : i32
        %parallel_loop3A_1253 = vector.broadcast %parallel_loop3A_1252 : i32 to vector<16xi32>
        %parallel_loop3A_1254 = arith.muli %parallel_loop3A_1236, %parallel_loop3A_1253 : vector<16xi32>
        %parallel_loop3A_1255 = arith.constant 1664 : i32
        %parallel_loop3A_1256 = vector.broadcast %parallel_loop3A_1255 : i32 to vector<16xi32>
        %parallel_loop3A_1257 = arith.addi %parallel_loop3A_1254, %parallel_loop3A_1256 : vector<16xi32>
        %parallel_loop3A_1258 = arith.constant 64 : i32
        %parallel_loop3A_1259 = arith.muli %parallel_loop3A_1224, %parallel_loop3A_1258 : i32
        %parallel_loop3A_1260 = vector.broadcast %parallel_loop3A_1259 : i32 to vector<16xi32>
        %parallel_loop3A_1261 = arith.addi %mul3A_3, %parallel_loop3A_1260 : vector<16xi32>
        %parallel_loop3A_1262 = arith.constant 0 : i32
        %parallel_loop3A_1263 = arith.constant 64 : i32
        %parallel_loop3A_1264 = arith.constant 1 : i32
        %parallel_loop3A_1265 = scf.for %parallel_loop3A_1266 = %parallel_loop3A_1262 to %parallel_loop3A_1263 step %parallel_loop3A_1264 iter_args(%parallel_loop3A_1267 = %iota3A) -> (vector<16xi32>)  : i32 {
          %parallel_loop3A_1268 = arith.addi %parallel_loop3A_1245, %parallel_loop3A_1267 : vector<16xi32>
          %parallel_loop3A_1269 = tpu.vector_load_idx %arg9[%parallel_loop3A_1268] : memref<7168xf32, #tpu.memory_space<vmem>>[vector<16xi32>], vector<16xf32>,
          %parallel_loop3A_1270 = arith.addi %parallel_loop3A_1251, %parallel_loop3A_1267 : vector<16xi32>
          %parallel_loop3A_1271 = tpu.vector_load_idx %arg9[%parallel_loop3A_1270] : memref<7168xf32, #tpu.memory_space<vmem>>[vector<16xi32>], vector<16xf32>,
          %parallel_loop3A_1272 = arith.addi %parallel_loop3A_1257, %parallel_loop3A_1267 : vector<16xi32>
          %parallel_loop3A_1273 = tpu.vector_load_idx %arg9[%parallel_loop3A_1272] : memref<7168xf32, #tpu.memory_space<vmem>>[vector<16xi32>], vector<16xf32>,
          %parallel_loop3A_1274 = arith.mulf %parallel_loop3A_1238, %parallel_loop3A_1269 : vector<16xf32>
          %parallel_loop3A_1275 = arith.mulf %parallel_loop3A_1240, %parallel_loop3A_1271 : vector<16xf32>
          %parallel_loop3A_1276 = arith.addf %parallel_loop3A_1274, %parallel_loop3A_1275 : vector<16xf32>
          %parallel_loop3A_1277 = arith.mulf %parallel_loop3A_1242, %parallel_loop3A_1273 : vector<16xf32>
          %parallel_loop3A_1278 = arith.addf %parallel_loop3A_1276, %parallel_loop3A_1277 : vector<16xf32>
          %parallel_loop3A_1279 = arith.addi %parallel_loop3A_1261, %parallel_loop3A_1267 : vector<16xi32>
          tpu.vector_store_idx %arg19[%parallel_loop3A_1279], %parallel_loop3A_1278 : memref<12800xf32, #tpu.memory_space<vmem>>[vector<16xi32>], vector<16xf32>,
          %parallel_loop3A_1280 = arith.constant 1 : i32
          %parallel_loop3A_1281 = vector.broadcast %parallel_loop3A_1280 : i32 to vector<16xi32>
          %parallel_loop3A_1282 = arith.addi %parallel_loop3A_1267, %parallel_loop3A_1281 : vector<16xi32>
          %parallel_loop3A_1283 = arith.constant 63 : i32
          %parallel_loop3A_1284 = vector.broadcast %parallel_loop3A_1283 : i32 to vector<16xi32>
          %parallel_loop3A_1285 = arith.andi %parallel_loop3A_1282, %parallel_loop3A_1284 : vector<16xi32>
          scf.yield %parallel_loop3A_1285 : vector<16xi32>
        } {sc.loop_unroll_factor = 2 : i64, sc.parallel_access}
      } {sc.loop_unroll_factor = 1 : i64, sc.parallel_access}
      %dma_start3A = arith.constant 0 : i32
      %dma_start3A_601 = tpu.memref_slice %arg8[%add3A_26, %dma_start3A] : memref<4096x12800xf32, #tpu.memory_space<hbm>> -> memref<1x12800xf32, #tpu.memory_space<hbm>>
      %dma_start3A_602 = tpu.memref_squeeze %dma_start3A_601 : memref<1x12800xf32, #tpu.memory_space<hbm>> -> memref<12800xf32, #tpu.memory_space<hbm>>
      %dma_start3A_603 = arith.constant 0 : i32
      %dma_start3A_604 = tpu.memref_slice %arg8[%add3A_26, %dma_start3A_603] : memref<4096x12800xf32, #tpu.memory_space<hbm>> -> memref<1x12800xf32, #tpu.memory_space<hbm>>
      %dma_start3A_605 = tpu.memref_squeeze %dma_start3A_604 : memref<1x12800xf32, #tpu.memory_space<hbm>> -> memref<12800xf32, #tpu.memory_space<hbm>>
      tpu.enqueue_dma source(%arg19 : memref<12800xf32, #tpu.memory_space<vmem>>) target(%dma_start3A_605 : memref<12800xf32, #tpu.memory_space<hbm>>) target_semaphore(%arg21 : memref<!tpu.dma_semaphore, #tpu.memory_space<semaphore_mem>>)
      %get3A_606 = arith.constant 1 : i32
      %get3A_607 = arith.index_cast %get3A_606 : i32 to index
      %get3A_608 = arith.constant 0 : index
      %get3A_609 = tpu.vector_load %arg13[%get3A_607, %get3A_608] {strides = array<i32>} : memref<64x200xi32, #tpu.memory_space<vmem>>, vector<16xi32>,
      %gather3A_610 = tpu.vector_load_idx %arg12[%get3A_609] : memref<128xf32, #tpu.memory_space<vmem>>[vector<16xi32>], vector<16xf32>,
      %get3A_611 = arith.constant 1 : i32
      %get3A_612 = arith.index_cast %get3A_611 : i32 to index
      %get3A_613 = arith.constant 16 : index
      %get3A_614 = tpu.vector_load %arg13[%get3A_612, %get3A_613] {strides = array<i32>} : memref<64x200xi32, #tpu.memory_space<vmem>>, vector<16xi32>,
      %gather3A_615 = tpu.vector_load_idx %arg12[%get3A_614] : memref<128xf32, #tpu.memory_space<vmem>>[vector<16xi32>], vector<16xf32>,
      %get3A_616 = arith.constant 1 : i32
      %get3A_617 = arith.index_cast %get3A_616 : i32 to index
      %get3A_618 = arith.constant 32 : index
      %get3A_619 = tpu.vector_load %arg13[%get3A_617, %get3A_618] {strides = array<i32>} : memref<64x200xi32, #tpu.memory_space<vmem>>, vector<16xi32>,
      %gather3A_620 = tpu.vector_load_idx %arg12[%get3A_619] : memref<128xf32, #tpu.memory_space<vmem>>[vector<16xi32>], vector<16xf32>,
      %get3A_621 = arith.constant 1 : i32
      %get3A_622 = arith.index_cast %get3A_621 : i32 to index
      %get3A_623 = arith.constant 48 : index
      %get3A_624 = tpu.vector_load %arg13[%get3A_622, %get3A_623] {strides = array<i32>} : memref<64x200xi32, #tpu.memory_space<vmem>>, vector<16xi32>,
      %gather3A_625 = tpu.vector_load_idx %arg12[%get3A_624] : memref<128xf32, #tpu.memory_space<vmem>>[vector<16xi32>], vector<16xf32>,
      %get3A_626 = arith.constant 1 : i32
      %get3A_627 = arith.index_cast %get3A_626 : i32 to index
      %get3A_628 = arith.constant 64 : index
      %get3A_629 = tpu.vector_load %arg13[%get3A_627, %get3A_628] {strides = array<i32>} : memref<64x200xi32, #tpu.memory_space<vmem>>, vector<16xi32>,
      %gather3A_630 = tpu.vector_load_idx %arg12[%get3A_629] : memref<128xf32, #tpu.memory_space<vmem>>[vector<16xi32>], vector<16xf32>,
      %get3A_631 = arith.constant 1 : i32
      %get3A_632 = arith.index_cast %get3A_631 : i32 to index
      %get3A_633 = arith.constant 80 : index
      %get3A_634 = tpu.vector_load %arg13[%get3A_632, %get3A_633] {strides = array<i32>} : memref<64x200xi32, #tpu.memory_space<vmem>>, vector<16xi32>,
      %gather3A_635 = tpu.vector_load_idx %arg12[%get3A_634] : memref<128xf32, #tpu.memory_space<vmem>>[vector<16xi32>], vector<16xf32>,
      %get3A_636 = arith.constant 1 : i32
      %get3A_637 = arith.index_cast %get3A_636 : i32 to index
      %get3A_638 = arith.constant 96 : index
      %get3A_639 = tpu.vector_load %arg13[%get3A_637, %get3A_638] {strides = array<i32>} : memref<64x200xi32, #tpu.memory_space<vmem>>, vector<16xi32>,
      %gather3A_640 = tpu.vector_load_idx %arg12[%get3A_639] : memref<128xf32, #tpu.memory_space<vmem>>[vector<16xi32>], vector<16xf32>,
      %get3A_641 = arith.constant 1 : i32
      %get3A_642 = arith.index_cast %get3A_641 : i32 to index
      %get3A_643 = arith.constant 112 : index
      %get3A_644 = tpu.vector_load %arg13[%get3A_642, %get3A_643] {strides = array<i32>} : memref<64x200xi32, #tpu.memory_space<vmem>>, vector<16xi32>,
      %gather3A_645 = tpu.vector_load_idx %arg12[%get3A_644] : memref<128xf32, #tpu.memory_space<vmem>>[vector<16xi32>], vector<16xf32>,
      %get3A_646 = arith.constant 1 : i32
      %get3A_647 = arith.index_cast %get3A_646 : i32 to index
      %get3A_648 = arith.constant 128 : index
      %get3A_649 = tpu.vector_load %arg13[%get3A_647, %get3A_648] {strides = array<i32>} : memref<64x200xi32, #tpu.memory_space<vmem>>, vector<16xi32>,
      %gather3A_650 = tpu.vector_load_idx %arg12[%get3A_649] : memref<128xf32, #tpu.memory_space<vmem>>[vector<16xi32>], vector<16xf32>,
      %get3A_651 = arith.constant 1 : i32
      %get3A_652 = arith.index_cast %get3A_651 : i32 to index
      %get3A_653 = arith.constant 144 : index
      %get3A_654 = tpu.vector_load %arg13[%get3A_652, %get3A_653] {strides = array<i32>} : memref<64x200xi32, #tpu.memory_space<vmem>>, vector<16xi32>,
      %gather3A_655 = tpu.vector_load_idx %arg12[%get3A_654] : memref<128xf32, #tpu.memory_space<vmem>>[vector<16xi32>], vector<16xf32>,
      %get3A_656 = arith.constant 1 : i32
      %get3A_657 = arith.index_cast %get3A_656 : i32 to index
      %get3A_658 = arith.constant 160 : index
      %get3A_659 = tpu.vector_load %arg13[%get3A_657, %get3A_658] {strides = array<i32>} : memref<64x200xi32, #tpu.memory_space<vmem>>, vector<16xi32>,
      %gather3A_660 = tpu.vector_load_idx %arg12[%get3A_659] : memref<128xf32, #tpu.memory_space<vmem>>[vector<16xi32>], vector<16xf32>,
      %get3A_661 = arith.constant 1 : i32
      %get3A_662 = arith.index_cast %get3A_661 : i32 to index
      %get3A_663 = arith.constant 176 : index
      %get3A_664 = tpu.vector_load %arg13[%get3A_662, %get3A_663] {strides = array<i32>} : memref<64x200xi32, #tpu.memory_space<vmem>>, vector<16xi32>,
      %gather3A_665 = tpu.vector_load_idx %arg12[%get3A_664] : memref<128xf32, #tpu.memory_space<vmem>>[vector<16xi32>], vector<16xf32>,
      %get3A_666 = arith.constant 1 : i32
      %get3A_667 = arith.index_cast %get3A_666 : i32 to index
      %get3A_668 = arith.constant 184 : index
      %get3A_669 = tpu.vector_load %arg13[%get3A_667, %get3A_668] {strides = array<i32>} : memref<64x200xi32, #tpu.memory_space<vmem>>, vector<16xi32>,
      %gather3A_670 = tpu.vector_load_idx %arg12[%get3A_669] : memref<128xf32, #tpu.memory_space<vmem>>[vector<16xi32>], vector<16xf32>,
      %max3A_671 = arith.maximumf %gather3A_610, %gather3A_615 : vector<16xf32>
      %max3A_672 = arith.maximumf %max3A_671, %gather3A_620 : vector<16xf32>
      %max3A_673 = arith.maximumf %max3A_672, %gather3A_625 : vector<16xf32>
      %max3A_674 = arith.maximumf %max3A_673, %gather3A_630 : vector<16xf32>
      %max3A_675 = arith.maximumf %max3A_674, %gather3A_635 : vector<16xf32>
      %max3A_676 = arith.maximumf %max3A_675, %gather3A_640 : vector<16xf32>
      %max3A_677 = arith.maximumf %max3A_676, %gather3A_645 : vector<16xf32>
      %max3A_678 = arith.maximumf %max3A_677, %gather3A_650 : vector<16xf32>
      %max3A_679 = arith.maximumf %max3A_678, %gather3A_655 : vector<16xf32>
      %max3A_680 = arith.maximumf %max3A_679, %gather3A_660 : vector<16xf32>
      %max3A_681 = arith.maximumf %max3A_680, %gather3A_665 : vector<16xf32>
      %max3A_682 = arith.maximumf %max3A_681, %gather3A_670 : vector<16xf32>
      %reduce_max3A_683 = arith.constant true
      %reduce_max3A_684 = vector.broadcast %reduce_max3A_683 : i1 to vector<16xi1>
      %reduce_max3A_685 = tpu.scan <max>, %max3A_682 masked %reduce_max3A_684 : vector<16xf32>, vector<16xi1> -> vector<16xf32>
      %reduce_max3A_686 = vector.extract %reduce_max3A_685[15] : f32 from vector<16xf32>
      %broadcast_in_dim3A_687 = vector.broadcast %reduce_max3A_686 : f32 to vector<16xf32>
      %sub3A_688 = arith.subf %gather3A_610, %broadcast_in_dim3A_687 : vector<16xf32>
      %exp3A_689 = math.exp %sub3A_688 : vector<16xf32>
      %sub3A_690 = arith.subf %gather3A_615, %broadcast_in_dim3A_687 : vector<16xf32>
      %exp3A_691 = math.exp %sub3A_690 : vector<16xf32>
      %sub3A_692 = arith.subf %gather3A_620, %broadcast_in_dim3A_687 : vector<16xf32>
      %exp3A_693 = math.exp %sub3A_692 : vector<16xf32>
      %sub3A_694 = arith.subf %gather3A_625, %broadcast_in_dim3A_687 : vector<16xf32>
      %exp3A_695 = math.exp %sub3A_694 : vector<16xf32>
      %sub3A_696 = arith.subf %gather3A_630, %broadcast_in_dim3A_687 : vector<16xf32>
      %exp3A_697 = math.exp %sub3A_696 : vector<16xf32>
      %sub3A_698 = arith.subf %gather3A_635, %broadcast_in_dim3A_687 : vector<16xf32>
      %exp3A_699 = math.exp %sub3A_698 : vector<16xf32>
      %sub3A_700 = arith.subf %gather3A_640, %broadcast_in_dim3A_687 : vector<16xf32>
      %exp3A_701 = math.exp %sub3A_700 : vector<16xf32>
      %sub3A_702 = arith.subf %gather3A_645, %broadcast_in_dim3A_687 : vector<16xf32>
      %exp3A_703 = math.exp %sub3A_702 : vector<16xf32>
      %sub3A_704 = arith.subf %gather3A_650, %broadcast_in_dim3A_687 : vector<16xf32>
      %exp3A_705 = math.exp %sub3A_704 : vector<16xf32>
      %sub3A_706 = arith.subf %gather3A_655, %broadcast_in_dim3A_687 : vector<16xf32>
      %exp3A_707 = math.exp %sub3A_706 : vector<16xf32>
      %sub3A_708 = arith.subf %gather3A_660, %broadcast_in_dim3A_687 : vector<16xf32>
      %exp3A_709 = math.exp %sub3A_708 : vector<16xf32>
      %sub3A_710 = arith.subf %gather3A_665, %broadcast_in_dim3A_687 : vector<16xf32>
      %exp3A_711 = math.exp %sub3A_710 : vector<16xf32>
      %sub3A_712 = arith.subf %gather3A_670, %broadcast_in_dim3A_687 : vector<16xf32>
      %exp3A_713 = math.exp %sub3A_712 : vector<16xf32>
      %add3A_714 = arith.addf %exp3A_689, %exp3A_691 : vector<16xf32>
      %add3A_715 = arith.addf %add3A_714, %exp3A_693 : vector<16xf32>
      %add3A_716 = arith.addf %add3A_715, %exp3A_695 : vector<16xf32>
      %add3A_717 = arith.addf %add3A_716, %exp3A_697 : vector<16xf32>
      %add3A_718 = arith.addf %add3A_717, %exp3A_699 : vector<16xf32>
      %add3A_719 = arith.addf %add3A_718, %exp3A_701 : vector<16xf32>
      %add3A_720 = arith.addf %add3A_719, %exp3A_703 : vector<16xf32>
      %add3A_721 = arith.addf %add3A_720, %exp3A_705 : vector<16xf32>
      %add3A_722 = arith.addf %add3A_721, %exp3A_707 : vector<16xf32>
      %add3A_723 = arith.addf %add3A_722, %exp3A_709 : vector<16xf32>
      %add3A_724 = arith.addf %add3A_723, %exp3A_711 : vector<16xf32>
      %select_n3A_725 = arith.select %ge3A_5, %exp3A_713, %broadcast_in_dim3A_6 : vector<16xi1>, vector<16xf32>
      %add3A_726 = arith.addf %add3A_724, %select_n3A_725 : vector<16xf32>
      %reduce_sum3A_727 = arith.constant true
      %reduce_sum3A_728 = vector.broadcast %reduce_sum3A_727 : i1 to vector<16xi1>
      %reduce_sum3A_729 = tpu.scan <sum>, %add3A_726 masked %reduce_sum3A_728 : vector<16xf32>, vector<16xi1> -> vector<16xf32>
      %reduce_sum3A_730 = vector.extract %reduce_sum3A_729[15] : f32 from vector<16xf32>
      %broadcast_in_dim3A_731 = vector.broadcast %reduce_sum3A_730 : f32 to vector<16xf32>
      %div3A_732 = arith.constant 1.000000e+00 : f32
      %div3A_733 = vector.broadcast %div3A_732 : f32 to vector<16xf32>
      %div3A_734 = arith.divf %div3A_733, %broadcast_in_dim3A_731 : vector<16xf32>
      %mul3A_735 = arith.mulf %exp3A_689, %div3A_734 : vector<16xf32>
      %swap3A_736 = arith.constant 0 : index
      %swap3A_737 = tpu.vector_load %arg16[%swap3A_736] {strides = array<i32>} : memref<200xf32, #tpu.memory_space<vmem>>, vector<16xf32>,
      tpu.vector_store %arg16[%swap3A_736], %mul3A_735 {strides = array<i32>} : memref<200xf32, #tpu.memory_space<vmem>>, vector<16xf32>,
      %mul3A_738 = arith.mulf %exp3A_691, %div3A_734 : vector<16xf32>
      %swap3A_739 = arith.constant 16 : index
      %swap3A_740 = tpu.vector_load %arg16[%swap3A_739] {strides = array<i32>} : memref<200xf32, #tpu.memory_space<vmem>>, vector<16xf32>,
      tpu.vector_store %arg16[%swap3A_739], %mul3A_738 {strides = array<i32>} : memref<200xf32, #tpu.memory_space<vmem>>, vector<16xf32>,
      %mul3A_741 = arith.mulf %exp3A_693, %div3A_734 : vector<16xf32>
      %swap3A_742 = arith.constant 32 : index
      %swap3A_743 = tpu.vector_load %arg16[%swap3A_742] {strides = array<i32>} : memref<200xf32, #tpu.memory_space<vmem>>, vector<16xf32>,
      tpu.vector_store %arg16[%swap3A_742], %mul3A_741 {strides = array<i32>} : memref<200xf32, #tpu.memory_space<vmem>>, vector<16xf32>,
      %mul3A_744 = arith.mulf %exp3A_695, %div3A_734 : vector<16xf32>
      %swap3A_745 = arith.constant 48 : index
      %swap3A_746 = tpu.vector_load %arg16[%swap3A_745] {strides = array<i32>} : memref<200xf32, #tpu.memory_space<vmem>>, vector<16xf32>,
      tpu.vector_store %arg16[%swap3A_745], %mul3A_744 {strides = array<i32>} : memref<200xf32, #tpu.memory_space<vmem>>, vector<16xf32>,
      %mul3A_747 = arith.mulf %exp3A_697, %div3A_734 : vector<16xf32>
      %swap3A_748 = arith.constant 64 : index
      %swap3A_749 = tpu.vector_load %arg16[%swap3A_748] {strides = array<i32>} : memref<200xf32, #tpu.memory_space<vmem>>, vector<16xf32>,
      tpu.vector_store %arg16[%swap3A_748], %mul3A_747 {strides = array<i32>} : memref<200xf32, #tpu.memory_space<vmem>>, vector<16xf32>,
      %mul3A_750 = arith.mulf %exp3A_699, %div3A_734 : vector<16xf32>
      %swap3A_751 = arith.constant 80 : index
      %swap3A_752 = tpu.vector_load %arg16[%swap3A_751] {strides = array<i32>} : memref<200xf32, #tpu.memory_space<vmem>>, vector<16xf32>,
      tpu.vector_store %arg16[%swap3A_751], %mul3A_750 {strides = array<i32>} : memref<200xf32, #tpu.memory_space<vmem>>, vector<16xf32>,
      %mul3A_753 = arith.mulf %exp3A_701, %div3A_734 : vector<16xf32>
      %swap3A_754 = arith.constant 96 : index
      %swap3A_755 = tpu.vector_load %arg16[%swap3A_754] {strides = array<i32>} : memref<200xf32, #tpu.memory_space<vmem>>, vector<16xf32>,
      tpu.vector_store %arg16[%swap3A_754], %mul3A_753 {strides = array<i32>} : memref<200xf32, #tpu.memory_space<vmem>>, vector<16xf32>,
      %mul3A_756 = arith.mulf %exp3A_703, %div3A_734 : vector<16xf32>
      %swap3A_757 = arith.constant 112 : index
      %swap3A_758 = tpu.vector_load %arg16[%swap3A_757] {strides = array<i32>} : memref<200xf32, #tpu.memory_space<vmem>>, vector<16xf32>,
      tpu.vector_store %arg16[%swap3A_757], %mul3A_756 {strides = array<i32>} : memref<200xf32, #tpu.memory_space<vmem>>, vector<16xf32>,
      %mul3A_759 = arith.mulf %exp3A_705, %div3A_734 : vector<16xf32>
      %swap3A_760 = arith.constant 128 : index
      %swap3A_761 = tpu.vector_load %arg16[%swap3A_760] {strides = array<i32>} : memref<200xf32, #tpu.memory_space<vmem>>, vector<16xf32>,
      tpu.vector_store %arg16[%swap3A_760], %mul3A_759 {strides = array<i32>} : memref<200xf32, #tpu.memory_space<vmem>>, vector<16xf32>,
      %mul3A_762 = arith.mulf %exp3A_707, %div3A_734 : vector<16xf32>
      %swap3A_763 = arith.constant 144 : index
      %swap3A_764 = tpu.vector_load %arg16[%swap3A_763] {strides = array<i32>} : memref<200xf32, #tpu.memory_space<vmem>>, vector<16xf32>,
      tpu.vector_store %arg16[%swap3A_763], %mul3A_762 {strides = array<i32>} : memref<200xf32, #tpu.memory_space<vmem>>, vector<16xf32>,
      %mul3A_765 = arith.mulf %exp3A_709, %div3A_734 : vector<16xf32>
      %swap3A_766 = arith.constant 160 : index
      %swap3A_767 = tpu.vector_load %arg16[%swap3A_766] {strides = array<i32>} : memref<200xf32, #tpu.memory_space<vmem>>, vector<16xf32>,
      tpu.vector_store %arg16[%swap3A_766], %mul3A_765 {strides = array<i32>} : memref<200xf32, #tpu.memory_space<vmem>>, vector<16xf32>,
      %mul3A_768 = arith.mulf %exp3A_711, %div3A_734 : vector<16xf32>
      %swap3A_769 = arith.constant 176 : index
      %swap3A_770 = tpu.vector_load %arg16[%swap3A_769] {strides = array<i32>} : memref<200xf32, #tpu.memory_space<vmem>>, vector<16xf32>,
      tpu.vector_store %arg16[%swap3A_769], %mul3A_768 {strides = array<i32>} : memref<200xf32, #tpu.memory_space<vmem>>, vector<16xf32>,
      %mul3A_771 = arith.mulf %exp3A_713, %div3A_734 : vector<16xf32>
      %swap3A_772 = arith.constant 184 : index
      %swap3A_773 = tpu.vector_load %arg16[%swap3A_772] {strides = array<i32>} : memref<200xf32, #tpu.memory_space<vmem>>, vector<16xf32>,
      tpu.vector_store %arg16[%swap3A_772], %mul3A_771 {strides = array<i32>} : memref<200xf32, #tpu.memory_space<vmem>>, vector<16xf32>,
      %get3A_774 = arith.constant 1 : i32
      %get3A_775 = arith.index_cast %get3A_774 : i32 to index
      %get3A_776 = arith.constant 0 : index
      %get3A_777 = tpu.vector_load %arg14[%get3A_775, %get3A_776] {strides = array<i32>} : memref<64x200xi32, #tpu.memory_space<vmem>>, vector<16xi32>,
      %add3A_778 = arith.constant 5 : i32
      %add3A_779 = vector.broadcast %add3A_778 : i32 to vector<16xi32>
      %add3A_780 = arith.addi %get3A_777, %add3A_779 : vector<16xi32>
      %gather3A_781 = tpu.vector_load_idx %arg12[%add3A_780] : memref<128xf32, #tpu.memory_space<vmem>>[vector<16xi32>], vector<16xf32>,
      %get3A_782 = arith.constant 1 : i32
      %get3A_783 = arith.index_cast %get3A_782 : i32 to index
      %get3A_784 = arith.constant 16 : index
      %get3A_785 = tpu.vector_load %arg14[%get3A_783, %get3A_784] {strides = array<i32>} : memref<64x200xi32, #tpu.memory_space<vmem>>, vector<16xi32>,
      %add3A_786 = arith.constant 5 : i32
      %add3A_787 = vector.broadcast %add3A_786 : i32 to vector<16xi32>
      %add3A_788 = arith.addi %get3A_785, %add3A_787 : vector<16xi32>
      %gather3A_789 = tpu.vector_load_idx %arg12[%add3A_788] : memref<128xf32, #tpu.memory_space<vmem>>[vector<16xi32>], vector<16xf32>,
      %get3A_790 = arith.constant 1 : i32
      %get3A_791 = arith.index_cast %get3A_790 : i32 to index
      %get3A_792 = arith.constant 32 : index
      %get3A_793 = tpu.vector_load %arg14[%get3A_791, %get3A_792] {strides = array<i32>} : memref<64x200xi32, #tpu.memory_space<vmem>>, vector<16xi32>,
      %add3A_794 = arith.constant 5 : i32
      %add3A_795 = vector.broadcast %add3A_794 : i32 to vector<16xi32>
      %add3A_796 = arith.addi %get3A_793, %add3A_795 : vector<16xi32>
      %gather3A_797 = tpu.vector_load_idx %arg12[%add3A_796] : memref<128xf32, #tpu.memory_space<vmem>>[vector<16xi32>], vector<16xf32>,
      %get3A_798 = arith.constant 1 : i32
      %get3A_799 = arith.index_cast %get3A_798 : i32 to index
      %get3A_800 = arith.constant 48 : index
      %get3A_801 = tpu.vector_load %arg14[%get3A_799, %get3A_800] {strides = array<i32>} : memref<64x200xi32, #tpu.memory_space<vmem>>, vector<16xi32>,
      %add3A_802 = arith.constant 5 : i32
      %add3A_803 = vector.broadcast %add3A_802 : i32 to vector<16xi32>
      %add3A_804 = arith.addi %get3A_801, %add3A_803 : vector<16xi32>
      %gather3A_805 = tpu.vector_load_idx %arg12[%add3A_804] : memref<128xf32, #tpu.memory_space<vmem>>[vector<16xi32>], vector<16xf32>,
      %get3A_806 = arith.constant 1 : i32
      %get3A_807 = arith.index_cast %get3A_806 : i32 to index
      %get3A_808 = arith.constant 64 : index
      %get3A_809 = tpu.vector_load %arg14[%get3A_807, %get3A_808] {strides = array<i32>} : memref<64x200xi32, #tpu.memory_space<vmem>>, vector<16xi32>,
      %add3A_810 = arith.constant 5 : i32
      %add3A_811 = vector.broadcast %add3A_810 : i32 to vector<16xi32>
      %add3A_812 = arith.addi %get3A_809, %add3A_811 : vector<16xi32>
      %gather3A_813 = tpu.vector_load_idx %arg12[%add3A_812] : memref<128xf32, #tpu.memory_space<vmem>>[vector<16xi32>], vector<16xf32>,
      %get3A_814 = arith.constant 1 : i32
      %get3A_815 = arith.index_cast %get3A_814 : i32 to index
      %get3A_816 = arith.constant 80 : index
      %get3A_817 = tpu.vector_load %arg14[%get3A_815, %get3A_816] {strides = array<i32>} : memref<64x200xi32, #tpu.memory_space<vmem>>, vector<16xi32>,
      %add3A_818 = arith.constant 5 : i32
      %add3A_819 = vector.broadcast %add3A_818 : i32 to vector<16xi32>
      %add3A_820 = arith.addi %get3A_817, %add3A_819 : vector<16xi32>
      %gather3A_821 = tpu.vector_load_idx %arg12[%add3A_820] : memref<128xf32, #tpu.memory_space<vmem>>[vector<16xi32>], vector<16xf32>,
      %get3A_822 = arith.constant 1 : i32
      %get3A_823 = arith.index_cast %get3A_822 : i32 to index
      %get3A_824 = arith.constant 96 : index
      %get3A_825 = tpu.vector_load %arg14[%get3A_823, %get3A_824] {strides = array<i32>} : memref<64x200xi32, #tpu.memory_space<vmem>>, vector<16xi32>,
      %add3A_826 = arith.constant 5 : i32
      %add3A_827 = vector.broadcast %add3A_826 : i32 to vector<16xi32>
      %add3A_828 = arith.addi %get3A_825, %add3A_827 : vector<16xi32>
      %gather3A_829 = tpu.vector_load_idx %arg12[%add3A_828] : memref<128xf32, #tpu.memory_space<vmem>>[vector<16xi32>], vector<16xf32>,
      %get3A_830 = arith.constant 1 : i32
      %get3A_831 = arith.index_cast %get3A_830 : i32 to index
      %get3A_832 = arith.constant 112 : index
      %get3A_833 = tpu.vector_load %arg14[%get3A_831, %get3A_832] {strides = array<i32>} : memref<64x200xi32, #tpu.memory_space<vmem>>, vector<16xi32>,
      %add3A_834 = arith.constant 5 : i32
      %add3A_835 = vector.broadcast %add3A_834 : i32 to vector<16xi32>
      %add3A_836 = arith.addi %get3A_833, %add3A_835 : vector<16xi32>
      %gather3A_837 = tpu.vector_load_idx %arg12[%add3A_836] : memref<128xf32, #tpu.memory_space<vmem>>[vector<16xi32>], vector<16xf32>,
      %get3A_838 = arith.constant 1 : i32
      %get3A_839 = arith.index_cast %get3A_838 : i32 to index
      %get3A_840 = arith.constant 128 : index
      %get3A_841 = tpu.vector_load %arg14[%get3A_839, %get3A_840] {strides = array<i32>} : memref<64x200xi32, #tpu.memory_space<vmem>>, vector<16xi32>,
      %add3A_842 = arith.constant 5 : i32
      %add3A_843 = vector.broadcast %add3A_842 : i32 to vector<16xi32>
      %add3A_844 = arith.addi %get3A_841, %add3A_843 : vector<16xi32>
      %gather3A_845 = tpu.vector_load_idx %arg12[%add3A_844] : memref<128xf32, #tpu.memory_space<vmem>>[vector<16xi32>], vector<16xf32>,
      %get3A_846 = arith.constant 1 : i32
      %get3A_847 = arith.index_cast %get3A_846 : i32 to index
      %get3A_848 = arith.constant 144 : index
      %get3A_849 = tpu.vector_load %arg14[%get3A_847, %get3A_848] {strides = array<i32>} : memref<64x200xi32, #tpu.memory_space<vmem>>, vector<16xi32>,
      %add3A_850 = arith.constant 5 : i32
      %add3A_851 = vector.broadcast %add3A_850 : i32 to vector<16xi32>
      %add3A_852 = arith.addi %get3A_849, %add3A_851 : vector<16xi32>
      %gather3A_853 = tpu.vector_load_idx %arg12[%add3A_852] : memref<128xf32, #tpu.memory_space<vmem>>[vector<16xi32>], vector<16xf32>,
      %get3A_854 = arith.constant 1 : i32
      %get3A_855 = arith.index_cast %get3A_854 : i32 to index
      %get3A_856 = arith.constant 160 : index
      %get3A_857 = tpu.vector_load %arg14[%get3A_855, %get3A_856] {strides = array<i32>} : memref<64x200xi32, #tpu.memory_space<vmem>>, vector<16xi32>,
      %add3A_858 = arith.constant 5 : i32
      %add3A_859 = vector.broadcast %add3A_858 : i32 to vector<16xi32>
      %add3A_860 = arith.addi %get3A_857, %add3A_859 : vector<16xi32>
      %gather3A_861 = tpu.vector_load_idx %arg12[%add3A_860] : memref<128xf32, #tpu.memory_space<vmem>>[vector<16xi32>], vector<16xf32>,
      %get3A_862 = arith.constant 1 : i32
      %get3A_863 = arith.index_cast %get3A_862 : i32 to index
      %get3A_864 = arith.constant 176 : index
      %get3A_865 = tpu.vector_load %arg14[%get3A_863, %get3A_864] {strides = array<i32>} : memref<64x200xi32, #tpu.memory_space<vmem>>, vector<16xi32>,
      %add3A_866 = arith.constant 5 : i32
      %add3A_867 = vector.broadcast %add3A_866 : i32 to vector<16xi32>
      %add3A_868 = arith.addi %get3A_865, %add3A_867 : vector<16xi32>
      %gather3A_869 = tpu.vector_load_idx %arg12[%add3A_868] : memref<128xf32, #tpu.memory_space<vmem>>[vector<16xi32>], vector<16xf32>,
      %get3A_870 = arith.constant 1 : i32
      %get3A_871 = arith.index_cast %get3A_870 : i32 to index
      %get3A_872 = arith.constant 184 : index
      %get3A_873 = tpu.vector_load %arg14[%get3A_871, %get3A_872] {strides = array<i32>} : memref<64x200xi32, #tpu.memory_space<vmem>>, vector<16xi32>,
      %add3A_874 = arith.constant 5 : i32
      %add3A_875 = vector.broadcast %add3A_874 : i32 to vector<16xi32>
      %add3A_876 = arith.addi %get3A_873, %add3A_875 : vector<16xi32>
      %gather3A_877 = tpu.vector_load_idx %arg12[%add3A_876] : memref<128xf32, #tpu.memory_space<vmem>>[vector<16xi32>], vector<16xf32>,
      %max3A_878 = arith.maximumf %gather3A_781, %gather3A_789 : vector<16xf32>
      %max3A_879 = arith.maximumf %max3A_878, %gather3A_797 : vector<16xf32>
      %max3A_880 = arith.maximumf %max3A_879, %gather3A_805 : vector<16xf32>
      %max3A_881 = arith.maximumf %max3A_880, %gather3A_813 : vector<16xf32>
      %max3A_882 = arith.maximumf %max3A_881, %gather3A_821 : vector<16xf32>
      %max3A_883 = arith.maximumf %max3A_882, %gather3A_829 : vector<16xf32>
      %max3A_884 = arith.maximumf %max3A_883, %gather3A_837 : vector<16xf32>
      %max3A_885 = arith.maximumf %max3A_884, %gather3A_845 : vector<16xf32>
      %max3A_886 = arith.maximumf %max3A_885, %gather3A_853 : vector<16xf32>
      %max3A_887 = arith.maximumf %max3A_886, %gather3A_861 : vector<16xf32>
      %max3A_888 = arith.maximumf %max3A_887, %gather3A_869 : vector<16xf32>
      %max3A_889 = arith.maximumf %max3A_888, %gather3A_877 : vector<16xf32>
      %reduce_max3A_890 = arith.constant true
      %reduce_max3A_891 = vector.broadcast %reduce_max3A_890 : i1 to vector<16xi1>
      %reduce_max3A_892 = tpu.scan <max>, %max3A_889 masked %reduce_max3A_891 : vector<16xf32>, vector<16xi1> -> vector<16xf32>
      %reduce_max3A_893 = vector.extract %reduce_max3A_892[15] : f32 from vector<16xf32>
      %broadcast_in_dim3A_894 = vector.broadcast %reduce_max3A_893 : f32 to vector<16xf32>
      %sub3A_895 = arith.subf %gather3A_781, %broadcast_in_dim3A_894 : vector<16xf32>
      %exp3A_896 = math.exp %sub3A_895 : vector<16xf32>
      %sub3A_897 = arith.subf %gather3A_789, %broadcast_in_dim3A_894 : vector<16xf32>
      %exp3A_898 = math.exp %sub3A_897 : vector<16xf32>
      %sub3A_899 = arith.subf %gather3A_797, %broadcast_in_dim3A_894 : vector<16xf32>
      %exp3A_900 = math.exp %sub3A_899 : vector<16xf32>
      %sub3A_901 = arith.subf %gather3A_805, %broadcast_in_dim3A_894 : vector<16xf32>
      %exp3A_902 = math.exp %sub3A_901 : vector<16xf32>
      %sub3A_903 = arith.subf %gather3A_813, %broadcast_in_dim3A_894 : vector<16xf32>
      %exp3A_904 = math.exp %sub3A_903 : vector<16xf32>
      %sub3A_905 = arith.subf %gather3A_821, %broadcast_in_dim3A_894 : vector<16xf32>
      %exp3A_906 = math.exp %sub3A_905 : vector<16xf32>
      %sub3A_907 = arith.subf %gather3A_829, %broadcast_in_dim3A_894 : vector<16xf32>
      %exp3A_908 = math.exp %sub3A_907 : vector<16xf32>
      %sub3A_909 = arith.subf %gather3A_837, %broadcast_in_dim3A_894 : vector<16xf32>
      %exp3A_910 = math.exp %sub3A_909 : vector<16xf32>
      %sub3A_911 = arith.subf %gather3A_845, %broadcast_in_dim3A_894 : vector<16xf32>
      %exp3A_912 = math.exp %sub3A_911 : vector<16xf32>
      %sub3A_913 = arith.subf %gather3A_853, %broadcast_in_dim3A_894 : vector<16xf32>
      %exp3A_914 = math.exp %sub3A_913 : vector<16xf32>
      %sub3A_915 = arith.subf %gather3A_861, %broadcast_in_dim3A_894 : vector<16xf32>
      %exp3A_916 = math.exp %sub3A_915 : vector<16xf32>
      %sub3A_917 = arith.subf %gather3A_869, %broadcast_in_dim3A_894 : vector<16xf32>
      %exp3A_918 = math.exp %sub3A_917 : vector<16xf32>
      %sub3A_919 = arith.subf %gather3A_877, %broadcast_in_dim3A_894 : vector<16xf32>
      %exp3A_920 = math.exp %sub3A_919 : vector<16xf32>
      %add3A_921 = arith.addf %exp3A_896, %exp3A_898 : vector<16xf32>
      %add3A_922 = arith.addf %add3A_921, %exp3A_900 : vector<16xf32>
      %add3A_923 = arith.addf %add3A_922, %exp3A_902 : vector<16xf32>
      %add3A_924 = arith.addf %add3A_923, %exp3A_904 : vector<16xf32>
      %add3A_925 = arith.addf %add3A_924, %exp3A_906 : vector<16xf32>
      %add3A_926 = arith.addf %add3A_925, %exp3A_908 : vector<16xf32>
      %add3A_927 = arith.addf %add3A_926, %exp3A_910 : vector<16xf32>
      %add3A_928 = arith.addf %add3A_927, %exp3A_912 : vector<16xf32>
      %add3A_929 = arith.addf %add3A_928, %exp3A_914 : vector<16xf32>
      %add3A_930 = arith.addf %add3A_929, %exp3A_916 : vector<16xf32>
      %add3A_931 = arith.addf %add3A_930, %exp3A_918 : vector<16xf32>
      %select_n3A_932 = arith.select %ge3A_5, %exp3A_920, %broadcast_in_dim3A_6 : vector<16xi1>, vector<16xf32>
      %add3A_933 = arith.addf %add3A_931, %select_n3A_932 : vector<16xf32>
      %reduce_sum3A_934 = arith.constant true
      %reduce_sum3A_935 = vector.broadcast %reduce_sum3A_934 : i1 to vector<16xi1>
      %reduce_sum3A_936 = tpu.scan <sum>, %add3A_933 masked %reduce_sum3A_935 : vector<16xf32>, vector<16xi1> -> vector<16xf32>
      %reduce_sum3A_937 = vector.extract %reduce_sum3A_936[15] : f32 from vector<16xf32>
      %broadcast_in_dim3A_938 = vector.broadcast %reduce_sum3A_937 : f32 to vector<16xf32>
      %div3A_939 = arith.constant 1.000000e+00 : f32
      %div3A_940 = vector.broadcast %div3A_939 : f32 to vector<16xf32>
      %div3A_941 = arith.divf %div3A_940, %broadcast_in_dim3A_938 : vector<16xf32>
      %mul3A_942 = arith.mulf %exp3A_896, %div3A_941 : vector<16xf32>
      %swap3A_943 = arith.constant 0 : index
      %swap3A_944 = tpu.vector_load %arg17[%swap3A_943] {strides = array<i32>} : memref<200xf32, #tpu.memory_space<vmem>>, vector<16xf32>,
      tpu.vector_store %arg17[%swap3A_943], %mul3A_942 {strides = array<i32>} : memref<200xf32, #tpu.memory_space<vmem>>, vector<16xf32>,
      %mul3A_945 = arith.mulf %exp3A_898, %div3A_941 : vector<16xf32>
      %swap3A_946 = arith.constant 16 : index
      %swap3A_947 = tpu.vector_load %arg17[%swap3A_946] {strides = array<i32>} : memref<200xf32, #tpu.memory_space<vmem>>, vector<16xf32>,
      tpu.vector_store %arg17[%swap3A_946], %mul3A_945 {strides = array<i32>} : memref<200xf32, #tpu.memory_space<vmem>>, vector<16xf32>,
      %mul3A_948 = arith.mulf %exp3A_900, %div3A_941 : vector<16xf32>
      %swap3A_949 = arith.constant 32 : index
      %swap3A_950 = tpu.vector_load %arg17[%swap3A_949] {strides = array<i32>} : memref<200xf32, #tpu.memory_space<vmem>>, vector<16xf32>,
      tpu.vector_store %arg17[%swap3A_949], %mul3A_948 {strides = array<i32>} : memref<200xf32, #tpu.memory_space<vmem>>, vector<16xf32>,
      %mul3A_951 = arith.mulf %exp3A_902, %div3A_941 : vector<16xf32>
      %swap3A_952 = arith.constant 48 : index
      %swap3A_953 = tpu.vector_load %arg17[%swap3A_952] {strides = array<i32>} : memref<200xf32, #tpu.memory_space<vmem>>, vector<16xf32>,
      tpu.vector_store %arg17[%swap3A_952], %mul3A_951 {strides = array<i32>} : memref<200xf32, #tpu.memory_space<vmem>>, vector<16xf32>,
      %mul3A_954 = arith.mulf %exp3A_904, %div3A_941 : vector<16xf32>
      %swap3A_955 = arith.constant 64 : index
      %swap3A_956 = tpu.vector_load %arg17[%swap3A_955] {strides = array<i32>} : memref<200xf32, #tpu.memory_space<vmem>>, vector<16xf32>,
      tpu.vector_store %arg17[%swap3A_955], %mul3A_954 {strides = array<i32>} : memref<200xf32, #tpu.memory_space<vmem>>, vector<16xf32>,
      %mul3A_957 = arith.mulf %exp3A_906, %div3A_941 : vector<16xf32>
      %swap3A_958 = arith.constant 80 : index
      %swap3A_959 = tpu.vector_load %arg17[%swap3A_958] {strides = array<i32>} : memref<200xf32, #tpu.memory_space<vmem>>, vector<16xf32>,
      tpu.vector_store %arg17[%swap3A_958], %mul3A_957 {strides = array<i32>} : memref<200xf32, #tpu.memory_space<vmem>>, vector<16xf32>,
      %mul3A_960 = arith.mulf %exp3A_908, %div3A_941 : vector<16xf32>
      %swap3A_961 = arith.constant 96 : index
      %swap3A_962 = tpu.vector_load %arg17[%swap3A_961] {strides = array<i32>} : memref<200xf32, #tpu.memory_space<vmem>>, vector<16xf32>,
      tpu.vector_store %arg17[%swap3A_961], %mul3A_960 {strides = array<i32>} : memref<200xf32, #tpu.memory_space<vmem>>, vector<16xf32>,
      %mul3A_963 = arith.mulf %exp3A_910, %div3A_941 : vector<16xf32>
      %swap3A_964 = arith.constant 112 : index
      %swap3A_965 = tpu.vector_load %arg17[%swap3A_964] {strides = array<i32>} : memref<200xf32, #tpu.memory_space<vmem>>, vector<16xf32>,
      tpu.vector_store %arg17[%swap3A_964], %mul3A_963 {strides = array<i32>} : memref<200xf32, #tpu.memory_space<vmem>>, vector<16xf32>,
      %mul3A_966 = arith.mulf %exp3A_912, %div3A_941 : vector<16xf32>
      %swap3A_967 = arith.constant 128 : index
      %swap3A_968 = tpu.vector_load %arg17[%swap3A_967] {strides = array<i32>} : memref<200xf32, #tpu.memory_space<vmem>>, vector<16xf32>,
      tpu.vector_store %arg17[%swap3A_967], %mul3A_966 {strides = array<i32>} : memref<200xf32, #tpu.memory_space<vmem>>, vector<16xf32>,
      %mul3A_969 = arith.mulf %exp3A_914, %div3A_941 : vector<16xf32>
      %swap3A_970 = arith.constant 144 : index
      %swap3A_971 = tpu.vector_load %arg17[%swap3A_970] {strides = array<i32>} : memref<200xf32, #tpu.memory_space<vmem>>, vector<16xf32>,
      tpu.vector_store %arg17[%swap3A_970], %mul3A_969 {strides = array<i32>} : memref<200xf32, #tpu.memory_space<vmem>>, vector<16xf32>,
      %mul3A_972 = arith.mulf %exp3A_916, %div3A_941 : vector<16xf32>
      %swap3A_973 = arith.constant 160 : index
      %swap3A_974 = tpu.vector_load %arg17[%swap3A_973] {strides = array<i32>} : memref<200xf32, #tpu.memory_space<vmem>>, vector<16xf32>,
      tpu.vector_store %arg17[%swap3A_973], %mul3A_972 {strides = array<i32>} : memref<200xf32, #tpu.memory_space<vmem>>, vector<16xf32>,
      %mul3A_975 = arith.mulf %exp3A_918, %div3A_941 : vector<16xf32>
      %swap3A_976 = arith.constant 176 : index
      %swap3A_977 = tpu.vector_load %arg17[%swap3A_976] {strides = array<i32>} : memref<200xf32, #tpu.memory_space<vmem>>, vector<16xf32>,
      tpu.vector_store %arg17[%swap3A_976], %mul3A_975 {strides = array<i32>} : memref<200xf32, #tpu.memory_space<vmem>>, vector<16xf32>,
      %mul3A_978 = arith.mulf %exp3A_920, %div3A_941 : vector<16xf32>
      %swap3A_979 = arith.constant 184 : index
      %swap3A_980 = tpu.vector_load %arg17[%swap3A_979] {strides = array<i32>} : memref<200xf32, #tpu.memory_space<vmem>>, vector<16xf32>,
      tpu.vector_store %arg17[%swap3A_979], %mul3A_978 {strides = array<i32>} : memref<200xf32, #tpu.memory_space<vmem>>, vector<16xf32>,
      %get3A_981 = arith.constant 1 : i32
      %get3A_982 = arith.index_cast %get3A_981 : i32 to index
      %get3A_983 = arith.constant 0 : index
      %get3A_984 = tpu.vector_load %arg15[%get3A_982, %get3A_983] {strides = array<i32>} : memref<64x200xi32, #tpu.memory_space<vmem>>, vector<16xi32>,
      %add3A_985 = arith.constant 26 : i32
      %add3A_986 = vector.broadcast %add3A_985 : i32 to vector<16xi32>
      %add3A_987 = arith.addi %get3A_984, %add3A_986 : vector<16xi32>
      %gather3A_988 = tpu.vector_load_idx %arg12[%add3A_987] : memref<128xf32, #tpu.memory_space<vmem>>[vector<16xi32>], vector<16xf32>,
      %get3A_989 = arith.constant 1 : i32
      %get3A_990 = arith.index_cast %get3A_989 : i32 to index
      %get3A_991 = arith.constant 16 : index
      %get3A_992 = tpu.vector_load %arg15[%get3A_990, %get3A_991] {strides = array<i32>} : memref<64x200xi32, #tpu.memory_space<vmem>>, vector<16xi32>,
      %add3A_993 = arith.constant 26 : i32
      %add3A_994 = vector.broadcast %add3A_993 : i32 to vector<16xi32>
      %add3A_995 = arith.addi %get3A_992, %add3A_994 : vector<16xi32>
      %gather3A_996 = tpu.vector_load_idx %arg12[%add3A_995] : memref<128xf32, #tpu.memory_space<vmem>>[vector<16xi32>], vector<16xf32>,
      %get3A_997 = arith.constant 1 : i32
      %get3A_998 = arith.index_cast %get3A_997 : i32 to index
      %get3A_999 = arith.constant 32 : index
      %get3A_1000 = tpu.vector_load %arg15[%get3A_998, %get3A_999] {strides = array<i32>} : memref<64x200xi32, #tpu.memory_space<vmem>>, vector<16xi32>,
      %add3A_1001 = arith.constant 26 : i32
      %add3A_1002 = vector.broadcast %add3A_1001 : i32 to vector<16xi32>
      %add3A_1003 = arith.addi %get3A_1000, %add3A_1002 : vector<16xi32>
      %gather3A_1004 = tpu.vector_load_idx %arg12[%add3A_1003] : memref<128xf32, #tpu.memory_space<vmem>>[vector<16xi32>], vector<16xf32>,
      %get3A_1005 = arith.constant 1 : i32
      %get3A_1006 = arith.index_cast %get3A_1005 : i32 to index
      %get3A_1007 = arith.constant 48 : index
      %get3A_1008 = tpu.vector_load %arg15[%get3A_1006, %get3A_1007] {strides = array<i32>} : memref<64x200xi32, #tpu.memory_space<vmem>>, vector<16xi32>,
      %add3A_1009 = arith.constant 26 : i32
      %add3A_1010 = vector.broadcast %add3A_1009 : i32 to vector<16xi32>
      %add3A_1011 = arith.addi %get3A_1008, %add3A_1010 : vector<16xi32>
      %gather3A_1012 = tpu.vector_load_idx %arg12[%add3A_1011] : memref<128xf32, #tpu.memory_space<vmem>>[vector<16xi32>], vector<16xf32>,
      %get3A_1013 = arith.constant 1 : i32
      %get3A_1014 = arith.index_cast %get3A_1013 : i32 to index
      %get3A_1015 = arith.constant 64 : index
      %get3A_1016 = tpu.vector_load %arg15[%get3A_1014, %get3A_1015] {strides = array<i32>} : memref<64x200xi32, #tpu.memory_space<vmem>>, vector<16xi32>,
      %add3A_1017 = arith.constant 26 : i32
      %add3A_1018 = vector.broadcast %add3A_1017 : i32 to vector<16xi32>
      %add3A_1019 = arith.addi %get3A_1016, %add3A_1018 : vector<16xi32>
      %gather3A_1020 = tpu.vector_load_idx %arg12[%add3A_1019] : memref<128xf32, #tpu.memory_space<vmem>>[vector<16xi32>], vector<16xf32>,
      %get3A_1021 = arith.constant 1 : i32
      %get3A_1022 = arith.index_cast %get3A_1021 : i32 to index
      %get3A_1023 = arith.constant 80 : index
      %get3A_1024 = tpu.vector_load %arg15[%get3A_1022, %get3A_1023] {strides = array<i32>} : memref<64x200xi32, #tpu.memory_space<vmem>>, vector<16xi32>,
      %add3A_1025 = arith.constant 26 : i32
      %add3A_1026 = vector.broadcast %add3A_1025 : i32 to vector<16xi32>
      %add3A_1027 = arith.addi %get3A_1024, %add3A_1026 : vector<16xi32>
      %gather3A_1028 = tpu.vector_load_idx %arg12[%add3A_1027] : memref<128xf32, #tpu.memory_space<vmem>>[vector<16xi32>], vector<16xf32>,
      %get3A_1029 = arith.constant 1 : i32
      %get3A_1030 = arith.index_cast %get3A_1029 : i32 to index
      %get3A_1031 = arith.constant 96 : index
      %get3A_1032 = tpu.vector_load %arg15[%get3A_1030, %get3A_1031] {strides = array<i32>} : memref<64x200xi32, #tpu.memory_space<vmem>>, vector<16xi32>,
      %add3A_1033 = arith.constant 26 : i32
      %add3A_1034 = vector.broadcast %add3A_1033 : i32 to vector<16xi32>
      %add3A_1035 = arith.addi %get3A_1032, %add3A_1034 : vector<16xi32>
      %gather3A_1036 = tpu.vector_load_idx %arg12[%add3A_1035] : memref<128xf32, #tpu.memory_space<vmem>>[vector<16xi32>], vector<16xf32>,
      %get3A_1037 = arith.constant 1 : i32
      %get3A_1038 = arith.index_cast %get3A_1037 : i32 to index
      %get3A_1039 = arith.constant 112 : index
      %get3A_1040 = tpu.vector_load %arg15[%get3A_1038, %get3A_1039] {strides = array<i32>} : memref<64x200xi32, #tpu.memory_space<vmem>>, vector<16xi32>,
      %add3A_1041 = arith.constant 26 : i32
      %add3A_1042 = vector.broadcast %add3A_1041 : i32 to vector<16xi32>
      %add3A_1043 = arith.addi %get3A_1040, %add3A_1042 : vector<16xi32>
      %gather3A_1044 = tpu.vector_load_idx %arg12[%add3A_1043] : memref<128xf32, #tpu.memory_space<vmem>>[vector<16xi32>], vector<16xf32>,
      %get3A_1045 = arith.constant 1 : i32
      %get3A_1046 = arith.index_cast %get3A_1045 : i32 to index
      %get3A_1047 = arith.constant 128 : index
      %get3A_1048 = tpu.vector_load %arg15[%get3A_1046, %get3A_1047] {strides = array<i32>} : memref<64x200xi32, #tpu.memory_space<vmem>>, vector<16xi32>,
      %add3A_1049 = arith.constant 26 : i32
      %add3A_1050 = vector.broadcast %add3A_1049 : i32 to vector<16xi32>
      %add3A_1051 = arith.addi %get3A_1048, %add3A_1050 : vector<16xi32>
      %gather3A_1052 = tpu.vector_load_idx %arg12[%add3A_1051] : memref<128xf32, #tpu.memory_space<vmem>>[vector<16xi32>], vector<16xf32>,
      %get3A_1053 = arith.constant 1 : i32
      %get3A_1054 = arith.index_cast %get3A_1053 : i32 to index
      %get3A_1055 = arith.constant 144 : index
      %get3A_1056 = tpu.vector_load %arg15[%get3A_1054, %get3A_1055] {strides = array<i32>} : memref<64x200xi32, #tpu.memory_space<vmem>>, vector<16xi32>,
      %add3A_1057 = arith.constant 26 : i32
      %add3A_1058 = vector.broadcast %add3A_1057 : i32 to vector<16xi32>
      %add3A_1059 = arith.addi %get3A_1056, %add3A_1058 : vector<16xi32>
      %gather3A_1060 = tpu.vector_load_idx %arg12[%add3A_1059] : memref<128xf32, #tpu.memory_space<vmem>>[vector<16xi32>], vector<16xf32>,
      %get3A_1061 = arith.constant 1 : i32
      %get3A_1062 = arith.index_cast %get3A_1061 : i32 to index
      %get3A_1063 = arith.constant 160 : index
      %get3A_1064 = tpu.vector_load %arg15[%get3A_1062, %get3A_1063] {strides = array<i32>} : memref<64x200xi32, #tpu.memory_space<vmem>>, vector<16xi32>,
      %add3A_1065 = arith.constant 26 : i32
      %add3A_1066 = vector.broadcast %add3A_1065 : i32 to vector<16xi32>
      %add3A_1067 = arith.addi %get3A_1064, %add3A_1066 : vector<16xi32>
      %gather3A_1068 = tpu.vector_load_idx %arg12[%add3A_1067] : memref<128xf32, #tpu.memory_space<vmem>>[vector<16xi32>], vector<16xf32>,
      %get3A_1069 = arith.constant 1 : i32
      %get3A_1070 = arith.index_cast %get3A_1069 : i32 to index
      %get3A_1071 = arith.constant 176 : index
      %get3A_1072 = tpu.vector_load %arg15[%get3A_1070, %get3A_1071] {strides = array<i32>} : memref<64x200xi32, #tpu.memory_space<vmem>>, vector<16xi32>,
      %add3A_1073 = arith.constant 26 : i32
      %add3A_1074 = vector.broadcast %add3A_1073 : i32 to vector<16xi32>
      %add3A_1075 = arith.addi %get3A_1072, %add3A_1074 : vector<16xi32>
      %gather3A_1076 = tpu.vector_load_idx %arg12[%add3A_1075] : memref<128xf32, #tpu.memory_space<vmem>>[vector<16xi32>], vector<16xf32>,
      %get3A_1077 = arith.constant 1 : i32
      %get3A_1078 = arith.index_cast %get3A_1077 : i32 to index
      %get3A_1079 = arith.constant 184 : index
      %get3A_1080 = tpu.vector_load %arg15[%get3A_1078, %get3A_1079] {strides = array<i32>} : memref<64x200xi32, #tpu.memory_space<vmem>>, vector<16xi32>,
      %add3A_1081 = arith.constant 26 : i32
      %add3A_1082 = vector.broadcast %add3A_1081 : i32 to vector<16xi32>
      %add3A_1083 = arith.addi %get3A_1080, %add3A_1082 : vector<16xi32>
      %gather3A_1084 = tpu.vector_load_idx %arg12[%add3A_1083] : memref<128xf32, #tpu.memory_space<vmem>>[vector<16xi32>], vector<16xf32>,
      %max3A_1085 = arith.maximumf %gather3A_988, %gather3A_996 : vector<16xf32>
      %max3A_1086 = arith.maximumf %max3A_1085, %gather3A_1004 : vector<16xf32>
      %max3A_1087 = arith.maximumf %max3A_1086, %gather3A_1012 : vector<16xf32>
      %max3A_1088 = arith.maximumf %max3A_1087, %gather3A_1020 : vector<16xf32>
      %max3A_1089 = arith.maximumf %max3A_1088, %gather3A_1028 : vector<16xf32>
      %max3A_1090 = arith.maximumf %max3A_1089, %gather3A_1036 : vector<16xf32>
      %max3A_1091 = arith.maximumf %max3A_1090, %gather3A_1044 : vector<16xf32>
      %max3A_1092 = arith.maximumf %max3A_1091, %gather3A_1052 : vector<16xf32>
      %max3A_1093 = arith.maximumf %max3A_1092, %gather3A_1060 : vector<16xf32>
      %max3A_1094 = arith.maximumf %max3A_1093, %gather3A_1068 : vector<16xf32>
      %max3A_1095 = arith.maximumf %max3A_1094, %gather3A_1076 : vector<16xf32>
      %max3A_1096 = arith.maximumf %max3A_1095, %gather3A_1084 : vector<16xf32>
      %reduce_max3A_1097 = arith.constant true
      %reduce_max3A_1098 = vector.broadcast %reduce_max3A_1097 : i1 to vector<16xi1>
      %reduce_max3A_1099 = tpu.scan <max>, %max3A_1096 masked %reduce_max3A_1098 : vector<16xf32>, vector<16xi1> -> vector<16xf32>
      %reduce_max3A_1100 = vector.extract %reduce_max3A_1099[15] : f32 from vector<16xf32>
      %broadcast_in_dim3A_1101 = vector.broadcast %reduce_max3A_1100 : f32 to vector<16xf32>
      %sub3A_1102 = arith.subf %gather3A_988, %broadcast_in_dim3A_1101 : vector<16xf32>
      %exp3A_1103 = math.exp %sub3A_1102 : vector<16xf32>
      %sub3A_1104 = arith.subf %gather3A_996, %broadcast_in_dim3A_1101 : vector<16xf32>
      %exp3A_1105 = math.exp %sub3A_1104 : vector<16xf32>
      %sub3A_1106 = arith.subf %gather3A_1004, %broadcast_in_dim3A_1101 : vector<16xf32>
      %exp3A_1107 = math.exp %sub3A_1106 : vector<16xf32>
      %sub3A_1108 = arith.subf %gather3A_1012, %broadcast_in_dim3A_1101 : vector<16xf32>
      %exp3A_1109 = math.exp %sub3A_1108 : vector<16xf32>
      %sub3A_1110 = arith.subf %gather3A_1020, %broadcast_in_dim3A_1101 : vector<16xf32>
      %exp3A_1111 = math.exp %sub3A_1110 : vector<16xf32>
      %sub3A_1112 = arith.subf %gather3A_1028, %broadcast_in_dim3A_1101 : vector<16xf32>
      %exp3A_1113 = math.exp %sub3A_1112 : vector<16xf32>
      %sub3A_1114 = arith.subf %gather3A_1036, %broadcast_in_dim3A_1101 : vector<16xf32>
      %exp3A_1115 = math.exp %sub3A_1114 : vector<16xf32>
      %sub3A_1116 = arith.subf %gather3A_1044, %broadcast_in_dim3A_1101 : vector<16xf32>
      %exp3A_1117 = math.exp %sub3A_1116 : vector<16xf32>
      %sub3A_1118 = arith.subf %gather3A_1052, %broadcast_in_dim3A_1101 : vector<16xf32>
      %exp3A_1119 = math.exp %sub3A_1118 : vector<16xf32>
      %sub3A_1120 = arith.subf %gather3A_1060, %broadcast_in_dim3A_1101 : vector<16xf32>
      %exp3A_1121 = math.exp %sub3A_1120 : vector<16xf32>
      %sub3A_1122 = arith.subf %gather3A_1068, %broadcast_in_dim3A_1101 : vector<16xf32>
      %exp3A_1123 = math.exp %sub3A_1122 : vector<16xf32>
      %sub3A_1124 = arith.subf %gather3A_1076, %broadcast_in_dim3A_1101 : vector<16xf32>
      %exp3A_1125 = math.exp %sub3A_1124 : vector<16xf32>
      %sub3A_1126 = arith.subf %gather3A_1084, %broadcast_in_dim3A_1101 : vector<16xf32>
      %exp3A_1127 = math.exp %sub3A_1126 : vector<16xf32>
      %add3A_1128 = arith.addf %exp3A_1103, %exp3A_1105 : vector<16xf32>
      %add3A_1129 = arith.addf %add3A_1128, %exp3A_1107 : vector<16xf32>
      %add3A_1130 = arith.addf %add3A_1129, %exp3A_1109 : vector<16xf32>
      %add3A_1131 = arith.addf %add3A_1130, %exp3A_1111 : vector<16xf32>
      %add3A_1132 = arith.addf %add3A_1131, %exp3A_1113 : vector<16xf32>
      %add3A_1133 = arith.addf %add3A_1132, %exp3A_1115 : vector<16xf32>
      %add3A_1134 = arith.addf %add3A_1133, %exp3A_1117 : vector<16xf32>
      %add3A_1135 = arith.addf %add3A_1134, %exp3A_1119 : vector<16xf32>
      %add3A_1136 = arith.addf %add3A_1135, %exp3A_1121 : vector<16xf32>
      %add3A_1137 = arith.addf %add3A_1136, %exp3A_1123 : vector<16xf32>
      %add3A_1138 = arith.addf %add3A_1137, %exp3A_1125 : vector<16xf32>
      %select_n3A_1139 = arith.select %ge3A_5, %exp3A_1127, %broadcast_in_dim3A_6 : vector<16xi1>, vector<16xf32>
      %add3A_1140 = arith.addf %add3A_1138, %select_n3A_1139 : vector<16xf32>
      %reduce_sum3A_1141 = arith.constant true
      %reduce_sum3A_1142 = vector.broadcast %reduce_sum3A_1141 : i1 to vector<16xi1>
      %reduce_sum3A_1143 = tpu.scan <sum>, %add3A_1140 masked %reduce_sum3A_1142 : vector<16xf32>, vector<16xi1> -> vector<16xf32>
      %reduce_sum3A_1144 = vector.extract %reduce_sum3A_1143[15] : f32 from vector<16xf32>
      %broadcast_in_dim3A_1145 = vector.broadcast %reduce_sum3A_1144 : f32 to vector<16xf32>
      %div3A_1146 = arith.constant 1.000000e+00 : f32
      %div3A_1147 = vector.broadcast %div3A_1146 : f32 to vector<16xf32>
      %div3A_1148 = arith.divf %div3A_1147, %broadcast_in_dim3A_1145 : vector<16xf32>
      %mul3A_1149 = arith.mulf %exp3A_1103, %div3A_1148 : vector<16xf32>
      %swap3A_1150 = arith.constant 0 : index
      %swap3A_1151 = tpu.vector_load %arg18[%swap3A_1150] {strides = array<i32>} : memref<200xf32, #tpu.memory_space<vmem>>, vector<16xf32>,
      tpu.vector_store %arg18[%swap3A_1150], %mul3A_1149 {strides = array<i32>} : memref<200xf32, #tpu.memory_space<vmem>>, vector<16xf32>,
      %mul3A_1152 = arith.mulf %exp3A_1105, %div3A_1148 : vector<16xf32>
      %swap3A_1153 = arith.constant 16 : index
      %swap3A_1154 = tpu.vector_load %arg18[%swap3A_1153] {strides = array<i32>} : memref<200xf32, #tpu.memory_space<vmem>>, vector<16xf32>,
      tpu.vector_store %arg18[%swap3A_1153], %mul3A_1152 {strides = array<i32>} : memref<200xf32, #tpu.memory_space<vmem>>, vector<16xf32>,
      %mul3A_1155 = arith.mulf %exp3A_1107, %div3A_1148 : vector<16xf32>
      %swap3A_1156 = arith.constant 32 : index
      %swap3A_1157 = tpu.vector_load %arg18[%swap3A_1156] {strides = array<i32>} : memref<200xf32, #tpu.memory_space<vmem>>, vector<16xf32>,
      tpu.vector_store %arg18[%swap3A_1156], %mul3A_1155 {strides = array<i32>} : memref<200xf32, #tpu.memory_space<vmem>>, vector<16xf32>,
      %mul3A_1158 = arith.mulf %exp3A_1109, %div3A_1148 : vector<16xf32>
      %swap3A_1159 = arith.constant 48 : index
      %swap3A_1160 = tpu.vector_load %arg18[%swap3A_1159] {strides = array<i32>} : memref<200xf32, #tpu.memory_space<vmem>>, vector<16xf32>,
      tpu.vector_store %arg18[%swap3A_1159], %mul3A_1158 {strides = array<i32>} : memref<200xf32, #tpu.memory_space<vmem>>, vector<16xf32>,
      %mul3A_1161 = arith.mulf %exp3A_1111, %div3A_1148 : vector<16xf32>
      %swap3A_1162 = arith.constant 64 : index
      %swap3A_1163 = tpu.vector_load %arg18[%swap3A_1162] {strides = array<i32>} : memref<200xf32, #tpu.memory_space<vmem>>, vector<16xf32>,
      tpu.vector_store %arg18[%swap3A_1162], %mul3A_1161 {strides = array<i32>} : memref<200xf32, #tpu.memory_space<vmem>>, vector<16xf32>,
      %mul3A_1164 = arith.mulf %exp3A_1113, %div3A_1148 : vector<16xf32>
      %swap3A_1165 = arith.constant 80 : index
      %swap3A_1166 = tpu.vector_load %arg18[%swap3A_1165] {strides = array<i32>} : memref<200xf32, #tpu.memory_space<vmem>>, vector<16xf32>,
      tpu.vector_store %arg18[%swap3A_1165], %mul3A_1164 {strides = array<i32>} : memref<200xf32, #tpu.memory_space<vmem>>, vector<16xf32>,
      %mul3A_1167 = arith.mulf %exp3A_1115, %div3A_1148 : vector<16xf32>
      %swap3A_1168 = arith.constant 96 : index
      %swap3A_1169 = tpu.vector_load %arg18[%swap3A_1168] {strides = array<i32>} : memref<200xf32, #tpu.memory_space<vmem>>, vector<16xf32>,
      tpu.vector_store %arg18[%swap3A_1168], %mul3A_1167 {strides = array<i32>} : memref<200xf32, #tpu.memory_space<vmem>>, vector<16xf32>,
      %mul3A_1170 = arith.mulf %exp3A_1117, %div3A_1148 : vector<16xf32>
      %swap3A_1171 = arith.constant 112 : index
      %swap3A_1172 = tpu.vector_load %arg18[%swap3A_1171] {strides = array<i32>} : memref<200xf32, #tpu.memory_space<vmem>>, vector<16xf32>,
      tpu.vector_store %arg18[%swap3A_1171], %mul3A_1170 {strides = array<i32>} : memref<200xf32, #tpu.memory_space<vmem>>, vector<16xf32>,
      %mul3A_1173 = arith.mulf %exp3A_1119, %div3A_1148 : vector<16xf32>
      %swap3A_1174 = arith.constant 128 : index
      %swap3A_1175 = tpu.vector_load %arg18[%swap3A_1174] {strides = array<i32>} : memref<200xf32, #tpu.memory_space<vmem>>, vector<16xf32>,
      tpu.vector_store %arg18[%swap3A_1174], %mul3A_1173 {strides = array<i32>} : memref<200xf32, #tpu.memory_space<vmem>>, vector<16xf32>,
      %mul3A_1176 = arith.mulf %exp3A_1121, %div3A_1148 : vector<16xf32>
      %swap3A_1177 = arith.constant 144 : index
      %swap3A_1178 = tpu.vector_load %arg18[%swap3A_1177] {strides = array<i32>} : memref<200xf32, #tpu.memory_space<vmem>>, vector<16xf32>,
      tpu.vector_store %arg18[%swap3A_1177], %mul3A_1176 {strides = array<i32>} : memref<200xf32, #tpu.memory_space<vmem>>, vector<16xf32>,
      %mul3A_1179 = arith.mulf %exp3A_1123, %div3A_1148 : vector<16xf32>
      %swap3A_1180 = arith.constant 160 : index
      %swap3A_1181 = tpu.vector_load %arg18[%swap3A_1180] {strides = array<i32>} : memref<200xf32, #tpu.memory_space<vmem>>, vector<16xf32>,
      tpu.vector_store %arg18[%swap3A_1180], %mul3A_1179 {strides = array<i32>} : memref<200xf32, #tpu.memory_space<vmem>>, vector<16xf32>,
      %mul3A_1182 = arith.mulf %exp3A_1125, %div3A_1148 : vector<16xf32>
      %swap3A_1183 = arith.constant 176 : index
      %swap3A_1184 = tpu.vector_load %arg18[%swap3A_1183] {strides = array<i32>} : memref<200xf32, #tpu.memory_space<vmem>>, vector<16xf32>,
      tpu.vector_store %arg18[%swap3A_1183], %mul3A_1182 {strides = array<i32>} : memref<200xf32, #tpu.memory_space<vmem>>, vector<16xf32>,
      %mul3A_1185 = arith.mulf %exp3A_1127, %div3A_1148 : vector<16xf32>
      %swap3A_1186 = arith.constant 184 : index
      %swap3A_1187 = tpu.vector_load %arg18[%swap3A_1186] {strides = array<i32>} : memref<200xf32, #tpu.memory_space<vmem>>, vector<16xf32>,
      tpu.vector_store %arg18[%swap3A_1186], %mul3A_1185 {strides = array<i32>} : memref<200xf32, #tpu.memory_space<vmem>>, vector<16xf32>,
      %parallel_loop3A_1188 = arith.constant 0 : i32
      %parallel_loop3A_1189 = arith.constant 13 : i32
      %parallel_loop3A_1190 = arith.constant 1 : i32
      scf.for %parallel_loop3A_1220 = %parallel_loop3A_1188 to %parallel_loop3A_1189 step %parallel_loop3A_1190  : i32 {
        %parallel_loop3A_1221 = arith.constant 16 : i32
        %parallel_loop3A_1222 = arith.muli %parallel_loop3A_1220, %parallel_loop3A_1221 : i32
        %parallel_loop3A_1223 = arith.constant 184 : i32
        %parallel_loop3A_1224 = arith.minsi %parallel_loop3A_1222, %parallel_loop3A_1223 : i32
        %parallel_loop3A_1225 = arith.constant 1 : i32
        %parallel_loop3A_1226 = arith.index_cast %parallel_loop3A_1225 : i32 to index
        %parallel_loop3A_1227 = arith.index_cast %parallel_loop3A_1224 : i32 to index
        %parallel_loop3A_1228 = tpu.vector_load %arg13[%parallel_loop3A_1226, %parallel_loop3A_1227] {strides = array<i32>} : memref<64x200xi32, #tpu.memory_space<vmem>>, vector<16xi32>,
        %parallel_loop3A_1229 = arith.constant 1 : i32
        %parallel_loop3A_1230 = arith.index_cast %parallel_loop3A_1229 : i32 to index
        %parallel_loop3A_1231 = arith.index_cast %parallel_loop3A_1224 : i32 to index
        %parallel_loop3A_1232 = tpu.vector_load %arg14[%parallel_loop3A_1230, %parallel_loop3A_1231] {strides = array<i32>} : memref<64x200xi32, #tpu.memory_space<vmem>>, vector<16xi32>,
        %parallel_loop3A_1233 = arith.constant 1 : i32
        %parallel_loop3A_1234 = arith.index_cast %parallel_loop3A_1233 : i32 to index
        %parallel_loop3A_1235 = arith.index_cast %parallel_loop3A_1224 : i32 to index
        %parallel_loop3A_1236 = tpu.vector_load %arg15[%parallel_loop3A_1234, %parallel_loop3A_1235] {strides = array<i32>} : memref<64x200xi32, #tpu.memory_space<vmem>>, vector<16xi32>,
        %parallel_loop3A_1237 = arith.index_cast %parallel_loop3A_1224 : i32 to index
        %parallel_loop3A_1238 = tpu.vector_load %arg16[%parallel_loop3A_1237] {strides = array<i32>} : memref<200xf32, #tpu.memory_space<vmem>>, vector<16xf32>,
        %parallel_loop3A_1239 = arith.index_cast %parallel_loop3A_1224 : i32 to index
        %parallel_loop3A_1240 = tpu.vector_load %arg17[%parallel_loop3A_1239] {strides = array<i32>} : memref<200xf32, #tpu.memory_space<vmem>>, vector<16xf32>,
        %parallel_loop3A_1241 = arith.index_cast %parallel_loop3A_1224 : i32 to index
        %parallel_loop3A_1242 = tpu.vector_load %arg18[%parallel_loop3A_1241] {strides = array<i32>} : memref<200xf32, #tpu.memory_space<vmem>>, vector<16xf32>,
        %parallel_loop3A_1243 = arith.constant 64 : i32
        %parallel_loop3A_1244 = vector.broadcast %parallel_loop3A_1243 : i32 to vector<16xi32>
        %parallel_loop3A_1245 = arith.muli %parallel_loop3A_1228, %parallel_loop3A_1244 : vector<16xi32>
        %parallel_loop3A_1246 = arith.constant 64 : i32
        %parallel_loop3A_1247 = vector.broadcast %parallel_loop3A_1246 : i32 to vector<16xi32>
        %parallel_loop3A_1248 = arith.muli %parallel_loop3A_1232, %parallel_loop3A_1247 : vector<16xi32>
        %parallel_loop3A_1249 = arith.constant 320 : i32
        %parallel_loop3A_1250 = vector.broadcast %parallel_loop3A_1249 : i32 to vector<16xi32>
        %parallel_loop3A_1251 = arith.addi %parallel_loop3A_1248, %parallel_loop3A_1250 : vector<16xi32>
        %parallel_loop3A_1252 = arith.constant 64 : i32
        %parallel_loop3A_1253 = vector.broadcast %parallel_loop3A_1252 : i32 to vector<16xi32>
        %parallel_loop3A_1254 = arith.muli %parallel_loop3A_1236, %parallel_loop3A_1253 : vector<16xi32>
        %parallel_loop3A_1255 = arith.constant 1664 : i32
        %parallel_loop3A_1256 = vector.broadcast %parallel_loop3A_1255 : i32 to vector<16xi32>
        %parallel_loop3A_1257 = arith.addi %parallel_loop3A_1254, %parallel_loop3A_1256 : vector<16xi32>
        %parallel_loop3A_1258 = arith.constant 64 : i32
        %parallel_loop3A_1259 = arith.muli %parallel_loop3A_1224, %parallel_loop3A_1258 : i32
        %parallel_loop3A_1260 = vector.broadcast %parallel_loop3A_1259 : i32 to vector<16xi32>
        %parallel_loop3A_1261 = arith.addi %mul3A_3, %parallel_loop3A_1260 : vector<16xi32>
        %parallel_loop3A_1262 = arith.constant 0 : i32
        %parallel_loop3A_1263 = arith.constant 64 : i32
        %parallel_loop3A_1264 = arith.constant 1 : i32
        %parallel_loop3A_1265 = scf.for %parallel_loop3A_1266 = %parallel_loop3A_1262 to %parallel_loop3A_1263 step %parallel_loop3A_1264 iter_args(%parallel_loop3A_1267 = %iota3A) -> (vector<16xi32>)  : i32 {
          %parallel_loop3A_1268 = arith.addi %parallel_loop3A_1245, %parallel_loop3A_1267 : vector<16xi32>
          %parallel_loop3A_1269 = tpu.vector_load_idx %arg9[%parallel_loop3A_1268] : memref<7168xf32, #tpu.memory_space<vmem>>[vector<16xi32>], vector<16xf32>,
          %parallel_loop3A_1270 = arith.addi %parallel_loop3A_1251, %parallel_loop3A_1267 : vector<16xi32>
          %parallel_loop3A_1271 = tpu.vector_load_idx %arg9[%parallel_loop3A_1270] : memref<7168xf32, #tpu.memory_space<vmem>>[vector<16xi32>], vector<16xf32>,
          %parallel_loop3A_1272 = arith.addi %parallel_loop3A_1257, %parallel_loop3A_1267 : vector<16xi32>
          %parallel_loop3A_1273 = tpu.vector_load_idx %arg9[%parallel_loop3A_1272] : memref<7168xf32, #tpu.memory_space<vmem>>[vector<16xi32>], vector<16xf32>,
          %parallel_loop3A_1274 = arith.mulf %parallel_loop3A_1238, %parallel_loop3A_1269 : vector<16xf32>
          %parallel_loop3A_1275 = arith.mulf %parallel_loop3A_1240, %parallel_loop3A_1271 : vector<16xf32>
          %parallel_loop3A_1276 = arith.addf %parallel_loop3A_1274, %parallel_loop3A_1275 : vector<16xf32>
          %parallel_loop3A_1277 = arith.mulf %parallel_loop3A_1242, %parallel_loop3A_1273 : vector<16xf32>
          %parallel_loop3A_1278 = arith.addf %parallel_loop3A_1276, %parallel_loop3A_1277 : vector<16xf32>
          %parallel_loop3A_1279 = arith.addi %parallel_loop3A_1261, %parallel_loop3A_1267 : vector<16xi32>
          tpu.vector_store_idx %arg20[%parallel_loop3A_1279], %parallel_loop3A_1278 : memref<12800xf32, #tpu.memory_space<vmem>>[vector<16xi32>], vector<16xf32>,
          %parallel_loop3A_1280 = arith.constant 1 : i32
          %parallel_loop3A_1281 = vector.broadcast %parallel_loop3A_1280 : i32 to vector<16xi32>
          %parallel_loop3A_1282 = arith.addi %parallel_loop3A_1267, %parallel_loop3A_1281 : vector<16xi32>
          %parallel_loop3A_1283 = arith.constant 63 : i32
          %parallel_loop3A_1284 = vector.broadcast %parallel_loop3A_1283 : i32 to vector<16xi32>
          %parallel_loop3A_1285 = arith.andi %parallel_loop3A_1282, %parallel_loop3A_1284 : vector<16xi32>
          scf.yield %parallel_loop3A_1285 : vector<16xi32>
        } {sc.loop_unroll_factor = 2 : i64, sc.parallel_access}
      } {sc.loop_unroll_factor = 1 : i64, sc.parallel_access}
      %add3A_1191 = arith.constant 1 : i32
      %add3A_1192 = arith.addi %add3A_26, %add3A_1191 : i32
      %dma_start3A_1193 = arith.constant 0 : i32
      %dma_start3A_1194 = tpu.memref_slice %arg8[%add3A_1192, %dma_start3A_1193] : memref<4096x12800xf32, #tpu.memory_space<hbm>> -> memref<1x12800xf32, #tpu.memory_space<hbm>>
      %dma_start3A_1195 = tpu.memref_squeeze %dma_start3A_1194 : memref<1x12800xf32, #tpu.memory_space<hbm>> -> memref<12800xf32, #tpu.memory_space<hbm>>
      %dma_start3A_1196 = arith.constant 0 : i32
      %dma_start3A_1197 = tpu.memref_slice %arg8[%add3A_1192, %dma_start3A_1196] : memref<4096x12800xf32, #tpu.memory_space<hbm>> -> memref<1x12800xf32, #tpu.memory_space<hbm>>
      %dma_start3A_1198 = tpu.memref_squeeze %dma_start3A_1197 : memref<1x12800xf32, #tpu.memory_space<hbm>> -> memref<12800xf32, #tpu.memory_space<hbm>>
      tpu.enqueue_dma source(%arg20 : memref<12800xf32, #tpu.memory_space<vmem>>) target(%dma_start3A_1198 : memref<12800xf32, #tpu.memory_space<hbm>>) target_semaphore(%arg22 : memref<!tpu.dma_semaphore, #tpu.memory_space<semaphore_mem>>)
      %scan3A_1199 = arith.constant 0 : i32
      %scan3A_1200 = arith.constant 1 : i32
      %scan3A_1201 = arith.constant 31 : i32
      %scan3A_1202 = arith.addi %scan3A_1200, %scan3A_1201 : i32
      %scan3A_1203 = arith.constant 1 : i32
      %scan3A_1204 = scf.for %scan3A_1220 = %scan3A_1200 to %scan3A_1202 step %scan3A_1203 iter_args(%scan3A_1221 = %scan3A_1199) -> (i32)  : i32 {
        %mul3A_1222 = arith.constant 2 : i32
        %mul3A_1223 = arith.muli %mul3A_1222, %scan3A_1220 : i32
        %add3A_1224 = arith.addi %add3A_26, %mul3A_1223 : i32
        %dma_wait3A_1225 = arith.constant 0 : i32
        %dma_wait3A_1226 = tpu.memref_slice %arg8[%add3A_1224, %dma_wait3A_1225] : memref<4096x12800xf32, #tpu.memory_space<hbm>> -> memref<1x12800xf32, #tpu.memory_space<hbm>>
        %dma_wait3A_1227 = tpu.memref_squeeze %dma_wait3A_1226 : memref<1x12800xf32, #tpu.memory_space<hbm>> -> memref<12800xf32, #tpu.memory_space<hbm>>
        %dma_wait3A_1228 = arith.constant 0 : i32
        %dma_wait3A_1229 = tpu.memref_slice %arg8[%add3A_1224, %dma_wait3A_1228] : memref<4096x12800xf32, #tpu.memory_space<hbm>> -> memref<1x12800xf32, #tpu.memory_space<hbm>>
        %dma_wait3A_1230 = tpu.memref_squeeze %dma_wait3A_1229 : memref<1x12800xf32, #tpu.memory_space<hbm>> -> memref<12800xf32, #tpu.memory_space<hbm>>
        tpu.wait_dma2 semaphore(%arg21 : memref<!tpu.dma_semaphore, #tpu.memory_space<semaphore_mem>>) src(%arg19 : memref<12800xf32, #tpu.memory_space<vmem>>) dst(%dma_wait3A_1230 : memref<12800xf32, #tpu.memory_space<hbm>>)
        %get3A_1231 = arith.index_cast %mul3A_1223 : i32 to index
        %get3A_1232 = arith.constant 0 : index
        %get3A_1233 = tpu.vector_load %arg13[%get3A_1231, %get3A_1232] {strides = array<i32>} : memref<64x200xi32, #tpu.memory_space<vmem>>, vector<16xi32>,
        %gather3A_1234 = tpu.vector_load_idx %arg12[%get3A_1233] : memref<128xf32, #tpu.memory_space<vmem>>[vector<16xi32>], vector<16xf32>,
        %get3A_1235 = arith.index_cast %mul3A_1223 : i32 to index
        %get3A_1236 = arith.constant 16 : index
        %get3A_1237 = tpu.vector_load %arg13[%get3A_1235, %get3A_1236] {strides = array<i32>} : memref<64x200xi32, #tpu.memory_space<vmem>>, vector<16xi32>,
        %gather3A_1238 = tpu.vector_load_idx %arg12[%get3A_1237] : memref<128xf32, #tpu.memory_space<vmem>>[vector<16xi32>], vector<16xf32>,
        %get3A_1239 = arith.index_cast %mul3A_1223 : i32 to index
        %get3A_1240 = arith.constant 32 : index
        %get3A_1241 = tpu.vector_load %arg13[%get3A_1239, %get3A_1240] {strides = array<i32>} : memref<64x200xi32, #tpu.memory_space<vmem>>, vector<16xi32>,
        %gather3A_1242 = tpu.vector_load_idx %arg12[%get3A_1241] : memref<128xf32, #tpu.memory_space<vmem>>[vector<16xi32>], vector<16xf32>,
        %get3A_1243 = arith.index_cast %mul3A_1223 : i32 to index
        %get3A_1244 = arith.constant 48 : index
        %get3A_1245 = tpu.vector_load %arg13[%get3A_1243, %get3A_1244] {strides = array<i32>} : memref<64x200xi32, #tpu.memory_space<vmem>>, vector<16xi32>,
        %gather3A_1246 = tpu.vector_load_idx %arg12[%get3A_1245] : memref<128xf32, #tpu.memory_space<vmem>>[vector<16xi32>], vector<16xf32>,
        %get3A_1247 = arith.index_cast %mul3A_1223 : i32 to index
        %get3A_1248 = arith.constant 64 : index
        %get3A_1249 = tpu.vector_load %arg13[%get3A_1247, %get3A_1248] {strides = array<i32>} : memref<64x200xi32, #tpu.memory_space<vmem>>, vector<16xi32>,
        %gather3A_1250 = tpu.vector_load_idx %arg12[%get3A_1249] : memref<128xf32, #tpu.memory_space<vmem>>[vector<16xi32>], vector<16xf32>,
        %get3A_1251 = arith.index_cast %mul3A_1223 : i32 to index
        %get3A_1252 = arith.constant 80 : index
        %get3A_1253 = tpu.vector_load %arg13[%get3A_1251, %get3A_1252] {strides = array<i32>} : memref<64x200xi32, #tpu.memory_space<vmem>>, vector<16xi32>,
        %gather3A_1254 = tpu.vector_load_idx %arg12[%get3A_1253] : memref<128xf32, #tpu.memory_space<vmem>>[vector<16xi32>], vector<16xf32>,
        %get3A_1255 = arith.index_cast %mul3A_1223 : i32 to index
        %get3A_1256 = arith.constant 96 : index
        %get3A_1257 = tpu.vector_load %arg13[%get3A_1255, %get3A_1256] {strides = array<i32>} : memref<64x200xi32, #tpu.memory_space<vmem>>, vector<16xi32>,
        %gather3A_1258 = tpu.vector_load_idx %arg12[%get3A_1257] : memref<128xf32, #tpu.memory_space<vmem>>[vector<16xi32>], vector<16xf32>,
        %get3A_1259 = arith.index_cast %mul3A_1223 : i32 to index
        %get3A_1260 = arith.constant 112 : index
        %get3A_1261 = tpu.vector_load %arg13[%get3A_1259, %get3A_1260] {strides = array<i32>} : memref<64x200xi32, #tpu.memory_space<vmem>>, vector<16xi32>,
        %gather3A_1262 = tpu.vector_load_idx %arg12[%get3A_1261] : memref<128xf32, #tpu.memory_space<vmem>>[vector<16xi32>], vector<16xf32>,
        %get3A_1263 = arith.index_cast %mul3A_1223 : i32 to index
        %get3A_1264 = arith.constant 128 : index
        %get3A_1265 = tpu.vector_load %arg13[%get3A_1263, %get3A_1264] {strides = array<i32>} : memref<64x200xi32, #tpu.memory_space<vmem>>, vector<16xi32>,
        %gather3A_1266 = tpu.vector_load_idx %arg12[%get3A_1265] : memref<128xf32, #tpu.memory_space<vmem>>[vector<16xi32>], vector<16xf32>,
        %get3A_1267 = arith.index_cast %mul3A_1223 : i32 to index
        %get3A_1268 = arith.constant 144 : index
        %get3A_1269 = tpu.vector_load %arg13[%get3A_1267, %get3A_1268] {strides = array<i32>} : memref<64x200xi32, #tpu.memory_space<vmem>>, vector<16xi32>,
        %gather3A_1270 = tpu.vector_load_idx %arg12[%get3A_1269] : memref<128xf32, #tpu.memory_space<vmem>>[vector<16xi32>], vector<16xf32>,
        %get3A_1271 = arith.index_cast %mul3A_1223 : i32 to index
        %get3A_1272 = arith.constant 160 : index
        %get3A_1273 = tpu.vector_load %arg13[%get3A_1271, %get3A_1272] {strides = array<i32>} : memref<64x200xi32, #tpu.memory_space<vmem>>, vector<16xi32>,
        %gather3A_1274 = tpu.vector_load_idx %arg12[%get3A_1273] : memref<128xf32, #tpu.memory_space<vmem>>[vector<16xi32>], vector<16xf32>,
        %get3A_1275 = arith.index_cast %mul3A_1223 : i32 to index
        %get3A_1276 = arith.constant 176 : index
        %get3A_1277 = tpu.vector_load %arg13[%get3A_1275, %get3A_1276] {strides = array<i32>} : memref<64x200xi32, #tpu.memory_space<vmem>>, vector<16xi32>,
        %gather3A_1278 = tpu.vector_load_idx %arg12[%get3A_1277] : memref<128xf32, #tpu.memory_space<vmem>>[vector<16xi32>], vector<16xf32>,
        %get3A_1279 = arith.index_cast %mul3A_1223 : i32 to index
        %get3A_1280 = arith.constant 184 : index
        %get3A_1281 = tpu.vector_load %arg13[%get3A_1279, %get3A_1280] {strides = array<i32>} : memref<64x200xi32, #tpu.memory_space<vmem>>, vector<16xi32>,
        %gather3A_1282 = tpu.vector_load_idx %arg12[%get3A_1281] : memref<128xf32, #tpu.memory_space<vmem>>[vector<16xi32>], vector<16xf32>,
        %max3A_1283 = arith.maximumf %gather3A_1234, %gather3A_1238 : vector<16xf32>
        %max3A_1284 = arith.maximumf %max3A_1283, %gather3A_1242 : vector<16xf32>
        %max3A_1285 = arith.maximumf %max3A_1284, %gather3A_1246 : vector<16xf32>
        %max3A_1286 = arith.maximumf %max3A_1285, %gather3A_1250 : vector<16xf32>
        %max3A_1287 = arith.maximumf %max3A_1286, %gather3A_1254 : vector<16xf32>
        %max3A_1288 = arith.maximumf %max3A_1287, %gather3A_1258 : vector<16xf32>
        %max3A_1289 = arith.maximumf %max3A_1288, %gather3A_1262 : vector<16xf32>
        %max3A_1290 = arith.maximumf %max3A_1289, %gather3A_1266 : vector<16xf32>
        %max3A_1291 = arith.maximumf %max3A_1290, %gather3A_1270 : vector<16xf32>
        %max3A_1292 = arith.maximumf %max3A_1291, %gather3A_1274 : vector<16xf32>
        %max3A_1293 = arith.maximumf %max3A_1292, %gather3A_1278 : vector<16xf32>
        %max3A_1294 = arith.maximumf %max3A_1293, %gather3A_1282 : vector<16xf32>
        %reduce_max3A_1295 = arith.constant true
        %reduce_max3A_1296 = vector.broadcast %reduce_max3A_1295 : i1 to vector<16xi1>
        %reduce_max3A_1297 = tpu.scan <max>, %max3A_1294 masked %reduce_max3A_1296 : vector<16xf32>, vector<16xi1> -> vector<16xf32>
        %reduce_max3A_1298 = vector.extract %reduce_max3A_1297[15] : f32 from vector<16xf32>
        %broadcast_in_dim3A_1299 = vector.broadcast %reduce_max3A_1298 : f32 to vector<16xf32>
        %sub3A_1300 = arith.subf %gather3A_1234, %broadcast_in_dim3A_1299 : vector<16xf32>
        %exp3A_1301 = math.exp %sub3A_1300 : vector<16xf32>
        %sub3A_1302 = arith.subf %gather3A_1238, %broadcast_in_dim3A_1299 : vector<16xf32>
        %exp3A_1303 = math.exp %sub3A_1302 : vector<16xf32>
        %sub3A_1304 = arith.subf %gather3A_1242, %broadcast_in_dim3A_1299 : vector<16xf32>
        %exp3A_1305 = math.exp %sub3A_1304 : vector<16xf32>
        %sub3A_1306 = arith.subf %gather3A_1246, %broadcast_in_dim3A_1299 : vector<16xf32>
        %exp3A_1307 = math.exp %sub3A_1306 : vector<16xf32>
        %sub3A_1308 = arith.subf %gather3A_1250, %broadcast_in_dim3A_1299 : vector<16xf32>
        %exp3A_1309 = math.exp %sub3A_1308 : vector<16xf32>
        %sub3A_1310 = arith.subf %gather3A_1254, %broadcast_in_dim3A_1299 : vector<16xf32>
        %exp3A_1311 = math.exp %sub3A_1310 : vector<16xf32>
        %sub3A_1312 = arith.subf %gather3A_1258, %broadcast_in_dim3A_1299 : vector<16xf32>
        %exp3A_1313 = math.exp %sub3A_1312 : vector<16xf32>
        %sub3A_1314 = arith.subf %gather3A_1262, %broadcast_in_dim3A_1299 : vector<16xf32>
        %exp3A_1315 = math.exp %sub3A_1314 : vector<16xf32>
        %sub3A_1316 = arith.subf %gather3A_1266, %broadcast_in_dim3A_1299 : vector<16xf32>
        %exp3A_1317 = math.exp %sub3A_1316 : vector<16xf32>
        %sub3A_1318 = arith.subf %gather3A_1270, %broadcast_in_dim3A_1299 : vector<16xf32>
        %exp3A_1319 = math.exp %sub3A_1318 : vector<16xf32>
        %sub3A_1320 = arith.subf %gather3A_1274, %broadcast_in_dim3A_1299 : vector<16xf32>
        %exp3A_1321 = math.exp %sub3A_1320 : vector<16xf32>
        %sub3A_1322 = arith.subf %gather3A_1278, %broadcast_in_dim3A_1299 : vector<16xf32>
        %exp3A_1323 = math.exp %sub3A_1322 : vector<16xf32>
        %sub3A_1324 = arith.subf %gather3A_1282, %broadcast_in_dim3A_1299 : vector<16xf32>
        %exp3A_1325 = math.exp %sub3A_1324 : vector<16xf32>
        %add3A_1326 = arith.addf %exp3A_1301, %exp3A_1303 : vector<16xf32>
        %add3A_1327 = arith.addf %add3A_1326, %exp3A_1305 : vector<16xf32>
        %add3A_1328 = arith.addf %add3A_1327, %exp3A_1307 : vector<16xf32>
        %add3A_1329 = arith.addf %add3A_1328, %exp3A_1309 : vector<16xf32>
        %add3A_1330 = arith.addf %add3A_1329, %exp3A_1311 : vector<16xf32>
        %add3A_1331 = arith.addf %add3A_1330, %exp3A_1313 : vector<16xf32>
        %add3A_1332 = arith.addf %add3A_1331, %exp3A_1315 : vector<16xf32>
        %add3A_1333 = arith.addf %add3A_1332, %exp3A_1317 : vector<16xf32>
        %add3A_1334 = arith.addf %add3A_1333, %exp3A_1319 : vector<16xf32>
        %add3A_1335 = arith.addf %add3A_1334, %exp3A_1321 : vector<16xf32>
        %add3A_1336 = arith.addf %add3A_1335, %exp3A_1323 : vector<16xf32>
        %select_n3A_1337 = arith.select %ge3A_5, %exp3A_1325, %broadcast_in_dim3A_6 : vector<16xi1>, vector<16xf32>
        %add3A_1338 = arith.addf %add3A_1336, %select_n3A_1337 : vector<16xf32>
        %reduce_sum3A_1339 = arith.constant true
        %reduce_sum3A_1340 = vector.broadcast %reduce_sum3A_1339 : i1 to vector<16xi1>
        %reduce_sum3A_1341 = tpu.scan <sum>, %add3A_1338 masked %reduce_sum3A_1340 : vector<16xf32>, vector<16xi1> -> vector<16xf32>
        %reduce_sum3A_1342 = vector.extract %reduce_sum3A_1341[15] : f32 from vector<16xf32>
        %broadcast_in_dim3A_1343 = vector.broadcast %reduce_sum3A_1342 : f32 to vector<16xf32>
        %div3A_1344 = arith.constant 1.000000e+00 : f32
        %div3A_1345 = vector.broadcast %div3A_1344 : f32 to vector<16xf32>
        %div3A_1346 = arith.divf %div3A_1345, %broadcast_in_dim3A_1343 : vector<16xf32>
        %mul3A_1347 = arith.mulf %exp3A_1301, %div3A_1346 : vector<16xf32>
        %swap3A_1348 = arith.constant 0 : index
        %swap3A_1349 = tpu.vector_load %arg16[%swap3A_1348] {strides = array<i32>} : memref<200xf32, #tpu.memory_space<vmem>>, vector<16xf32>,
        tpu.vector_store %arg16[%swap3A_1348], %mul3A_1347 {strides = array<i32>} : memref<200xf32, #tpu.memory_space<vmem>>, vector<16xf32>,
        %mul3A_1350 = arith.mulf %exp3A_1303, %div3A_1346 : vector<16xf32>
        %swap3A_1351 = arith.constant 16 : index
        %swap3A_1352 = tpu.vector_load %arg16[%swap3A_1351] {strides = array<i32>} : memref<200xf32, #tpu.memory_space<vmem>>, vector<16xf32>,
        tpu.vector_store %arg16[%swap3A_1351], %mul3A_1350 {strides = array<i32>} : memref<200xf32, #tpu.memory_space<vmem>>, vector<16xf32>,
        %mul3A_1353 = arith.mulf %exp3A_1305, %div3A_1346 : vector<16xf32>
        %swap3A_1354 = arith.constant 32 : index
        %swap3A_1355 = tpu.vector_load %arg16[%swap3A_1354] {strides = array<i32>} : memref<200xf32, #tpu.memory_space<vmem>>, vector<16xf32>,
        tpu.vector_store %arg16[%swap3A_1354], %mul3A_1353 {strides = array<i32>} : memref<200xf32, #tpu.memory_space<vmem>>, vector<16xf32>,
        %mul3A_1356 = arith.mulf %exp3A_1307, %div3A_1346 : vector<16xf32>
        %swap3A_1357 = arith.constant 48 : index
        %swap3A_1358 = tpu.vector_load %arg16[%swap3A_1357] {strides = array<i32>} : memref<200xf32, #tpu.memory_space<vmem>>, vector<16xf32>,
        tpu.vector_store %arg16[%swap3A_1357], %mul3A_1356 {strides = array<i32>} : memref<200xf32, #tpu.memory_space<vmem>>, vector<16xf32>,
        %mul3A_1359 = arith.mulf %exp3A_1309, %div3A_1346 : vector<16xf32>
        %swap3A_1360 = arith.constant 64 : index
        %swap3A_1361 = tpu.vector_load %arg16[%swap3A_1360] {strides = array<i32>} : memref<200xf32, #tpu.memory_space<vmem>>, vector<16xf32>,
        tpu.vector_store %arg16[%swap3A_1360], %mul3A_1359 {strides = array<i32>} : memref<200xf32, #tpu.memory_space<vmem>>, vector<16xf32>,
        %mul3A_1362 = arith.mulf %exp3A_1311, %div3A_1346 : vector<16xf32>
        %swap3A_1363 = arith.constant 80 : index
        %swap3A_1364 = tpu.vector_load %arg16[%swap3A_1363] {strides = array<i32>} : memref<200xf32, #tpu.memory_space<vmem>>, vector<16xf32>,
        tpu.vector_store %arg16[%swap3A_1363], %mul3A_1362 {strides = array<i32>} : memref<200xf32, #tpu.memory_space<vmem>>, vector<16xf32>,
        %mul3A_1365 = arith.mulf %exp3A_1313, %div3A_1346 : vector<16xf32>
        %swap3A_1366 = arith.constant 96 : index
        %swap3A_1367 = tpu.vector_load %arg16[%swap3A_1366] {strides = array<i32>} : memref<200xf32, #tpu.memory_space<vmem>>, vector<16xf32>,
        tpu.vector_store %arg16[%swap3A_1366], %mul3A_1365 {strides = array<i32>} : memref<200xf32, #tpu.memory_space<vmem>>, vector<16xf32>,
        %mul3A_1368 = arith.mulf %exp3A_1315, %div3A_1346 : vector<16xf32>
        %swap3A_1369 = arith.constant 112 : index
        %swap3A_1370 = tpu.vector_load %arg16[%swap3A_1369] {strides = array<i32>} : memref<200xf32, #tpu.memory_space<vmem>>, vector<16xf32>,
        tpu.vector_store %arg16[%swap3A_1369], %mul3A_1368 {strides = array<i32>} : memref<200xf32, #tpu.memory_space<vmem>>, vector<16xf32>,
        %mul3A_1371 = arith.mulf %exp3A_1317, %div3A_1346 : vector<16xf32>
        %swap3A_1372 = arith.constant 128 : index
        %swap3A_1373 = tpu.vector_load %arg16[%swap3A_1372] {strides = array<i32>} : memref<200xf32, #tpu.memory_space<vmem>>, vector<16xf32>,
        tpu.vector_store %arg16[%swap3A_1372], %mul3A_1371 {strides = array<i32>} : memref<200xf32, #tpu.memory_space<vmem>>, vector<16xf32>,
        %mul3A_1374 = arith.mulf %exp3A_1319, %div3A_1346 : vector<16xf32>
        %swap3A_1375 = arith.constant 144 : index
        %swap3A_1376 = tpu.vector_load %arg16[%swap3A_1375] {strides = array<i32>} : memref<200xf32, #tpu.memory_space<vmem>>, vector<16xf32>,
        tpu.vector_store %arg16[%swap3A_1375], %mul3A_1374 {strides = array<i32>} : memref<200xf32, #tpu.memory_space<vmem>>, vector<16xf32>,
        %mul3A_1377 = arith.mulf %exp3A_1321, %div3A_1346 : vector<16xf32>
        %swap3A_1378 = arith.constant 160 : index
        %swap3A_1379 = tpu.vector_load %arg16[%swap3A_1378] {strides = array<i32>} : memref<200xf32, #tpu.memory_space<vmem>>, vector<16xf32>,
        tpu.vector_store %arg16[%swap3A_1378], %mul3A_1377 {strides = array<i32>} : memref<200xf32, #tpu.memory_space<vmem>>, vector<16xf32>,
        %mul3A_1380 = arith.mulf %exp3A_1323, %div3A_1346 : vector<16xf32>
        %swap3A_1381 = arith.constant 176 : index
        %swap3A_1382 = tpu.vector_load %arg16[%swap3A_1381] {strides = array<i32>} : memref<200xf32, #tpu.memory_space<vmem>>, vector<16xf32>,
        tpu.vector_store %arg16[%swap3A_1381], %mul3A_1380 {strides = array<i32>} : memref<200xf32, #tpu.memory_space<vmem>>, vector<16xf32>,
        %mul3A_1383 = arith.mulf %exp3A_1325, %div3A_1346 : vector<16xf32>
        %swap3A_1384 = arith.constant 184 : index
        %swap3A_1385 = tpu.vector_load %arg16[%swap3A_1384] {strides = array<i32>} : memref<200xf32, #tpu.memory_space<vmem>>, vector<16xf32>,
        tpu.vector_store %arg16[%swap3A_1384], %mul3A_1383 {strides = array<i32>} : memref<200xf32, #tpu.memory_space<vmem>>, vector<16xf32>,
        %get3A_1386 = arith.index_cast %mul3A_1223 : i32 to index
        %get3A_1387 = arith.constant 0 : index
        %get3A_1388 = tpu.vector_load %arg14[%get3A_1386, %get3A_1387] {strides = array<i32>} : memref<64x200xi32, #tpu.memory_space<vmem>>, vector<16xi32>,
        %add3A_1389 = arith.constant 5 : i32
        %add3A_1390 = vector.broadcast %add3A_1389 : i32 to vector<16xi32>
        %add3A_1391 = arith.addi %get3A_1388, %add3A_1390 : vector<16xi32>
        %gather3A_1392 = tpu.vector_load_idx %arg12[%add3A_1391] : memref<128xf32, #tpu.memory_space<vmem>>[vector<16xi32>], vector<16xf32>,
        %get3A_1393 = arith.index_cast %mul3A_1223 : i32 to index
        %get3A_1394 = arith.constant 16 : index
        %get3A_1395 = tpu.vector_load %arg14[%get3A_1393, %get3A_1394] {strides = array<i32>} : memref<64x200xi32, #tpu.memory_space<vmem>>, vector<16xi32>,
        %add3A_1396 = arith.constant 5 : i32
        %add3A_1397 = vector.broadcast %add3A_1396 : i32 to vector<16xi32>
        %add3A_1398 = arith.addi %get3A_1395, %add3A_1397 : vector<16xi32>
        %gather3A_1399 = tpu.vector_load_idx %arg12[%add3A_1398] : memref<128xf32, #tpu.memory_space<vmem>>[vector<16xi32>], vector<16xf32>,
        %get3A_1400 = arith.index_cast %mul3A_1223 : i32 to index
        %get3A_1401 = arith.constant 32 : index
        %get3A_1402 = tpu.vector_load %arg14[%get3A_1400, %get3A_1401] {strides = array<i32>} : memref<64x200xi32, #tpu.memory_space<vmem>>, vector<16xi32>,
        %add3A_1403 = arith.constant 5 : i32
        %add3A_1404 = vector.broadcast %add3A_1403 : i32 to vector<16xi32>
        %add3A_1405 = arith.addi %get3A_1402, %add3A_1404 : vector<16xi32>
        %gather3A_1406 = tpu.vector_load_idx %arg12[%add3A_1405] : memref<128xf32, #tpu.memory_space<vmem>>[vector<16xi32>], vector<16xf32>,
        %get3A_1407 = arith.index_cast %mul3A_1223 : i32 to index
        %get3A_1408 = arith.constant 48 : index
        %get3A_1409 = tpu.vector_load %arg14[%get3A_1407, %get3A_1408] {strides = array<i32>} : memref<64x200xi32, #tpu.memory_space<vmem>>, vector<16xi32>,
        %add3A_1410 = arith.constant 5 : i32
        %add3A_1411 = vector.broadcast %add3A_1410 : i32 to vector<16xi32>
        %add3A_1412 = arith.addi %get3A_1409, %add3A_1411 : vector<16xi32>
        %gather3A_1413 = tpu.vector_load_idx %arg12[%add3A_1412] : memref<128xf32, #tpu.memory_space<vmem>>[vector<16xi32>], vector<16xf32>,
        %get3A_1414 = arith.index_cast %mul3A_1223 : i32 to index
        %get3A_1415 = arith.constant 64 : index
        %get3A_1416 = tpu.vector_load %arg14[%get3A_1414, %get3A_1415] {strides = array<i32>} : memref<64x200xi32, #tpu.memory_space<vmem>>, vector<16xi32>,
        %add3A_1417 = arith.constant 5 : i32
        %add3A_1418 = vector.broadcast %add3A_1417 : i32 to vector<16xi32>
        %add3A_1419 = arith.addi %get3A_1416, %add3A_1418 : vector<16xi32>
        %gather3A_1420 = tpu.vector_load_idx %arg12[%add3A_1419] : memref<128xf32, #tpu.memory_space<vmem>>[vector<16xi32>], vector<16xf32>,
        %get3A_1421 = arith.index_cast %mul3A_1223 : i32 to index
        %get3A_1422 = arith.constant 80 : index
        %get3A_1423 = tpu.vector_load %arg14[%get3A_1421, %get3A_1422] {strides = array<i32>} : memref<64x200xi32, #tpu.memory_space<vmem>>, vector<16xi32>,
        %add3A_1424 = arith.constant 5 : i32
        %add3A_1425 = vector.broadcast %add3A_1424 : i32 to vector<16xi32>
        %add3A_1426 = arith.addi %get3A_1423, %add3A_1425 : vector<16xi32>
        %gather3A_1427 = tpu.vector_load_idx %arg12[%add3A_1426] : memref<128xf32, #tpu.memory_space<vmem>>[vector<16xi32>], vector<16xf32>,
        %get3A_1428 = arith.index_cast %mul3A_1223 : i32 to index
        %get3A_1429 = arith.constant 96 : index
        %get3A_1430 = tpu.vector_load %arg14[%get3A_1428, %get3A_1429] {strides = array<i32>} : memref<64x200xi32, #tpu.memory_space<vmem>>, vector<16xi32>,
        %add3A_1431 = arith.constant 5 : i32
        %add3A_1432 = vector.broadcast %add3A_1431 : i32 to vector<16xi32>
        %add3A_1433 = arith.addi %get3A_1430, %add3A_1432 : vector<16xi32>
        %gather3A_1434 = tpu.vector_load_idx %arg12[%add3A_1433] : memref<128xf32, #tpu.memory_space<vmem>>[vector<16xi32>], vector<16xf32>,
        %get3A_1435 = arith.index_cast %mul3A_1223 : i32 to index
        %get3A_1436 = arith.constant 112 : index
        %get3A_1437 = tpu.vector_load %arg14[%get3A_1435, %get3A_1436] {strides = array<i32>} : memref<64x200xi32, #tpu.memory_space<vmem>>, vector<16xi32>,
        %add3A_1438 = arith.constant 5 : i32
        %add3A_1439 = vector.broadcast %add3A_1438 : i32 to vector<16xi32>
        %add3A_1440 = arith.addi %get3A_1437, %add3A_1439 : vector<16xi32>
        %gather3A_1441 = tpu.vector_load_idx %arg12[%add3A_1440] : memref<128xf32, #tpu.memory_space<vmem>>[vector<16xi32>], vector<16xf32>,
        %get3A_1442 = arith.index_cast %mul3A_1223 : i32 to index
        %get3A_1443 = arith.constant 128 : index
        %get3A_1444 = tpu.vector_load %arg14[%get3A_1442, %get3A_1443] {strides = array<i32>} : memref<64x200xi32, #tpu.memory_space<vmem>>, vector<16xi32>,
        %add3A_1445 = arith.constant 5 : i32
        %add3A_1446 = vector.broadcast %add3A_1445 : i32 to vector<16xi32>
        %add3A_1447 = arith.addi %get3A_1444, %add3A_1446 : vector<16xi32>
        %gather3A_1448 = tpu.vector_load_idx %arg12[%add3A_1447] : memref<128xf32, #tpu.memory_space<vmem>>[vector<16xi32>], vector<16xf32>,
        %get3A_1449 = arith.index_cast %mul3A_1223 : i32 to index
        %get3A_1450 = arith.constant 144 : index
        %get3A_1451 = tpu.vector_load %arg14[%get3A_1449, %get3A_1450] {strides = array<i32>} : memref<64x200xi32, #tpu.memory_space<vmem>>, vector<16xi32>,
        %add3A_1452 = arith.constant 5 : i32
        %add3A_1453 = vector.broadcast %add3A_1452 : i32 to vector<16xi32>
        %add3A_1454 = arith.addi %get3A_1451, %add3A_1453 : vector<16xi32>
        %gather3A_1455 = tpu.vector_load_idx %arg12[%add3A_1454] : memref<128xf32, #tpu.memory_space<vmem>>[vector<16xi32>], vector<16xf32>,
        %get3A_1456 = arith.index_cast %mul3A_1223 : i32 to index
        %get3A_1457 = arith.constant 160 : index
        %get3A_1458 = tpu.vector_load %arg14[%get3A_1456, %get3A_1457] {strides = array<i32>} : memref<64x200xi32, #tpu.memory_space<vmem>>, vector<16xi32>,
        %add3A_1459 = arith.constant 5 : i32
        %add3A_1460 = vector.broadcast %add3A_1459 : i32 to vector<16xi32>
        %add3A_1461 = arith.addi %get3A_1458, %add3A_1460 : vector<16xi32>
        %gather3A_1462 = tpu.vector_load_idx %arg12[%add3A_1461] : memref<128xf32, #tpu.memory_space<vmem>>[vector<16xi32>], vector<16xf32>,
        %get3A_1463 = arith.index_cast %mul3A_1223 : i32 to index
        %get3A_1464 = arith.constant 176 : index
        %get3A_1465 = tpu.vector_load %arg14[%get3A_1463, %get3A_1464] {strides = array<i32>} : memref<64x200xi32, #tpu.memory_space<vmem>>, vector<16xi32>,
        %add3A_1466 = arith.constant 5 : i32
        %add3A_1467 = vector.broadcast %add3A_1466 : i32 to vector<16xi32>
        %add3A_1468 = arith.addi %get3A_1465, %add3A_1467 : vector<16xi32>
        %gather3A_1469 = tpu.vector_load_idx %arg12[%add3A_1468] : memref<128xf32, #tpu.memory_space<vmem>>[vector<16xi32>], vector<16xf32>,
        %get3A_1470 = arith.index_cast %mul3A_1223 : i32 to index
        %get3A_1471 = arith.constant 184 : index
        %get3A_1472 = tpu.vector_load %arg14[%get3A_1470, %get3A_1471] {strides = array<i32>} : memref<64x200xi32, #tpu.memory_space<vmem>>, vector<16xi32>,
        %add3A_1473 = arith.constant 5 : i32
        %add3A_1474 = vector.broadcast %add3A_1473 : i32 to vector<16xi32>
        %add3A_1475 = arith.addi %get3A_1472, %add3A_1474 : vector<16xi32>
        %gather3A_1476 = tpu.vector_load_idx %arg12[%add3A_1475] : memref<128xf32, #tpu.memory_space<vmem>>[vector<16xi32>], vector<16xf32>,
        %max3A_1477 = arith.maximumf %gather3A_1392, %gather3A_1399 : vector<16xf32>
        %max3A_1478 = arith.maximumf %max3A_1477, %gather3A_1406 : vector<16xf32>
        %max3A_1479 = arith.maximumf %max3A_1478, %gather3A_1413 : vector<16xf32>
        %max3A_1480 = arith.maximumf %max3A_1479, %gather3A_1420 : vector<16xf32>
        %max3A_1481 = arith.maximumf %max3A_1480, %gather3A_1427 : vector<16xf32>
        %max3A_1482 = arith.maximumf %max3A_1481, %gather3A_1434 : vector<16xf32>
        %max3A_1483 = arith.maximumf %max3A_1482, %gather3A_1441 : vector<16xf32>
        %max3A_1484 = arith.maximumf %max3A_1483, %gather3A_1448 : vector<16xf32>
        %max3A_1485 = arith.maximumf %max3A_1484, %gather3A_1455 : vector<16xf32>
        %max3A_1486 = arith.maximumf %max3A_1485, %gather3A_1462 : vector<16xf32>
        %max3A_1487 = arith.maximumf %max3A_1486, %gather3A_1469 : vector<16xf32>
        %max3A_1488 = arith.maximumf %max3A_1487, %gather3A_1476 : vector<16xf32>
        %reduce_max3A_1489 = arith.constant true
        %reduce_max3A_1490 = vector.broadcast %reduce_max3A_1489 : i1 to vector<16xi1>
        %reduce_max3A_1491 = tpu.scan <max>, %max3A_1488 masked %reduce_max3A_1490 : vector<16xf32>, vector<16xi1> -> vector<16xf32>
        %reduce_max3A_1492 = vector.extract %reduce_max3A_1491[15] : f32 from vector<16xf32>
        %broadcast_in_dim3A_1493 = vector.broadcast %reduce_max3A_1492 : f32 to vector<16xf32>
        %sub3A_1494 = arith.subf %gather3A_1392, %broadcast_in_dim3A_1493 : vector<16xf32>
        %exp3A_1495 = math.exp %sub3A_1494 : vector<16xf32>
        %sub3A_1496 = arith.subf %gather3A_1399, %broadcast_in_dim3A_1493 : vector<16xf32>
        %exp3A_1497 = math.exp %sub3A_1496 : vector<16xf32>
        %sub3A_1498 = arith.subf %gather3A_1406, %broadcast_in_dim3A_1493 : vector<16xf32>
        %exp3A_1499 = math.exp %sub3A_1498 : vector<16xf32>
        %sub3A_1500 = arith.subf %gather3A_1413, %broadcast_in_dim3A_1493 : vector<16xf32>
        %exp3A_1501 = math.exp %sub3A_1500 : vector<16xf32>
        %sub3A_1502 = arith.subf %gather3A_1420, %broadcast_in_dim3A_1493 : vector<16xf32>
        %exp3A_1503 = math.exp %sub3A_1502 : vector<16xf32>
        %sub3A_1504 = arith.subf %gather3A_1427, %broadcast_in_dim3A_1493 : vector<16xf32>
        %exp3A_1505 = math.exp %sub3A_1504 : vector<16xf32>
        %sub3A_1506 = arith.subf %gather3A_1434, %broadcast_in_dim3A_1493 : vector<16xf32>
        %exp3A_1507 = math.exp %sub3A_1506 : vector<16xf32>
        %sub3A_1508 = arith.subf %gather3A_1441, %broadcast_in_dim3A_1493 : vector<16xf32>
        %exp3A_1509 = math.exp %sub3A_1508 : vector<16xf32>
        %sub3A_1510 = arith.subf %gather3A_1448, %broadcast_in_dim3A_1493 : vector<16xf32>
        %exp3A_1511 = math.exp %sub3A_1510 : vector<16xf32>
        %sub3A_1512 = arith.subf %gather3A_1455, %broadcast_in_dim3A_1493 : vector<16xf32>
        %exp3A_1513 = math.exp %sub3A_1512 : vector<16xf32>
        %sub3A_1514 = arith.subf %gather3A_1462, %broadcast_in_dim3A_1493 : vector<16xf32>
        %exp3A_1515 = math.exp %sub3A_1514 : vector<16xf32>
        %sub3A_1516 = arith.subf %gather3A_1469, %broadcast_in_dim3A_1493 : vector<16xf32>
        %exp3A_1517 = math.exp %sub3A_1516 : vector<16xf32>
        %sub3A_1518 = arith.subf %gather3A_1476, %broadcast_in_dim3A_1493 : vector<16xf32>
        %exp3A_1519 = math.exp %sub3A_1518 : vector<16xf32>
        %add3A_1520 = arith.addf %exp3A_1495, %exp3A_1497 : vector<16xf32>
        %add3A_1521 = arith.addf %add3A_1520, %exp3A_1499 : vector<16xf32>
        %add3A_1522 = arith.addf %add3A_1521, %exp3A_1501 : vector<16xf32>
        %add3A_1523 = arith.addf %add3A_1522, %exp3A_1503 : vector<16xf32>
        %add3A_1524 = arith.addf %add3A_1523, %exp3A_1505 : vector<16xf32>
        %add3A_1525 = arith.addf %add3A_1524, %exp3A_1507 : vector<16xf32>
        %add3A_1526 = arith.addf %add3A_1525, %exp3A_1509 : vector<16xf32>
        %add3A_1527 = arith.addf %add3A_1526, %exp3A_1511 : vector<16xf32>
        %add3A_1528 = arith.addf %add3A_1527, %exp3A_1513 : vector<16xf32>
        %add3A_1529 = arith.addf %add3A_1528, %exp3A_1515 : vector<16xf32>
        %add3A_1530 = arith.addf %add3A_1529, %exp3A_1517 : vector<16xf32>
        %select_n3A_1531 = arith.select %ge3A_5, %exp3A_1519, %broadcast_in_dim3A_6 : vector<16xi1>, vector<16xf32>
        %add3A_1532 = arith.addf %add3A_1530, %select_n3A_1531 : vector<16xf32>
        %reduce_sum3A_1533 = arith.constant true
        %reduce_sum3A_1534 = vector.broadcast %reduce_sum3A_1533 : i1 to vector<16xi1>
        %reduce_sum3A_1535 = tpu.scan <sum>, %add3A_1532 masked %reduce_sum3A_1534 : vector<16xf32>, vector<16xi1> -> vector<16xf32>
        %reduce_sum3A_1536 = vector.extract %reduce_sum3A_1535[15] : f32 from vector<16xf32>
        %broadcast_in_dim3A_1537 = vector.broadcast %reduce_sum3A_1536 : f32 to vector<16xf32>
        %div3A_1538 = arith.constant 1.000000e+00 : f32
        %div3A_1539 = vector.broadcast %div3A_1538 : f32 to vector<16xf32>
        %div3A_1540 = arith.divf %div3A_1539, %broadcast_in_dim3A_1537 : vector<16xf32>
        %mul3A_1541 = arith.mulf %exp3A_1495, %div3A_1540 : vector<16xf32>
        %swap3A_1542 = arith.constant 0 : index
        %swap3A_1543 = tpu.vector_load %arg17[%swap3A_1542] {strides = array<i32>} : memref<200xf32, #tpu.memory_space<vmem>>, vector<16xf32>,
        tpu.vector_store %arg17[%swap3A_1542], %mul3A_1541 {strides = array<i32>} : memref<200xf32, #tpu.memory_space<vmem>>, vector<16xf32>,
        %mul3A_1544 = arith.mulf %exp3A_1497, %div3A_1540 : vector<16xf32>
        %swap3A_1545 = arith.constant 16 : index
        %swap3A_1546 = tpu.vector_load %arg17[%swap3A_1545] {strides = array<i32>} : memref<200xf32, #tpu.memory_space<vmem>>, vector<16xf32>,
        tpu.vector_store %arg17[%swap3A_1545], %mul3A_1544 {strides = array<i32>} : memref<200xf32, #tpu.memory_space<vmem>>, vector<16xf32>,
        %mul3A_1547 = arith.mulf %exp3A_1499, %div3A_1540 : vector<16xf32>
        %swap3A_1548 = arith.constant 32 : index
        %swap3A_1549 = tpu.vector_load %arg17[%swap3A_1548] {strides = array<i32>} : memref<200xf32, #tpu.memory_space<vmem>>, vector<16xf32>,
        tpu.vector_store %arg17[%swap3A_1548], %mul3A_1547 {strides = array<i32>} : memref<200xf32, #tpu.memory_space<vmem>>, vector<16xf32>,
        %mul3A_1550 = arith.mulf %exp3A_1501, %div3A_1540 : vector<16xf32>
        %swap3A_1551 = arith.constant 48 : index
        %swap3A_1552 = tpu.vector_load %arg17[%swap3A_1551] {strides = array<i32>} : memref<200xf32, #tpu.memory_space<vmem>>, vector<16xf32>,
        tpu.vector_store %arg17[%swap3A_1551], %mul3A_1550 {strides = array<i32>} : memref<200xf32, #tpu.memory_space<vmem>>, vector<16xf32>,
        %mul3A_1553 = arith.mulf %exp3A_1503, %div3A_1540 : vector<16xf32>
        %swap3A_1554 = arith.constant 64 : index
        %swap3A_1555 = tpu.vector_load %arg17[%swap3A_1554] {strides = array<i32>} : memref<200xf32, #tpu.memory_space<vmem>>, vector<16xf32>,
        tpu.vector_store %arg17[%swap3A_1554], %mul3A_1553 {strides = array<i32>} : memref<200xf32, #tpu.memory_space<vmem>>, vector<16xf32>,
        %mul3A_1556 = arith.mulf %exp3A_1505, %div3A_1540 : vector<16xf32>
        %swap3A_1557 = arith.constant 80 : index
        %swap3A_1558 = tpu.vector_load %arg17[%swap3A_1557] {strides = array<i32>} : memref<200xf32, #tpu.memory_space<vmem>>, vector<16xf32>,
        tpu.vector_store %arg17[%swap3A_1557], %mul3A_1556 {strides = array<i32>} : memref<200xf32, #tpu.memory_space<vmem>>, vector<16xf32>,
        %mul3A_1559 = arith.mulf %exp3A_1507, %div3A_1540 : vector<16xf32>
        %swap3A_1560 = arith.constant 96 : index
        %swap3A_1561 = tpu.vector_load %arg17[%swap3A_1560] {strides = array<i32>} : memref<200xf32, #tpu.memory_space<vmem>>, vector<16xf32>,
        tpu.vector_store %arg17[%swap3A_1560], %mul3A_1559 {strides = array<i32>} : memref<200xf32, #tpu.memory_space<vmem>>, vector<16xf32>,
        %mul3A_1562 = arith.mulf %exp3A_1509, %div3A_1540 : vector<16xf32>
        %swap3A_1563 = arith.constant 112 : index
        %swap3A_1564 = tpu.vector_load %arg17[%swap3A_1563] {strides = array<i32>} : memref<200xf32, #tpu.memory_space<vmem>>, vector<16xf32>,
        tpu.vector_store %arg17[%swap3A_1563], %mul3A_1562 {strides = array<i32>} : memref<200xf32, #tpu.memory_space<vmem>>, vector<16xf32>,
        %mul3A_1565 = arith.mulf %exp3A_1511, %div3A_1540 : vector<16xf32>
        %swap3A_1566 = arith.constant 128 : index
        %swap3A_1567 = tpu.vector_load %arg17[%swap3A_1566] {strides = array<i32>} : memref<200xf32, #tpu.memory_space<vmem>>, vector<16xf32>,
        tpu.vector_store %arg17[%swap3A_1566], %mul3A_1565 {strides = array<i32>} : memref<200xf32, #tpu.memory_space<vmem>>, vector<16xf32>,
        %mul3A_1568 = arith.mulf %exp3A_1513, %div3A_1540 : vector<16xf32>
        %swap3A_1569 = arith.constant 144 : index
        %swap3A_1570 = tpu.vector_load %arg17[%swap3A_1569] {strides = array<i32>} : memref<200xf32, #tpu.memory_space<vmem>>, vector<16xf32>,
        tpu.vector_store %arg17[%swap3A_1569], %mul3A_1568 {strides = array<i32>} : memref<200xf32, #tpu.memory_space<vmem>>, vector<16xf32>,
        %mul3A_1571 = arith.mulf %exp3A_1515, %div3A_1540 : vector<16xf32>
        %swap3A_1572 = arith.constant 160 : index
        %swap3A_1573 = tpu.vector_load %arg17[%swap3A_1572] {strides = array<i32>} : memref<200xf32, #tpu.memory_space<vmem>>, vector<16xf32>,
        tpu.vector_store %arg17[%swap3A_1572], %mul3A_1571 {strides = array<i32>} : memref<200xf32, #tpu.memory_space<vmem>>, vector<16xf32>,
        %mul3A_1574 = arith.mulf %exp3A_1517, %div3A_1540 : vector<16xf32>
        %swap3A_1575 = arith.constant 176 : index
        %swap3A_1576 = tpu.vector_load %arg17[%swap3A_1575] {strides = array<i32>} : memref<200xf32, #tpu.memory_space<vmem>>, vector<16xf32>,
        tpu.vector_store %arg17[%swap3A_1575], %mul3A_1574 {strides = array<i32>} : memref<200xf32, #tpu.memory_space<vmem>>, vector<16xf32>,
        %mul3A_1577 = arith.mulf %exp3A_1519, %div3A_1540 : vector<16xf32>
        %swap3A_1578 = arith.constant 184 : index
        %swap3A_1579 = tpu.vector_load %arg17[%swap3A_1578] {strides = array<i32>} : memref<200xf32, #tpu.memory_space<vmem>>, vector<16xf32>,
        tpu.vector_store %arg17[%swap3A_1578], %mul3A_1577 {strides = array<i32>} : memref<200xf32, #tpu.memory_space<vmem>>, vector<16xf32>,
        %get3A_1580 = arith.index_cast %mul3A_1223 : i32 to index
        %get3A_1581 = arith.constant 0 : index
        %get3A_1582 = tpu.vector_load %arg15[%get3A_1580, %get3A_1581] {strides = array<i32>} : memref<64x200xi32, #tpu.memory_space<vmem>>, vector<16xi32>,
        %add3A_1583 = arith.constant 26 : i32
        %add3A_1584 = vector.broadcast %add3A_1583 : i32 to vector<16xi32>
        %add3A_1585 = arith.addi %get3A_1582, %add3A_1584 : vector<16xi32>
        %gather3A_1586 = tpu.vector_load_idx %arg12[%add3A_1585] : memref<128xf32, #tpu.memory_space<vmem>>[vector<16xi32>], vector<16xf32>,
        %get3A_1587 = arith.index_cast %mul3A_1223 : i32 to index
        %get3A_1588 = arith.constant 16 : index
        %get3A_1589 = tpu.vector_load %arg15[%get3A_1587, %get3A_1588] {strides = array<i32>} : memref<64x200xi32, #tpu.memory_space<vmem>>, vector<16xi32>,
        %add3A_1590 = arith.constant 26 : i32
        %add3A_1591 = vector.broadcast %add3A_1590 : i32 to vector<16xi32>
        %add3A_1592 = arith.addi %get3A_1589, %add3A_1591 : vector<16xi32>
        %gather3A_1593 = tpu.vector_load_idx %arg12[%add3A_1592] : memref<128xf32, #tpu.memory_space<vmem>>[vector<16xi32>], vector<16xf32>,
        %get3A_1594 = arith.index_cast %mul3A_1223 : i32 to index
        %get3A_1595 = arith.constant 32 : index
        %get3A_1596 = tpu.vector_load %arg15[%get3A_1594, %get3A_1595] {strides = array<i32>} : memref<64x200xi32, #tpu.memory_space<vmem>>, vector<16xi32>,
        %add3A_1597 = arith.constant 26 : i32
        %add3A_1598 = vector.broadcast %add3A_1597 : i32 to vector<16xi32>
        %add3A_1599 = arith.addi %get3A_1596, %add3A_1598 : vector<16xi32>
        %gather3A_1600 = tpu.vector_load_idx %arg12[%add3A_1599] : memref<128xf32, #tpu.memory_space<vmem>>[vector<16xi32>], vector<16xf32>,
        %get3A_1601 = arith.index_cast %mul3A_1223 : i32 to index
        %get3A_1602 = arith.constant 48 : index
        %get3A_1603 = tpu.vector_load %arg15[%get3A_1601, %get3A_1602] {strides = array<i32>} : memref<64x200xi32, #tpu.memory_space<vmem>>, vector<16xi32>,
        %add3A_1604 = arith.constant 26 : i32
        %add3A_1605 = vector.broadcast %add3A_1604 : i32 to vector<16xi32>
        %add3A_1606 = arith.addi %get3A_1603, %add3A_1605 : vector<16xi32>
        %gather3A_1607 = tpu.vector_load_idx %arg12[%add3A_1606] : memref<128xf32, #tpu.memory_space<vmem>>[vector<16xi32>], vector<16xf32>,
        %get3A_1608 = arith.index_cast %mul3A_1223 : i32 to index
        %get3A_1609 = arith.constant 64 : index
        %get3A_1610 = tpu.vector_load %arg15[%get3A_1608, %get3A_1609] {strides = array<i32>} : memref<64x200xi32, #tpu.memory_space<vmem>>, vector<16xi32>,
        %add3A_1611 = arith.constant 26 : i32
        %add3A_1612 = vector.broadcast %add3A_1611 : i32 to vector<16xi32>
        %add3A_1613 = arith.addi %get3A_1610, %add3A_1612 : vector<16xi32>
        %gather3A_1614 = tpu.vector_load_idx %arg12[%add3A_1613] : memref<128xf32, #tpu.memory_space<vmem>>[vector<16xi32>], vector<16xf32>,
        %get3A_1615 = arith.index_cast %mul3A_1223 : i32 to index
        %get3A_1616 = arith.constant 80 : index
        %get3A_1617 = tpu.vector_load %arg15[%get3A_1615, %get3A_1616] {strides = array<i32>} : memref<64x200xi32, #tpu.memory_space<vmem>>, vector<16xi32>,
        %add3A_1618 = arith.constant 26 : i32
        %add3A_1619 = vector.broadcast %add3A_1618 : i32 to vector<16xi32>
        %add3A_1620 = arith.addi %get3A_1617, %add3A_1619 : vector<16xi32>
        %gather3A_1621 = tpu.vector_load_idx %arg12[%add3A_1620] : memref<128xf32, #tpu.memory_space<vmem>>[vector<16xi32>], vector<16xf32>,
        %get3A_1622 = arith.index_cast %mul3A_1223 : i32 to index
        %get3A_1623 = arith.constant 96 : index
        %get3A_1624 = tpu.vector_load %arg15[%get3A_1622, %get3A_1623] {strides = array<i32>} : memref<64x200xi32, #tpu.memory_space<vmem>>, vector<16xi32>,
        %add3A_1625 = arith.constant 26 : i32
        %add3A_1626 = vector.broadcast %add3A_1625 : i32 to vector<16xi32>
        %add3A_1627 = arith.addi %get3A_1624, %add3A_1626 : vector<16xi32>
        %gather3A_1628 = tpu.vector_load_idx %arg12[%add3A_1627] : memref<128xf32, #tpu.memory_space<vmem>>[vector<16xi32>], vector<16xf32>,
        %get3A_1629 = arith.index_cast %mul3A_1223 : i32 to index
        %get3A_1630 = arith.constant 112 : index
        %get3A_1631 = tpu.vector_load %arg15[%get3A_1629, %get3A_1630] {strides = array<i32>} : memref<64x200xi32, #tpu.memory_space<vmem>>, vector<16xi32>,
        %add3A_1632 = arith.constant 26 : i32
        %add3A_1633 = vector.broadcast %add3A_1632 : i32 to vector<16xi32>
        %add3A_1634 = arith.addi %get3A_1631, %add3A_1633 : vector<16xi32>
        %gather3A_1635 = tpu.vector_load_idx %arg12[%add3A_1634] : memref<128xf32, #tpu.memory_space<vmem>>[vector<16xi32>], vector<16xf32>,
        %get3A_1636 = arith.index_cast %mul3A_1223 : i32 to index
        %get3A_1637 = arith.constant 128 : index
        %get3A_1638 = tpu.vector_load %arg15[%get3A_1636, %get3A_1637] {strides = array<i32>} : memref<64x200xi32, #tpu.memory_space<vmem>>, vector<16xi32>,
        %add3A_1639 = arith.constant 26 : i32
        %add3A_1640 = vector.broadcast %add3A_1639 : i32 to vector<16xi32>
        %add3A_1641 = arith.addi %get3A_1638, %add3A_1640 : vector<16xi32>
        %gather3A_1642 = tpu.vector_load_idx %arg12[%add3A_1641] : memref<128xf32, #tpu.memory_space<vmem>>[vector<16xi32>], vector<16xf32>,
        %get3A_1643 = arith.index_cast %mul3A_1223 : i32 to index
        %get3A_1644 = arith.constant 144 : index
        %get3A_1645 = tpu.vector_load %arg15[%get3A_1643, %get3A_1644] {strides = array<i32>} : memref<64x200xi32, #tpu.memory_space<vmem>>, vector<16xi32>,
        %add3A_1646 = arith.constant 26 : i32
        %add3A_1647 = vector.broadcast %add3A_1646 : i32 to vector<16xi32>
        %add3A_1648 = arith.addi %get3A_1645, %add3A_1647 : vector<16xi32>
        %gather3A_1649 = tpu.vector_load_idx %arg12[%add3A_1648] : memref<128xf32, #tpu.memory_space<vmem>>[vector<16xi32>], vector<16xf32>,
        %get3A_1650 = arith.index_cast %mul3A_1223 : i32 to index
        %get3A_1651 = arith.constant 160 : index
        %get3A_1652 = tpu.vector_load %arg15[%get3A_1650, %get3A_1651] {strides = array<i32>} : memref<64x200xi32, #tpu.memory_space<vmem>>, vector<16xi32>,
        %add3A_1653 = arith.constant 26 : i32
        %add3A_1654 = vector.broadcast %add3A_1653 : i32 to vector<16xi32>
        %add3A_1655 = arith.addi %get3A_1652, %add3A_1654 : vector<16xi32>
        %gather3A_1656 = tpu.vector_load_idx %arg12[%add3A_1655] : memref<128xf32, #tpu.memory_space<vmem>>[vector<16xi32>], vector<16xf32>,
        %get3A_1657 = arith.index_cast %mul3A_1223 : i32 to index
        %get3A_1658 = arith.constant 176 : index
        %get3A_1659 = tpu.vector_load %arg15[%get3A_1657, %get3A_1658] {strides = array<i32>} : memref<64x200xi32, #tpu.memory_space<vmem>>, vector<16xi32>,
        %add3A_1660 = arith.constant 26 : i32
        %add3A_1661 = vector.broadcast %add3A_1660 : i32 to vector<16xi32>
        %add3A_1662 = arith.addi %get3A_1659, %add3A_1661 : vector<16xi32>
        %gather3A_1663 = tpu.vector_load_idx %arg12[%add3A_1662] : memref<128xf32, #tpu.memory_space<vmem>>[vector<16xi32>], vector<16xf32>,
        %get3A_1664 = arith.index_cast %mul3A_1223 : i32 to index
        %get3A_1665 = arith.constant 184 : index
        %get3A_1666 = tpu.vector_load %arg15[%get3A_1664, %get3A_1665] {strides = array<i32>} : memref<64x200xi32, #tpu.memory_space<vmem>>, vector<16xi32>,
        %add3A_1667 = arith.constant 26 : i32
        %add3A_1668 = vector.broadcast %add3A_1667 : i32 to vector<16xi32>
        %add3A_1669 = arith.addi %get3A_1666, %add3A_1668 : vector<16xi32>
        %gather3A_1670 = tpu.vector_load_idx %arg12[%add3A_1669] : memref<128xf32, #tpu.memory_space<vmem>>[vector<16xi32>], vector<16xf32>,
        %max3A_1671 = arith.maximumf %gather3A_1586, %gather3A_1593 : vector<16xf32>
        %max3A_1672 = arith.maximumf %max3A_1671, %gather3A_1600 : vector<16xf32>
        %max3A_1673 = arith.maximumf %max3A_1672, %gather3A_1607 : vector<16xf32>
        %max3A_1674 = arith.maximumf %max3A_1673, %gather3A_1614 : vector<16xf32>
        %max3A_1675 = arith.maximumf %max3A_1674, %gather3A_1621 : vector<16xf32>
        %max3A_1676 = arith.maximumf %max3A_1675, %gather3A_1628 : vector<16xf32>
        %max3A_1677 = arith.maximumf %max3A_1676, %gather3A_1635 : vector<16xf32>
        %max3A_1678 = arith.maximumf %max3A_1677, %gather3A_1642 : vector<16xf32>
        %max3A_1679 = arith.maximumf %max3A_1678, %gather3A_1649 : vector<16xf32>
        %max3A_1680 = arith.maximumf %max3A_1679, %gather3A_1656 : vector<16xf32>
        %max3A_1681 = arith.maximumf %max3A_1680, %gather3A_1663 : vector<16xf32>
        %max3A_1682 = arith.maximumf %max3A_1681, %gather3A_1670 : vector<16xf32>
        %reduce_max3A_1683 = arith.constant true
        %reduce_max3A_1684 = vector.broadcast %reduce_max3A_1683 : i1 to vector<16xi1>
        %reduce_max3A_1685 = tpu.scan <max>, %max3A_1682 masked %reduce_max3A_1684 : vector<16xf32>, vector<16xi1> -> vector<16xf32>
        %reduce_max3A_1686 = vector.extract %reduce_max3A_1685[15] : f32 from vector<16xf32>
        %broadcast_in_dim3A_1687 = vector.broadcast %reduce_max3A_1686 : f32 to vector<16xf32>
        %sub3A_1688 = arith.subf %gather3A_1586, %broadcast_in_dim3A_1687 : vector<16xf32>
        %exp3A_1689 = math.exp %sub3A_1688 : vector<16xf32>
        %sub3A_1690 = arith.subf %gather3A_1593, %broadcast_in_dim3A_1687 : vector<16xf32>
        %exp3A_1691 = math.exp %sub3A_1690 : vector<16xf32>
        %sub3A_1692 = arith.subf %gather3A_1600, %broadcast_in_dim3A_1687 : vector<16xf32>
        %exp3A_1693 = math.exp %sub3A_1692 : vector<16xf32>
        %sub3A_1694 = arith.subf %gather3A_1607, %broadcast_in_dim3A_1687 : vector<16xf32>
        %exp3A_1695 = math.exp %sub3A_1694 : vector<16xf32>
        %sub3A_1696 = arith.subf %gather3A_1614, %broadcast_in_dim3A_1687 : vector<16xf32>
        %exp3A_1697 = math.exp %sub3A_1696 : vector<16xf32>
        %sub3A_1698 = arith.subf %gather3A_1621, %broadcast_in_dim3A_1687 : vector<16xf32>
        %exp3A_1699 = math.exp %sub3A_1698 : vector<16xf32>
        %sub3A_1700 = arith.subf %gather3A_1628, %broadcast_in_dim3A_1687 : vector<16xf32>
        %exp3A_1701 = math.exp %sub3A_1700 : vector<16xf32>
        %sub3A_1702 = arith.subf %gather3A_1635, %broadcast_in_dim3A_1687 : vector<16xf32>
        %exp3A_1703 = math.exp %sub3A_1702 : vector<16xf32>
        %sub3A_1704 = arith.subf %gather3A_1642, %broadcast_in_dim3A_1687 : vector<16xf32>
        %exp3A_1705 = math.exp %sub3A_1704 : vector<16xf32>
        %sub3A_1706 = arith.subf %gather3A_1649, %broadcast_in_dim3A_1687 : vector<16xf32>
        %exp3A_1707 = math.exp %sub3A_1706 : vector<16xf32>
        %sub3A_1708 = arith.subf %gather3A_1656, %broadcast_in_dim3A_1687 : vector<16xf32>
        %exp3A_1709 = math.exp %sub3A_1708 : vector<16xf32>
        %sub3A_1710 = arith.subf %gather3A_1663, %broadcast_in_dim3A_1687 : vector<16xf32>
        %exp3A_1711 = math.exp %sub3A_1710 : vector<16xf32>
        %sub3A_1712 = arith.subf %gather3A_1670, %broadcast_in_dim3A_1687 : vector<16xf32>
        %exp3A_1713 = math.exp %sub3A_1712 : vector<16xf32>
        %add3A_1714 = arith.addf %exp3A_1689, %exp3A_1691 : vector<16xf32>
        %add3A_1715 = arith.addf %add3A_1714, %exp3A_1693 : vector<16xf32>
        %add3A_1716 = arith.addf %add3A_1715, %exp3A_1695 : vector<16xf32>
        %add3A_1717 = arith.addf %add3A_1716, %exp3A_1697 : vector<16xf32>
        %add3A_1718 = arith.addf %add3A_1717, %exp3A_1699 : vector<16xf32>
        %add3A_1719 = arith.addf %add3A_1718, %exp3A_1701 : vector<16xf32>
        %add3A_1720 = arith.addf %add3A_1719, %exp3A_1703 : vector<16xf32>
        %add3A_1721 = arith.addf %add3A_1720, %exp3A_1705 : vector<16xf32>
        %add3A_1722 = arith.addf %add3A_1721, %exp3A_1707 : vector<16xf32>
        %add3A_1723 = arith.addf %add3A_1722, %exp3A_1709 : vector<16xf32>
        %add3A_1724 = arith.addf %add3A_1723, %exp3A_1711 : vector<16xf32>
        %select_n3A_1725 = arith.select %ge3A_5, %exp3A_1713, %broadcast_in_dim3A_6 : vector<16xi1>, vector<16xf32>
        %add3A_1726 = arith.addf %add3A_1724, %select_n3A_1725 : vector<16xf32>
        %reduce_sum3A_1727 = arith.constant true
        %reduce_sum3A_1728 = vector.broadcast %reduce_sum3A_1727 : i1 to vector<16xi1>
        %reduce_sum3A_1729 = tpu.scan <sum>, %add3A_1726 masked %reduce_sum3A_1728 : vector<16xf32>, vector<16xi1> -> vector<16xf32>
        %reduce_sum3A_1730 = vector.extract %reduce_sum3A_1729[15] : f32 from vector<16xf32>
        %broadcast_in_dim3A_1731 = vector.broadcast %reduce_sum3A_1730 : f32 to vector<16xf32>
        %div3A_1732 = arith.constant 1.000000e+00 : f32
        %div3A_1733 = vector.broadcast %div3A_1732 : f32 to vector<16xf32>
        %div3A_1734 = arith.divf %div3A_1733, %broadcast_in_dim3A_1731 : vector<16xf32>
        %mul3A_1735 = arith.mulf %exp3A_1689, %div3A_1734 : vector<16xf32>
        %swap3A_1736 = arith.constant 0 : index
        %swap3A_1737 = tpu.vector_load %arg18[%swap3A_1736] {strides = array<i32>} : memref<200xf32, #tpu.memory_space<vmem>>, vector<16xf32>,
        tpu.vector_store %arg18[%swap3A_1736], %mul3A_1735 {strides = array<i32>} : memref<200xf32, #tpu.memory_space<vmem>>, vector<16xf32>,
        %mul3A_1738 = arith.mulf %exp3A_1691, %div3A_1734 : vector<16xf32>
        %swap3A_1739 = arith.constant 16 : index
        %swap3A_1740 = tpu.vector_load %arg18[%swap3A_1739] {strides = array<i32>} : memref<200xf32, #tpu.memory_space<vmem>>, vector<16xf32>,
        tpu.vector_store %arg18[%swap3A_1739], %mul3A_1738 {strides = array<i32>} : memref<200xf32, #tpu.memory_space<vmem>>, vector<16xf32>,
        %mul3A_1741 = arith.mulf %exp3A_1693, %div3A_1734 : vector<16xf32>
        %swap3A_1742 = arith.constant 32 : index
        %swap3A_1743 = tpu.vector_load %arg18[%swap3A_1742] {strides = array<i32>} : memref<200xf32, #tpu.memory_space<vmem>>, vector<16xf32>,
        tpu.vector_store %arg18[%swap3A_1742], %mul3A_1741 {strides = array<i32>} : memref<200xf32, #tpu.memory_space<vmem>>, vector<16xf32>,
        %mul3A_1744 = arith.mulf %exp3A_1695, %div3A_1734 : vector<16xf32>
        %swap3A_1745 = arith.constant 48 : index
        %swap3A_1746 = tpu.vector_load %arg18[%swap3A_1745] {strides = array<i32>} : memref<200xf32, #tpu.memory_space<vmem>>, vector<16xf32>,
        tpu.vector_store %arg18[%swap3A_1745], %mul3A_1744 {strides = array<i32>} : memref<200xf32, #tpu.memory_space<vmem>>, vector<16xf32>,
        %mul3A_1747 = arith.mulf %exp3A_1697, %div3A_1734 : vector<16xf32>
        %swap3A_1748 = arith.constant 64 : index
        %swap3A_1749 = tpu.vector_load %arg18[%swap3A_1748] {strides = array<i32>} : memref<200xf32, #tpu.memory_space<vmem>>, vector<16xf32>,
        tpu.vector_store %arg18[%swap3A_1748], %mul3A_1747 {strides = array<i32>} : memref<200xf32, #tpu.memory_space<vmem>>, vector<16xf32>,
        %mul3A_1750 = arith.mulf %exp3A_1699, %div3A_1734 : vector<16xf32>
        %swap3A_1751 = arith.constant 80 : index
        %swap3A_1752 = tpu.vector_load %arg18[%swap3A_1751] {strides = array<i32>} : memref<200xf32, #tpu.memory_space<vmem>>, vector<16xf32>,
        tpu.vector_store %arg18[%swap3A_1751], %mul3A_1750 {strides = array<i32>} : memref<200xf32, #tpu.memory_space<vmem>>, vector<16xf32>,
        %mul3A_1753 = arith.mulf %exp3A_1701, %div3A_1734 : vector<16xf32>
        %swap3A_1754 = arith.constant 96 : index
        %swap3A_1755 = tpu.vector_load %arg18[%swap3A_1754] {strides = array<i32>} : memref<200xf32, #tpu.memory_space<vmem>>, vector<16xf32>,
        tpu.vector_store %arg18[%swap3A_1754], %mul3A_1753 {strides = array<i32>} : memref<200xf32, #tpu.memory_space<vmem>>, vector<16xf32>,
        %mul3A_1756 = arith.mulf %exp3A_1703, %div3A_1734 : vector<16xf32>
        %swap3A_1757 = arith.constant 112 : index
        %swap3A_1758 = tpu.vector_load %arg18[%swap3A_1757] {strides = array<i32>} : memref<200xf32, #tpu.memory_space<vmem>>, vector<16xf32>,
        tpu.vector_store %arg18[%swap3A_1757], %mul3A_1756 {strides = array<i32>} : memref<200xf32, #tpu.memory_space<vmem>>, vector<16xf32>,
        %mul3A_1759 = arith.mulf %exp3A_1705, %div3A_1734 : vector<16xf32>
        %swap3A_1760 = arith.constant 128 : index
        %swap3A_1761 = tpu.vector_load %arg18[%swap3A_1760] {strides = array<i32>} : memref<200xf32, #tpu.memory_space<vmem>>, vector<16xf32>,
        tpu.vector_store %arg18[%swap3A_1760], %mul3A_1759 {strides = array<i32>} : memref<200xf32, #tpu.memory_space<vmem>>, vector<16xf32>,
        %mul3A_1762 = arith.mulf %exp3A_1707, %div3A_1734 : vector<16xf32>
        %swap3A_1763 = arith.constant 144 : index
        %swap3A_1764 = tpu.vector_load %arg18[%swap3A_1763] {strides = array<i32>} : memref<200xf32, #tpu.memory_space<vmem>>, vector<16xf32>,
        tpu.vector_store %arg18[%swap3A_1763], %mul3A_1762 {strides = array<i32>} : memref<200xf32, #tpu.memory_space<vmem>>, vector<16xf32>,
        %mul3A_1765 = arith.mulf %exp3A_1709, %div3A_1734 : vector<16xf32>
        %swap3A_1766 = arith.constant 160 : index
        %swap3A_1767 = tpu.vector_load %arg18[%swap3A_1766] {strides = array<i32>} : memref<200xf32, #tpu.memory_space<vmem>>, vector<16xf32>,
        tpu.vector_store %arg18[%swap3A_1766], %mul3A_1765 {strides = array<i32>} : memref<200xf32, #tpu.memory_space<vmem>>, vector<16xf32>,
        %mul3A_1768 = arith.mulf %exp3A_1711, %div3A_1734 : vector<16xf32>
        %swap3A_1769 = arith.constant 176 : index
        %swap3A_1770 = tpu.vector_load %arg18[%swap3A_1769] {strides = array<i32>} : memref<200xf32, #tpu.memory_space<vmem>>, vector<16xf32>,
        tpu.vector_store %arg18[%swap3A_1769], %mul3A_1768 {strides = array<i32>} : memref<200xf32, #tpu.memory_space<vmem>>, vector<16xf32>,
        %mul3A_1771 = arith.mulf %exp3A_1713, %div3A_1734 : vector<16xf32>
        %swap3A_1772 = arith.constant 184 : index
        %swap3A_1773 = tpu.vector_load %arg18[%swap3A_1772] {strides = array<i32>} : memref<200xf32, #tpu.memory_space<vmem>>, vector<16xf32>,
        tpu.vector_store %arg18[%swap3A_1772], %mul3A_1771 {strides = array<i32>} : memref<200xf32, #tpu.memory_space<vmem>>, vector<16xf32>,
        %parallel_loop3A_1774 = arith.constant 0 : i32
        %parallel_loop3A_1775 = arith.constant 13 : i32
        %parallel_loop3A_1776 = arith.constant 1 : i32
        scf.for %parallel_loop3A_2351 = %parallel_loop3A_1774 to %parallel_loop3A_1775 step %parallel_loop3A_1776  : i32 {
          %parallel_loop3A_2352 = arith.constant 16 : i32
          %parallel_loop3A_2353 = arith.muli %parallel_loop3A_2351, %parallel_loop3A_2352 : i32
          %parallel_loop3A_2354 = arith.constant 184 : i32
          %parallel_loop3A_2355 = arith.minsi %parallel_loop3A_2353, %parallel_loop3A_2354 : i32
          %parallel_loop3A_2356 = arith.index_cast %mul3A_1223 : i32 to index
          %parallel_loop3A_2357 = arith.index_cast %parallel_loop3A_2355 : i32 to index
          %parallel_loop3A_2358 = tpu.vector_load %arg13[%parallel_loop3A_2356, %parallel_loop3A_2357] {strides = array<i32>} : memref<64x200xi32, #tpu.memory_space<vmem>>, vector<16xi32>,
          %parallel_loop3A_2359 = arith.index_cast %mul3A_1223 : i32 to index
          %parallel_loop3A_2360 = arith.index_cast %parallel_loop3A_2355 : i32 to index
          %parallel_loop3A_2361 = tpu.vector_load %arg14[%parallel_loop3A_2359, %parallel_loop3A_2360] {strides = array<i32>} : memref<64x200xi32, #tpu.memory_space<vmem>>, vector<16xi32>,
          %parallel_loop3A_2362 = arith.index_cast %mul3A_1223 : i32 to index
          %parallel_loop3A_2363 = arith.index_cast %parallel_loop3A_2355 : i32 to index
          %parallel_loop3A_2364 = tpu.vector_load %arg15[%parallel_loop3A_2362, %parallel_loop3A_2363] {strides = array<i32>} : memref<64x200xi32, #tpu.memory_space<vmem>>, vector<16xi32>,
          %parallel_loop3A_2365 = arith.index_cast %parallel_loop3A_2355 : i32 to index
          %parallel_loop3A_2366 = tpu.vector_load %arg16[%parallel_loop3A_2365] {strides = array<i32>} : memref<200xf32, #tpu.memory_space<vmem>>, vector<16xf32>,
          %parallel_loop3A_2367 = arith.index_cast %parallel_loop3A_2355 : i32 to index
          %parallel_loop3A_2368 = tpu.vector_load %arg17[%parallel_loop3A_2367] {strides = array<i32>} : memref<200xf32, #tpu.memory_space<vmem>>, vector<16xf32>,
          %parallel_loop3A_2369 = arith.index_cast %parallel_loop3A_2355 : i32 to index
          %parallel_loop3A_2370 = tpu.vector_load %arg18[%parallel_loop3A_2369] {strides = array<i32>} : memref<200xf32, #tpu.memory_space<vmem>>, vector<16xf32>,
          %parallel_loop3A_2371 = arith.constant 64 : i32
          %parallel_loop3A_2372 = vector.broadcast %parallel_loop3A_2371 : i32 to vector<16xi32>
          %parallel_loop3A_2373 = arith.muli %parallel_loop3A_2358, %parallel_loop3A_2372 : vector<16xi32>
          %parallel_loop3A_2374 = arith.constant 64 : i32
          %parallel_loop3A_2375 = vector.broadcast %parallel_loop3A_2374 : i32 to vector<16xi32>
          %parallel_loop3A_2376 = arith.muli %parallel_loop3A_2361, %parallel_loop3A_2375 : vector<16xi32>
          %parallel_loop3A_2377 = arith.constant 320 : i32
          %parallel_loop3A_2378 = vector.broadcast %parallel_loop3A_2377 : i32 to vector<16xi32>
          %parallel_loop3A_2379 = arith.addi %parallel_loop3A_2376, %parallel_loop3A_2378 : vector<16xi32>
          %parallel_loop3A_2380 = arith.constant 64 : i32
          %parallel_loop3A_2381 = vector.broadcast %parallel_loop3A_2380 : i32 to vector<16xi32>
          %parallel_loop3A_2382 = arith.muli %parallel_loop3A_2364, %parallel_loop3A_2381 : vector<16xi32>
          %parallel_loop3A_2383 = arith.constant 1664 : i32
          %parallel_loop3A_2384 = vector.broadcast %parallel_loop3A_2383 : i32 to vector<16xi32>
          %parallel_loop3A_2385 = arith.addi %parallel_loop3A_2382, %parallel_loop3A_2384 : vector<16xi32>
          %parallel_loop3A_2386 = arith.constant 64 : i32
          %parallel_loop3A_2387 = arith.muli %parallel_loop3A_2355, %parallel_loop3A_2386 : i32
          %parallel_loop3A_2388 = vector.broadcast %parallel_loop3A_2387 : i32 to vector<16xi32>
          %parallel_loop3A_2389 = arith.addi %mul3A_3, %parallel_loop3A_2388 : vector<16xi32>
          %parallel_loop3A_2390 = arith.constant 0 : i32
          %parallel_loop3A_2391 = arith.constant 64 : i32
          %parallel_loop3A_2392 = arith.constant 1 : i32
          %parallel_loop3A_2393 = scf.for %parallel_loop3A_2394 = %parallel_loop3A_2390 to %parallel_loop3A_2391 step %parallel_loop3A_2392 iter_args(%parallel_loop3A_2395 = %iota3A) -> (vector<16xi32>)  : i32 {
            %parallel_loop3A_2396 = arith.addi %parallel_loop3A_2373, %parallel_loop3A_2395 : vector<16xi32>
            %parallel_loop3A_2397 = tpu.vector_load_idx %arg9[%parallel_loop3A_2396] : memref<7168xf32, #tpu.memory_space<vmem>>[vector<16xi32>], vector<16xf32>,
            %parallel_loop3A_2398 = arith.addi %parallel_loop3A_2379, %parallel_loop3A_2395 : vector<16xi32>
            %parallel_loop3A_2399 = tpu.vector_load_idx %arg9[%parallel_loop3A_2398] : memref<7168xf32, #tpu.memory_space<vmem>>[vector<16xi32>], vector<16xf32>,
            %parallel_loop3A_2400 = arith.addi %parallel_loop3A_2385, %parallel_loop3A_2395 : vector<16xi32>
            %parallel_loop3A_2401 = tpu.vector_load_idx %arg9[%parallel_loop3A_2400] : memref<7168xf32, #tpu.memory_space<vmem>>[vector<16xi32>], vector<16xf32>,
            %parallel_loop3A_2402 = arith.mulf %parallel_loop3A_2366, %parallel_loop3A_2397 : vector<16xf32>
            %parallel_loop3A_2403 = arith.mulf %parallel_loop3A_2368, %parallel_loop3A_2399 : vector<16xf32>
            %parallel_loop3A_2404 = arith.addf %parallel_loop3A_2402, %parallel_loop3A_2403 : vector<16xf32>
            %parallel_loop3A_2405 = arith.mulf %parallel_loop3A_2370, %parallel_loop3A_2401 : vector<16xf32>
            %parallel_loop3A_2406 = arith.addf %parallel_loop3A_2404, %parallel_loop3A_2405 : vector<16xf32>
            %parallel_loop3A_2407 = arith.addi %parallel_loop3A_2389, %parallel_loop3A_2395 : vector<16xi32>
            tpu.vector_store_idx %arg19[%parallel_loop3A_2407], %parallel_loop3A_2406 : memref<12800xf32, #tpu.memory_space<vmem>>[vector<16xi32>], vector<16xf32>,
            %parallel_loop3A_2408 = arith.constant 1 : i32
            %parallel_loop3A_2409 = vector.broadcast %parallel_loop3A_2408 : i32 to vector<16xi32>
            %parallel_loop3A_2410 = arith.addi %parallel_loop3A_2395, %parallel_loop3A_2409 : vector<16xi32>
            %parallel_loop3A_2411 = arith.constant 63 : i32
            %parallel_loop3A_2412 = vector.broadcast %parallel_loop3A_2411 : i32 to vector<16xi32>
            %parallel_loop3A_2413 = arith.andi %parallel_loop3A_2410, %parallel_loop3A_2412 : vector<16xi32>
            scf.yield %parallel_loop3A_2413 : vector<16xi32>
          } {sc.loop_unroll_factor = 2 : i64, sc.parallel_access}
        } {sc.loop_unroll_factor = 1 : i64, sc.parallel_access}
        %add3A_1777 = arith.addi %add3A_26, %mul3A_1223 : i32
        %dma_start3A_1778 = arith.constant 0 : i32
        %dma_start3A_1779 = tpu.memref_slice %arg8[%add3A_1777, %dma_start3A_1778] : memref<4096x12800xf32, #tpu.memory_space<hbm>> -> memref<1x12800xf32, #tpu.memory_space<hbm>>
        %dma_start3A_1780 = tpu.memref_squeeze %dma_start3A_1779 : memref<1x12800xf32, #tpu.memory_space<hbm>> -> memref<12800xf32, #tpu.memory_space<hbm>>
        %dma_start3A_1781 = arith.constant 0 : i32
        %dma_start3A_1782 = tpu.memref_slice %arg8[%add3A_1777, %dma_start3A_1781] : memref<4096x12800xf32, #tpu.memory_space<hbm>> -> memref<1x12800xf32, #tpu.memory_space<hbm>>
        %dma_start3A_1783 = tpu.memref_squeeze %dma_start3A_1782 : memref<1x12800xf32, #tpu.memory_space<hbm>> -> memref<12800xf32, #tpu.memory_space<hbm>>
        tpu.enqueue_dma source(%arg19 : memref<12800xf32, #tpu.memory_space<vmem>>) target(%dma_start3A_1783 : memref<12800xf32, #tpu.memory_space<hbm>>) target_semaphore(%arg21 : memref<!tpu.dma_semaphore, #tpu.memory_space<semaphore_mem>>)
        %add3A_1784 = arith.addi %add3A_26, %mul3A_1223 : i32
        %add3A_1785 = arith.constant 1 : i32
        %add3A_1786 = arith.addi %add3A_1784, %add3A_1785 : i32
        %dma_wait3A_1787 = arith.constant 0 : i32
        %dma_wait3A_1788 = tpu.memref_slice %arg8[%add3A_1786, %dma_wait3A_1787] : memref<4096x12800xf32, #tpu.memory_space<hbm>> -> memref<1x12800xf32, #tpu.memory_space<hbm>>
        %dma_wait3A_1789 = tpu.memref_squeeze %dma_wait3A_1788 : memref<1x12800xf32, #tpu.memory_space<hbm>> -> memref<12800xf32, #tpu.memory_space<hbm>>
        %dma_wait3A_1790 = arith.constant 0 : i32
        %dma_wait3A_1791 = tpu.memref_slice %arg8[%add3A_1786, %dma_wait3A_1790] : memref<4096x12800xf32, #tpu.memory_space<hbm>> -> memref<1x12800xf32, #tpu.memory_space<hbm>>
        %dma_wait3A_1792 = tpu.memref_squeeze %dma_wait3A_1791 : memref<1x12800xf32, #tpu.memory_space<hbm>> -> memref<12800xf32, #tpu.memory_space<hbm>>
        tpu.wait_dma2 semaphore(%arg22 : memref<!tpu.dma_semaphore, #tpu.memory_space<semaphore_mem>>) src(%arg20 : memref<12800xf32, #tpu.memory_space<vmem>>) dst(%dma_wait3A_1792 : memref<12800xf32, #tpu.memory_space<hbm>>)
        %add3A_1793 = arith.constant 1 : i32
        %add3A_1794 = arith.addi %mul3A_1223, %add3A_1793 : i32
        %get3A_1795 = arith.index_cast %add3A_1794 : i32 to index
        %get3A_1796 = arith.constant 0 : index
        %get3A_1797 = tpu.vector_load %arg13[%get3A_1795, %get3A_1796] {strides = array<i32>} : memref<64x200xi32, #tpu.memory_space<vmem>>, vector<16xi32>,
        %gather3A_1798 = tpu.vector_load_idx %arg12[%get3A_1797] : memref<128xf32, #tpu.memory_space<vmem>>[vector<16xi32>], vector<16xf32>,
        %get3A_1799 = arith.index_cast %add3A_1794 : i32 to index
        %get3A_1800 = arith.constant 16 : index
        %get3A_1801 = tpu.vector_load %arg13[%get3A_1799, %get3A_1800] {strides = array<i32>} : memref<64x200xi32, #tpu.memory_space<vmem>>, vector<16xi32>,
        %gather3A_1802 = tpu.vector_load_idx %arg12[%get3A_1801] : memref<128xf32, #tpu.memory_space<vmem>>[vector<16xi32>], vector<16xf32>,
        %get3A_1803 = arith.index_cast %add3A_1794 : i32 to index
        %get3A_1804 = arith.constant 32 : index
        %get3A_1805 = tpu.vector_load %arg13[%get3A_1803, %get3A_1804] {strides = array<i32>} : memref<64x200xi32, #tpu.memory_space<vmem>>, vector<16xi32>,
        %gather3A_1806 = tpu.vector_load_idx %arg12[%get3A_1805] : memref<128xf32, #tpu.memory_space<vmem>>[vector<16xi32>], vector<16xf32>,
        %get3A_1807 = arith.index_cast %add3A_1794 : i32 to index
        %get3A_1808 = arith.constant 48 : index
        %get3A_1809 = tpu.vector_load %arg13[%get3A_1807, %get3A_1808] {strides = array<i32>} : memref<64x200xi32, #tpu.memory_space<vmem>>, vector<16xi32>,
        %gather3A_1810 = tpu.vector_load_idx %arg12[%get3A_1809] : memref<128xf32, #tpu.memory_space<vmem>>[vector<16xi32>], vector<16xf32>,
        %get3A_1811 = arith.index_cast %add3A_1794 : i32 to index
        %get3A_1812 = arith.constant 64 : index
        %get3A_1813 = tpu.vector_load %arg13[%get3A_1811, %get3A_1812] {strides = array<i32>} : memref<64x200xi32, #tpu.memory_space<vmem>>, vector<16xi32>,
        %gather3A_1814 = tpu.vector_load_idx %arg12[%get3A_1813] : memref<128xf32, #tpu.memory_space<vmem>>[vector<16xi32>], vector<16xf32>,
        %get3A_1815 = arith.index_cast %add3A_1794 : i32 to index
        %get3A_1816 = arith.constant 80 : index
        %get3A_1817 = tpu.vector_load %arg13[%get3A_1815, %get3A_1816] {strides = array<i32>} : memref<64x200xi32, #tpu.memory_space<vmem>>, vector<16xi32>,
        %gather3A_1818 = tpu.vector_load_idx %arg12[%get3A_1817] : memref<128xf32, #tpu.memory_space<vmem>>[vector<16xi32>], vector<16xf32>,
        %get3A_1819 = arith.index_cast %add3A_1794 : i32 to index
        %get3A_1820 = arith.constant 96 : index
        %get3A_1821 = tpu.vector_load %arg13[%get3A_1819, %get3A_1820] {strides = array<i32>} : memref<64x200xi32, #tpu.memory_space<vmem>>, vector<16xi32>,
        %gather3A_1822 = tpu.vector_load_idx %arg12[%get3A_1821] : memref<128xf32, #tpu.memory_space<vmem>>[vector<16xi32>], vector<16xf32>,
        %get3A_1823 = arith.index_cast %add3A_1794 : i32 to index
        %get3A_1824 = arith.constant 112 : index
        %get3A_1825 = tpu.vector_load %arg13[%get3A_1823, %get3A_1824] {strides = array<i32>} : memref<64x200xi32, #tpu.memory_space<vmem>>, vector<16xi32>,
        %gather3A_1826 = tpu.vector_load_idx %arg12[%get3A_1825] : memref<128xf32, #tpu.memory_space<vmem>>[vector<16xi32>], vector<16xf32>,
        %get3A_1827 = arith.index_cast %add3A_1794 : i32 to index
        %get3A_1828 = arith.constant 128 : index
        %get3A_1829 = tpu.vector_load %arg13[%get3A_1827, %get3A_1828] {strides = array<i32>} : memref<64x200xi32, #tpu.memory_space<vmem>>, vector<16xi32>,
        %gather3A_1830 = tpu.vector_load_idx %arg12[%get3A_1829] : memref<128xf32, #tpu.memory_space<vmem>>[vector<16xi32>], vector<16xf32>,
        %get3A_1831 = arith.index_cast %add3A_1794 : i32 to index
        %get3A_1832 = arith.constant 144 : index
        %get3A_1833 = tpu.vector_load %arg13[%get3A_1831, %get3A_1832] {strides = array<i32>} : memref<64x200xi32, #tpu.memory_space<vmem>>, vector<16xi32>,
        %gather3A_1834 = tpu.vector_load_idx %arg12[%get3A_1833] : memref<128xf32, #tpu.memory_space<vmem>>[vector<16xi32>], vector<16xf32>,
        %get3A_1835 = arith.index_cast %add3A_1794 : i32 to index
        %get3A_1836 = arith.constant 160 : index
        %get3A_1837 = tpu.vector_load %arg13[%get3A_1835, %get3A_1836] {strides = array<i32>} : memref<64x200xi32, #tpu.memory_space<vmem>>, vector<16xi32>,
        %gather3A_1838 = tpu.vector_load_idx %arg12[%get3A_1837] : memref<128xf32, #tpu.memory_space<vmem>>[vector<16xi32>], vector<16xf32>,
        %get3A_1839 = arith.index_cast %add3A_1794 : i32 to index
        %get3A_1840 = arith.constant 176 : index
        %get3A_1841 = tpu.vector_load %arg13[%get3A_1839, %get3A_1840] {strides = array<i32>} : memref<64x200xi32, #tpu.memory_space<vmem>>, vector<16xi32>,
        %gather3A_1842 = tpu.vector_load_idx %arg12[%get3A_1841] : memref<128xf32, #tpu.memory_space<vmem>>[vector<16xi32>], vector<16xf32>,
        %get3A_1843 = arith.index_cast %add3A_1794 : i32 to index
        %get3A_1844 = arith.constant 184 : index
        %get3A_1845 = tpu.vector_load %arg13[%get3A_1843, %get3A_1844] {strides = array<i32>} : memref<64x200xi32, #tpu.memory_space<vmem>>, vector<16xi32>,
        %gather3A_1846 = tpu.vector_load_idx %arg12[%get3A_1845] : memref<128xf32, #tpu.memory_space<vmem>>[vector<16xi32>], vector<16xf32>,
        %max3A_1847 = arith.maximumf %gather3A_1798, %gather3A_1802 : vector<16xf32>
        %max3A_1848 = arith.maximumf %max3A_1847, %gather3A_1806 : vector<16xf32>
        %max3A_1849 = arith.maximumf %max3A_1848, %gather3A_1810 : vector<16xf32>
        %max3A_1850 = arith.maximumf %max3A_1849, %gather3A_1814 : vector<16xf32>
        %max3A_1851 = arith.maximumf %max3A_1850, %gather3A_1818 : vector<16xf32>
        %max3A_1852 = arith.maximumf %max3A_1851, %gather3A_1822 : vector<16xf32>
        %max3A_1853 = arith.maximumf %max3A_1852, %gather3A_1826 : vector<16xf32>
        %max3A_1854 = arith.maximumf %max3A_1853, %gather3A_1830 : vector<16xf32>
        %max3A_1855 = arith.maximumf %max3A_1854, %gather3A_1834 : vector<16xf32>
        %max3A_1856 = arith.maximumf %max3A_1855, %gather3A_1838 : vector<16xf32>
        %max3A_1857 = arith.maximumf %max3A_1856, %gather3A_1842 : vector<16xf32>
        %max3A_1858 = arith.maximumf %max3A_1857, %gather3A_1846 : vector<16xf32>
        %reduce_max3A_1859 = arith.constant true
        %reduce_max3A_1860 = vector.broadcast %reduce_max3A_1859 : i1 to vector<16xi1>
        %reduce_max3A_1861 = tpu.scan <max>, %max3A_1858 masked %reduce_max3A_1860 : vector<16xf32>, vector<16xi1> -> vector<16xf32>
        %reduce_max3A_1862 = vector.extract %reduce_max3A_1861[15] : f32 from vector<16xf32>
        %broadcast_in_dim3A_1863 = vector.broadcast %reduce_max3A_1862 : f32 to vector<16xf32>
        %sub3A_1864 = arith.subf %gather3A_1798, %broadcast_in_dim3A_1863 : vector<16xf32>
        %exp3A_1865 = math.exp %sub3A_1864 : vector<16xf32>
        %sub3A_1866 = arith.subf %gather3A_1802, %broadcast_in_dim3A_1863 : vector<16xf32>
        %exp3A_1867 = math.exp %sub3A_1866 : vector<16xf32>
        %sub3A_1868 = arith.subf %gather3A_1806, %broadcast_in_dim3A_1863 : vector<16xf32>
        %exp3A_1869 = math.exp %sub3A_1868 : vector<16xf32>
        %sub3A_1870 = arith.subf %gather3A_1810, %broadcast_in_dim3A_1863 : vector<16xf32>
        %exp3A_1871 = math.exp %sub3A_1870 : vector<16xf32>
        %sub3A_1872 = arith.subf %gather3A_1814, %broadcast_in_dim3A_1863 : vector<16xf32>
        %exp3A_1873 = math.exp %sub3A_1872 : vector<16xf32>
        %sub3A_1874 = arith.subf %gather3A_1818, %broadcast_in_dim3A_1863 : vector<16xf32>
        %exp3A_1875 = math.exp %sub3A_1874 : vector<16xf32>
        %sub3A_1876 = arith.subf %gather3A_1822, %broadcast_in_dim3A_1863 : vector<16xf32>
        %exp3A_1877 = math.exp %sub3A_1876 : vector<16xf32>
        %sub3A_1878 = arith.subf %gather3A_1826, %broadcast_in_dim3A_1863 : vector<16xf32>
        %exp3A_1879 = math.exp %sub3A_1878 : vector<16xf32>
        %sub3A_1880 = arith.subf %gather3A_1830, %broadcast_in_dim3A_1863 : vector<16xf32>
        %exp3A_1881 = math.exp %sub3A_1880 : vector<16xf32>
        %sub3A_1882 = arith.subf %gather3A_1834, %broadcast_in_dim3A_1863 : vector<16xf32>
        %exp3A_1883 = math.exp %sub3A_1882 : vector<16xf32>
        %sub3A_1884 = arith.subf %gather3A_1838, %broadcast_in_dim3A_1863 : vector<16xf32>
        %exp3A_1885 = math.exp %sub3A_1884 : vector<16xf32>
        %sub3A_1886 = arith.subf %gather3A_1842, %broadcast_in_dim3A_1863 : vector<16xf32>
        %exp3A_1887 = math.exp %sub3A_1886 : vector<16xf32>
        %sub3A_1888 = arith.subf %gather3A_1846, %broadcast_in_dim3A_1863 : vector<16xf32>
        %exp3A_1889 = math.exp %sub3A_1888 : vector<16xf32>
        %add3A_1890 = arith.addf %exp3A_1865, %exp3A_1867 : vector<16xf32>
        %add3A_1891 = arith.addf %add3A_1890, %exp3A_1869 : vector<16xf32>
        %add3A_1892 = arith.addf %add3A_1891, %exp3A_1871 : vector<16xf32>
        %add3A_1893 = arith.addf %add3A_1892, %exp3A_1873 : vector<16xf32>
        %add3A_1894 = arith.addf %add3A_1893, %exp3A_1875 : vector<16xf32>
        %add3A_1895 = arith.addf %add3A_1894, %exp3A_1877 : vector<16xf32>
        %add3A_1896 = arith.addf %add3A_1895, %exp3A_1879 : vector<16xf32>
        %add3A_1897 = arith.addf %add3A_1896, %exp3A_1881 : vector<16xf32>
        %add3A_1898 = arith.addf %add3A_1897, %exp3A_1883 : vector<16xf32>
        %add3A_1899 = arith.addf %add3A_1898, %exp3A_1885 : vector<16xf32>
        %add3A_1900 = arith.addf %add3A_1899, %exp3A_1887 : vector<16xf32>
        %select_n3A_1901 = arith.select %ge3A_5, %exp3A_1889, %broadcast_in_dim3A_6 : vector<16xi1>, vector<16xf32>
        %add3A_1902 = arith.addf %add3A_1900, %select_n3A_1901 : vector<16xf32>
        %reduce_sum3A_1903 = arith.constant true
        %reduce_sum3A_1904 = vector.broadcast %reduce_sum3A_1903 : i1 to vector<16xi1>
        %reduce_sum3A_1905 = tpu.scan <sum>, %add3A_1902 masked %reduce_sum3A_1904 : vector<16xf32>, vector<16xi1> -> vector<16xf32>
        %reduce_sum3A_1906 = vector.extract %reduce_sum3A_1905[15] : f32 from vector<16xf32>
        %broadcast_in_dim3A_1907 = vector.broadcast %reduce_sum3A_1906 : f32 to vector<16xf32>
        %div3A_1908 = arith.constant 1.000000e+00 : f32
        %div3A_1909 = vector.broadcast %div3A_1908 : f32 to vector<16xf32>
        %div3A_1910 = arith.divf %div3A_1909, %broadcast_in_dim3A_1907 : vector<16xf32>
        %mul3A_1911 = arith.mulf %exp3A_1865, %div3A_1910 : vector<16xf32>
        %swap3A_1912 = arith.constant 0 : index
        %swap3A_1913 = tpu.vector_load %arg16[%swap3A_1912] {strides = array<i32>} : memref<200xf32, #tpu.memory_space<vmem>>, vector<16xf32>,
        tpu.vector_store %arg16[%swap3A_1912], %mul3A_1911 {strides = array<i32>} : memref<200xf32, #tpu.memory_space<vmem>>, vector<16xf32>,
        %mul3A_1914 = arith.mulf %exp3A_1867, %div3A_1910 : vector<16xf32>
        %swap3A_1915 = arith.constant 16 : index
        %swap3A_1916 = tpu.vector_load %arg16[%swap3A_1915] {strides = array<i32>} : memref<200xf32, #tpu.memory_space<vmem>>, vector<16xf32>,
        tpu.vector_store %arg16[%swap3A_1915], %mul3A_1914 {strides = array<i32>} : memref<200xf32, #tpu.memory_space<vmem>>, vector<16xf32>,
        %mul3A_1917 = arith.mulf %exp3A_1869, %div3A_1910 : vector<16xf32>
        %swap3A_1918 = arith.constant 32 : index
        %swap3A_1919 = tpu.vector_load %arg16[%swap3A_1918] {strides = array<i32>} : memref<200xf32, #tpu.memory_space<vmem>>, vector<16xf32>,
        tpu.vector_store %arg16[%swap3A_1918], %mul3A_1917 {strides = array<i32>} : memref<200xf32, #tpu.memory_space<vmem>>, vector<16xf32>,
        %mul3A_1920 = arith.mulf %exp3A_1871, %div3A_1910 : vector<16xf32>
        %swap3A_1921 = arith.constant 48 : index
        %swap3A_1922 = tpu.vector_load %arg16[%swap3A_1921] {strides = array<i32>} : memref<200xf32, #tpu.memory_space<vmem>>, vector<16xf32>,
        tpu.vector_store %arg16[%swap3A_1921], %mul3A_1920 {strides = array<i32>} : memref<200xf32, #tpu.memory_space<vmem>>, vector<16xf32>,
        %mul3A_1923 = arith.mulf %exp3A_1873, %div3A_1910 : vector<16xf32>
        %swap3A_1924 = arith.constant 64 : index
        %swap3A_1925 = tpu.vector_load %arg16[%swap3A_1924] {strides = array<i32>} : memref<200xf32, #tpu.memory_space<vmem>>, vector<16xf32>,
        tpu.vector_store %arg16[%swap3A_1924], %mul3A_1923 {strides = array<i32>} : memref<200xf32, #tpu.memory_space<vmem>>, vector<16xf32>,
        %mul3A_1926 = arith.mulf %exp3A_1875, %div3A_1910 : vector<16xf32>
        %swap3A_1927 = arith.constant 80 : index
        %swap3A_1928 = tpu.vector_load %arg16[%swap3A_1927] {strides = array<i32>} : memref<200xf32, #tpu.memory_space<vmem>>, vector<16xf32>,
        tpu.vector_store %arg16[%swap3A_1927], %mul3A_1926 {strides = array<i32>} : memref<200xf32, #tpu.memory_space<vmem>>, vector<16xf32>,
        %mul3A_1929 = arith.mulf %exp3A_1877, %div3A_1910 : vector<16xf32>
        %swap3A_1930 = arith.constant 96 : index
        %swap3A_1931 = tpu.vector_load %arg16[%swap3A_1930] {strides = array<i32>} : memref<200xf32, #tpu.memory_space<vmem>>, vector<16xf32>,
        tpu.vector_store %arg16[%swap3A_1930], %mul3A_1929 {strides = array<i32>} : memref<200xf32, #tpu.memory_space<vmem>>, vector<16xf32>,
        %mul3A_1932 = arith.mulf %exp3A_1879, %div3A_1910 : vector<16xf32>
        %swap3A_1933 = arith.constant 112 : index
        %swap3A_1934 = tpu.vector_load %arg16[%swap3A_1933] {strides = array<i32>} : memref<200xf32, #tpu.memory_space<vmem>>, vector<16xf32>,
        tpu.vector_store %arg16[%swap3A_1933], %mul3A_1932 {strides = array<i32>} : memref<200xf32, #tpu.memory_space<vmem>>, vector<16xf32>,
        %mul3A_1935 = arith.mulf %exp3A_1881, %div3A_1910 : vector<16xf32>
        %swap3A_1936 = arith.constant 128 : index
        %swap3A_1937 = tpu.vector_load %arg16[%swap3A_1936] {strides = array<i32>} : memref<200xf32, #tpu.memory_space<vmem>>, vector<16xf32>,
        tpu.vector_store %arg16[%swap3A_1936], %mul3A_1935 {strides = array<i32>} : memref<200xf32, #tpu.memory_space<vmem>>, vector<16xf32>,
        %mul3A_1938 = arith.mulf %exp3A_1883, %div3A_1910 : vector<16xf32>
        %swap3A_1939 = arith.constant 144 : index
        %swap3A_1940 = tpu.vector_load %arg16[%swap3A_1939] {strides = array<i32>} : memref<200xf32, #tpu.memory_space<vmem>>, vector<16xf32>,
        tpu.vector_store %arg16[%swap3A_1939], %mul3A_1938 {strides = array<i32>} : memref<200xf32, #tpu.memory_space<vmem>>, vector<16xf32>,
        %mul3A_1941 = arith.mulf %exp3A_1885, %div3A_1910 : vector<16xf32>
        %swap3A_1942 = arith.constant 160 : index
        %swap3A_1943 = tpu.vector_load %arg16[%swap3A_1942] {strides = array<i32>} : memref<200xf32, #tpu.memory_space<vmem>>, vector<16xf32>,
        tpu.vector_store %arg16[%swap3A_1942], %mul3A_1941 {strides = array<i32>} : memref<200xf32, #tpu.memory_space<vmem>>, vector<16xf32>,
        %mul3A_1944 = arith.mulf %exp3A_1887, %div3A_1910 : vector<16xf32>
        %swap3A_1945 = arith.constant 176 : index
        %swap3A_1946 = tpu.vector_load %arg16[%swap3A_1945] {strides = array<i32>} : memref<200xf32, #tpu.memory_space<vmem>>, vector<16xf32>,
        tpu.vector_store %arg16[%swap3A_1945], %mul3A_1944 {strides = array<i32>} : memref<200xf32, #tpu.memory_space<vmem>>, vector<16xf32>,
        %mul3A_1947 = arith.mulf %exp3A_1889, %div3A_1910 : vector<16xf32>
        %swap3A_1948 = arith.constant 184 : index
        %swap3A_1949 = tpu.vector_load %arg16[%swap3A_1948] {strides = array<i32>} : memref<200xf32, #tpu.memory_space<vmem>>, vector<16xf32>,
        tpu.vector_store %arg16[%swap3A_1948], %mul3A_1947 {strides = array<i32>} : memref<200xf32, #tpu.memory_space<vmem>>, vector<16xf32>,
        %get3A_1950 = arith.index_cast %add3A_1794 : i32 to index
        %get3A_1951 = arith.constant 0 : index
        %get3A_1952 = tpu.vector_load %arg14[%get3A_1950, %get3A_1951] {strides = array<i32>} : memref<64x200xi32, #tpu.memory_space<vmem>>, vector<16xi32>,
        %add3A_1953 = arith.constant 5 : i32
        %add3A_1954 = vector.broadcast %add3A_1953 : i32 to vector<16xi32>
        %add3A_1955 = arith.addi %get3A_1952, %add3A_1954 : vector<16xi32>
        %gather3A_1956 = tpu.vector_load_idx %arg12[%add3A_1955] : memref<128xf32, #tpu.memory_space<vmem>>[vector<16xi32>], vector<16xf32>,
        %get3A_1957 = arith.index_cast %add3A_1794 : i32 to index
        %get3A_1958 = arith.constant 16 : index
        %get3A_1959 = tpu.vector_load %arg14[%get3A_1957, %get3A_1958] {strides = array<i32>} : memref<64x200xi32, #tpu.memory_space<vmem>>, vector<16xi32>,
        %add3A_1960 = arith.constant 5 : i32
        %add3A_1961 = vector.broadcast %add3A_1960 : i32 to vector<16xi32>
        %add3A_1962 = arith.addi %get3A_1959, %add3A_1961 : vector<16xi32>
        %gather3A_1963 = tpu.vector_load_idx %arg12[%add3A_1962] : memref<128xf32, #tpu.memory_space<vmem>>[vector<16xi32>], vector<16xf32>,
        %get3A_1964 = arith.index_cast %add3A_1794 : i32 to index
        %get3A_1965 = arith.constant 32 : index
        %get3A_1966 = tpu.vector_load %arg14[%get3A_1964, %get3A_1965] {strides = array<i32>} : memref<64x200xi32, #tpu.memory_space<vmem>>, vector<16xi32>,
        %add3A_1967 = arith.constant 5 : i32
        %add3A_1968 = vector.broadcast %add3A_1967 : i32 to vector<16xi32>
        %add3A_1969 = arith.addi %get3A_1966, %add3A_1968 : vector<16xi32>
        %gather3A_1970 = tpu.vector_load_idx %arg12[%add3A_1969] : memref<128xf32, #tpu.memory_space<vmem>>[vector<16xi32>], vector<16xf32>,
        %get3A_1971 = arith.index_cast %add3A_1794 : i32 to index
        %get3A_1972 = arith.constant 48 : index
        %get3A_1973 = tpu.vector_load %arg14[%get3A_1971, %get3A_1972] {strides = array<i32>} : memref<64x200xi32, #tpu.memory_space<vmem>>, vector<16xi32>,
        %add3A_1974 = arith.constant 5 : i32
        %add3A_1975 = vector.broadcast %add3A_1974 : i32 to vector<16xi32>
        %add3A_1976 = arith.addi %get3A_1973, %add3A_1975 : vector<16xi32>
        %gather3A_1977 = tpu.vector_load_idx %arg12[%add3A_1976] : memref<128xf32, #tpu.memory_space<vmem>>[vector<16xi32>], vector<16xf32>,
        %get3A_1978 = arith.index_cast %add3A_1794 : i32 to index
        %get3A_1979 = arith.constant 64 : index
        %get3A_1980 = tpu.vector_load %arg14[%get3A_1978, %get3A_1979] {strides = array<i32>} : memref<64x200xi32, #tpu.memory_space<vmem>>, vector<16xi32>,
        %add3A_1981 = arith.constant 5 : i32
        %add3A_1982 = vector.broadcast %add3A_1981 : i32 to vector<16xi32>
        %add3A_1983 = arith.addi %get3A_1980, %add3A_1982 : vector<16xi32>
        %gather3A_1984 = tpu.vector_load_idx %arg12[%add3A_1983] : memref<128xf32, #tpu.memory_space<vmem>>[vector<16xi32>], vector<16xf32>,
        %get3A_1985 = arith.index_cast %add3A_1794 : i32 to index
        %get3A_1986 = arith.constant 80 : index
        %get3A_1987 = tpu.vector_load %arg14[%get3A_1985, %get3A_1986] {strides = array<i32>} : memref<64x200xi32, #tpu.memory_space<vmem>>, vector<16xi32>,
        %add3A_1988 = arith.constant 5 : i32
        %add3A_1989 = vector.broadcast %add3A_1988 : i32 to vector<16xi32>
        %add3A_1990 = arith.addi %get3A_1987, %add3A_1989 : vector<16xi32>
        %gather3A_1991 = tpu.vector_load_idx %arg12[%add3A_1990] : memref<128xf32, #tpu.memory_space<vmem>>[vector<16xi32>], vector<16xf32>,
        %get3A_1992 = arith.index_cast %add3A_1794 : i32 to index
        %get3A_1993 = arith.constant 96 : index
        %get3A_1994 = tpu.vector_load %arg14[%get3A_1992, %get3A_1993] {strides = array<i32>} : memref<64x200xi32, #tpu.memory_space<vmem>>, vector<16xi32>,
        %add3A_1995 = arith.constant 5 : i32
        %add3A_1996 = vector.broadcast %add3A_1995 : i32 to vector<16xi32>
        %add3A_1997 = arith.addi %get3A_1994, %add3A_1996 : vector<16xi32>
        %gather3A_1998 = tpu.vector_load_idx %arg12[%add3A_1997] : memref<128xf32, #tpu.memory_space<vmem>>[vector<16xi32>], vector<16xf32>,
        %get3A_1999 = arith.index_cast %add3A_1794 : i32 to index
        %get3A_2000 = arith.constant 112 : index
        %get3A_2001 = tpu.vector_load %arg14[%get3A_1999, %get3A_2000] {strides = array<i32>} : memref<64x200xi32, #tpu.memory_space<vmem>>, vector<16xi32>,
        %add3A_2002 = arith.constant 5 : i32
        %add3A_2003 = vector.broadcast %add3A_2002 : i32 to vector<16xi32>
        %add3A_2004 = arith.addi %get3A_2001, %add3A_2003 : vector<16xi32>
        %gather3A_2005 = tpu.vector_load_idx %arg12[%add3A_2004] : memref<128xf32, #tpu.memory_space<vmem>>[vector<16xi32>], vector<16xf32>,
        %get3A_2006 = arith.index_cast %add3A_1794 : i32 to index
        %get3A_2007 = arith.constant 128 : index
        %get3A_2008 = tpu.vector_load %arg14[%get3A_2006, %get3A_2007] {strides = array<i32>} : memref<64x200xi32, #tpu.memory_space<vmem>>, vector<16xi32>,
        %add3A_2009 = arith.constant 5 : i32
        %add3A_2010 = vector.broadcast %add3A_2009 : i32 to vector<16xi32>
        %add3A_2011 = arith.addi %get3A_2008, %add3A_2010 : vector<16xi32>
        %gather3A_2012 = tpu.vector_load_idx %arg12[%add3A_2011] : memref<128xf32, #tpu.memory_space<vmem>>[vector<16xi32>], vector<16xf32>,
        %get3A_2013 = arith.index_cast %add3A_1794 : i32 to index
        %get3A_2014 = arith.constant 144 : index
        %get3A_2015 = tpu.vector_load %arg14[%get3A_2013, %get3A_2014] {strides = array<i32>} : memref<64x200xi32, #tpu.memory_space<vmem>>, vector<16xi32>,
        %add3A_2016 = arith.constant 5 : i32
        %add3A_2017 = vector.broadcast %add3A_2016 : i32 to vector<16xi32>
        %add3A_2018 = arith.addi %get3A_2015, %add3A_2017 : vector<16xi32>
        %gather3A_2019 = tpu.vector_load_idx %arg12[%add3A_2018] : memref<128xf32, #tpu.memory_space<vmem>>[vector<16xi32>], vector<16xf32>,
        %get3A_2020 = arith.index_cast %add3A_1794 : i32 to index
        %get3A_2021 = arith.constant 160 : index
        %get3A_2022 = tpu.vector_load %arg14[%get3A_2020, %get3A_2021] {strides = array<i32>} : memref<64x200xi32, #tpu.memory_space<vmem>>, vector<16xi32>,
        %add3A_2023 = arith.constant 5 : i32
        %add3A_2024 = vector.broadcast %add3A_2023 : i32 to vector<16xi32>
        %add3A_2025 = arith.addi %get3A_2022, %add3A_2024 : vector<16xi32>
        %gather3A_2026 = tpu.vector_load_idx %arg12[%add3A_2025] : memref<128xf32, #tpu.memory_space<vmem>>[vector<16xi32>], vector<16xf32>,
        %get3A_2027 = arith.index_cast %add3A_1794 : i32 to index
        %get3A_2028 = arith.constant 176 : index
        %get3A_2029 = tpu.vector_load %arg14[%get3A_2027, %get3A_2028] {strides = array<i32>} : memref<64x200xi32, #tpu.memory_space<vmem>>, vector<16xi32>,
        %add3A_2030 = arith.constant 5 : i32
        %add3A_2031 = vector.broadcast %add3A_2030 : i32 to vector<16xi32>
        %add3A_2032 = arith.addi %get3A_2029, %add3A_2031 : vector<16xi32>
        %gather3A_2033 = tpu.vector_load_idx %arg12[%add3A_2032] : memref<128xf32, #tpu.memory_space<vmem>>[vector<16xi32>], vector<16xf32>,
        %get3A_2034 = arith.index_cast %add3A_1794 : i32 to index
        %get3A_2035 = arith.constant 184 : index
        %get3A_2036 = tpu.vector_load %arg14[%get3A_2034, %get3A_2035] {strides = array<i32>} : memref<64x200xi32, #tpu.memory_space<vmem>>, vector<16xi32>,
        %add3A_2037 = arith.constant 5 : i32
        %add3A_2038 = vector.broadcast %add3A_2037 : i32 to vector<16xi32>
        %add3A_2039 = arith.addi %get3A_2036, %add3A_2038 : vector<16xi32>
        %gather3A_2040 = tpu.vector_load_idx %arg12[%add3A_2039] : memref<128xf32, #tpu.memory_space<vmem>>[vector<16xi32>], vector<16xf32>,
        %max3A_2041 = arith.maximumf %gather3A_1956, %gather3A_1963 : vector<16xf32>
        %max3A_2042 = arith.maximumf %max3A_2041, %gather3A_1970 : vector<16xf32>
        %max3A_2043 = arith.maximumf %max3A_2042, %gather3A_1977 : vector<16xf32>
        %max3A_2044 = arith.maximumf %max3A_2043, %gather3A_1984 : vector<16xf32>
        %max3A_2045 = arith.maximumf %max3A_2044, %gather3A_1991 : vector<16xf32>
        %max3A_2046 = arith.maximumf %max3A_2045, %gather3A_1998 : vector<16xf32>
        %max3A_2047 = arith.maximumf %max3A_2046, %gather3A_2005 : vector<16xf32>
        %max3A_2048 = arith.maximumf %max3A_2047, %gather3A_2012 : vector<16xf32>
        %max3A_2049 = arith.maximumf %max3A_2048, %gather3A_2019 : vector<16xf32>
        %max3A_2050 = arith.maximumf %max3A_2049, %gather3A_2026 : vector<16xf32>
        %max3A_2051 = arith.maximumf %max3A_2050, %gather3A_2033 : vector<16xf32>
        %max3A_2052 = arith.maximumf %max3A_2051, %gather3A_2040 : vector<16xf32>
        %reduce_max3A_2053 = arith.constant true
        %reduce_max3A_2054 = vector.broadcast %reduce_max3A_2053 : i1 to vector<16xi1>
        %reduce_max3A_2055 = tpu.scan <max>, %max3A_2052 masked %reduce_max3A_2054 : vector<16xf32>, vector<16xi1> -> vector<16xf32>
        %reduce_max3A_2056 = vector.extract %reduce_max3A_2055[15] : f32 from vector<16xf32>
        %broadcast_in_dim3A_2057 = vector.broadcast %reduce_max3A_2056 : f32 to vector<16xf32>
        %sub3A_2058 = arith.subf %gather3A_1956, %broadcast_in_dim3A_2057 : vector<16xf32>
        %exp3A_2059 = math.exp %sub3A_2058 : vector<16xf32>
        %sub3A_2060 = arith.subf %gather3A_1963, %broadcast_in_dim3A_2057 : vector<16xf32>
        %exp3A_2061 = math.exp %sub3A_2060 : vector<16xf32>
        %sub3A_2062 = arith.subf %gather3A_1970, %broadcast_in_dim3A_2057 : vector<16xf32>
        %exp3A_2063 = math.exp %sub3A_2062 : vector<16xf32>
        %sub3A_2064 = arith.subf %gather3A_1977, %broadcast_in_dim3A_2057 : vector<16xf32>
        %exp3A_2065 = math.exp %sub3A_2064 : vector<16xf32>
        %sub3A_2066 = arith.subf %gather3A_1984, %broadcast_in_dim3A_2057 : vector<16xf32>
        %exp3A_2067 = math.exp %sub3A_2066 : vector<16xf32>
        %sub3A_2068 = arith.subf %gather3A_1991, %broadcast_in_dim3A_2057 : vector<16xf32>
        %exp3A_2069 = math.exp %sub3A_2068 : vector<16xf32>
        %sub3A_2070 = arith.subf %gather3A_1998, %broadcast_in_dim3A_2057 : vector<16xf32>
        %exp3A_2071 = math.exp %sub3A_2070 : vector<16xf32>
        %sub3A_2072 = arith.subf %gather3A_2005, %broadcast_in_dim3A_2057 : vector<16xf32>
        %exp3A_2073 = math.exp %sub3A_2072 : vector<16xf32>
        %sub3A_2074 = arith.subf %gather3A_2012, %broadcast_in_dim3A_2057 : vector<16xf32>
        %exp3A_2075 = math.exp %sub3A_2074 : vector<16xf32>
        %sub3A_2076 = arith.subf %gather3A_2019, %broadcast_in_dim3A_2057 : vector<16xf32>
        %exp3A_2077 = math.exp %sub3A_2076 : vector<16xf32>
        %sub3A_2078 = arith.subf %gather3A_2026, %broadcast_in_dim3A_2057 : vector<16xf32>
        %exp3A_2079 = math.exp %sub3A_2078 : vector<16xf32>
        %sub3A_2080 = arith.subf %gather3A_2033, %broadcast_in_dim3A_2057 : vector<16xf32>
        %exp3A_2081 = math.exp %sub3A_2080 : vector<16xf32>
        %sub3A_2082 = arith.subf %gather3A_2040, %broadcast_in_dim3A_2057 : vector<16xf32>
        %exp3A_2083 = math.exp %sub3A_2082 : vector<16xf32>
        %add3A_2084 = arith.addf %exp3A_2059, %exp3A_2061 : vector<16xf32>
        %add3A_2085 = arith.addf %add3A_2084, %exp3A_2063 : vector<16xf32>
        %add3A_2086 = arith.addf %add3A_2085, %exp3A_2065 : vector<16xf32>
        %add3A_2087 = arith.addf %add3A_2086, %exp3A_2067 : vector<16xf32>
        %add3A_2088 = arith.addf %add3A_2087, %exp3A_2069 : vector<16xf32>
        %add3A_2089 = arith.addf %add3A_2088, %exp3A_2071 : vector<16xf32>
        %add3A_2090 = arith.addf %add3A_2089, %exp3A_2073 : vector<16xf32>
        %add3A_2091 = arith.addf %add3A_2090, %exp3A_2075 : vector<16xf32>
        %add3A_2092 = arith.addf %add3A_2091, %exp3A_2077 : vector<16xf32>
        %add3A_2093 = arith.addf %add3A_2092, %exp3A_2079 : vector<16xf32>
        %add3A_2094 = arith.addf %add3A_2093, %exp3A_2081 : vector<16xf32>
        %select_n3A_2095 = arith.select %ge3A_5, %exp3A_2083, %broadcast_in_dim3A_6 : vector<16xi1>, vector<16xf32>
        %add3A_2096 = arith.addf %add3A_2094, %select_n3A_2095 : vector<16xf32>
        %reduce_sum3A_2097 = arith.constant true
        %reduce_sum3A_2098 = vector.broadcast %reduce_sum3A_2097 : i1 to vector<16xi1>
        %reduce_sum3A_2099 = tpu.scan <sum>, %add3A_2096 masked %reduce_sum3A_2098 : vector<16xf32>, vector<16xi1> -> vector<16xf32>
        %reduce_sum3A_2100 = vector.extract %reduce_sum3A_2099[15] : f32 from vector<16xf32>
        %broadcast_in_dim3A_2101 = vector.broadcast %reduce_sum3A_2100 : f32 to vector<16xf32>
        %div3A_2102 = arith.constant 1.000000e+00 : f32
        %div3A_2103 = vector.broadcast %div3A_2102 : f32 to vector<16xf32>
        %div3A_2104 = arith.divf %div3A_2103, %broadcast_in_dim3A_2101 : vector<16xf32>
        %mul3A_2105 = arith.mulf %exp3A_2059, %div3A_2104 : vector<16xf32>
        %swap3A_2106 = arith.constant 0 : index
        %swap3A_2107 = tpu.vector_load %arg17[%swap3A_2106] {strides = array<i32>} : memref<200xf32, #tpu.memory_space<vmem>>, vector<16xf32>,
        tpu.vector_store %arg17[%swap3A_2106], %mul3A_2105 {strides = array<i32>} : memref<200xf32, #tpu.memory_space<vmem>>, vector<16xf32>,
        %mul3A_2108 = arith.mulf %exp3A_2061, %div3A_2104 : vector<16xf32>
        %swap3A_2109 = arith.constant 16 : index
        %swap3A_2110 = tpu.vector_load %arg17[%swap3A_2109] {strides = array<i32>} : memref<200xf32, #tpu.memory_space<vmem>>, vector<16xf32>,
        tpu.vector_store %arg17[%swap3A_2109], %mul3A_2108 {strides = array<i32>} : memref<200xf32, #tpu.memory_space<vmem>>, vector<16xf32>,
        %mul3A_2111 = arith.mulf %exp3A_2063, %div3A_2104 : vector<16xf32>
        %swap3A_2112 = arith.constant 32 : index
        %swap3A_2113 = tpu.vector_load %arg17[%swap3A_2112] {strides = array<i32>} : memref<200xf32, #tpu.memory_space<vmem>>, vector<16xf32>,
        tpu.vector_store %arg17[%swap3A_2112], %mul3A_2111 {strides = array<i32>} : memref<200xf32, #tpu.memory_space<vmem>>, vector<16xf32>,
        %mul3A_2114 = arith.mulf %exp3A_2065, %div3A_2104 : vector<16xf32>
        %swap3A_2115 = arith.constant 48 : index
        %swap3A_2116 = tpu.vector_load %arg17[%swap3A_2115] {strides = array<i32>} : memref<200xf32, #tpu.memory_space<vmem>>, vector<16xf32>,
        tpu.vector_store %arg17[%swap3A_2115], %mul3A_2114 {strides = array<i32>} : memref<200xf32, #tpu.memory_space<vmem>>, vector<16xf32>,
        %mul3A_2117 = arith.mulf %exp3A_2067, %div3A_2104 : vector<16xf32>
        %swap3A_2118 = arith.constant 64 : index
        %swap3A_2119 = tpu.vector_load %arg17[%swap3A_2118] {strides = array<i32>} : memref<200xf32, #tpu.memory_space<vmem>>, vector<16xf32>,
        tpu.vector_store %arg17[%swap3A_2118], %mul3A_2117 {strides = array<i32>} : memref<200xf32, #tpu.memory_space<vmem>>, vector<16xf32>,
        %mul3A_2120 = arith.mulf %exp3A_2069, %div3A_2104 : vector<16xf32>
        %swap3A_2121 = arith.constant 80 : index
        %swap3A_2122 = tpu.vector_load %arg17[%swap3A_2121] {strides = array<i32>} : memref<200xf32, #tpu.memory_space<vmem>>, vector<16xf32>,
        tpu.vector_store %arg17[%swap3A_2121], %mul3A_2120 {strides = array<i32>} : memref<200xf32, #tpu.memory_space<vmem>>, vector<16xf32>,
        %mul3A_2123 = arith.mulf %exp3A_2071, %div3A_2104 : vector<16xf32>
        %swap3A_2124 = arith.constant 96 : index
        %swap3A_2125 = tpu.vector_load %arg17[%swap3A_2124] {strides = array<i32>} : memref<200xf32, #tpu.memory_space<vmem>>, vector<16xf32>,
        tpu.vector_store %arg17[%swap3A_2124], %mul3A_2123 {strides = array<i32>} : memref<200xf32, #tpu.memory_space<vmem>>, vector<16xf32>,
        %mul3A_2126 = arith.mulf %exp3A_2073, %div3A_2104 : vector<16xf32>
        %swap3A_2127 = arith.constant 112 : index
        %swap3A_2128 = tpu.vector_load %arg17[%swap3A_2127] {strides = array<i32>} : memref<200xf32, #tpu.memory_space<vmem>>, vector<16xf32>,
        tpu.vector_store %arg17[%swap3A_2127], %mul3A_2126 {strides = array<i32>} : memref<200xf32, #tpu.memory_space<vmem>>, vector<16xf32>,
        %mul3A_2129 = arith.mulf %exp3A_2075, %div3A_2104 : vector<16xf32>
        %swap3A_2130 = arith.constant 128 : index
        %swap3A_2131 = tpu.vector_load %arg17[%swap3A_2130] {strides = array<i32>} : memref<200xf32, #tpu.memory_space<vmem>>, vector<16xf32>,
        tpu.vector_store %arg17[%swap3A_2130], %mul3A_2129 {strides = array<i32>} : memref<200xf32, #tpu.memory_space<vmem>>, vector<16xf32>,
        %mul3A_2132 = arith.mulf %exp3A_2077, %div3A_2104 : vector<16xf32>
        %swap3A_2133 = arith.constant 144 : index
        %swap3A_2134 = tpu.vector_load %arg17[%swap3A_2133] {strides = array<i32>} : memref<200xf32, #tpu.memory_space<vmem>>, vector<16xf32>,
        tpu.vector_store %arg17[%swap3A_2133], %mul3A_2132 {strides = array<i32>} : memref<200xf32, #tpu.memory_space<vmem>>, vector<16xf32>,
        %mul3A_2135 = arith.mulf %exp3A_2079, %div3A_2104 : vector<16xf32>
        %swap3A_2136 = arith.constant 160 : index
        %swap3A_2137 = tpu.vector_load %arg17[%swap3A_2136] {strides = array<i32>} : memref<200xf32, #tpu.memory_space<vmem>>, vector<16xf32>,
        tpu.vector_store %arg17[%swap3A_2136], %mul3A_2135 {strides = array<i32>} : memref<200xf32, #tpu.memory_space<vmem>>, vector<16xf32>,
        %mul3A_2138 = arith.mulf %exp3A_2081, %div3A_2104 : vector<16xf32>
        %swap3A_2139 = arith.constant 176 : index
        %swap3A_2140 = tpu.vector_load %arg17[%swap3A_2139] {strides = array<i32>} : memref<200xf32, #tpu.memory_space<vmem>>, vector<16xf32>,
        tpu.vector_store %arg17[%swap3A_2139], %mul3A_2138 {strides = array<i32>} : memref<200xf32, #tpu.memory_space<vmem>>, vector<16xf32>,
        %mul3A_2141 = arith.mulf %exp3A_2083, %div3A_2104 : vector<16xf32>
        %swap3A_2142 = arith.constant 184 : index
        %swap3A_2143 = tpu.vector_load %arg17[%swap3A_2142] {strides = array<i32>} : memref<200xf32, #tpu.memory_space<vmem>>, vector<16xf32>,
        tpu.vector_store %arg17[%swap3A_2142], %mul3A_2141 {strides = array<i32>} : memref<200xf32, #tpu.memory_space<vmem>>, vector<16xf32>,
        %get3A_2144 = arith.index_cast %add3A_1794 : i32 to index
        %get3A_2145 = arith.constant 0 : index
        %get3A_2146 = tpu.vector_load %arg15[%get3A_2144, %get3A_2145] {strides = array<i32>} : memref<64x200xi32, #tpu.memory_space<vmem>>, vector<16xi32>,
        %add3A_2147 = arith.constant 26 : i32
        %add3A_2148 = vector.broadcast %add3A_2147 : i32 to vector<16xi32>
        %add3A_2149 = arith.addi %get3A_2146, %add3A_2148 : vector<16xi32>
        %gather3A_2150 = tpu.vector_load_idx %arg12[%add3A_2149] : memref<128xf32, #tpu.memory_space<vmem>>[vector<16xi32>], vector<16xf32>,
        %get3A_2151 = arith.index_cast %add3A_1794 : i32 to index
        %get3A_2152 = arith.constant 16 : index
        %get3A_2153 = tpu.vector_load %arg15[%get3A_2151, %get3A_2152] {strides = array<i32>} : memref<64x200xi32, #tpu.memory_space<vmem>>, vector<16xi32>,
        %add3A_2154 = arith.constant 26 : i32
        %add3A_2155 = vector.broadcast %add3A_2154 : i32 to vector<16xi32>
        %add3A_2156 = arith.addi %get3A_2153, %add3A_2155 : vector<16xi32>
        %gather3A_2157 = tpu.vector_load_idx %arg12[%add3A_2156] : memref<128xf32, #tpu.memory_space<vmem>>[vector<16xi32>], vector<16xf32>,
        %get3A_2158 = arith.index_cast %add3A_1794 : i32 to index
        %get3A_2159 = arith.constant 32 : index
        %get3A_2160 = tpu.vector_load %arg15[%get3A_2158, %get3A_2159] {strides = array<i32>} : memref<64x200xi32, #tpu.memory_space<vmem>>, vector<16xi32>,
        %add3A_2161 = arith.constant 26 : i32
        %add3A_2162 = vector.broadcast %add3A_2161 : i32 to vector<16xi32>
        %add3A_2163 = arith.addi %get3A_2160, %add3A_2162 : vector<16xi32>
        %gather3A_2164 = tpu.vector_load_idx %arg12[%add3A_2163] : memref<128xf32, #tpu.memory_space<vmem>>[vector<16xi32>], vector<16xf32>,
        %get3A_2165 = arith.index_cast %add3A_1794 : i32 to index
        %get3A_2166 = arith.constant 48 : index
        %get3A_2167 = tpu.vector_load %arg15[%get3A_2165, %get3A_2166] {strides = array<i32>} : memref<64x200xi32, #tpu.memory_space<vmem>>, vector<16xi32>,
        %add3A_2168 = arith.constant 26 : i32
        %add3A_2169 = vector.broadcast %add3A_2168 : i32 to vector<16xi32>
        %add3A_2170 = arith.addi %get3A_2167, %add3A_2169 : vector<16xi32>
        %gather3A_2171 = tpu.vector_load_idx %arg12[%add3A_2170] : memref<128xf32, #tpu.memory_space<vmem>>[vector<16xi32>], vector<16xf32>,
        %get3A_2172 = arith.index_cast %add3A_1794 : i32 to index
        %get3A_2173 = arith.constant 64 : index
        %get3A_2174 = tpu.vector_load %arg15[%get3A_2172, %get3A_2173] {strides = array<i32>} : memref<64x200xi32, #tpu.memory_space<vmem>>, vector<16xi32>,
        %add3A_2175 = arith.constant 26 : i32
        %add3A_2176 = vector.broadcast %add3A_2175 : i32 to vector<16xi32>
        %add3A_2177 = arith.addi %get3A_2174, %add3A_2176 : vector<16xi32>
        %gather3A_2178 = tpu.vector_load_idx %arg12[%add3A_2177] : memref<128xf32, #tpu.memory_space<vmem>>[vector<16xi32>], vector<16xf32>,
        %get3A_2179 = arith.index_cast %add3A_1794 : i32 to index
        %get3A_2180 = arith.constant 80 : index
        %get3A_2181 = tpu.vector_load %arg15[%get3A_2179, %get3A_2180] {strides = array<i32>} : memref<64x200xi32, #tpu.memory_space<vmem>>, vector<16xi32>,
        %add3A_2182 = arith.constant 26 : i32
        %add3A_2183 = vector.broadcast %add3A_2182 : i32 to vector<16xi32>
        %add3A_2184 = arith.addi %get3A_2181, %add3A_2183 : vector<16xi32>
        %gather3A_2185 = tpu.vector_load_idx %arg12[%add3A_2184] : memref<128xf32, #tpu.memory_space<vmem>>[vector<16xi32>], vector<16xf32>,
        %get3A_2186 = arith.index_cast %add3A_1794 : i32 to index
        %get3A_2187 = arith.constant 96 : index
        %get3A_2188 = tpu.vector_load %arg15[%get3A_2186, %get3A_2187] {strides = array<i32>} : memref<64x200xi32, #tpu.memory_space<vmem>>, vector<16xi32>,
        %add3A_2189 = arith.constant 26 : i32
        %add3A_2190 = vector.broadcast %add3A_2189 : i32 to vector<16xi32>
        %add3A_2191 = arith.addi %get3A_2188, %add3A_2190 : vector<16xi32>
        %gather3A_2192 = tpu.vector_load_idx %arg12[%add3A_2191] : memref<128xf32, #tpu.memory_space<vmem>>[vector<16xi32>], vector<16xf32>,
        %get3A_2193 = arith.index_cast %add3A_1794 : i32 to index
        %get3A_2194 = arith.constant 112 : index
        %get3A_2195 = tpu.vector_load %arg15[%get3A_2193, %get3A_2194] {strides = array<i32>} : memref<64x200xi32, #tpu.memory_space<vmem>>, vector<16xi32>,
        %add3A_2196 = arith.constant 26 : i32
        %add3A_2197 = vector.broadcast %add3A_2196 : i32 to vector<16xi32>
        %add3A_2198 = arith.addi %get3A_2195, %add3A_2197 : vector<16xi32>
        %gather3A_2199 = tpu.vector_load_idx %arg12[%add3A_2198] : memref<128xf32, #tpu.memory_space<vmem>>[vector<16xi32>], vector<16xf32>,
        %get3A_2200 = arith.index_cast %add3A_1794 : i32 to index
        %get3A_2201 = arith.constant 128 : index
        %get3A_2202 = tpu.vector_load %arg15[%get3A_2200, %get3A_2201] {strides = array<i32>} : memref<64x200xi32, #tpu.memory_space<vmem>>, vector<16xi32>,
        %add3A_2203 = arith.constant 26 : i32
        %add3A_2204 = vector.broadcast %add3A_2203 : i32 to vector<16xi32>
        %add3A_2205 = arith.addi %get3A_2202, %add3A_2204 : vector<16xi32>
        %gather3A_2206 = tpu.vector_load_idx %arg12[%add3A_2205] : memref<128xf32, #tpu.memory_space<vmem>>[vector<16xi32>], vector<16xf32>,
        %get3A_2207 = arith.index_cast %add3A_1794 : i32 to index
        %get3A_2208 = arith.constant 144 : index
        %get3A_2209 = tpu.vector_load %arg15[%get3A_2207, %get3A_2208] {strides = array<i32>} : memref<64x200xi32, #tpu.memory_space<vmem>>, vector<16xi32>,
        %add3A_2210 = arith.constant 26 : i32
        %add3A_2211 = vector.broadcast %add3A_2210 : i32 to vector<16xi32>
        %add3A_2212 = arith.addi %get3A_2209, %add3A_2211 : vector<16xi32>
        %gather3A_2213 = tpu.vector_load_idx %arg12[%add3A_2212] : memref<128xf32, #tpu.memory_space<vmem>>[vector<16xi32>], vector<16xf32>,
        %get3A_2214 = arith.index_cast %add3A_1794 : i32 to index
        %get3A_2215 = arith.constant 160 : index
        %get3A_2216 = tpu.vector_load %arg15[%get3A_2214, %get3A_2215] {strides = array<i32>} : memref<64x200xi32, #tpu.memory_space<vmem>>, vector<16xi32>,
        %add3A_2217 = arith.constant 26 : i32
        %add3A_2218 = vector.broadcast %add3A_2217 : i32 to vector<16xi32>
        %add3A_2219 = arith.addi %get3A_2216, %add3A_2218 : vector<16xi32>
        %gather3A_2220 = tpu.vector_load_idx %arg12[%add3A_2219] : memref<128xf32, #tpu.memory_space<vmem>>[vector<16xi32>], vector<16xf32>,
        %get3A_2221 = arith.index_cast %add3A_1794 : i32 to index
        %get3A_2222 = arith.constant 176 : index
        %get3A_2223 = tpu.vector_load %arg15[%get3A_2221, %get3A_2222] {strides = array<i32>} : memref<64x200xi32, #tpu.memory_space<vmem>>, vector<16xi32>,
        %add3A_2224 = arith.constant 26 : i32
        %add3A_2225 = vector.broadcast %add3A_2224 : i32 to vector<16xi32>
        %add3A_2226 = arith.addi %get3A_2223, %add3A_2225 : vector<16xi32>
        %gather3A_2227 = tpu.vector_load_idx %arg12[%add3A_2226] : memref<128xf32, #tpu.memory_space<vmem>>[vector<16xi32>], vector<16xf32>,
        %get3A_2228 = arith.index_cast %add3A_1794 : i32 to index
        %get3A_2229 = arith.constant 184 : index
        %get3A_2230 = tpu.vector_load %arg15[%get3A_2228, %get3A_2229] {strides = array<i32>} : memref<64x200xi32, #tpu.memory_space<vmem>>, vector<16xi32>,
        %add3A_2231 = arith.constant 26 : i32
        %add3A_2232 = vector.broadcast %add3A_2231 : i32 to vector<16xi32>
        %add3A_2233 = arith.addi %get3A_2230, %add3A_2232 : vector<16xi32>
        %gather3A_2234 = tpu.vector_load_idx %arg12[%add3A_2233] : memref<128xf32, #tpu.memory_space<vmem>>[vector<16xi32>], vector<16xf32>,
        %max3A_2235 = arith.maximumf %gather3A_2150, %gather3A_2157 : vector<16xf32>
        %max3A_2236 = arith.maximumf %max3A_2235, %gather3A_2164 : vector<16xf32>
        %max3A_2237 = arith.maximumf %max3A_2236, %gather3A_2171 : vector<16xf32>
        %max3A_2238 = arith.maximumf %max3A_2237, %gather3A_2178 : vector<16xf32>
        %max3A_2239 = arith.maximumf %max3A_2238, %gather3A_2185 : vector<16xf32>
        %max3A_2240 = arith.maximumf %max3A_2239, %gather3A_2192 : vector<16xf32>
        %max3A_2241 = arith.maximumf %max3A_2240, %gather3A_2199 : vector<16xf32>
        %max3A_2242 = arith.maximumf %max3A_2241, %gather3A_2206 : vector<16xf32>
        %max3A_2243 = arith.maximumf %max3A_2242, %gather3A_2213 : vector<16xf32>
        %max3A_2244 = arith.maximumf %max3A_2243, %gather3A_2220 : vector<16xf32>
        %max3A_2245 = arith.maximumf %max3A_2244, %gather3A_2227 : vector<16xf32>
        %max3A_2246 = arith.maximumf %max3A_2245, %gather3A_2234 : vector<16xf32>
        %reduce_max3A_2247 = arith.constant true
        %reduce_max3A_2248 = vector.broadcast %reduce_max3A_2247 : i1 to vector<16xi1>
        %reduce_max3A_2249 = tpu.scan <max>, %max3A_2246 masked %reduce_max3A_2248 : vector<16xf32>, vector<16xi1> -> vector<16xf32>
        %reduce_max3A_2250 = vector.extract %reduce_max3A_2249[15] : f32 from vector<16xf32>
        %broadcast_in_dim3A_2251 = vector.broadcast %reduce_max3A_2250 : f32 to vector<16xf32>
        %sub3A_2252 = arith.subf %gather3A_2150, %broadcast_in_dim3A_2251 : vector<16xf32>
        %exp3A_2253 = math.exp %sub3A_2252 : vector<16xf32>
        %sub3A_2254 = arith.subf %gather3A_2157, %broadcast_in_dim3A_2251 : vector<16xf32>
        %exp3A_2255 = math.exp %sub3A_2254 : vector<16xf32>
        %sub3A_2256 = arith.subf %gather3A_2164, %broadcast_in_dim3A_2251 : vector<16xf32>
        %exp3A_2257 = math.exp %sub3A_2256 : vector<16xf32>
        %sub3A_2258 = arith.subf %gather3A_2171, %broadcast_in_dim3A_2251 : vector<16xf32>
        %exp3A_2259 = math.exp %sub3A_2258 : vector<16xf32>
        %sub3A_2260 = arith.subf %gather3A_2178, %broadcast_in_dim3A_2251 : vector<16xf32>
        %exp3A_2261 = math.exp %sub3A_2260 : vector<16xf32>
        %sub3A_2262 = arith.subf %gather3A_2185, %broadcast_in_dim3A_2251 : vector<16xf32>
        %exp3A_2263 = math.exp %sub3A_2262 : vector<16xf32>
        %sub3A_2264 = arith.subf %gather3A_2192, %broadcast_in_dim3A_2251 : vector<16xf32>
        %exp3A_2265 = math.exp %sub3A_2264 : vector<16xf32>
        %sub3A_2266 = arith.subf %gather3A_2199, %broadcast_in_dim3A_2251 : vector<16xf32>
        %exp3A_2267 = math.exp %sub3A_2266 : vector<16xf32>
        %sub3A_2268 = arith.subf %gather3A_2206, %broadcast_in_dim3A_2251 : vector<16xf32>
        %exp3A_2269 = math.exp %sub3A_2268 : vector<16xf32>
        %sub3A_2270 = arith.subf %gather3A_2213, %broadcast_in_dim3A_2251 : vector<16xf32>
        %exp3A_2271 = math.exp %sub3A_2270 : vector<16xf32>
        %sub3A_2272 = arith.subf %gather3A_2220, %broadcast_in_dim3A_2251 : vector<16xf32>
        %exp3A_2273 = math.exp %sub3A_2272 : vector<16xf32>
        %sub3A_2274 = arith.subf %gather3A_2227, %broadcast_in_dim3A_2251 : vector<16xf32>
        %exp3A_2275 = math.exp %sub3A_2274 : vector<16xf32>
        %sub3A_2276 = arith.subf %gather3A_2234, %broadcast_in_dim3A_2251 : vector<16xf32>
        %exp3A_2277 = math.exp %sub3A_2276 : vector<16xf32>
        %add3A_2278 = arith.addf %exp3A_2253, %exp3A_2255 : vector<16xf32>
        %add3A_2279 = arith.addf %add3A_2278, %exp3A_2257 : vector<16xf32>
        %add3A_2280 = arith.addf %add3A_2279, %exp3A_2259 : vector<16xf32>
        %add3A_2281 = arith.addf %add3A_2280, %exp3A_2261 : vector<16xf32>
        %add3A_2282 = arith.addf %add3A_2281, %exp3A_2263 : vector<16xf32>
        %add3A_2283 = arith.addf %add3A_2282, %exp3A_2265 : vector<16xf32>
        %add3A_2284 = arith.addf %add3A_2283, %exp3A_2267 : vector<16xf32>
        %add3A_2285 = arith.addf %add3A_2284, %exp3A_2269 : vector<16xf32>
        %add3A_2286 = arith.addf %add3A_2285, %exp3A_2271 : vector<16xf32>
        %add3A_2287 = arith.addf %add3A_2286, %exp3A_2273 : vector<16xf32>
        %add3A_2288 = arith.addf %add3A_2287, %exp3A_2275 : vector<16xf32>
        %select_n3A_2289 = arith.select %ge3A_5, %exp3A_2277, %broadcast_in_dim3A_6 : vector<16xi1>, vector<16xf32>
        %add3A_2290 = arith.addf %add3A_2288, %select_n3A_2289 : vector<16xf32>
        %reduce_sum3A_2291 = arith.constant true
        %reduce_sum3A_2292 = vector.broadcast %reduce_sum3A_2291 : i1 to vector<16xi1>
        %reduce_sum3A_2293 = tpu.scan <sum>, %add3A_2290 masked %reduce_sum3A_2292 : vector<16xf32>, vector<16xi1> -> vector<16xf32>
        %reduce_sum3A_2294 = vector.extract %reduce_sum3A_2293[15] : f32 from vector<16xf32>
        %broadcast_in_dim3A_2295 = vector.broadcast %reduce_sum3A_2294 : f32 to vector<16xf32>
        %div3A_2296 = arith.constant 1.000000e+00 : f32
        %div3A_2297 = vector.broadcast %div3A_2296 : f32 to vector<16xf32>
        %div3A_2298 = arith.divf %div3A_2297, %broadcast_in_dim3A_2295 : vector<16xf32>
        %mul3A_2299 = arith.mulf %exp3A_2253, %div3A_2298 : vector<16xf32>
        %swap3A_2300 = arith.constant 0 : index
        %swap3A_2301 = tpu.vector_load %arg18[%swap3A_2300] {strides = array<i32>} : memref<200xf32, #tpu.memory_space<vmem>>, vector<16xf32>,
        tpu.vector_store %arg18[%swap3A_2300], %mul3A_2299 {strides = array<i32>} : memref<200xf32, #tpu.memory_space<vmem>>, vector<16xf32>,
        %mul3A_2302 = arith.mulf %exp3A_2255, %div3A_2298 : vector<16xf32>
        %swap3A_2303 = arith.constant 16 : index
        %swap3A_2304 = tpu.vector_load %arg18[%swap3A_2303] {strides = array<i32>} : memref<200xf32, #tpu.memory_space<vmem>>, vector<16xf32>,
        tpu.vector_store %arg18[%swap3A_2303], %mul3A_2302 {strides = array<i32>} : memref<200xf32, #tpu.memory_space<vmem>>, vector<16xf32>,
        %mul3A_2305 = arith.mulf %exp3A_2257, %div3A_2298 : vector<16xf32>
        %swap3A_2306 = arith.constant 32 : index
        %swap3A_2307 = tpu.vector_load %arg18[%swap3A_2306] {strides = array<i32>} : memref<200xf32, #tpu.memory_space<vmem>>, vector<16xf32>,
        tpu.vector_store %arg18[%swap3A_2306], %mul3A_2305 {strides = array<i32>} : memref<200xf32, #tpu.memory_space<vmem>>, vector<16xf32>,
        %mul3A_2308 = arith.mulf %exp3A_2259, %div3A_2298 : vector<16xf32>
        %swap3A_2309 = arith.constant 48 : index
        %swap3A_2310 = tpu.vector_load %arg18[%swap3A_2309] {strides = array<i32>} : memref<200xf32, #tpu.memory_space<vmem>>, vector<16xf32>,
        tpu.vector_store %arg18[%swap3A_2309], %mul3A_2308 {strides = array<i32>} : memref<200xf32, #tpu.memory_space<vmem>>, vector<16xf32>,
        %mul3A_2311 = arith.mulf %exp3A_2261, %div3A_2298 : vector<16xf32>
        %swap3A_2312 = arith.constant 64 : index
        %swap3A_2313 = tpu.vector_load %arg18[%swap3A_2312] {strides = array<i32>} : memref<200xf32, #tpu.memory_space<vmem>>, vector<16xf32>,
        tpu.vector_store %arg18[%swap3A_2312], %mul3A_2311 {strides = array<i32>} : memref<200xf32, #tpu.memory_space<vmem>>, vector<16xf32>,
        %mul3A_2314 = arith.mulf %exp3A_2263, %div3A_2298 : vector<16xf32>
        %swap3A_2315 = arith.constant 80 : index
        %swap3A_2316 = tpu.vector_load %arg18[%swap3A_2315] {strides = array<i32>} : memref<200xf32, #tpu.memory_space<vmem>>, vector<16xf32>,
        tpu.vector_store %arg18[%swap3A_2315], %mul3A_2314 {strides = array<i32>} : memref<200xf32, #tpu.memory_space<vmem>>, vector<16xf32>,
        %mul3A_2317 = arith.mulf %exp3A_2265, %div3A_2298 : vector<16xf32>
        %swap3A_2318 = arith.constant 96 : index
        %swap3A_2319 = tpu.vector_load %arg18[%swap3A_2318] {strides = array<i32>} : memref<200xf32, #tpu.memory_space<vmem>>, vector<16xf32>,
        tpu.vector_store %arg18[%swap3A_2318], %mul3A_2317 {strides = array<i32>} : memref<200xf32, #tpu.memory_space<vmem>>, vector<16xf32>,
        %mul3A_2320 = arith.mulf %exp3A_2267, %div3A_2298 : vector<16xf32>
        %swap3A_2321 = arith.constant 112 : index
        %swap3A_2322 = tpu.vector_load %arg18[%swap3A_2321] {strides = array<i32>} : memref<200xf32, #tpu.memory_space<vmem>>, vector<16xf32>,
        tpu.vector_store %arg18[%swap3A_2321], %mul3A_2320 {strides = array<i32>} : memref<200xf32, #tpu.memory_space<vmem>>, vector<16xf32>,
        %mul3A_2323 = arith.mulf %exp3A_2269, %div3A_2298 : vector<16xf32>
        %swap3A_2324 = arith.constant 128 : index
        %swap3A_2325 = tpu.vector_load %arg18[%swap3A_2324] {strides = array<i32>} : memref<200xf32, #tpu.memory_space<vmem>>, vector<16xf32>,
        tpu.vector_store %arg18[%swap3A_2324], %mul3A_2323 {strides = array<i32>} : memref<200xf32, #tpu.memory_space<vmem>>, vector<16xf32>,
        %mul3A_2326 = arith.mulf %exp3A_2271, %div3A_2298 : vector<16xf32>
        %swap3A_2327 = arith.constant 144 : index
        %swap3A_2328 = tpu.vector_load %arg18[%swap3A_2327] {strides = array<i32>} : memref<200xf32, #tpu.memory_space<vmem>>, vector<16xf32>,
        tpu.vector_store %arg18[%swap3A_2327], %mul3A_2326 {strides = array<i32>} : memref<200xf32, #tpu.memory_space<vmem>>, vector<16xf32>,
        %mul3A_2329 = arith.mulf %exp3A_2273, %div3A_2298 : vector<16xf32>
        %swap3A_2330 = arith.constant 160 : index
        %swap3A_2331 = tpu.vector_load %arg18[%swap3A_2330] {strides = array<i32>} : memref<200xf32, #tpu.memory_space<vmem>>, vector<16xf32>,
        tpu.vector_store %arg18[%swap3A_2330], %mul3A_2329 {strides = array<i32>} : memref<200xf32, #tpu.memory_space<vmem>>, vector<16xf32>,
        %mul3A_2332 = arith.mulf %exp3A_2275, %div3A_2298 : vector<16xf32>
        %swap3A_2333 = arith.constant 176 : index
        %swap3A_2334 = tpu.vector_load %arg18[%swap3A_2333] {strides = array<i32>} : memref<200xf32, #tpu.memory_space<vmem>>, vector<16xf32>,
        tpu.vector_store %arg18[%swap3A_2333], %mul3A_2332 {strides = array<i32>} : memref<200xf32, #tpu.memory_space<vmem>>, vector<16xf32>,
        %mul3A_2335 = arith.mulf %exp3A_2277, %div3A_2298 : vector<16xf32>
        %swap3A_2336 = arith.constant 184 : index
        %swap3A_2337 = tpu.vector_load %arg18[%swap3A_2336] {strides = array<i32>} : memref<200xf32, #tpu.memory_space<vmem>>, vector<16xf32>,
        tpu.vector_store %arg18[%swap3A_2336], %mul3A_2335 {strides = array<i32>} : memref<200xf32, #tpu.memory_space<vmem>>, vector<16xf32>,
        %parallel_loop3A_2338 = arith.constant 0 : i32
        %parallel_loop3A_2339 = arith.constant 13 : i32
        %parallel_loop3A_2340 = arith.constant 1 : i32
        scf.for %parallel_loop3A_2351 = %parallel_loop3A_2338 to %parallel_loop3A_2339 step %parallel_loop3A_2340  : i32 {
          %parallel_loop3A_2352 = arith.constant 16 : i32
          %parallel_loop3A_2353 = arith.muli %parallel_loop3A_2351, %parallel_loop3A_2352 : i32
          %parallel_loop3A_2354 = arith.constant 184 : i32
          %parallel_loop3A_2355 = arith.minsi %parallel_loop3A_2353, %parallel_loop3A_2354 : i32
          %parallel_loop3A_2356 = arith.index_cast %add3A_1794 : i32 to index
          %parallel_loop3A_2357 = arith.index_cast %parallel_loop3A_2355 : i32 to index
          %parallel_loop3A_2358 = tpu.vector_load %arg13[%parallel_loop3A_2356, %parallel_loop3A_2357] {strides = array<i32>} : memref<64x200xi32, #tpu.memory_space<vmem>>, vector<16xi32>,
          %parallel_loop3A_2359 = arith.index_cast %add3A_1794 : i32 to index
          %parallel_loop3A_2360 = arith.index_cast %parallel_loop3A_2355 : i32 to index
          %parallel_loop3A_2361 = tpu.vector_load %arg14[%parallel_loop3A_2359, %parallel_loop3A_2360] {strides = array<i32>} : memref<64x200xi32, #tpu.memory_space<vmem>>, vector<16xi32>,
          %parallel_loop3A_2362 = arith.index_cast %add3A_1794 : i32 to index
          %parallel_loop3A_2363 = arith.index_cast %parallel_loop3A_2355 : i32 to index
          %parallel_loop3A_2364 = tpu.vector_load %arg15[%parallel_loop3A_2362, %parallel_loop3A_2363] {strides = array<i32>} : memref<64x200xi32, #tpu.memory_space<vmem>>, vector<16xi32>,
          %parallel_loop3A_2365 = arith.index_cast %parallel_loop3A_2355 : i32 to index
          %parallel_loop3A_2366 = tpu.vector_load %arg16[%parallel_loop3A_2365] {strides = array<i32>} : memref<200xf32, #tpu.memory_space<vmem>>, vector<16xf32>,
          %parallel_loop3A_2367 = arith.index_cast %parallel_loop3A_2355 : i32 to index
          %parallel_loop3A_2368 = tpu.vector_load %arg17[%parallel_loop3A_2367] {strides = array<i32>} : memref<200xf32, #tpu.memory_space<vmem>>, vector<16xf32>,
          %parallel_loop3A_2369 = arith.index_cast %parallel_loop3A_2355 : i32 to index
          %parallel_loop3A_2370 = tpu.vector_load %arg18[%parallel_loop3A_2369] {strides = array<i32>} : memref<200xf32, #tpu.memory_space<vmem>>, vector<16xf32>,
          %parallel_loop3A_2371 = arith.constant 64 : i32
          %parallel_loop3A_2372 = vector.broadcast %parallel_loop3A_2371 : i32 to vector<16xi32>
          %parallel_loop3A_2373 = arith.muli %parallel_loop3A_2358, %parallel_loop3A_2372 : vector<16xi32>
          %parallel_loop3A_2374 = arith.constant 64 : i32
          %parallel_loop3A_2375 = vector.broadcast %parallel_loop3A_2374 : i32 to vector<16xi32>
          %parallel_loop3A_2376 = arith.muli %parallel_loop3A_2361, %parallel_loop3A_2375 : vector<16xi32>
          %parallel_loop3A_2377 = arith.constant 320 : i32
          %parallel_loop3A_2378 = vector.broadcast %parallel_loop3A_2377 : i32 to vector<16xi32>
          %parallel_loop3A_2379 = arith.addi %parallel_loop3A_2376, %parallel_loop3A_2378 : vector<16xi32>
          %parallel_loop3A_2380 = arith.constant 64 : i32
          %parallel_loop3A_2381 = vector.broadcast %parallel_loop3A_2380 : i32 to vector<16xi32>
          %parallel_loop3A_2382 = arith.muli %parallel_loop3A_2364, %parallel_loop3A_2381 : vector<16xi32>
          %parallel_loop3A_2383 = arith.constant 1664 : i32
          %parallel_loop3A_2384 = vector.broadcast %parallel_loop3A_2383 : i32 to vector<16xi32>
          %parallel_loop3A_2385 = arith.addi %parallel_loop3A_2382, %parallel_loop3A_2384 : vector<16xi32>
          %parallel_loop3A_2386 = arith.constant 64 : i32
          %parallel_loop3A_2387 = arith.muli %parallel_loop3A_2355, %parallel_loop3A_2386 : i32
          %parallel_loop3A_2388 = vector.broadcast %parallel_loop3A_2387 : i32 to vector<16xi32>
          %parallel_loop3A_2389 = arith.addi %mul3A_3, %parallel_loop3A_2388 : vector<16xi32>
          %parallel_loop3A_2390 = arith.constant 0 : i32
          %parallel_loop3A_2391 = arith.constant 64 : i32
          %parallel_loop3A_2392 = arith.constant 1 : i32
          %parallel_loop3A_2393 = scf.for %parallel_loop3A_2394 = %parallel_loop3A_2390 to %parallel_loop3A_2391 step %parallel_loop3A_2392 iter_args(%parallel_loop3A_2395 = %iota3A) -> (vector<16xi32>)  : i32 {
            %parallel_loop3A_2396 = arith.addi %parallel_loop3A_2373, %parallel_loop3A_2395 : vector<16xi32>
            %parallel_loop3A_2397 = tpu.vector_load_idx %arg9[%parallel_loop3A_2396] : memref<7168xf32, #tpu.memory_space<vmem>>[vector<16xi32>], vector<16xf32>,
            %parallel_loop3A_2398 = arith.addi %parallel_loop3A_2379, %parallel_loop3A_2395 : vector<16xi32>
            %parallel_loop3A_2399 = tpu.vector_load_idx %arg9[%parallel_loop3A_2398] : memref<7168xf32, #tpu.memory_space<vmem>>[vector<16xi32>], vector<16xf32>,
            %parallel_loop3A_2400 = arith.addi %parallel_loop3A_2385, %parallel_loop3A_2395 : vector<16xi32>
            %parallel_loop3A_2401 = tpu.vector_load_idx %arg9[%parallel_loop3A_2400] : memref<7168xf32, #tpu.memory_space<vmem>>[vector<16xi32>], vector<16xf32>,
            %parallel_loop3A_2402 = arith.mulf %parallel_loop3A_2366, %parallel_loop3A_2397 : vector<16xf32>
            %parallel_loop3A_2403 = arith.mulf %parallel_loop3A_2368, %parallel_loop3A_2399 : vector<16xf32>
            %parallel_loop3A_2404 = arith.addf %parallel_loop3A_2402, %parallel_loop3A_2403 : vector<16xf32>
            %parallel_loop3A_2405 = arith.mulf %parallel_loop3A_2370, %parallel_loop3A_2401 : vector<16xf32>
            %parallel_loop3A_2406 = arith.addf %parallel_loop3A_2404, %parallel_loop3A_2405 : vector<16xf32>
            %parallel_loop3A_2407 = arith.addi %parallel_loop3A_2389, %parallel_loop3A_2395 : vector<16xi32>
            tpu.vector_store_idx %arg20[%parallel_loop3A_2407], %parallel_loop3A_2406 : memref<12800xf32, #tpu.memory_space<vmem>>[vector<16xi32>], vector<16xf32>,
            %parallel_loop3A_2408 = arith.constant 1 : i32
            %parallel_loop3A_2409 = vector.broadcast %parallel_loop3A_2408 : i32 to vector<16xi32>
            %parallel_loop3A_2410 = arith.addi %parallel_loop3A_2395, %parallel_loop3A_2409 : vector<16xi32>
            %parallel_loop3A_2411 = arith.constant 63 : i32
            %parallel_loop3A_2412 = vector.broadcast %parallel_loop3A_2411 : i32 to vector<16xi32>
            %parallel_loop3A_2413 = arith.andi %parallel_loop3A_2410, %parallel_loop3A_2412 : vector<16xi32>
            scf.yield %parallel_loop3A_2413 : vector<16xi32>
          } {sc.loop_unroll_factor = 2 : i64, sc.parallel_access}
        } {sc.loop_unroll_factor = 1 : i64, sc.parallel_access}
        %add3A_2341 = arith.addi %add3A_26, %mul3A_1223 : i32
        %add3A_2342 = arith.constant 1 : i32
        %add3A_2343 = arith.addi %add3A_2341, %add3A_2342 : i32
        %dma_start3A_2344 = arith.constant 0 : i32
        %dma_start3A_2345 = tpu.memref_slice %arg8[%add3A_2343, %dma_start3A_2344] : memref<4096x12800xf32, #tpu.memory_space<hbm>> -> memref<1x12800xf32, #tpu.memory_space<hbm>>
        %dma_start3A_2346 = tpu.memref_squeeze %dma_start3A_2345 : memref<1x12800xf32, #tpu.memory_space<hbm>> -> memref<12800xf32, #tpu.memory_space<hbm>>
        %dma_start3A_2347 = arith.constant 0 : i32
        %dma_start3A_2348 = tpu.memref_slice %arg8[%add3A_2343, %dma_start3A_2347] : memref<4096x12800xf32, #tpu.memory_space<hbm>> -> memref<1x12800xf32, #tpu.memory_space<hbm>>
        %dma_start3A_2349 = tpu.memref_squeeze %dma_start3A_2348 : memref<1x12800xf32, #tpu.memory_space<hbm>> -> memref<12800xf32, #tpu.memory_space<hbm>>
        tpu.enqueue_dma source(%arg20 : memref<12800xf32, #tpu.memory_space<vmem>>) target(%dma_start3A_2349 : memref<12800xf32, #tpu.memory_space<hbm>>) target_semaphore(%arg22 : memref<!tpu.dma_semaphore, #tpu.memory_space<semaphore_mem>>)
        %scan3A_2350 = arith.constant 0 : i32
        scf.yield %scan3A_2350 : i32
      }
      %scan3A_1205 = arith.constant 31 : i32
      %dma_wait3A = arith.constant 0 : i32
      %dma_wait3A_1206 = tpu.memref_slice %arg8[%add3A_26, %dma_wait3A] : memref<4096x12800xf32, #tpu.memory_space<hbm>> -> memref<1x12800xf32, #tpu.memory_space<hbm>>
      %dma_wait3A_1207 = tpu.memref_squeeze %dma_wait3A_1206 : memref<1x12800xf32, #tpu.memory_space<hbm>> -> memref<12800xf32, #tpu.memory_space<hbm>>
      %dma_wait3A_1208 = arith.constant 0 : i32
      %dma_wait3A_1209 = tpu.memref_slice %arg8[%add3A_26, %dma_wait3A_1208] : memref<4096x12800xf32, #tpu.memory_space<hbm>> -> memref<1x12800xf32, #tpu.memory_space<hbm>>
      %dma_wait3A_1210 = tpu.memref_squeeze %dma_wait3A_1209 : memref<1x12800xf32, #tpu.memory_space<hbm>> -> memref<12800xf32, #tpu.memory_space<hbm>>
      tpu.wait_dma2 semaphore(%arg21 : memref<!tpu.dma_semaphore, #tpu.memory_space<semaphore_mem>>) src(%arg19 : memref<12800xf32, #tpu.memory_space<vmem>>) dst(%dma_wait3A_1210 : memref<12800xf32, #tpu.memory_space<hbm>>)
      %add3A_1211 = arith.constant 1 : i32
      %add3A_1212 = arith.addi %add3A_26, %add3A_1211 : i32
      %dma_wait3A_1213 = arith.constant 0 : i32
      %dma_wait3A_1214 = tpu.memref_slice %arg8[%add3A_1212, %dma_wait3A_1213] : memref<4096x12800xf32, #tpu.memory_space<hbm>> -> memref<1x12800xf32, #tpu.memory_space<hbm>>
      %dma_wait3A_1215 = tpu.memref_squeeze %dma_wait3A_1214 : memref<1x12800xf32, #tpu.memory_space<hbm>> -> memref<12800xf32, #tpu.memory_space<hbm>>
      %dma_wait3A_1216 = arith.constant 0 : i32
      %dma_wait3A_1217 = tpu.memref_slice %arg8[%add3A_1212, %dma_wait3A_1216] : memref<4096x12800xf32, #tpu.memory_space<hbm>> -> memref<1x12800xf32, #tpu.memory_space<hbm>>
      %dma_wait3A_1218 = tpu.memref_squeeze %dma_wait3A_1217 : memref<1x12800xf32, #tpu.memory_space<hbm>> -> memref<12800xf32, #tpu.memory_space<hbm>>
      tpu.wait_dma2 semaphore(%arg22 : memref<!tpu.dma_semaphore, #tpu.memory_space<semaphore_mem>>) src(%arg20 : memref<12800xf32, #tpu.memory_space<vmem>>) dst(%dma_wait3A_1218 : memref<12800xf32, #tpu.memory_space<hbm>>)
      %scan3A_1219 = arith.constant 0 : i32
      scf.yield %scan3A_1219 : i32
    }
    %scan3A_21 = arith.constant 2 : i32
    return
  }
}

</mosaic_0001>

<sc_bundles>
// kernel: kernel.3.cloned.1.call-start
scs
__scs_entry_jumppad:
0x0: {  	(pc) =	sbr.rel $0x88, $3  }
0x1: {  	(tag) =	ssettag $0x0;
	lr =	simm.s32 $0x1  }
0x2: {  	[smem:$0x3F99] =	sst lr;
	_ =	strace $0xD0000000  }
0x3: {  	_ = 	snop  }
0x4: {  	_ = 	snop  }
0x5: {  	_ = 	snop  }
0x6: {  	_ = 	snop  }
0x7: {  	_ = 	snop  }
__scs_overlays_trampoline_lowered:
0x8: {  	[smem:$0x3FA8] =	sst s0  }
0x9: {  	[smem:$0x3FA9] =	sst s1  }
0xa: {  	[smem:$0x3FAA] =	sst s2  }
0xb: {  	[smem:$0x3FAB] =	sst s3  }
0xc: {  	[smem:$0x3FAC] =	sst s4  }
0xd: {  	[smem:$0x3FAD] =	sst s5  }
0xe: {  	[smem:$0x3FAE] =	sst s6  }
0xf: {  	[smem:$0x3FAF] =	sst s7  }
0x10: {  	[smem:$0x3FB0] =	sst s8  }
0x11: {  	[smem:$0x3FB1] =	sst s9;
	s0 =	simm.s32 @!p0 $0x0  }
0x12: {  	s1 =	sld [smem:$0x3F97];
	s0 =	simm.s32 @p0 $0x1  }
0x13: {  	[smem:$0x3FB2] =	sst s0;
	s0 =	simm.s32 @!p1 $0x0  }
0x14: {  	s2 =	sld [smem:$0x3F96];
	s0 =	simm.s32 @p1 $0x1  }
0x15: {  	[smem:$0x3FB3] =	sst s0;
	s0 =	simm.s32 @!p2 $0x0  }
0x16: {  	s3 =	sld [smem:$0x3FDB];
	s0 =	simm.s32 @p2 $0x1  }
0x17: {  	s4 =	simm.s32 $0x1BF5;
	[smem:$0x3FB5] =	sst s0  }
0x18: {  	s0 =	sld [smem:$0x3F98];
	_ =	swait.ge [sflag:s4], $0x0  }
0x19: {  	s7 =	sld [smem:$0x3F99]  }
0x1a: {  	s8 =	sadd.s32 $0xFFFFE003, lr  }
0x1b: {  	s9 =	sadd.s32 $0xFFFFFEF7, lr;
	s5 =	simm.s32 $0xFFFFFFFF;
	p2 =	slt.u32 s8, $0xFFFFF086  }
0x1c: {  	p1 =	slt.u32 s9, $0xF7A;
	s5 =	simm.s32 @!p2 $0x0  }
0x1d: {  	s5 =	simm.s32 @p1 $0x1;
	p0 =	seq.s32 s7, s2  }
0x1e: {  	s7 =	smul.u32 @!p0 $0xF7A, s2;
	p2 =	seq.s32 @!p0 s5, $0x0  }
0x1f: {  	s9 =	smul.u32 $0xF7A, s1;
	s8 =	simm.s32 @!p0 $0x1BF5;
	p2 =	por !p2, p0  }
0x20: {  	[sflag:s8] =	ssyncset.s32 @!p0 $0xFFFFF086;
	s6 =	sadd.s32 @!p0 s3, s7;
	s7 =	simm.s32 @!p0 $0x108  }
0x21: {  	s3 =	sadd.s32 s3, s9;
	s6 =	sadd.s32 @!p0 $0x88, s6;
	s7 =	simm.s32 @p2 $0x1082  }
0x22: {  	[simem:s7], [sflag:s8] =	dma.local @!p0 [hbm:s6], $0xF7A  }
0x23: {  	s9 =	sor.u32 $0xD0000000, s2;
	s6 =	simm.s32 $0x108;
	_ =	swait.ge @!p0 [sflag:s8], $0x0  }
0x24: {  	s3 =	sadd.s32 $0x88, s3;
	s6 =	simm.s32 @!p1 $0x1082;
	[sflag:s4] =	ssyncset.s32 $0xFFFFF086  }
0x25: {  	[simem:s6], [sflag:s4] =	dma.local [hbm:s3], $0xF7A  }
0x26: {  	[smem:$0x3F99] =	sst s1;
	(tag) =	ssettag s2;
	_ =	strace s9  }
0x27: {  	s1 =	sld [smem:$0x3FA9]  }
0x28: {  	s2 =	sld [smem:$0x3FAA]  }
0x29: {  	s4 =	sld [smem:$0x3FAC]  }
0x2a: {  	p0 =	seq.s32 s5, $0x0;
	s5 =	sld [smem:$0x3FAD]  }
0x2b: {  	s6 =	sld [smem:$0x3FAE]  }
0x2c: {  	s7 =	sld [smem:$0x3FAF]  }
0x2d: {  	s3 =	simm.s32 $0x108;
	s8 =	sld [smem:$0x3FB0]  }
0x2e: {  	s3 =	simm.s32 @!p0 $0x1082;
	s9 =	sld [smem:$0x3FB1]  }
0x2f: {  	lr =	sadd.s32 s0, s3;
	s0 =	sld [smem:$0x3FA8]  }
0x30: {  	s3 =	sld [smem:$0x3FAB]  }
0x31: {  	[smem:$0x3FB4] =	sst s10  }
0x32: {  	s10 =	sld [smem:$0x3FB2];
	_ =	sdelay $0x3  }
0x33: {  	p0 =	seq.s32 s10, $0x1;
	s10 =	sld [smem:$0x3FB4];
	_ =	sdelay $0x3  }
0x34: {  	[smem:$0x3FB4] =	sst s10  }
0x35: {  	s10 =	sld [smem:$0x3FB3];
	_ =	sdelay $0x3  }
0x36: {  	p1 =	seq.s32 s10, $0x1;
	s10 =	sld [smem:$0x3FB4];
	_ =	sdelay $0x3  }
0x37: {  	[smem:$0x3FB4] =	sst s10  }
0x38: {  	s10 =	sld [smem:$0x3FB5]  }
0x39: {  	_ = 	snop;
	(pc) =	sbr.ind lr, $3  }
0x3a: {  	_ = 	snop  }
0x3b: {  	_ = 	snop  }
0x3c: {  	p2 =	seq.s32 s10, $0x1;
	s10 =	sld [smem:$0x3FB4]  }
0x3d: {  	_ =	shalt  }
0x3e: {  	_ =	shalt  }
0x3f: {  	_ =	shalt  }
0x40: {  	_ =	shalt  }
0x41: {  	_ =	shalt  }
0x42: {  	_ =	shalt  }
0x43: {  	_ =	shalt  }
0x44: {  	_ =	shalt  }
0x45: {  	_ =	shalt  }
0x46: {  	_ =	shalt  }
0x47: {  	_ =	shalt  }
0x48: {  	_ =	shalt  }
0x49: {  	_ =	shalt  }
0x4a: {  	_ =	shalt  }
0x4b: {  	_ =	shalt  }
0x4c: {  	_ =	shalt  }
0x4d: {  	_ =	shalt  }
0x4e: {  	_ =	shalt  }
0x4f: {  	_ =	shalt  }
0x50: {  	_ =	shalt  }
0x51: {  	_ =	shalt  }
0x52: {  	_ =	shalt  }
0x53: {  	_ =	shalt  }
0x54: {  	_ =	shalt  }
0x55: {  	_ =	shalt  }
0x56: {  	_ =	shalt  }
0x57: {  	_ =	shalt  }
0x58: {  	_ =	shalt  }
0x59: {  	_ =	shalt  }
0x5a: {  	_ =	shalt  }
0x5b: {  	_ =	shalt  }
0x5c: {  	_ =	shalt  }
0x5d: {  	_ =	shalt  }
0x5e: {  	_ =	shalt  }
0x5f: {  	_ =	shalt  }
0x60: {  	_ =	shalt  }
0x61: {  	_ =	shalt  }
0x62: {  	_ =	shalt  }
0x63: {  	_ =	shalt  }
0x64: {  	_ =	shalt  }
0x65: {  	_ =	shalt  }
0x66: {  	_ =	shalt  }
0x67: {  	_ =	shalt  }
0x68: {  	_ =	shalt  }
0x69: {  	_ =	shalt  }
0x6a: {  	_ =	shalt  }
0x6b: {  	_ =	shalt  }
0x6c: {  	_ =	shalt  }
0x6d: {  	_ =	shalt  }
0x6e: {  	_ =	shalt  }
0x6f: {  	_ =	shalt  }
0x70: {  	_ =	shalt  }
0x71: {  	_ =	shalt  }
0x72: {  	_ =	shalt  }
0x73: {  	_ =	shalt  }
0x74: {  	_ =	shalt  }
0x75: {  	_ =	shalt  }
0x76: {  	_ =	shalt  }
0x77: {  	_ =	shalt  }
0x78: {  	_ =	shalt  }
0x79: {  	_ =	shalt  }
0x7a: {  	_ =	shalt  }
0x7b: {  	_ =	shalt  }
0x7c: {  	_ =	shalt  }
0x7d: {  	_ =	shalt  }
0x7e: {  	_ =	shalt  }
0x7f: {  	_ =	shalt  }
0x80: {  	_ =	shalt  }
0x81: {  	_ =	shalt  }
0x82: {  	_ =	shalt  }
0x83: {  	_ =	shalt  }
0x84: {  	_ =	shalt  }
0x85: {  	_ =	shalt  }
0x86: {  	_ =	shalt  }
0x87: {  	_ =	shalt  }
.Lfunc_end0:
.L_simem_size_0:
called_computation_lowered:
.L_overlay_start_0:
0x88: {  	s2 =	sld [smem:$0x3FD9]  }
0x89: {  	s3 =	sld [smem:$0x3FFE];
	_ =	sdelay $0x1  }
0x8a: {  	s1 =	srdreg.scid  }
0x8b: {  	s0 =	sand.u32 $0x1, s1  }
0x8c: {  	s17 =	sshll.u32 s0, $0xA;
	s2 =	sadd.s32 s3, s2  }
0x8d: {  	s2 =	sadd.s32 s2, s17  }
0x8e: {  	[smem:$0x3FC0] =	sst s2  }
0x8f: {  	_ = 	snop  }
0x90: {  	s2 =	sld [smem:$0x3FD0];
	(tm) =	ssettm $0x1  }
0x91: {  	s18 =	sld [smem:$0x3FFB];
	_ =	sdelay $0x3  }
0x92: {  	_ =	strace s18  }
0x93: {  	s3 =	sld [smem:$0x3FFC];
	_ =	sdelay $0x3  }
0x94: {  	_ =	strace s3  }
0x95: {  	s3 =	sld [smem:$0x3FFD];
	_ =	sdelay $0x3  }
0x96: {  	_ =	strace s3  }
0x97: {  	_ =	strace $0x8FFFFFFF  }
0x98: {  	s19 =	sld [smem:$0x3FDB];
	_ =	sdelay $0x1  }
0x99: {  	s4 =	simm.s32 $_scs_section_size  }
0x9a: {  	s5 =	simm.s32 $_size__tile_overlayer_lowered;
	s6 =	simm.s32 $_tile_overlayer_lowered  }
0x9b: {  	s22 =	simm.s32 $0x1BFF;
	s21 =	sshll.u32 s6, $0x1;
	s3 =	sadd.s32 s4, s19  }
0x9c: {  	s7 =	simm.s32 $0x0;
	s20 =	sshll.u32 s5, $0x1;
	s5 =	sadd.s32 s21, s3  }
0x9d: {  	[timem:s7], [sflag:s22] =	dma.local [hbm:s5], s20  }
0x9e: {  	_ =	swait.ge [sflag:s22], s20  }
0x9f: {  	s4 =	ssub.s32 $0x0, s20;
	[sflag:s22] =	ssyncset.done $0x0  }
0xa0: {  	[sflag:s22] =	ssyncadd.s32 s4;
	_ =	sdelay $0x1  }
0xa1: {  	s23 =	simm.s32 $0x1B8B  }
0xa2: {  	_ =	swait.ge [sflag:s23], $0x1  }
0xa3: {  	[sflag:s23] =	ssyncset.done $0x0  }
0xa4: {  	s25 =	simm.s32 $0x1B8E;
	s24 =	sld [smem:$0x3FFE];
	[sflag:s23] =	ssyncadd.s32 $0xFFFFFFFF  }
0xa5: {  	s26 =	simm.s32 $execute0_lowered;
	[smem:$0x3FD2] =	sst s25  }
0xa6: {  	s5 =	sshll.u32 s26, $0x1;
	_ =	strace $0x80000046;
	[dreg:$0x1] =	wrdreg $0xFFFFFFFF  }
0xa7: {  	s28 =	simm.s32 $_size_execute0_lowered;
	s3 =	sadd.s32 s3, s5;
	[dreg:$0x0] =	wrdreg $0x0  }
0xa8: {  	s5 =	sshll.u32 s28, $0x1;
	[dreg:$0x2] =	wrdreg s3  }
0xa9: {  	[dreg:$0x3] =	wrdreg s5  }
0xaa: {  	[dreg:$0x4] =	wrdreg $0xC0  }
0xab: {  	_ =	task [dreg:s7], $0x5FFFF  }
0xac: {  	[dreg:$0x1] =	wrdreg $0xFFFFFFFF  }
0xad: {  	[dreg:$0x0] =	wrdreg $0x60  }
0xae: {  	[dreg:$0x2] =	wrdreg s2  }
0xaf: {  	[dreg:$0x3] =	wrdreg s24  }
0xb0: {  	[dreg:$0x4] =	wrdreg $0x9  }
0xb1: {  	_ =	task.clear_ibuf [dreg:s7], $0x5FFFF;
	_ =	strace $0x90000046  }
0xb2: {  	s29 =	simm.s32 $0x9;
	_ =	strace $0x80000048  }
0xb3: {  	_ =	swait.ge [sflag:s29], $0x1  }
0xb4: {  	[sflag:s29] =	ssyncadd.s32 $0xFFFFFFFF  }
0xb5: {  	_ =	strace $0x90000048  }
0xb6: {  	_ =	sfence  }
0xb7: {  	s30 =	sld [smem:$0x0];
	_ =	sdelay $0x2  }
0xb8: {  	s31 =	sshll.u32 s1, $0xD;
	s1 =	sshrl.u32 s1, $0x2  }
0xb9: {  	s3 =	sand.u32 $0x4000, s31;
	s1 =	sadd.s32 s1, s30  }
0xba: {  	s0 =	sor.u32 s3, s0;
	s1 =	sshll.u32 s1, $0x11  }
0xbb: {  	s0 =	sor.u32 s1, s0  }
0xbc: {  	s0 =	sadd.s32 $0x8F2B, s0  }
0xbd: {  	[sflag:s0] =	ssyncadd.remote.s32 $0x1  }
0xbe: {  	_ =	sfence.sel $0xFFFF  }
0xbf: {  	[dreg:$0x0] =	wrdreg $0xFFFFFFFF;
	(pc) =	sbr.abs _section_cstart, $3  }
0xc0: {  	[dreg:$0x1] =	wrdreg $0xFFFFFFFF  }
0xc1: {  	_ =	task.clear_ibuf [dreg:s7], $0x2FFFF;
	_ =	strace $0x9FFFFFFF  }
0xc2: {  	(tm) =	ssettm $0x7FFFFFFF  }
0xc3: {  	_ =	shalt  }
tec
execute0_lowered:
.L_overlay_start_1:
0x0: {  	(tag) =	ssettag $0x1  }
0x1: {  	s1 =	rddreg [dreg:$0x0]  }
0x2: {  	s0 =	rddreg [dreg:$0x1];
	s2 =	simm.s32 $0x0;
	s26 =	srdreg.scid  }
0x3: {  	s8 =	stileid.u32;
	s13 =	simm.s32 $0x3;
	s14 =	simm.s32 $0x1C00  }
0x4: {  	s16 =	simm.s32 $0x1D80;
	s17 =	simm.s32 $0x5D80;
	s18 =	simm.s32 $0x9D80  }
0x5: {  	s19 =	simm.s32 $0x1D00;
	s20 =	simm.s32 $0xE080;
	s21 =	simm.s32 $0x80  }
0x6: {  	s22 =	simm.s32 $0x400;
	s23 =	simm.s32 $0x11280;
	s24 =	simm.s32 $0x1  }
0x7: {  	s25 =	simm.s32 $0x2;
	s28 =	simm.s32 $0x0;
	[smem:$0x7FF] =	sst s2  }
0x8: {  	s3 =	sadd.s32 $0x1000, s0;
	s4 =	sadd.s32 $0x21000, s0;
	s5 =	sadd.s32 $0xC00, s0  }
0x9: {  	_ =	strace $0x80000047;
	[dreg:$0x3] =	wrdreg s5;
	s5 =	sand.u32 $0x1, s26  }
0xa: {  	s6 =	sadd.s32 $0xA00, s0;
	s29 =	sadd.s32 $0x41000, s0;
	s30 =	ssub.s32 $0x2, s5  }
0xb: {  	s9 =	sadd.s32 $0x41200, s0;
	s8 =	sshll.u32 s8, $0x8;
	s7 =	sshrl.u32 s30, $0x1  }
0xc: {  	s11 =	sadd.s32 $0x41210, s0;
	[dreg:$0x4] =	wrdreg s6;
	s6 =	ssub.s32 s30, s7  }
0xd: {  	v0 =	vlaneseq.u32;
	[dreg:$0x5] =	wrdreg s29;
	s5 =	sshll.u32 s5, $0x7;
	s31 =	smax.u32 s6, $0x1  }
0xe: {  	vm0 =	vmmov $0xff;
	v0 =	vmul.u32 $0x40, v0;
	s10 =	sor.u32 s5, s8;
	s5 =	simm.s32 $0x0;
	[dreg:$0x6] =	wrdreg s31  }
.LBB2_1:
0xf: {  	[dreg:$0x7] =	wrdreg s5  }
0x10: {  	s0 =	rddreg [dreg:$0x3]  }
0x11: {  	[tilespmem:s2], [sflag:$0x3] =	stream.linear.gather [hbm4b:s0+s2], $0x1C00, $0x38;
	[tilespmem:$0x14480] =	vst v63  }
0x12: {  	_ =	swait.ge [sflag:s13], $0x1C00  }
0x13: {  	[sflag:s13] =	ssyncset.done $0x0  }
0x14: {  	s29 =	rddreg [dreg:$0x4];
	[sflag:s13] =	ssyncadd.s32 $0xFFFFE400  }
0x15: {  	[tilespmem:s14], [sflag:$0x3] =	stream.linear.gather [hbm4b:s29+s2], $0x80, $0x38;
	[tilespmem:$0x14480] =	vst v63  }
0x16: {  	_ =	swait.ge [sflag:s13], $0x80  }
0x17: {  	[sflag:s13] =	ssyncset.done $0x0  }
0x18: {  	s31 =	simm.s32 $0x1C80;
	s30 =	rddreg [dreg:$0x5];
	[sflag:s13] =	ssyncadd.s32 $0xFFFFFF80  }
0x19: {  	[tilespmem:s31], [sflag:$0x3] =	stream.linear.gather [hbm4b:s30+s2], $0x80, $0x38;
	[tilespmem:$0x14480] =	vst v63  }
0x1a: {  	_ =	swait.ge [sflag:s13], $0x80  }
0x1b: {  	[sflag:s13] =	ssyncset.done $0x0  }
0x1c: {  	s0 =	simm.s32 $0x0;
	[sflag:s13] =	ssyncadd.s32 $0xFFFFFF80  }
.LBB2_2:
0x1d: {  	s5 =	sshll.u32 s0, $0x4  }
0x1e: {  	s6 =	simm.s32 $0x0;
	v1 =	vmov s5  }
0x1f: {  	v2 =	vmov s6;
	v1 =	vshll.u32 v1, $0x6  }
0x20: {  	v3 =	vor.u32 v0, v1;
	_ =	sdelay $0x2  }
0x21: {  	s31 =	simm.s32 $0x1  }
0x22: {  	v6 =	vmov s31;
	v5 =	vld.idx.msk [tilespmem:v2+s14+$0x0], $0xffff  }
0x23: {  	v4 =	vadd.s32 $0x1, v3;
	v2 =	vld.idx.msk [tilespmem:v3+s2+$0x0], $0xffff;
	_ =	sdelay $0x1  }
0x24: {  	v1 =	vld [tilespmem:$0x1C80];
	_ =	sdelay $0x1  }
0x25: {  	s6 =	simm.s32 $0x2;
	v3 =	vld.idx.msk [tilespmem:v6+s14+$0x0], $0xffff  }
.LBB2_3:
0x26: {  	v6 =	vmov s6;
	v5 =	vmul.f32 v2, v5;
	v2 =	vld.idx.msk [tilespmem:v4+s2+$0x0], $0xffff;
	p0 =	sne.s32 s6, $0x3F  }
.Ltmp0:
0x27: {  	s6 =	sadd.s32 $0x1, s6;
	v4 =	vadd.s32 $0x1, v4;
	(pc) =	sbr.rel @p0 .LBB2_3-.Ltmp0, $2  }
0x28: {  	v1 =	vadd.f32 v5, v1;
	_ =	sdelay $0x2  }
0x29: {  	v5 =	vmov v3;
	v3 =	vld.idx.msk [tilespmem:v6+s14+$0x0], $0xffff  }
0x2a: {  	_ =	sdelay $0x3  }
0x2b: {  	v4 =	vld.idx.msk [tilespmem:v4+s2+$0x0], $0xffff;
	_ =	sdelay $0x2  }
0x2c: {  	v2 =	vmul.f32 v2, v5;
	s0 =	sadd.s32 $0x1, s0  }
0x2d: {  	p0 =	sne.s32 s0, $0x7  }
.Ltmp1:
0x2e: {  	v1 =	vadd.f32 v2, v1;
	v2 =	vmul.f32 v4, v3;
	(pc) =	sbr.rel @p0 .LBB2_2-.Ltmp1, $3  }
0x2f: {  	_ = 	snop  }
0x30: {  	v1 =	vadd.f32 v2, v1;
	_ =	sdelay $0x1  }
0x31: {  	[tilespmem:s5+$0x1D00] =	vst v1  }
0x32: {  	p1 =	por $0x1, $0x1;
	s0 =	simm.s32 $0x0  }
.LBB2_6:
0x33: {  	s29 =	sor.u32 s10, s0  }
0x34: {  	s0 =	sshll.u32 s29, $0x5  }
0x35: {  	s5 =	sadd.s32 s1, s0  }
0x36: {  	[tilespmem:s16], [sflag:$0x3] =	stream.linear.gather [hbm4b:s5+s28], $0x4000, $0x38;
	[tilespmem:$0x14480] =	vst v63  }
0x37: {  	_ =	swait.ge [sflag:s13], $0x4000  }
0x38: {  	[sflag:s13] =	ssyncset.done $0x0  }
0x39: {  	s31 =	sadd.s32 s3, s0;
	[sflag:s13] =	ssyncadd.s32 $0xFFFFC000  }
0x3a: {  	[tilespmem:s17], [sflag:$0x3] =	stream.linear.gather [hbm4b:s31+s28], $0x4000, $0x38;
	[tilespmem:$0x14480] =	vst v63  }
0x3b: {  	_ =	swait.ge [sflag:s13], $0x4000  }
0x3c: {  	[sflag:s13] =	ssyncset.done $0x0  }
0x3d: {  	s0 =	sadd.s32 s4, s0;
	[sflag:s13] =	ssyncadd.s32 $0xFFFFC000  }
0x3e: {  	[tilespmem:s18], [sflag:$0x3] =	stream.linear.gather [hbm4b:s0+s28], $0x4000, $0x38;
	[tilespmem:$0x14480] =	vst v63  }
0x3f: {  	_ =	swait.ge [sflag:s13], $0x4000  }
0x40: {  	[sflag:s13] =	ssyncset.done $0x0  }
0x41: {  	[sflag:s13] =	ssyncadd.s32 $0xFFFFC000  }
0x42: {  	v1 =	vld [tilespmem:$0x1D80]  }
0x43: {  	v2 =	vld [tilespmem:$0x1D90]  }
0x44: {  	v3 =	vld [tilespmem:$0x1DA0]  }
0x45: {  	v4 =	vld [tilespmem:$0x1DB0]  }
0x46: {  	v5 =	vld [tilespmem:$0x1DC0]  }
0x47: {  	v6 =	vld [tilespmem:$0x1DD0]  }
0x48: {  	v7 =	vld [tilespmem:$0x1DE0]  }
0x49: {  	v8 =	vld [tilespmem:$0x1DF0]  }
0x4a: {  	v9 =	vld [tilespmem:$0x2180]  }
0x4b: {  	v10 =	vld [tilespmem:$0x2190]  }
0x4c: {  	v11 =	vld [tilespmem:$0x21A0]  }
0x4d: {  	v12 =	vld [tilespmem:$0x21B0]  }
0x4e: {  	v13 =	vld [tilespmem:$0x21B8]  }
0x4f: {  	v1 =	vld.idx.msk [tilespmem:v1+s19+$0x0], $0xffff  }
0x50: {  	v2 =	vld.idx.msk [tilespmem:v2+s19+$0x0], $0xffff  }
0x51: {  	v3 =	vld.idx.msk [tilespmem:v3+s19+$0x0], $0xffff  }
0x52: {  	v4 =	vld.idx.msk [tilespmem:v4+s19+$0x0], $0xffff  }
0x53: {  	v5 =	vld.idx.msk [tilespmem:v5+s19+$0x0], $0xffff  }
0x54: {  	v6 =	vld.idx.msk [tilespmem:v6+s19+$0x0], $0xffff  }
0x55: {  	v7 =	vld.idx.msk [tilespmem:v7+s19+$0x0], $0xffff;
	v14 =	vmax.f32 v1, v2  }
0x56: {  	v8 =	vld.idx.msk [tilespmem:v8+s19+$0x0], $0xffff;
	v14 =	vmax.f32 v14, v3  }
0x57: {  	v9 =	vld.idx.msk [tilespmem:v9+s19+$0x0], $0xffff;
	v14 =	vmax.f32 v14, v4  }
0x58: {  	v10 =	vld.idx.msk [tilespmem:v10+s19+$0x0], $0xffff;
	v14 =	vmax.f32 v14, v5  }
0x59: {  	v11 =	vld.idx.msk [tilespmem:v11+s19+$0x0], $0xffff;
	v14 =	vmax.f32 v14, v6  }
0x5a: {  	v12 =	vld.idx.msk [tilespmem:v12+s19+$0x0], $0xffff;
	v14 =	vmax.f32 v14, v7  }
0x5b: {  	v13 =	vld.idx.msk [tilespmem:v13+s19+$0x0], $0xffff;
	v14 =	vmax.f32 v14, v8  }
0x5c: {  	v14 =	vmax.f32 v14, v9  }
0x5d: {  	v14 =	vmax.f32 v14, v10  }
0x5e: {  	v14 =	vmax.f32 v14, v11  }
0x5f: {  	v14 =	vmax.f32 v14, v12  }
0x60: {  	v14 =	vmax.f32 v14, v13  }
0x61: {  	(xrf0) =	vmax.scan.msk.f32 $0xffff, v14;
	_ =	sdelay $0x5  }
0x62: {  	v14, _, _ =	vpop (xrf0)  }
0x63: {  	v14 =	vbroadcast v14, $0xF;
	_ =	sdelay $0x1  }
0x64: {  	v1 =	vsub.f32 v1, v14  }
0x65: {  	v2 =	vsub.f32 v2, v14  }
0x66: {  	v1 =	vmul.f32 $1.442695020e+00, v1  }
0x67: {  	v3 =	vsub.f32 v3, v14;
	v2 =	vmul.f32 $1.442695020e+00, v2  }
0x68: {  	(erf) = vpow2.f32 v1  }
0x69: {  	v1 =	vmul.f32 $1.442695020e+00, v3;
	(erf) = vpow2.f32 v2;
	v2 =	vsub.f32 v4, v14;
	_ =	sdelay $0x1  }
0x6a: {  	(erf) = vpow2.f32 v1;
	v1 =	vmul.f32 $1.442695020e+00, v2;
	v2 =	vsub.f32 v5, v14  }
0x6b: {  	v3 =	vsub.f32 v7, v14  }
0x6c: {  	(erf) = vpow2.f32 v1;
	v1 =	vmul.f32 $1.442695020e+00, v2;
	v2 =	vsub.f32 v6, v14;
	_ =	sdelay $0x1  }
0x6d: {  	(erf) = vpow2.f32 v1;
	v1 =	vmul.f32 $1.442695020e+00, v2  }
0x6e: {  	v2 =	vmul.f32 $1.442695020e+00, v3  }
0x6f: {  	v3 =	vpop (erf);
	(erf) = vpow2.f32 v1;
	v1 =	vsub.f32 v8, v14  }
0x70: {  	v30 =	vpop (erf);
	(erf) = vpow2.f32 v2  }
0x71: {  	v2 =	vsub.f32 v9, v14;
	v1 =	vmul.f32 $1.442695020e+00, v1;
	v31 =	vadd.f32 v30, v3  }
0x72: {  	v32 =	vpop (erf)  }
0x73: {  	(erf) = vpow2.f32 v1;
	v1 =	vmul.f32 $1.442695020e+00, v2;
	v2 =	vadd.f32 v31, v32  }
0x74: {  	v33 =	vsub.f32 v10, v14;
	v34 =	vpop (erf)  }
0x75: {  	v2 =	vadd.f32 v2, v34  }
0x76: {  	v7 =	vmul.f32 $1.442695020e+00, v33;
	(erf) = vpow2.f32 v1;
	v1 =	vsub.f32 v11, v14;
	v35 =	vpop (erf)  }
0x77: {  	v2 =	vadd.f32 v2, v35  }
0x78: {  	v36 =	vsub.f32 v12, v14;
	(erf) = vpow2.f32 v7;
	v1 =	vmul.f32 $1.442695020e+00, v1;
	v37 =	vpop (erf)  }
0x79: {  	v38 =	vsub.f32 v13, v14;
	v2 =	vadd.f32 v2, v37  }
0x7a: {  	(erf) = vpow2.f32 v1;
	v1 =	vmul.f32 $1.442695020e+00, v36  }
0x7b: {  	v10 =	vmul.f32 $1.442695020e+00, v38;
	v39 =	vpop (erf)  }
0x7c: {  	(erf) = vpow2.f32 v1;
	v1 =	vadd.f32 v2, v39  }
0x7d: {  	v2 =	vpop (erf);
	(erf) = vpow2.f32 v10  }
0x7e: {  	v1 =	vadd.f32 v1, v2  }
0x7f: {  	v40 =	vpop (erf)  }
0x80: {  	v1 =	vadd.f32 v1, v40  }
0x81: {  	v41 =	vpop (erf)  }
0x82: {  	v1 =	vadd.f32 v1, v41  }
0x83: {  	v42 =	vpop (erf)  }
0x84: {  	v1 =	vadd.f32 v1, v42  }
0x85: {  	v43 =	vpop (erf)  }
0x86: {  	v44 =	vpop (erf);
	v1 =	vadd.f32 v1, v43  }
0x87: {  	v15 =	vsel vm0, $0x0, v44  }
0x88: {  	v1 =	vadd.f32 v1, v15;
	_ =	sdelay $0x1  }
0x89: {  	(xrf2) =	vadd.scan.msk.f32 $0xffff, v1;
	_ =	sdelay $0x9  }
0x8a: {  	v1, _, _ =	vpop (xrf2)  }
0x8b: {  	v1 =	vbroadcast v1, $0xF;
	_ =	sdelay $0x1  }
0x8c: {  	(erf) = vrcp.f32 v1;
	_ =	sdelay $0x8  }
0x8d: {  	v1 =	vpop (erf)  }
0x8e: {  	v3 =	vmul.f32 v1, v3  }
0x8f: {  	v4 =	vmul.f32 v1, v30  }
0x90: {  	v45 =	vmul.f32 v1, v34;
	[tilespmem:$0xDD80] =	vst v3  }
0x91: {  	v47 =	vld [tilespmem:$0x5D80];
	v3 =	vmul.f32 v1, v32;
	[tilespmem:$0xDD90] =	vst v4  }
0x92: {  	v48 =	vld [tilespmem:$0x5D90];
	v46 =	vmul.f32 v1, v37;
	[tilespmem:$0xDDB0] =	vst v45  }
0x93: {  	v49 =	vld [tilespmem:$0x5DA0];
	[tilespmem:$0xDDA0] =	vst v3;
	v3 =	vmul.f32 v1, v35  }
0x94: {  	v50 =	vld [tilespmem:$0x5DB0];
	v2 =	vmul.f32 v1, v2;
	[tilespmem:$0xDDD0] =	vst v46  }
0x95: {  	v51 =	vld [tilespmem:$0x5DC0];
	[tilespmem:$0xDDC0] =	vst v3;
	v3 =	vmul.f32 v1, v39  }
0x96: {  	v52 =	vld [tilespmem:$0x5DD0];
	[tilespmem:$0xDDF0] =	vst v2;
	v2 =	vmul.f32 v1, v41  }
0x97: {  	v53 =	vld [tilespmem:$0x5DE0];
	[tilespmem:$0xDDE0] =	vst v3;
	v3 =	vmul.f32 v1, v40  }
0x98: {  	v54 =	vld [tilespmem:$0x5DF0];
	v5 =	vadd.s32 $0x5, v47;
	[tilespmem:$0xDE10] =	vst v2;
	v2 =	vmul.f32 v1, v43  }
0x99: {  	v55 =	vld [tilespmem:$0x6180];
	v6 =	vadd.s32 $0x5, v48;
	[tilespmem:$0xDE00] =	vst v3;
	v3 =	vmul.f32 v1, v42  }
0x9a: {  	v56 =	vld [tilespmem:$0x6190];
	[tilespmem:$0xDE30] =	vst v2;
	v1 =	vmul.f32 v1, v44  }
0x9b: {  	v57 =	vld [tilespmem:$0x61A0];
	[tilespmem:$0xDE20] =	vst v3;
	v3 =	vadd.s32 $0x5, v49  }
0x9c: {  	v58 =	vld [tilespmem:$0x61B0];
	v4 =	vadd.s32 $0x5, v50;
	[tilespmem:$0xDE38] =	vst v1  }
0x9d: {  	v1 =	vld.idx.msk [tilespmem:v5+s19+$0x0], $0xffff;
	v5 =	vadd.s32 $0x5, v51  }
0x9e: {  	v2 =	vld.idx.msk [tilespmem:v6+s19+$0x0], $0xffff;
	v6 =	vadd.s32 $0x5, v52  }
0x9f: {  	v59 =	vld [tilespmem:$0x61B8];
	v7 =	vadd.s32 $0x5, v53  }
0xa0: {  	v8 =	vadd.s32 $0x5, v54;
	v3 =	vld.idx.msk [tilespmem:v3+s19+$0x0], $0xffff  }
0xa1: {  	v9 =	vadd.s32 $0x5, v55;
	v4 =	vld.idx.msk [tilespmem:v4+s19+$0x0], $0xffff  }
0xa2: {  	v10 =	vadd.s32 $0x5, v56;
	v5 =	vld.idx.msk [tilespmem:v5+s19+$0x0], $0xffff  }
0xa3: {  	v11 =	vadd.s32 $0x5, v57;
	v6 =	vld.idx.msk [tilespmem:v6+s19+$0x0], $0xffff  }
0xa4: {  	v12 =	vadd.s32 $0x5, v58;
	v7 =	vld.idx.msk [tilespmem:v7+s19+$0x0], $0xffff;
	v60 =	vmax.f32 v1, v2  }
0xa5: {  	v13 =	vadd.s32 $0x5, v59;
	v8 =	vld.idx.msk [tilespmem:v8+s19+$0x0], $0xffff;
	v14 =	vmax.f32 v60, v3  }
0xa6: {  	v9 =	vld.idx.msk [tilespmem:v9+s19+$0x0], $0xffff;
	v14 =	vmax.f32 v14, v4  }
0xa7: {  	v10 =	vld.idx.msk [tilespmem:v10+s19+$0x0], $0xffff;
	v14 =	vmax.f32 v14, v5  }
0xa8: {  	v11 =	vld.idx.msk [tilespmem:v11+s19+$0x0], $0xffff;
	v14 =	vmax.f32 v14, v6  }
0xa9: {  	v12 =	vld.idx.msk [tilespmem:v12+s19+$0x0], $0xffff;
	v14 =	vmax.f32 v14, v7  }
0xaa: {  	v13 =	vld.idx.msk [tilespmem:v13+s19+$0x0], $0xffff;
	v14 =	vmax.f32 v14, v8  }
0xab: {  	v14 =	vmax.f32 v14, v9  }
0xac: {  	v14 =	vmax.f32 v14, v10  }
0xad: {  	v14 =	vmax.f32 v14, v11  }
0xae: {  	v14 =	vmax.f32 v14, v12  }
0xaf: {  	v14 =	vmax.f32 v14, v13  }
0xb0: {  	(xrf0) =	vmax.scan.msk.f32 $0xffff, v14;
	_ =	sdelay $0x5  }
0xb1: {  	v14, _, _ =	vpop (xrf0)  }
0xb2: {  	v14 =	vbroadcast v14, $0xF;
	_ =	sdelay $0x1  }
0xb3: {  	v1 =	vsub.f32 v1, v14  }
0xb4: {  	v2 =	vsub.f32 v2, v14  }
0xb5: {  	v1 =	vmul.f32 $1.442695020e+00, v1  }
0xb6: {  	v3 =	vsub.f32 v3, v14;
	v2 =	vmul.f32 $1.442695020e+00, v2  }
0xb7: {  	(erf) = vpow2.f32 v1  }
0xb8: {  	v1 =	vmul.f32 $1.442695020e+00, v3;
	(erf) = vpow2.f32 v2;
	v2 =	vsub.f32 v4, v14;
	_ =	sdelay $0x1  }
0xb9: {  	(erf) = vpow2.f32 v1;
	v1 =	vmul.f32 $1.442695020e+00, v2;
	v2 =	vsub.f32 v5, v14  }
0xba: {  	v3 =	vsub.f32 v7, v14  }
0xbb: {  	(erf) = vpow2.f32 v1;
	v1 =	vmul.f32 $1.442695020e+00, v2;
	v2 =	vsub.f32 v6, v14;
	_ =	sdelay $0x1  }
0xbc: {  	(erf) = vpow2.f32 v1;
	v1 =	vmul.f32 $1.442695020e+00, v2  }
0xbd: {  	v2 =	vmul.f32 $1.442695020e+00, v3  }
0xbe: {  	v3 =	vpop (erf);
	(erf) = vpow2.f32 v1;
	v1 =	vsub.f32 v8, v14  }
0xbf: {  	v61 =	vpop (erf);
	(erf) = vpow2.f32 v2  }
0xc0: {  	v2 =	vsub.f32 v9, v14;
	v1 =	vmul.f32 $1.442695020e+00, v1;
	v62 =	vadd.f32 v61, v3  }
0xc1: {  	v63 =	vpop (erf)  }
0xc2: {  	(erf) = vpow2.f32 v1;
	v1 =	vmul.f32 $1.442695020e+00, v2;
	v2 =	vadd.f32 v62, v63  }
0xc3: {  	v17 =	vsub.f32 v10, v14;
	v18 =	vpop (erf)  }
0xc4: {  	v2 =	vadd.f32 v2, v18  }
0xc5: {  	v7 =	vmul.f32 $1.442695020e+00, v17;
	(erf) = vpow2.f32 v1;
	v1 =	vsub.f32 v11, v14;
	v19 =	vpop (erf)  }
0xc6: {  	v2 =	vadd.f32 v2, v19  }
0xc7: {  	v20 =	vsub.f32 v12, v14;
	(erf) = vpow2.f32 v7;
	v1 =	vmul.f32 $1.442695020e+00, v1;
	v21 =	vpop (erf)  }
0xc8: {  	v22 =	vsub.f32 v13, v14;
	v2 =	vadd.f32 v2, v21  }
0xc9: {  	(erf) = vpow2.f32 v1;
	v1 =	vmul.f32 $1.442695020e+00, v20  }
0xca: {  	v10 =	vmul.f32 $1.442695020e+00, v22;
	v23 =	vpop (erf)  }
0xcb: {  	(erf) = vpow2.f32 v1;
	v1 =	vadd.f32 v2, v23  }
0xcc: {  	v2 =	vpop (erf);
	(erf) = vpow2.f32 v10  }
0xcd: {  	v1 =	vadd.f32 v1, v2  }
0xce: {  	v24 =	vpop (erf)  }
0xcf: {  	v1 =	vadd.f32 v1, v24  }
0xd0: {  	v25 =	vpop (erf)  }
0xd1: {  	v1 =	vadd.f32 v1, v25  }
0xd2: {  	v26 =	vpop (erf)  }
0xd3: {  	v1 =	vadd.f32 v1, v26  }
0xd4: {  	v27 =	vpop (erf)  }
0xd5: {  	v28 =	vpop (erf);
	v1 =	vadd.f32 v1, v27  }
0xd6: {  	v29 =	vsel vm0, $0x0, v28  }
0xd7: {  	v1 =	vadd.f32 v1, v29;
	_ =	sdelay $0x1  }
0xd8: {  	(xrf2) =	vadd.scan.msk.f32 $0xffff, v1;
	_ =	sdelay $0x9  }
0xd9: {  	v1, _, _ =	vpop (xrf2)  }
0xda: {  	v1 =	vbroadcast v1, $0xF;
	_ =	sdelay $0x1  }
0xdb: {  	(erf) = vrcp.f32 v1;
	_ =	sdelay $0x8  }
0xdc: {  	v1 =	vpop (erf)  }
0xdd: {  	v3 =	vmul.f32 v1, v3  }
0xde: {  	v4 =	vmul.f32 v1, v61  }
0xdf: {  	v30 =	vmul.f32 v1, v18;
	[tilespmem:$0xDE80] =	vst v3  }
0xe0: {  	v38 =	vld [tilespmem:$0x9DE0];
	v3 =	vmul.f32 v1, v63;
	[tilespmem:$0xDE90] =	vst v4  }
0xe1: {  	v33 =	vld [tilespmem:$0x9D90];
	v31 =	vmul.f32 v1, v21;
	[tilespmem:$0xDEB0] =	vst v30  }
0xe2: {  	v32 =	vld [tilespmem:$0x9D80];
	[tilespmem:$0xDEA0] =	vst v3;
	v3 =	vmul.f32 v1, v19  }
0xe3: {  	v36 =	vld [tilespmem:$0x9DC0];
	v2 =	vmul.f32 v1, v2;
	[tilespmem:$0xDED0] =	vst v31  }
0xe4: {  	v34 =	vld [tilespmem:$0x9DA0];
	[tilespmem:$0xDEC0] =	vst v3;
	v3 =	vmul.f32 v1, v23  }
0xe5: {  	v37 =	vld [tilespmem:$0x9DD0];
	[tilespmem:$0xDEF0] =	vst v2;
	v2 =	vmul.f32 v1, v25  }
0xe6: {  	v35 =	vld [tilespmem:$0x9DB0];
	[tilespmem:$0xDEE0] =	vst v3;
	v3 =	vmul.f32 v1, v24  }
0xe7: {  	v41 =	vld [tilespmem:$0xA190];
	v5 =	vadd.s32 $0x1A, v32;
	[tilespmem:$0xDF10] =	vst v2;
	v2 =	vmul.f32 v1, v27  }
0xe8: {  	v43 =	vld [tilespmem:$0xA1B0];
	v6 =	vadd.s32 $0x1A, v33;
	[tilespmem:$0xDF00] =	vst v3;
	v3 =	vmul.f32 v1, v26  }
0xe9: {  	v39 =	vld [tilespmem:$0x9DF0];
	[tilespmem:$0xDF30] =	vst v2;
	v1 =	vmul.f32 v1, v28  }
0xea: {  	v40 =	vld [tilespmem:$0xA180];
	[tilespmem:$0xDF20] =	vst v3;
	v3 =	vadd.s32 $0x1A, v34  }
0xeb: {  	v42 =	vld [tilespmem:$0xA1A0];
	v4 =	vadd.s32 $0x1A, v35;
	[tilespmem:$0xDF38] =	vst v1  }
0xec: {  	v1 =	vld.idx.msk [tilespmem:v5+s19+$0x0], $0xffff;
	v5 =	vadd.s32 $0x1A, v36  }
0xed: {  	v2 =	vld.idx.msk [tilespmem:v6+s19+$0x0], $0xffff;
	v6 =	vadd.s32 $0x1A, v37  }
0xee: {  	v44 =	vld [tilespmem:$0xA1B8];
	v7 =	vadd.s32 $0x1A, v38  }
0xef: {  	v8 =	vadd.s32 $0x1A, v39;
	v3 =	vld.idx.msk [tilespmem:v3+s19+$0x0], $0xffff  }
0xf0: {  	v9 =	vadd.s32 $0x1A, v40;
	v4 =	vld.idx.msk [tilespmem:v4+s19+$0x0], $0xffff  }
0xf1: {  	v10 =	vadd.s32 $0x1A, v41;
	v5 =	vld.idx.msk [tilespmem:v5+s19+$0x0], $0xffff  }
0xf2: {  	v11 =	vadd.s32 $0x1A, v42;
	v6 =	vld.idx.msk [tilespmem:v6+s19+$0x0], $0xffff  }
0xf3: {  	v12 =	vadd.s32 $0x1A, v43;
	v7 =	vld.idx.msk [tilespmem:v7+s19+$0x0], $0xffff;
	v45 =	vmax.f32 v1, v2  }
0xf4: {  	v13 =	vadd.s32 $0x1A, v44;
	v8 =	vld.idx.msk [tilespmem:v8+s19+$0x0], $0xffff;
	v14 =	vmax.f32 v45, v3  }
0xf5: {  	v9 =	vld.idx.msk [tilespmem:v9+s19+$0x0], $0xffff;
	v14 =	vmax.f32 v14, v4  }
0xf6: {  	v10 =	vld.idx.msk [tilespmem:v10+s19+$0x0], $0xffff;
	v14 =	vmax.f32 v14, v5  }
0xf7: {  	v11 =	vld.idx.msk [tilespmem:v11+s19+$0x0], $0xffff;
	v14 =	vmax.f32 v14, v6  }
0xf8: {  	v12 =	vld.idx.msk [tilespmem:v12+s19+$0x0], $0xffff;
	v14 =	vmax.f32 v14, v7  }
0xf9: {  	v13 =	vld.idx.msk [tilespmem:v13+s19+$0x0], $0xffff;
	v14 =	vmax.f32 v14, v8  }
0xfa: {  	v14 =	vmax.f32 v14, v9  }
0xfb: {  	v14 =	vmax.f32 v14, v10  }
0xfc: {  	v14 =	vmax.f32 v14, v11  }
0xfd: {  	v14 =	vmax.f32 v14, v12  }
0xfe: {  	v14 =	vmax.f32 v14, v13  }
0xff: {  	(xrf0) =	vmax.scan.msk.f32 $0xffff, v14;
	_ =	sdelay $0x5  }
0x100: {  	v14, _, _ =	vpop (xrf0)  }
0x101: {  	v14 =	vbroadcast v14, $0xF;
	_ =	sdelay $0x1  }
0x102: {  	v1 =	vsub.f32 v1, v14  }
0x103: {  	v2 =	vsub.f32 v2, v14  }
0x104: {  	v1 =	vmul.f32 $1.442695020e+00, v1  }
0x105: {  	v3 =	vsub.f32 v3, v14;
	v2 =	vmul.f32 $1.442695020e+00, v2  }
0x106: {  	(erf) = vpow2.f32 v1  }
0x107: {  	v1 =	vmul.f32 $1.442695020e+00, v3;
	(erf) = vpow2.f32 v2;
	v2 =	vsub.f32 v4, v14;
	_ =	sdelay $0x1  }
0x108: {  	(erf) = vpow2.f32 v1;
	v1 =	vmul.f32 $1.442695020e+00, v2;
	v2 =	vsub.f32 v5, v14  }
0x109: {  	v3 =	vsub.f32 v7, v14  }
0x10a: {  	(erf) = vpow2.f32 v1;
	v1 =	vmul.f32 $1.442695020e+00, v2;
	v2 =	vsub.f32 v6, v14;
	_ =	sdelay $0x1  }
0x10b: {  	(erf) = vpow2.f32 v1;
	v1 =	vmul.f32 $1.442695020e+00, v2  }
0x10c: {  	v2 =	vmul.f32 $1.442695020e+00, v3  }
0x10d: {  	v3 =	vpop (erf);
	(erf) = vpow2.f32 v1;
	v1 =	vsub.f32 v8, v14  }
0x10e: {  	v46 =	vpop (erf);
	(erf) = vpow2.f32 v2  }
0x10f: {  	v2 =	vsub.f32 v9, v14;
	v1 =	vmul.f32 $1.442695020e+00, v1;
	v47 =	vadd.f32 v46, v3  }
0x110: {  	v48 =	vpop (erf)  }
0x111: {  	(erf) = vpow2.f32 v1;
	v1 =	vmul.f32 $1.442695020e+00, v2;
	v2 =	vadd.f32 v47, v48  }
0x112: {  	v49 =	vsub.f32 v10, v14;
	v50 =	vpop (erf)  }
0x113: {  	v2 =	vadd.f32 v2, v50  }
0x114: {  	v7 =	vmul.f32 $1.442695020e+00, v49;
	(erf) = vpow2.f32 v1;
	v1 =	vsub.f32 v11, v14;
	v51 =	vpop (erf)  }
0x115: {  	v2 =	vadd.f32 v2, v51  }
0x116: {  	v52 =	vsub.f32 v12, v14;
	(erf) = vpow2.f32 v7;
	v1 =	vmul.f32 $1.442695020e+00, v1;
	v53 =	vpop (erf)  }
0x117: {  	v54 =	vsub.f32 v13, v14;
	v2 =	vadd.f32 v2, v53  }
0x118: {  	(erf) = vpow2.f32 v1;
	v1 =	vmul.f32 $1.442695020e+00, v52  }
0x119: {  	v10 =	vmul.f32 $1.442695020e+00, v54;
	v55 =	vpop (erf)  }
0x11a: {  	(erf) = vpow2.f32 v1;
	v1 =	vadd.f32 v2, v55  }
0x11b: {  	v2 =	vpop (erf);
	(erf) = vpow2.f32 v10  }
0x11c: {  	v1 =	vadd.f32 v1, v2  }
0x11d: {  	v56 =	vpop (erf)  }
0x11e: {  	v1 =	vadd.f32 v1, v56  }
0x11f: {  	v57 =	vpop (erf)  }
0x120: {  	v1 =	vadd.f32 v1, v57  }
0x121: {  	v58 =	vpop (erf)  }
0x122: {  	v1 =	vadd.f32 v1, v58  }
0x123: {  	v59 =	vpop (erf)  }
0x124: {  	v60 =	vpop (erf);
	v1 =	vadd.f32 v1, v59  }
0x125: {  	v61 =	vsel vm0, $0x0, v60  }
0x126: {  	v1 =	vadd.f32 v1, v61;
	_ =	sdelay $0x1  }
0x127: {  	(xrf2) =	vadd.scan.msk.f32 $0xffff, v1;
	_ =	sdelay $0x9  }
0x128: {  	v1, _, _ =	vpop (xrf2)  }
0x129: {  	v1 =	vbroadcast v1, $0xF;
	_ =	sdelay $0x1  }
0x12a: {  	(erf) = vrcp.f32 v1;
	_ =	sdelay $0x8  }
0x12b: {  	v1 =	vpop (erf)  }
0x12c: {  	v3 =	vmul.f32 v1, v3  }
0x12d: {  	v4 =	vmul.f32 v1, v46  }
0x12e: {  	v62 =	vmul.f32 v1, v50;
	[tilespmem:$0xDF80] =	vst v3  }
0x12f: {  	v3 =	vmul.f32 v1, v48;
	[tilespmem:$0xDF90] =	vst v4  }
0x130: {  	v63 =	vmul.f32 v1, v53;
	[tilespmem:$0xDFB0] =	vst v62  }
0x131: {  	[tilespmem:$0xDFA0] =	vst v3;
	v3 =	vmul.f32 v1, v51  }
0x132: {  	v2 =	vmul.f32 v1, v2;
	[tilespmem:$0xDFD0] =	vst v63  }
0x133: {  	[tilespmem:$0xDFC0] =	vst v3;
	v3 =	vmul.f32 v1, v55  }
0x134: {  	[tilespmem:$0xDFF0] =	vst v2;
	v2 =	vmul.f32 v1, v57  }
0x135: {  	[tilespmem:$0xDFE0] =	vst v3;
	v3 =	vmul.f32 v1, v56  }
0x136: {  	[tilespmem:$0xE010] =	vst v2;
	v2 =	vmul.f32 v1, v59  }
0x137: {  	[tilespmem:$0xE000] =	vst v3;
	v3 =	vmul.f32 v1, v58  }
0x138: {  	[tilespmem:$0xE030] =	vst v2;
	v1 =	vmul.f32 v1, v60  }
0x139: {  	[tilespmem:$0xE020] =	vst v3  }
0x13a: {  	p0 =	por p1, p1;
	s0 =	simm.s32 $0x0;
	[tilespmem:$0xE038] =	vst v1  }
.LBB2_7:
0x13b: {  	s5 =	sshll.u32 s0, $0x4  }
0x13c: {  	s5 =	smin.u32 s5, $0xB8  }
0x13d: {  	s6 =	sshll.u32 s5, $0x3  }
0x13e: {  	s7 =	sand.u32 $0x78, s5;
	s6 =	sand.u32 $0x400, s6  }
0x13f: {  	s6 =	sor.u32 s7, s6  }
0x140: {  	v1 =	vld [tilespmem:s6+$0x1D80]  }
0x141: {  	v2 =	vld [tilespmem:s6+$0x5D80]  }
0x142: {  	v3 =	vld [tilespmem:s6+$0x9D80];
	_ =	sdelay $0x3  }
0x143: {  	v10 =	vlaneseq.u32;
	v4 =	vshll.u32 v1, $0x6;
	v1 =	vshll.u32 v2, $0x6  }
0x144: {  	v2 =	vshll.u32 v3, $0x6;
	v5 =	vadd.s32 $0x140, v1;
	v6 =	vor.u32 v4, v10  }
0x145: {  	v1 =	vadd.s32 $0x1, v10;
	v7 =	vadd.s32 $0x680, v2;
	v8 =	vor.u32 v5, v10  }
0x146: {  	v3 =	vld [tilespmem:s5+$0xDE80];
	v11 =	vand.u32 $0x3F, v1;
	v12 =	vor.u32 v7, v10  }
0x147: {  	v2 =	vld [tilespmem:s5+$0xDF80];
	v9 =	vor.u32 v5, v11  }
0x148: {  	v1 =	vld [tilespmem:s5+$0xDD80];
	v14 =	vor.u32 v7, v11  }
0x149: {  	v13 =	vmul.u32 $0x40, v10;
	v15 =	vld.idx.msk [tilespmem:v6+s2+$0x0], $0xffff;
	v6 =	vadd.s32 $0x2, v10  }
0x14a: {  	s5 =	sshll.u32 s5, $0x6;
	v16 =	vor.u32 v4, v11;
	v17 =	vld.idx.msk [tilespmem:v8+s2+$0x0], $0xffff;
	v8 =	vand.u32 $0x3F, v6  }
0x14b: {  	v13 =	vadd.s32 s5, v13;
	v6 =	vand.u32 $0x1, v10;
	v12 =	vld.idx.msk [tilespmem:v12+s2+$0x0], $0xffff;
	v19 =	vor.u32 v4, v8  }
0x14c: {  	v18 =	vld.idx.msk [tilespmem:v9+s2+$0x0], $0xffff;
	v9 =	vadd.s32 $0x1, v8;
	v6 =	vmul.u32 $0x40, v6;
	v20 =	vor.u32 v5, v8  }
0x14d: {  	v13 =	vand.u32 $0x7F80, v13;
	v21 =	vld.idx.msk [tilespmem:v14+s2+$0x0], $0xffff;
	v23 =	vor.u32 v7, v8;
	v9 =	vand.u32 $0x3F, v9  }
0x14e: {  	v14 =	vor.u32 v5, v9;
	v6 =	vor.u32 v6, v13  }
0x14f: {  	v16 =	vld.idx.msk [tilespmem:v16+s2+$0x0], $0xffff;
	v24 =	vor.u32 v7, v9;
	v22 =	vmul.f32 v15, v1;
	v25 =	vmul.f32 v17, v3  }
0x150: {  	v26 =	vor.u32 v4, v9;
	v27 =	vor.u32 v10, v6;
	v10 =	vor.u32 v11, v6;
	v13 =	vld.idx.msk [tilespmem:v19+s2+$0x0], $0xffff  }
0x151: {  	v28 =	vmul.f32 v12, v2;
	v19 =	vadd.s32 $0x2, v8;
	v15 =	vld.idx.msk [tilespmem:v20+s2+$0x0], $0xffff;
	v25 =	vadd.f32 v25, v22  }
0x152: {  	v17 =	vmul.f32 v18, v3;
	v18 =	vmul.f32 v21, v2;
	v20 =	vld.idx.msk [tilespmem:v23+s2+$0x0], $0xffff;
	v12 =	vand.u32 $0x3F, v19  }
0x153: {  	v14 =	vld.idx.msk [tilespmem:v14+s2+$0x0], $0xffff;
	v22 =	vor.u32 v4, v12;
	v11 =	vadd.s32 $0x1, v12;
	v28 =	vadd.f32 v28, v25  }
0x154: {  	v23 =	vor.u32 v5, v12;
	v19 =	vld.idx.msk [tilespmem:v24+s2+$0x0], $0xffff;
	v11 =	vand.u32 $0x3F, v11;
	v25 =	vmul.f32 v16, v1  }
0x155: {  	s5 =	simm.s32 $0x4;
	v16 =	vld.idx.msk [tilespmem:v26+s2+$0x0], $0xffff;
	v21 =	vor.u32 v4, v11;
	v24 =	vor.u32 v5, v11;
	[tilespmem:v27+s20+$0x0] =	vst.idx.msk $0xffff, v28  }
.LBB2_8:
0x156: {  	s5 =	sadd.s32 $0x2, s5;
	v26 =	vor.u32 v7, v12;
	v27 =	vor.u32 v7, v11;
	v25 =	vadd.f32 v17, v25  }
0x157: {  	v28 =	vmul.f32 v13, v1;
	v29 =	vmul.f32 v15, v3;
	v30 =	vor.u32 v8, v6;
	v8 =	vmovc v12;
	p1 =	slt.u32 s5, $0x3E  }
0x158: {  	v12 =	vadd.s32 $0x2, v12;
	v17 =	vmul.f32 v14, v3;
	v13 =	vld.idx.msk [tilespmem:v22+s2+$0x0], $0xffff;
	v22 =	vadd.f32 v18, v25  }
.Ltmp2:
0x159: {  	v25 =	vmul.f32 v20, v2;
	v15 =	vld.idx.msk [tilespmem:v23+s2+$0x0], $0xffff;
	v23 =	vadd.f32 v29, v28;
	v28 =	vor.u32 v9, v6;
	(pc) =	sbr.rel @p1 .LBB2_8-.Ltmp2, $4  }
0x15a: {  	v12 =	vand.u32 $0x3F, v12;
	v18 =	vmul.f32 v19, v2;
	v14 =	vld.idx.msk [tilespmem:v24+s2+$0x0], $0xffff;
	[tilespmem:v10+s20+$0x0] =	vst.idx.msk $0xffff, v22;
	v10 =	vmov v28  }
0x15b: {  	v19 =	vadd.s32 $0x1, v12;
	v9 =	vmovc v11;
	v22 =	vor.u32 v4, v12;
	v20 =	vld.idx.msk [tilespmem:v26+s2+$0x0], $0xffff;
	v26 =	vadd.f32 v25, v23  }
0x15c: {  	v11 =	vand.u32 $0x3F, v19;
	v23 =	vor.u32 v5, v12;
	v25 =	vmul.f32 v16, v1;
	v19 =	vld.idx.msk [tilespmem:v27+s2+$0x0], $0xffff  }
0x15d: {  	v24 =	vor.u32 v5, v11;
	v16 =	vld.idx.msk [tilespmem:v21+s2+$0x0], $0xffff;
	v21 =	vor.u32 v4, v11;
	[tilespmem:v30+s20+$0x0] =	vst.idx.msk $0xffff, v26  }
0x15e: {  	_ =	sdelay $0x2  }
0x15f: {  	v4 =	vor.u32 v7, v12  }
0x160: {  	v5 =	vor.u32 v7, v11;
	v53 =	vld.idx.msk [tilespmem:v22+s2+$0x0], $0xffff  }
0x161: {  	v54 =	vld.idx.msk [tilespmem:v23+s2+$0x0], $0xffff  }
0x162: {  	v17 =	vadd.f32 v17, v25;
	v55 =	vld.idx.msk [tilespmem:v24+s2+$0x0], $0xffff  }
0x163: {  	v13 =	vmul.f32 v13, v1;
	v15 =	vmul.f32 v15, v3;
	v8 =	vor.u32 v8, v6;
	v21 =	vld.idx.msk [tilespmem:v21+s2+$0x0], $0xffff  }
0x164: {  	v9 =	vor.u32 v9, v6;
	v61 =	vor.u32 v12, v6;
	v62 =	vor.u32 v11, v6;
	v4 =	vld.idx.msk [tilespmem:v4+s2+$0x0], $0xffff  }
0x165: {  	v14 =	vmul.f32 v14, v3;
	v17 =	vadd.f32 v18, v17;
	v56 =	vmul.f32 v20, v2;
	v5 =	vld.idx.msk [tilespmem:v5+s2+$0x0], $0xffff  }
0x166: {  	v13 =	vadd.f32 v15, v13;
	v57 =	vmul.f32 v19, v2;
	v16 =	vmul.f32 v16, v1  }
0x167: {  	[tilespmem:v10+s20+$0x0] =	vst.idx.msk $0xffff, v17;
	v7 =	vmul.f32 v53, v1;
	v60 =	vmul.f32 v54, v3  }
0x168: {  	s0 =	sadd.s32 $0x1, s0;
	v3 =	vmul.f32 v55, v3;
	v1 =	vmul.f32 v21, v1;
	v59 =	vadd.f32 v14, v16  }
0x169: {  	p1 =	sne.s32 s0, $0xD;
	v58 =	vadd.f32 v56, v13;
	v7 =	vadd.f32 v60, v7;
	v4 =	vmul.f32 v4, v2  }
.Ltmp3:
0x16a: {  	v1 =	vadd.f32 v3, v1;
	v63 =	vadd.f32 v57, v59;
	v2 =	vmul.f32 v5, v2;
	(pc) =	sbr.rel @p1 .LBB2_7-.Ltmp3, $4  }
0x16b: {  	[tilespmem:v8+s20+$0x0] =	vst.idx.msk $0xffff, v58;
	v3 =	vadd.f32 v4, v7  }
0x16c: {  	[tilespmem:v9+s20+$0x0] =	vst.idx.msk $0xffff, v63;
	v1 =	vadd.f32 v2, v1  }
0x16d: {  	[tilespmem:v61+s20+$0x0] =	vst.idx.msk $0xffff, v3  }
0x16e: {  	[tilespmem:v62+s20+$0x0] =	vst.idx.msk $0xffff, v1  }
0x16f: {  	s0 =	sshrl.u32 s29, $0x3  }
0x170: {  	s0 =	smul.u32 $0x3200, s0;
	_ =	sdelay $0x1  }
0x171: {  	s5 =	sadd.s32 s9, s0  }
0x172: {  	[hbm4b:s5+s21] =	stream.strided.scatter [tilespmem:s20], [sflag:$0x1], $0x3200, s22, s21, $0x38;
	[tilespmem:$0x14480] =	vst v63  }
0x173: {  	v1 =	vld [tilespmem:$0x1E00]  }
0x174: {  	v2 =	vld [tilespmem:$0x1E10]  }
0x175: {  	v3 =	vld [tilespmem:$0x1E20]  }
0x176: {  	v4 =	vld [tilespmem:$0x1E30]  }
0x177: {  	v5 =	vld [tilespmem:$0x1E40]  }
0x178: {  	v6 =	vld [tilespmem:$0x1E50]  }
0x179: {  	v7 =	vld [tilespmem:$0x1E60]  }
0x17a: {  	v8 =	vld [tilespmem:$0x1E70]  }
0x17b: {  	v9 =	vld [tilespmem:$0x2200]  }
0x17c: {  	v10 =	vld [tilespmem:$0x2210]  }
0x17d: {  	v11 =	vld [tilespmem:$0x2220]  }
0x17e: {  	v12 =	vld [tilespmem:$0x2230]  }
0x17f: {  	v13 =	vld [tilespmem:$0x2238]  }
0x180: {  	v1 =	vld.idx.msk [tilespmem:v1+s19+$0x0], $0xffff  }
0x181: {  	v2 =	vld.idx.msk [tilespmem:v2+s19+$0x0], $0xffff  }
0x182: {  	v3 =	vld.idx.msk [tilespmem:v3+s19+$0x0], $0xffff  }
0x183: {  	v4 =	vld.idx.msk [tilespmem:v4+s19+$0x0], $0xffff  }
0x184: {  	v5 =	vld.idx.msk [tilespmem:v5+s19+$0x0], $0xffff  }
0x185: {  	v6 =	vld.idx.msk [tilespmem:v6+s19+$0x0], $0xffff  }
0x186: {  	v7 =	vld.idx.msk [tilespmem:v7+s19+$0x0], $0xffff;
	v14 =	vmax.f32 v1, v2  }
0x187: {  	v8 =	vld.idx.msk [tilespmem:v8+s19+$0x0], $0xffff;
	v14 =	vmax.f32 v14, v3  }
0x188: {  	v9 =	vld.idx.msk [tilespmem:v9+s19+$0x0], $0xffff;
	v14 =	vmax.f32 v14, v4  }
0x189: {  	v10 =	vld.idx.msk [tilespmem:v10+s19+$0x0], $0xffff;
	v14 =	vmax.f32 v14, v5  }
0x18a: {  	v11 =	vld.idx.msk [tilespmem:v11+s19+$0x0], $0xffff;
	v14 =	vmax.f32 v14, v6  }
0x18b: {  	v12 =	vld.idx.msk [tilespmem:v12+s19+$0x0], $0xffff;
	v14 =	vmax.f32 v14, v7  }
0x18c: {  	v13 =	vld.idx.msk [tilespmem:v13+s19+$0x0], $0xffff;
	v14 =	vmax.f32 v14, v8  }
0x18d: {  	v14 =	vmax.f32 v14, v9  }
0x18e: {  	v14 =	vmax.f32 v14, v10  }
0x18f: {  	v14 =	vmax.f32 v14, v11  }
0x190: {  	v14 =	vmax.f32 v14, v12  }
0x191: {  	v14 =	vmax.f32 v14, v13  }
0x192: {  	(xrf0) =	vmax.scan.msk.f32 $0xffff, v14;
	_ =	sdelay $0x5  }
0x193: {  	v14, _, _ =	vpop (xrf0)  }
0x194: {  	v14 =	vbroadcast v14, $0xF;
	_ =	sdelay $0x1  }
0x195: {  	v1 =	vsub.f32 v1, v14  }
0x196: {  	v2 =	vsub.f32 v2, v14  }
0x197: {  	v1 =	vmul.f32 $1.442695020e+00, v1  }
0x198: {  	v3 =	vsub.f32 v3, v14;
	v2 =	vmul.f32 $1.442695020e+00, v2  }
0x199: {  	(erf) = vpow2.f32 v1  }
0x19a: {  	v1 =	vmul.f32 $1.442695020e+00, v3;
	(erf) = vpow2.f32 v2;
	v2 =	vsub.f32 v4, v14;
	_ =	sdelay $0x1  }
0x19b: {  	(erf) = vpow2.f32 v1;
	v1 =	vmul.f32 $1.442695020e+00, v2;
	v2 =	vsub.f32 v5, v14  }
0x19c: {  	v3 =	vsub.f32 v7, v14  }
0x19d: {  	(erf) = vpow2.f32 v1;
	v1 =	vmul.f32 $1.442695020e+00, v2;
	v2 =	vsub.f32 v6, v14;
	_ =	sdelay $0x1  }
0x19e: {  	(erf) = vpow2.f32 v1;
	v1 =	vmul.f32 $1.442695020e+00, v2  }
0x19f: {  	v2 =	vmul.f32 $1.442695020e+00, v3  }
0x1a0: {  	v3 =	vpop (erf);
	(erf) = vpow2.f32 v1;
	v1 =	vsub.f32 v8, v14  }
0x1a1: {  	v30 =	vpop (erf);
	(erf) = vpow2.f32 v2  }
0x1a2: {  	v2 =	vsub.f32 v9, v14;
	v1 =	vmul.f32 $1.442695020e+00, v1;
	v31 =	vadd.f32 v30, v3  }
0x1a3: {  	v32 =	vpop (erf)  }
0x1a4: {  	(erf) = vpow2.f32 v1;
	v1 =	vmul.f32 $1.442695020e+00, v2;
	v2 =	vadd.f32 v31, v32  }
0x1a5: {  	v33 =	vsub.f32 v10, v14;
	v34 =	vpop (erf)  }
0x1a6: {  	v2 =	vadd.f32 v2, v34  }
0x1a7: {  	v7 =	vmul.f32 $1.442695020e+00, v33;
	(erf) = vpow2.f32 v1;
	v1 =	vsub.f32 v11, v14;
	v35 =	vpop (erf)  }
0x1a8: {  	v2 =	vadd.f32 v2, v35  }
0x1a9: {  	v36 =	vsub.f32 v12, v14;
	(erf) = vpow2.f32 v7;
	v1 =	vmul.f32 $1.442695020e+00, v1;
	v37 =	vpop (erf)  }
0x1aa: {  	v38 =	vsub.f32 v13, v14;
	v2 =	vadd.f32 v2, v37  }
0x1ab: {  	(erf) = vpow2.f32 v1;
	v1 =	vmul.f32 $1.442695020e+00, v36  }
0x1ac: {  	v10 =	vmul.f32 $1.442695020e+00, v38;
	v39 =	vpop (erf)  }
0x1ad: {  	(erf) = vpow2.f32 v1;
	v1 =	vadd.f32 v2, v39  }
0x1ae: {  	v2 =	vpop (erf);
	(erf) = vpow2.f32 v10  }
0x1af: {  	v1 =	vadd.f32 v1, v2  }
0x1b0: {  	v40 =	vpop (erf)  }
0x1b1: {  	v1 =	vadd.f32 v1, v40  }
0x1b2: {  	v41 =	vpop (erf)  }
0x1b3: {  	v1 =	vadd.f32 v1, v41  }
0x1b4: {  	v42 =	vpop (erf)  }
0x1b5: {  	v1 =	vadd.f32 v1, v42  }
0x1b6: {  	v43 =	vpop (erf)  }
0x1b7: {  	v44 =	vpop (erf);
	v1 =	vadd.f32 v1, v43  }
0x1b8: {  	v15 =	vsel vm0, $0x0, v44  }
0x1b9: {  	v1 =	vadd.f32 v1, v15;
	_ =	sdelay $0x1  }
0x1ba: {  	(xrf2) =	vadd.scan.msk.f32 $0xffff, v1;
	_ =	sdelay $0x9  }
0x1bb: {  	v1, _, _ =	vpop (xrf2)  }
0x1bc: {  	v1 =	vbroadcast v1, $0xF;
	_ =	sdelay $0x1  }
0x1bd: {  	(erf) = vrcp.f32 v1;
	_ =	sdelay $0x8  }
0x1be: {  	v1 =	vpop (erf)  }
0x1bf: {  	v3 =	vmul.f32 v1, v3  }
0x1c0: {  	v4 =	vmul.f32 v1, v30  }
0x1c1: {  	v45 =	vmul.f32 v1, v34;
	[tilespmem:$0xDD80] =	vst v3  }
0x1c2: {  	v47 =	vld [tilespmem:$0x5E00];
	v3 =	vmul.f32 v1, v32;
	[tilespmem:$0xDD90] =	vst v4  }
0x1c3: {  	v48 =	vld [tilespmem:$0x5E10];
	v46 =	vmul.f32 v1, v37;
	[tilespmem:$0xDDB0] =	vst v45  }
0x1c4: {  	v49 =	vld [tilespmem:$0x5E20];
	[tilespmem:$0xDDA0] =	vst v3;
	v3 =	vmul.f32 v1, v35  }
0x1c5: {  	v50 =	vld [tilespmem:$0x5E30];
	v2 =	vmul.f32 v1, v2;
	[tilespmem:$0xDDD0] =	vst v46  }
0x1c6: {  	v51 =	vld [tilespmem:$0x5E40];
	[tilespmem:$0xDDC0] =	vst v3;
	v3 =	vmul.f32 v1, v39  }
0x1c7: {  	v52 =	vld [tilespmem:$0x5E50];
	[tilespmem:$0xDDF0] =	vst v2;
	v2 =	vmul.f32 v1, v41  }
0x1c8: {  	v53 =	vld [tilespmem:$0x5E60];
	[tilespmem:$0xDDE0] =	vst v3;
	v3 =	vmul.f32 v1, v40  }
0x1c9: {  	v54 =	vld [tilespmem:$0x5E70];
	v5 =	vadd.s32 $0x5, v47;
	[tilespmem:$0xDE10] =	vst v2;
	v2 =	vmul.f32 v1, v43  }
0x1ca: {  	v55 =	vld [tilespmem:$0x6200];
	v6 =	vadd.s32 $0x5, v48;
	[tilespmem:$0xDE00] =	vst v3;
	v3 =	vmul.f32 v1, v42  }
0x1cb: {  	v56 =	vld [tilespmem:$0x6210];
	[tilespmem:$0xDE30] =	vst v2;
	v1 =	vmul.f32 v1, v44  }
0x1cc: {  	v57 =	vld [tilespmem:$0x6220];
	[tilespmem:$0xDE20] =	vst v3;
	v3 =	vadd.s32 $0x5, v49  }
0x1cd: {  	v58 =	vld [tilespmem:$0x6230];
	v4 =	vadd.s32 $0x5, v50;
	[tilespmem:$0xDE38] =	vst v1  }
0x1ce: {  	v1 =	vld.idx.msk [tilespmem:v5+s19+$0x0], $0xffff;
	v5 =	vadd.s32 $0x5, v51  }
0x1cf: {  	v2 =	vld.idx.msk [tilespmem:v6+s19+$0x0], $0xffff;
	v6 =	vadd.s32 $0x5, v52  }
0x1d0: {  	v59 =	vld [tilespmem:$0x6238];
	v7 =	vadd.s32 $0x5, v53  }
0x1d1: {  	v8 =	vadd.s32 $0x5, v54;
	v3 =	vld.idx.msk [tilespmem:v3+s19+$0x0], $0xffff  }
0x1d2: {  	v9 =	vadd.s32 $0x5, v55;
	v4 =	vld.idx.msk [tilespmem:v4+s19+$0x0], $0xffff  }
0x1d3: {  	v10 =	vadd.s32 $0x5, v56;
	v5 =	vld.idx.msk [tilespmem:v5+s19+$0x0], $0xffff  }
0x1d4: {  	v11 =	vadd.s32 $0x5, v57;
	v6 =	vld.idx.msk [tilespmem:v6+s19+$0x0], $0xffff  }
0x1d5: {  	v12 =	vadd.s32 $0x5, v58;
	v7 =	vld.idx.msk [tilespmem:v7+s19+$0x0], $0xffff;
	v60 =	vmax.f32 v1, v2  }
0x1d6: {  	v13 =	vadd.s32 $0x5, v59;
	v8 =	vld.idx.msk [tilespmem:v8+s19+$0x0], $0xffff;
	v14 =	vmax.f32 v60, v3  }
0x1d7: {  	v9 =	vld.idx.msk [tilespmem:v9+s19+$0x0], $0xffff;
	v14 =	vmax.f32 v14, v4  }
0x1d8: {  	v10 =	vld.idx.msk [tilespmem:v10+s19+$0x0], $0xffff;
	v14 =	vmax.f32 v14, v5  }
0x1d9: {  	v11 =	vld.idx.msk [tilespmem:v11+s19+$0x0], $0xffff;
	v14 =	vmax.f32 v14, v6  }
0x1da: {  	v12 =	vld.idx.msk [tilespmem:v12+s19+$0x0], $0xffff;
	v14 =	vmax.f32 v14, v7  }
0x1db: {  	v13 =	vld.idx.msk [tilespmem:v13+s19+$0x0], $0xffff;
	v14 =	vmax.f32 v14, v8  }
0x1dc: {  	v14 =	vmax.f32 v14, v9  }
0x1dd: {  	v14 =	vmax.f32 v14, v10  }
0x1de: {  	v14 =	vmax.f32 v14, v11  }
0x1df: {  	v14 =	vmax.f32 v14, v12  }
0x1e0: {  	v14 =	vmax.f32 v14, v13  }
0x1e1: {  	(xrf0) =	vmax.scan.msk.f32 $0xffff, v14;
	_ =	sdelay $0x5  }
0x1e2: {  	v14, _, _ =	vpop (xrf0)  }
0x1e3: {  	v14 =	vbroadcast v14, $0xF;
	_ =	sdelay $0x1  }
0x1e4: {  	v1 =	vsub.f32 v1, v14  }
0x1e5: {  	v2 =	vsub.f32 v2, v14  }
0x1e6: {  	v1 =	vmul.f32 $1.442695020e+00, v1  }
0x1e7: {  	v3 =	vsub.f32 v3, v14;
	v2 =	vmul.f32 $1.442695020e+00, v2  }
0x1e8: {  	(erf) = vpow2.f32 v1  }
0x1e9: {  	v1 =	vmul.f32 $1.442695020e+00, v3;
	(erf) = vpow2.f32 v2;
	v2 =	vsub.f32 v4, v14;
	_ =	sdelay $0x1  }
0x1ea: {  	(erf) = vpow2.f32 v1;
	v1 =	vmul.f32 $1.442695020e+00, v2;
	v2 =	vsub.f32 v5, v14  }
0x1eb: {  	v3 =	vsub.f32 v7, v14  }
0x1ec: {  	(erf) = vpow2.f32 v1;
	v1 =	vmul.f32 $1.442695020e+00, v2;
	v2 =	vsub.f32 v6, v14;
	_ =	sdelay $0x1  }
0x1ed: {  	(erf) = vpow2.f32 v1;
	v1 =	vmul.f32 $1.442695020e+00, v2  }
0x1ee: {  	v2 =	vmul.f32 $1.442695020e+00, v3  }
0x1ef: {  	v3 =	vpop (erf);
	(erf) = vpow2.f32 v1;
	v1 =	vsub.f32 v8, v14  }
0x1f0: {  	v61 =	vpop (erf);
	(erf) = vpow2.f32 v2  }
0x1f1: {  	v2 =	vsub.f32 v9, v14;
	v1 =	vmul.f32 $1.442695020e+00, v1;
	v62 =	vadd.f32 v61, v3  }
0x1f2: {  	v63 =	vpop (erf)  }
0x1f3: {  	(erf) = vpow2.f32 v1;
	v1 =	vmul.f32 $1.442695020e+00, v2;
	v2 =	vadd.f32 v62, v63  }
0x1f4: {  	v17 =	vsub.f32 v10, v14;
	v18 =	vpop (erf)  }
0x1f5: {  	v2 =	vadd.f32 v2, v18  }
0x1f6: {  	v7 =	vmul.f32 $1.442695020e+00, v17;
	(erf) = vpow2.f32 v1;
	v1 =	vsub.f32 v11, v14;
	v19 =	vpop (erf)  }
0x1f7: {  	v2 =	vadd.f32 v2, v19  }
0x1f8: {  	v20 =	vsub.f32 v12, v14;
	(erf) = vpow2.f32 v7;
	v1 =	vmul.f32 $1.442695020e+00, v1;
	v21 =	vpop (erf)  }
0x1f9: {  	v22 =	vsub.f32 v13, v14;
	v2 =	vadd.f32 v2, v21  }
0x1fa: {  	(erf) = vpow2.f32 v1;
	v1 =	vmul.f32 $1.442695020e+00, v20  }
0x1fb: {  	v10 =	vmul.f32 $1.442695020e+00, v22;
	v23 =	vpop (erf)  }
0x1fc: {  	(erf) = vpow2.f32 v1;
	v1 =	vadd.f32 v2, v23  }
0x1fd: {  	v2 =	vpop (erf);
	(erf) = vpow2.f32 v10  }
0x1fe: {  	v1 =	vadd.f32 v1, v2  }
0x1ff: {  	v24 =	vpop (erf)  }
0x200: {  	v1 =	vadd.f32 v1, v24  }
0x201: {  	v25 =	vpop (erf)  }
0x202: {  	v1 =	vadd.f32 v1, v25  }
0x203: {  	v26 =	vpop (erf)  }
0x204: {  	v1 =	vadd.f32 v1, v26  }
0x205: {  	v27 =	vpop (erf)  }
0x206: {  	v28 =	vpop (erf);
	v1 =	vadd.f32 v1, v27  }
0x207: {  	v29 =	vsel vm0, $0x0, v28  }
0x208: {  	v1 =	vadd.f32 v1, v29;
	_ =	sdelay $0x1  }
0x209: {  	(xrf2) =	vadd.scan.msk.f32 $0xffff, v1;
	_ =	sdelay $0x9  }
0x20a: {  	v1, _, _ =	vpop (xrf2)  }
0x20b: {  	v1 =	vbroadcast v1, $0xF;
	_ =	sdelay $0x1  }
0x20c: {  	(erf) = vrcp.f32 v1;
	_ =	sdelay $0x8  }
0x20d: {  	v1 =	vpop (erf)  }
0x20e: {  	v3 =	vmul.f32 v1, v3  }
0x20f: {  	v4 =	vmul.f32 v1, v61  }
0x210: {  	v30 =	vmul.f32 v1, v18;
	[tilespmem:$0xDE80] =	vst v3  }
0x211: {  	v38 =	vld [tilespmem:$0x9E60];
	v3 =	vmul.f32 v1, v63;
	[tilespmem:$0xDE90] =	vst v4  }
0x212: {  	v33 =	vld [tilespmem:$0x9E10];
	v31 =	vmul.f32 v1, v21;
	[tilespmem:$0xDEB0] =	vst v30  }
0x213: {  	v32 =	vld [tilespmem:$0x9E00];
	[tilespmem:$0xDEA0] =	vst v3;
	v3 =	vmul.f32 v1, v19  }
0x214: {  	v36 =	vld [tilespmem:$0x9E40];
	v2 =	vmul.f32 v1, v2;
	[tilespmem:$0xDED0] =	vst v31  }
0x215: {  	v34 =	vld [tilespmem:$0x9E20];
	[tilespmem:$0xDEC0] =	vst v3;
	v3 =	vmul.f32 v1, v23  }
0x216: {  	v37 =	vld [tilespmem:$0x9E50];
	[tilespmem:$0xDEF0] =	vst v2;
	v2 =	vmul.f32 v1, v25  }
0x217: {  	v35 =	vld [tilespmem:$0x9E30];
	[tilespmem:$0xDEE0] =	vst v3;
	v3 =	vmul.f32 v1, v24  }
0x218: {  	v41 =	vld [tilespmem:$0xA210];
	v5 =	vadd.s32 $0x1A, v32;
	[tilespmem:$0xDF10] =	vst v2;
	v2 =	vmul.f32 v1, v27  }
0x219: {  	v43 =	vld [tilespmem:$0xA230];
	v6 =	vadd.s32 $0x1A, v33;
	[tilespmem:$0xDF00] =	vst v3;
	v3 =	vmul.f32 v1, v26  }
0x21a: {  	v39 =	vld [tilespmem:$0x9E70];
	[tilespmem:$0xDF30] =	vst v2;
	v1 =	vmul.f32 v1, v28  }
0x21b: {  	v40 =	vld [tilespmem:$0xA200];
	[tilespmem:$0xDF20] =	vst v3;
	v3 =	vadd.s32 $0x1A, v34  }
0x21c: {  	v42 =	vld [tilespmem:$0xA220];
	v4 =	vadd.s32 $0x1A, v35;
	[tilespmem:$0xDF38] =	vst v1  }
0x21d: {  	v1 =	vld.idx.msk [tilespmem:v5+s19+$0x0], $0xffff;
	v5 =	vadd.s32 $0x1A, v36  }
0x21e: {  	v2 =	vld.idx.msk [tilespmem:v6+s19+$0x0], $0xffff;
	v6 =	vadd.s32 $0x1A, v37  }
0x21f: {  	v44 =	vld [tilespmem:$0xA238];
	v7 =	vadd.s32 $0x1A, v38  }
0x220: {  	v8 =	vadd.s32 $0x1A, v39;
	v3 =	vld.idx.msk [tilespmem:v3+s19+$0x0], $0xffff  }
0x221: {  	v9 =	vadd.s32 $0x1A, v40;
	v4 =	vld.idx.msk [tilespmem:v4+s19+$0x0], $0xffff  }
0x222: {  	v10 =	vadd.s32 $0x1A, v41;
	v5 =	vld.idx.msk [tilespmem:v5+s19+$0x0], $0xffff  }
0x223: {  	v11 =	vadd.s32 $0x1A, v42;
	v6 =	vld.idx.msk [tilespmem:v6+s19+$0x0], $0xffff  }
0x224: {  	v12 =	vadd.s32 $0x1A, v43;
	v7 =	vld.idx.msk [tilespmem:v7+s19+$0x0], $0xffff;
	v45 =	vmax.f32 v1, v2  }
0x225: {  	v13 =	vadd.s32 $0x1A, v44;
	v8 =	vld.idx.msk [tilespmem:v8+s19+$0x0], $0xffff;
	v14 =	vmax.f32 v45, v3  }
0x226: {  	v9 =	vld.idx.msk [tilespmem:v9+s19+$0x0], $0xffff;
	v14 =	vmax.f32 v14, v4  }
0x227: {  	v10 =	vld.idx.msk [tilespmem:v10+s19+$0x0], $0xffff;
	v14 =	vmax.f32 v14, v5  }
0x228: {  	v11 =	vld.idx.msk [tilespmem:v11+s19+$0x0], $0xffff;
	v14 =	vmax.f32 v14, v6  }
0x229: {  	v12 =	vld.idx.msk [tilespmem:v12+s19+$0x0], $0xffff;
	v14 =	vmax.f32 v14, v7  }
0x22a: {  	v13 =	vld.idx.msk [tilespmem:v13+s19+$0x0], $0xffff;
	v14 =	vmax.f32 v14, v8  }
0x22b: {  	v14 =	vmax.f32 v14, v9  }
0x22c: {  	v14 =	vmax.f32 v14, v10  }
0x22d: {  	v14 =	vmax.f32 v14, v11  }
0x22e: {  	v14 =	vmax.f32 v14, v12  }
0x22f: {  	v14 =	vmax.f32 v14, v13  }
0x230: {  	(xrf0) =	vmax.scan.msk.f32 $0xffff, v14;
	_ =	sdelay $0x5  }
0x231: {  	v14, _, _ =	vpop (xrf0)  }
0x232: {  	v14 =	vbroadcast v14, $0xF;
	_ =	sdelay $0x1  }
0x233: {  	v1 =	vsub.f32 v1, v14  }
0x234: {  	v2 =	vsub.f32 v2, v14  }
0x235: {  	v1 =	vmul.f32 $1.442695020e+00, v1  }
0x236: {  	v3 =	vsub.f32 v3, v14;
	v2 =	vmul.f32 $1.442695020e+00, v2  }
0x237: {  	(erf) = vpow2.f32 v1  }
0x238: {  	v1 =	vmul.f32 $1.442695020e+00, v3;
	(erf) = vpow2.f32 v2;
	v2 =	vsub.f32 v4, v14;
	_ =	sdelay $0x1  }
0x239: {  	(erf) = vpow2.f32 v1;
	v1 =	vmul.f32 $1.442695020e+00, v2;
	v2 =	vsub.f32 v5, v14  }
0x23a: {  	v3 =	vsub.f32 v7, v14  }
0x23b: {  	(erf) = vpow2.f32 v1;
	v1 =	vmul.f32 $1.442695020e+00, v2;
	v2 =	vsub.f32 v6, v14;
	_ =	sdelay $0x1  }
0x23c: {  	(erf) = vpow2.f32 v1;
	v1 =	vmul.f32 $1.442695020e+00, v2  }
0x23d: {  	v2 =	vmul.f32 $1.442695020e+00, v3  }
0x23e: {  	v3 =	vpop (erf);
	(erf) = vpow2.f32 v1;
	v1 =	vsub.f32 v8, v14  }
0x23f: {  	v46 =	vpop (erf);
	(erf) = vpow2.f32 v2  }
0x240: {  	v2 =	vsub.f32 v9, v14;
	v1 =	vmul.f32 $1.442695020e+00, v1;
	v47 =	vadd.f32 v46, v3  }
0x241: {  	v48 =	vpop (erf)  }
0x242: {  	(erf) = vpow2.f32 v1;
	v1 =	vmul.f32 $1.442695020e+00, v2;
	v2 =	vadd.f32 v47, v48  }
0x243: {  	v49 =	vsub.f32 v10, v14;
	v50 =	vpop (erf)  }
0x244: {  	v2 =	vadd.f32 v2, v50  }
0x245: {  	v7 =	vmul.f32 $1.442695020e+00, v49;
	(erf) = vpow2.f32 v1;
	v1 =	vsub.f32 v11, v14;
	v51 =	vpop (erf)  }
0x246: {  	v2 =	vadd.f32 v2, v51  }
0x247: {  	v52 =	vsub.f32 v12, v14;
	(erf) = vpow2.f32 v7;
	v1 =	vmul.f32 $1.442695020e+00, v1;
	v53 =	vpop (erf)  }
0x248: {  	v54 =	vsub.f32 v13, v14;
	v2 =	vadd.f32 v2, v53  }
0x249: {  	(erf) = vpow2.f32 v1;
	v1 =	vmul.f32 $1.442695020e+00, v52  }
0x24a: {  	v10 =	vmul.f32 $1.442695020e+00, v54;
	v55 =	vpop (erf)  }
0x24b: {  	(erf) = vpow2.f32 v1;
	v1 =	vadd.f32 v2, v55  }
0x24c: {  	v2 =	vpop (erf);
	(erf) = vpow2.f32 v10  }
0x24d: {  	v1 =	vadd.f32 v1, v2  }
0x24e: {  	v56 =	vpop (erf)  }
0x24f: {  	v1 =	vadd.f32 v1, v56  }
0x250: {  	v57 =	vpop (erf)  }
0x251: {  	v1 =	vadd.f32 v1, v57  }
0x252: {  	v58 =	vpop (erf)  }
0x253: {  	v1 =	vadd.f32 v1, v58  }
0x254: {  	v59 =	vpop (erf)  }
0x255: {  	v60 =	vpop (erf);
	v1 =	vadd.f32 v1, v59  }
0x256: {  	v61 =	vsel vm0, $0x0, v60  }
0x257: {  	v1 =	vadd.f32 v1, v61;
	_ =	sdelay $0x1  }
0x258: {  	(xrf2) =	vadd.scan.msk.f32 $0xffff, v1;
	_ =	sdelay $0x9  }
0x259: {  	v1, _, _ =	vpop (xrf2)  }
0x25a: {  	v1 =	vbroadcast v1, $0xF;
	_ =	sdelay $0x1  }
0x25b: {  	(erf) = vrcp.f32 v1;
	_ =	sdelay $0x8  }
0x25c: {  	v1 =	vpop (erf)  }
0x25d: {  	v3 =	vmul.f32 v1, v3  }
0x25e: {  	v4 =	vmul.f32 v1, v46  }
0x25f: {  	v62 =	vmul.f32 v1, v50;
	[tilespmem:$0xDF80] =	vst v3  }
0x260: {  	v3 =	vmul.f32 v1, v48;
	[tilespmem:$0xDF90] =	vst v4  }
0x261: {  	v63 =	vmul.f32 v1, v53;
	[tilespmem:$0xDFB0] =	vst v62  }
0x262: {  	[tilespmem:$0xDFA0] =	vst v3;
	v3 =	vmul.f32 v1, v51  }
0x263: {  	v2 =	vmul.f32 v1, v2;
	[tilespmem:$0xDFD0] =	vst v63  }
0x264: {  	[tilespmem:$0xDFC0] =	vst v3;
	v3 =	vmul.f32 v1, v55  }
0x265: {  	[tilespmem:$0xDFF0] =	vst v2;
	v2 =	vmul.f32 v1, v57  }
0x266: {  	[tilespmem:$0xDFE0] =	vst v3;
	v3 =	vmul.f32 v1, v56  }
0x267: {  	[tilespmem:$0xE010] =	vst v2;
	v2 =	vmul.f32 v1, v59  }
0x268: {  	[tilespmem:$0xE000] =	vst v3;
	v3 =	vmul.f32 v1, v58  }
0x269: {  	[tilespmem:$0xE030] =	vst v2;
	v1 =	vmul.f32 v1, v60  }
0x26a: {  	[tilespmem:$0xE020] =	vst v3  }
0x26b: {  	s5 =	simm.s32 $0x0;
	[tilespmem:$0xE038] =	vst v1  }
.LBB2_11:
0x26c: {  	s6 =	sshll.u32 s5, $0x4  }
0x26d: {  	s6 =	smin.u32 s6, $0xB8  }
0x26e: {  	s7 =	sshll.u32 s6, $0x3  }
0x26f: {  	s7 =	sand.u32 $0x400, s7  }
0x270: {  	s7 =	sor.u32 s7, s6  }
0x271: {  	s7 =	sor.u32 $0x80, s7  }
0x272: {  	v1 =	vld [tilespmem:s7+$0x1D80]  }
0x273: {  	v2 =	vld [tilespmem:s7+$0x5D80]  }
0x274: {  	v3 =	vld [tilespmem:s7+$0x9D80];
	_ =	sdelay $0x3  }
0x275: {  	v10 =	vlaneseq.u32;
	v4 =	vshll.u32 v1, $0x6;
	v1 =	vshll.u32 v2, $0x6  }
0x276: {  	v2 =	vshll.u32 v3, $0x6;
	v5 =	vadd.s32 $0x140, v1;
	v6 =	vor.u32 v4, v10  }
0x277: {  	v1 =	vadd.s32 $0x1, v10;
	v7 =	vadd.s32 $0x680, v2;
	v8 =	vor.u32 v5, v10  }
0x278: {  	v3 =	vld [tilespmem:s6+$0xDE80];
	v11 =	vand.u32 $0x3F, v1;
	v12 =	vor.u32 v7, v10  }
0x279: {  	v2 =	vld [tilespmem:s6+$0xDF80];
	v9 =	vor.u32 v5, v11  }
0x27a: {  	v1 =	vld [tilespmem:s6+$0xDD80];
	v14 =	vor.u32 v7, v11  }
0x27b: {  	v13 =	vmul.u32 $0x40, v10;
	v15 =	vld.idx.msk [tilespmem:v6+s2+$0x0], $0xffff;
	v6 =	vadd.s32 $0x2, v10  }
0x27c: {  	s6 =	sshll.u32 s6, $0x6;
	v16 =	vor.u32 v4, v11;
	v17 =	vld.idx.msk [tilespmem:v8+s2+$0x0], $0xffff;
	v8 =	vand.u32 $0x3F, v6  }
0x27d: {  	v13 =	vadd.s32 s6, v13;
	v6 =	vand.u32 $0x1, v10;
	v12 =	vld.idx.msk [tilespmem:v12+s2+$0x0], $0xffff;
	v19 =	vor.u32 v4, v8  }
0x27e: {  	v18 =	vld.idx.msk [tilespmem:v9+s2+$0x0], $0xffff;
	v9 =	vadd.s32 $0x1, v8;
	v6 =	vmul.u32 $0x40, v6;
	v20 =	vor.u32 v5, v8  }
0x27f: {  	v13 =	vand.u32 $0x7F80, v13;
	v21 =	vld.idx.msk [tilespmem:v14+s2+$0x0], $0xffff;
	v23 =	vor.u32 v7, v8;
	v9 =	vand.u32 $0x3F, v9  }
0x280: {  	v14 =	vor.u32 v5, v9;
	v6 =	vor.u32 v6, v13  }
0x281: {  	v16 =	vld.idx.msk [tilespmem:v16+s2+$0x0], $0xffff;
	v24 =	vor.u32 v7, v9;
	v22 =	vmul.f32 v15, v1;
	v25 =	vmul.f32 v17, v3  }
0x282: {  	v26 =	vor.u32 v4, v9;
	v27 =	vor.u32 v10, v6;
	v10 =	vor.u32 v11, v6;
	v13 =	vld.idx.msk [tilespmem:v19+s2+$0x0], $0xffff  }
0x283: {  	v28 =	vmul.f32 v12, v2;
	v19 =	vadd.s32 $0x2, v8;
	v15 =	vld.idx.msk [tilespmem:v20+s2+$0x0], $0xffff;
	v25 =	vadd.f32 v25, v22  }
0x284: {  	v17 =	vmul.f32 v18, v3;
	v18 =	vmul.f32 v21, v2;
	v20 =	vld.idx.msk [tilespmem:v23+s2+$0x0], $0xffff;
	v12 =	vand.u32 $0x3F, v19  }
0x285: {  	v14 =	vld.idx.msk [tilespmem:v14+s2+$0x0], $0xffff;
	v22 =	vor.u32 v4, v12;
	v11 =	vadd.s32 $0x1, v12;
	v28 =	vadd.f32 v28, v25  }
0x286: {  	v23 =	vor.u32 v5, v12;
	v19 =	vld.idx.msk [tilespmem:v24+s2+$0x0], $0xffff;
	v11 =	vand.u32 $0x3F, v11;
	v25 =	vmul.f32 v16, v1  }
0x287: {  	s6 =	simm.s32 $0x4;
	v16 =	vld.idx.msk [tilespmem:v26+s2+$0x0], $0xffff;
	v21 =	vor.u32 v4, v11;
	v24 =	vor.u32 v5, v11;
	[tilespmem:v27+s23+$0x0] =	vst.idx.msk $0xffff, v28  }
.LBB2_12:
0x288: {  	s6 =	sadd.s32 $0x2, s6;
	v26 =	vor.u32 v7, v12;
	v27 =	vor.u32 v7, v11;
	v25 =	vadd.f32 v17, v25  }
0x289: {  	v28 =	vmul.f32 v13, v1;
	v29 =	vmul.f32 v15, v3;
	v30 =	vor.u32 v8, v6;
	v8 =	vmovc v12;
	p1 =	slt.u32 s6, $0x3E  }
0x28a: {  	v12 =	vadd.s32 $0x2, v12;
	v17 =	vmul.f32 v14, v3;
	v13 =	vld.idx.msk [tilespmem:v22+s2+$0x0], $0xffff;
	v22 =	vadd.f32 v18, v25  }
.Ltmp4:
0x28b: {  	v25 =	vmul.f32 v20, v2;
	v15 =	vld.idx.msk [tilespmem:v23+s2+$0x0], $0xffff;
	v23 =	vadd.f32 v29, v28;
	v28 =	vor.u32 v9, v6;
	(pc) =	sbr.rel @p1 .LBB2_12-.Ltmp4, $4  }
0x28c: {  	v12 =	vand.u32 $0x3F, v12;
	v18 =	vmul.f32 v19, v2;
	v14 =	vld.idx.msk [tilespmem:v24+s2+$0x0], $0xffff;
	[tilespmem:v10+s23+$0x0] =	vst.idx.msk $0xffff, v22;
	v10 =	vmov v28  }
0x28d: {  	v19 =	vadd.s32 $0x1, v12;
	v9 =	vmovc v11;
	v22 =	vor.u32 v4, v12;
	v20 =	vld.idx.msk [tilespmem:v26+s2+$0x0], $0xffff;
	v26 =	vadd.f32 v25, v23  }
0x28e: {  	v11 =	vand.u32 $0x3F, v19;
	v23 =	vor.u32 v5, v12;
	v25 =	vmul.f32 v16, v1;
	v19 =	vld.idx.msk [tilespmem:v27+s2+$0x0], $0xffff  }
0x28f: {  	v24 =	vor.u32 v5, v11;
	v16 =	vld.idx.msk [tilespmem:v21+s2+$0x0], $0xffff;
	v21 =	vor.u32 v4, v11;
	[tilespmem:v30+s23+$0x0] =	vst.idx.msk $0xffff, v26  }
0x290: {  	_ =	sdelay $0x2  }
0x291: {  	v4 =	vor.u32 v7, v12  }
0x292: {  	v5 =	vor.u32 v7, v11;
	v53 =	vld.idx.msk [tilespmem:v22+s2+$0x0], $0xffff  }
0x293: {  	v54 =	vld.idx.msk [tilespmem:v23+s2+$0x0], $0xffff  }
0x294: {  	v17 =	vadd.f32 v17, v25;
	v55 =	vld.idx.msk [tilespmem:v24+s2+$0x0], $0xffff  }
0x295: {  	v13 =	vmul.f32 v13, v1;
	v15 =	vmul.f32 v15, v3;
	v8 =	vor.u32 v8, v6;
	v21 =	vld.idx.msk [tilespmem:v21+s2+$0x0], $0xffff  }
0x296: {  	v9 =	vor.u32 v9, v6;
	v61 =	vor.u32 v12, v6;
	v62 =	vor.u32 v11, v6;
	v4 =	vld.idx.msk [tilespmem:v4+s2+$0x0], $0xffff  }
0x297: {  	v14 =	vmul.f32 v14, v3;
	v17 =	vadd.f32 v18, v17;
	v56 =	vmul.f32 v20, v2;
	v5 =	vld.idx.msk [tilespmem:v5+s2+$0x0], $0xffff  }
0x298: {  	v13 =	vadd.f32 v15, v13;
	v57 =	vmul.f32 v19, v2;
	v16 =	vmul.f32 v16, v1  }
0x299: {  	[tilespmem:v10+s23+$0x0] =	vst.idx.msk $0xffff, v17;
	v7 =	vmul.f32 v53, v1;
	v60 =	vmul.f32 v54, v3  }
0x29a: {  	s5 =	sadd.s32 $0x1, s5;
	v3 =	vmul.f32 v55, v3;
	v1 =	vmul.f32 v21, v1;
	v59 =	vadd.f32 v14, v16  }
0x29b: {  	p1 =	sne.s32 s5, $0xD;
	v58 =	vadd.f32 v56, v13;
	v7 =	vadd.f32 v60, v7;
	v4 =	vmul.f32 v4, v2  }
.Ltmp5:
0x29c: {  	v1 =	vadd.f32 v3, v1;
	v63 =	vadd.f32 v57, v59;
	v2 =	vmul.f32 v5, v2;
	(pc) =	sbr.rel @p1 .LBB2_11-.Ltmp5, $4  }
0x29d: {  	[tilespmem:v8+s23+$0x0] =	vst.idx.msk $0xffff, v58;
	v3 =	vadd.f32 v4, v7  }
0x29e: {  	[tilespmem:v9+s23+$0x0] =	vst.idx.msk $0xffff, v63;
	v1 =	vadd.f32 v2, v1  }
0x29f: {  	[tilespmem:v61+s23+$0x0] =	vst.idx.msk $0xffff, v3  }
0x2a0: {  	[tilespmem:v62+s23+$0x0] =	vst.idx.msk $0xffff, v1  }
0x2a1: {  	s0 =	sadd.s32 s0, s11;
	s30 =	simm.s32 $0x1  }
0x2a2: {  	[hbm4b:s0+s21] =	stream.strided.scatter [tilespmem:s23], [sflag:$0x2], $0x3200, s22, s21, $0x38;
	[tilespmem:$0x14480] =	vst v63  }
.LBB2_15:
0x2a3: {  	s0 =	sshll.u32 s30, $0x8;
	_ =	swait.ge [sflag:s24], $0x3200;
	s5 =	sshll.u32 s30, $0x9  }
0x2a4: {  	s6 =	sand.u32 $0x300, s0;
	[sflag:s24] =	ssyncset.done $0x0;
	s31 =	sand.u32 $0x3800, s5  }
0x2a5: {  	[sflag:s24] =	ssyncadd.s32 $0xFFFFCE00;
	s15 =	sor.u32 s6, s31  }
0x2a6: {  	v1 =	vld [tilespmem:s15+$0x1D80]  }
0x2a7: {  	v2 =	vld [tilespmem:s15+$0x1D90]  }
0x2a8: {  	v3 =	vld [tilespmem:s15+$0x1DA0]  }
0x2a9: {  	v4 =	vld [tilespmem:s15+$0x1DB0]  }
0x2aa: {  	v5 =	vld [tilespmem:s15+$0x1DC0]  }
0x2ab: {  	v6 =	vld [tilespmem:s15+$0x1DD0]  }
0x2ac: {  	v7 =	vld [tilespmem:s15+$0x1DE0]  }
0x2ad: {  	v8 =	vld [tilespmem:s15+$0x1DF0]  }
0x2ae: {  	v9 =	vld [tilespmem:s15+$0x2180]  }
0x2af: {  	v10 =	vld [tilespmem:s15+$0x2190]  }
0x2b0: {  	v11 =	vld [tilespmem:s15+$0x21A0]  }
0x2b1: {  	v12 =	vld [tilespmem:s15+$0x21B0]  }
0x2b2: {  	v13 =	vld [tilespmem:s15+$0x21B8]  }
0x2b3: {  	v1 =	vld.idx.msk [tilespmem:v1+s19+$0x0], $0xffff  }
0x2b4: {  	v2 =	vld.idx.msk [tilespmem:v2+s19+$0x0], $0xffff  }
0x2b5: {  	v3 =	vld.idx.msk [tilespmem:v3+s19+$0x0], $0xffff  }
0x2b6: {  	v4 =	vld.idx.msk [tilespmem:v4+s19+$0x0], $0xffff  }
0x2b7: {  	v5 =	vld.idx.msk [tilespmem:v5+s19+$0x0], $0xffff  }
0x2b8: {  	v6 =	vld.idx.msk [tilespmem:v6+s19+$0x0], $0xffff  }
0x2b9: {  	v7 =	vld.idx.msk [tilespmem:v7+s19+$0x0], $0xffff;
	v14 =	vmax.f32 v1, v2  }
0x2ba: {  	v8 =	vld.idx.msk [tilespmem:v8+s19+$0x0], $0xffff;
	v14 =	vmax.f32 v14, v3  }
0x2bb: {  	v9 =	vld.idx.msk [tilespmem:v9+s19+$0x0], $0xffff;
	v14 =	vmax.f32 v14, v4  }
0x2bc: {  	v10 =	vld.idx.msk [tilespmem:v10+s19+$0x0], $0xffff;
	v14 =	vmax.f32 v14, v5  }
0x2bd: {  	v11 =	vld.idx.msk [tilespmem:v11+s19+$0x0], $0xffff;
	v14 =	vmax.f32 v14, v6  }
0x2be: {  	v12 =	vld.idx.msk [tilespmem:v12+s19+$0x0], $0xffff;
	v14 =	vmax.f32 v14, v7  }
0x2bf: {  	v13 =	vld.idx.msk [tilespmem:v13+s19+$0x0], $0xffff;
	v14 =	vmax.f32 v14, v8  }
0x2c0: {  	v14 =	vmax.f32 v14, v9  }
0x2c1: {  	v14 =	vmax.f32 v14, v10  }
0x2c2: {  	v14 =	vmax.f32 v14, v11  }
0x2c3: {  	v14 =	vmax.f32 v14, v12  }
0x2c4: {  	v14 =	vmax.f32 v14, v13  }
0x2c5: {  	(xrf0) =	vmax.scan.msk.f32 $0xffff, v14;
	_ =	sdelay $0x5  }
0x2c6: {  	v14, _, _ =	vpop (xrf0)  }
0x2c7: {  	v14 =	vbroadcast v14, $0xF;
	_ =	sdelay $0x1  }
0x2c8: {  	v1 =	vsub.f32 v1, v14  }
0x2c9: {  	v2 =	vsub.f32 v2, v14  }
0x2ca: {  	v1 =	vmul.f32 $1.442695020e+00, v1  }
0x2cb: {  	v3 =	vsub.f32 v3, v14;
	v2 =	vmul.f32 $1.442695020e+00, v2  }
0x2cc: {  	(erf) = vpow2.f32 v1  }
0x2cd: {  	v1 =	vmul.f32 $1.442695020e+00, v3;
	(erf) = vpow2.f32 v2;
	v2 =	vsub.f32 v4, v14;
	_ =	sdelay $0x1  }
0x2ce: {  	(erf) = vpow2.f32 v1;
	v1 =	vmul.f32 $1.442695020e+00, v2;
	v2 =	vsub.f32 v5, v14  }
0x2cf: {  	v3 =	vsub.f32 v7, v14  }
0x2d0: {  	(erf) = vpow2.f32 v1;
	v1 =	vmul.f32 $1.442695020e+00, v2;
	v2 =	vsub.f32 v6, v14;
	_ =	sdelay $0x1  }
0x2d1: {  	(erf) = vpow2.f32 v1;
	v1 =	vmul.f32 $1.442695020e+00, v2  }
0x2d2: {  	v2 =	vmul.f32 $1.442695020e+00, v3  }
0x2d3: {  	v3 =	vpop (erf);
	(erf) = vpow2.f32 v1;
	v1 =	vsub.f32 v8, v14  }
0x2d4: {  	v39 =	vpop (erf);
	(erf) = vpow2.f32 v2  }
0x2d5: {  	v2 =	vsub.f32 v9, v14;
	v1 =	vmul.f32 $1.442695020e+00, v1;
	v40 =	vadd.f32 v39, v3  }
0x2d6: {  	v41 =	vpop (erf)  }
0x2d7: {  	(erf) = vpow2.f32 v1;
	v1 =	vmul.f32 $1.442695020e+00, v2;
	v2 =	vadd.f32 v40, v41  }
0x2d8: {  	v42 =	vsub.f32 v10, v14;
	v43 =	vpop (erf)  }
0x2d9: {  	v2 =	vadd.f32 v2, v43  }
0x2da: {  	v7 =	vmul.f32 $1.442695020e+00, v42;
	(erf) = vpow2.f32 v1;
	v1 =	vsub.f32 v11, v14;
	v44 =	vpop (erf)  }
0x2db: {  	v2 =	vadd.f32 v2, v44  }
0x2dc: {  	v45 =	vsub.f32 v12, v14;
	(erf) = vpow2.f32 v7;
	v1 =	vmul.f32 $1.442695020e+00, v1;
	v46 =	vpop (erf)  }
0x2dd: {  	v47 =	vsub.f32 v13, v14;
	v2 =	vadd.f32 v2, v46  }
0x2de: {  	(erf) = vpow2.f32 v1;
	v1 =	vmul.f32 $1.442695020e+00, v45  }
0x2df: {  	v10 =	vmul.f32 $1.442695020e+00, v47;
	v48 =	vpop (erf)  }
0x2e0: {  	(erf) = vpow2.f32 v1;
	v1 =	vadd.f32 v2, v48  }
0x2e1: {  	v2 =	vpop (erf);
	(erf) = vpow2.f32 v10  }
0x2e2: {  	v1 =	vadd.f32 v1, v2  }
0x2e3: {  	v49 =	vpop (erf)  }
0x2e4: {  	v1 =	vadd.f32 v1, v49  }
0x2e5: {  	v50 =	vpop (erf)  }
0x2e6: {  	v1 =	vadd.f32 v1, v50  }
0x2e7: {  	v51 =	vpop (erf)  }
0x2e8: {  	v1 =	vadd.f32 v1, v51  }
0x2e9: {  	v52 =	vpop (erf)  }
0x2ea: {  	v53 =	vpop (erf);
	v1 =	vadd.f32 v1, v52  }
0x2eb: {  	v15 =	vsel vm0, $0x0, v53  }
0x2ec: {  	v1 =	vadd.f32 v1, v15;
	_ =	sdelay $0x1  }
0x2ed: {  	(xrf2) =	vadd.scan.msk.f32 $0xffff, v1;
	_ =	sdelay $0x9  }
0x2ee: {  	v1, _, _ =	vpop (xrf2)  }
0x2ef: {  	v1 =	vbroadcast v1, $0xF;
	_ =	sdelay $0x1  }
0x2f0: {  	(erf) = vrcp.f32 v1;
	_ =	sdelay $0x8  }
0x2f1: {  	v1 =	vpop (erf)  }
0x2f2: {  	v3 =	vmul.f32 v1, v3  }
0x2f3: {  	v4 =	vmul.f32 v1, v39  }
0x2f4: {  	v54 =	vmul.f32 v1, v43;
	[tilespmem:$0xDD80] =	vst v3  }
0x2f5: {  	v3 =	vmul.f32 v1, v41;
	[tilespmem:$0xDD90] =	vst v4  }
0x2f6: {  	v55 =	vmul.f32 v1, v46;
	[tilespmem:$0xDDB0] =	vst v54  }
0x2f7: {  	[tilespmem:$0xDDA0] =	vst v3;
	v3 =	vmul.f32 v1, v44  }
0x2f8: {  	v2 =	vmul.f32 v1, v2;
	[tilespmem:$0xDDD0] =	vst v55  }
0x2f9: {  	[tilespmem:$0xDDC0] =	vst v3;
	v3 =	vmul.f32 v1, v48  }
0x2fa: {  	[tilespmem:$0xDDF0] =	vst v2;
	v2 =	vmul.f32 v1, v50  }
0x2fb: {  	[tilespmem:$0xDDE0] =	vst v3;
	v3 =	vmul.f32 v1, v49  }
0x2fc: {  	[tilespmem:$0xDE10] =	vst v2;
	v2 =	vmul.f32 v1, v52  }
0x2fd: {  	[tilespmem:$0xDE00] =	vst v3;
	v3 =	vmul.f32 v1, v51  }
0x2fe: {  	[tilespmem:$0xDE30] =	vst v2;
	v1 =	vmul.f32 v1, v53  }
0x2ff: {  	[tilespmem:$0xDE20] =	vst v3  }
0x300: {  	[tilespmem:$0xDE38] =	vst v1  }
0x301: {  	v1 =	vld [tilespmem:s15+$0x5D80]  }
0x302: {  	v2 =	vld [tilespmem:s15+$0x5D90]  }
0x303: {  	v3 =	vld [tilespmem:s15+$0x5DA0]  }
0x304: {  	v4 =	vld [tilespmem:s15+$0x5DB0]  }
0x305: {  	v56 =	vld [tilespmem:s15+$0x5DC0]  }
0x306: {  	v57 =	vld [tilespmem:s15+$0x5DD0]  }
0x307: {  	v58 =	vld [tilespmem:s15+$0x5DE0]  }
0x308: {  	v59 =	vld [tilespmem:s15+$0x5DF0]  }
0x309: {  	v60 =	vld [tilespmem:s15+$0x6180];
	v1 =	vadd.s32 $0x5, v1  }
0x30a: {  	v61 =	vld [tilespmem:s15+$0x6190];
	v2 =	vadd.s32 $0x5, v2  }
0x30b: {  	v62 =	vld [tilespmem:s15+$0x61A0];
	v3 =	vadd.s32 $0x5, v3  }
0x30c: {  	v63 =	vld [tilespmem:s15+$0x61B0];
	v4 =	vadd.s32 $0x5, v4  }
0x30d: {  	v16 =	vld [tilespmem:s15+$0x61B8];
	v5 =	vadd.s32 $0x5, v56  }
0x30e: {  	v6 =	vadd.s32 $0x5, v57;
	v1 =	vld.idx.msk [tilespmem:v1+s19+$0x0], $0xffff  }
0x30f: {  	v7 =	vadd.s32 $0x5, v58;
	v2 =	vld.idx.msk [tilespmem:v2+s19+$0x0], $0xffff  }
0x310: {  	v8 =	vadd.s32 $0x5, v59;
	v3 =	vld.idx.msk [tilespmem:v3+s19+$0x0], $0xffff  }
0x311: {  	v9 =	vadd.s32 $0x5, v60;
	v4 =	vld.idx.msk [tilespmem:v4+s19+$0x0], $0xffff  }
0x312: {  	v10 =	vadd.s32 $0x5, v61;
	v5 =	vld.idx.msk [tilespmem:v5+s19+$0x0], $0xffff  }
0x313: {  	v11 =	vadd.s32 $0x5, v62;
	v6 =	vld.idx.msk [tilespmem:v6+s19+$0x0], $0xffff  }
0x314: {  	v12 =	vadd.s32 $0x5, v63;
	v7 =	vld.idx.msk [tilespmem:v7+s19+$0x0], $0xffff;
	v17 =	vmax.f32 v1, v2  }
0x315: {  	v13 =	vadd.s32 $0x5, v16;
	v8 =	vld.idx.msk [tilespmem:v8+s19+$0x0], $0xffff;
	v14 =	vmax.f32 v17, v3  }
0x316: {  	v9 =	vld.idx.msk [tilespmem:v9+s19+$0x0], $0xffff;
	v14 =	vmax.f32 v14, v4  }
0x317: {  	v10 =	vld.idx.msk [tilespmem:v10+s19+$0x0], $0xffff;
	v14 =	vmax.f32 v14, v5  }
0x318: {  	v11 =	vld.idx.msk [tilespmem:v11+s19+$0x0], $0xffff;
	v14 =	vmax.f32 v14, v6  }
0x319: {  	v12 =	vld.idx.msk [tilespmem:v12+s19+$0x0], $0xffff;
	v14 =	vmax.f32 v14, v7  }
0x31a: {  	v13 =	vld.idx.msk [tilespmem:v13+s19+$0x0], $0xffff;
	v14 =	vmax.f32 v14, v8  }
0x31b: {  	v14 =	vmax.f32 v14, v9  }
0x31c: {  	v14 =	vmax.f32 v14, v10  }
0x31d: {  	v14 =	vmax.f32 v14, v11  }
0x31e: {  	v14 =	vmax.f32 v14, v12  }
0x31f: {  	v14 =	vmax.f32 v14, v13  }
0x320: {  	(xrf0) =	vmax.scan.msk.f32 $0xffff, v14;
	_ =	sdelay $0x5  }
0x321: {  	v14, _, _ =	vpop (xrf0)  }
0x322: {  	v14 =	vbroadcast v14, $0xF;
	_ =	sdelay $0x1  }
0x323: {  	v1 =	vsub.f32 v1, v14  }
0x324: {  	v2 =	vsub.f32 v2, v14  }
0x325: {  	v1 =	vmul.f32 $1.442695020e+00, v1  }
0x326: {  	v3 =	vsub.f32 v3, v14;
	v2 =	vmul.f32 $1.442695020e+00, v2  }
0x327: {  	(erf) = vpow2.f32 v1  }
0x328: {  	v1 =	vmul.f32 $1.442695020e+00, v3;
	(erf) = vpow2.f32 v2;
	v2 =	vsub.f32 v4, v14;
	_ =	sdelay $0x1  }
0x329: {  	(erf) = vpow2.f32 v1;
	v1 =	vmul.f32 $1.442695020e+00, v2;
	v2 =	vsub.f32 v5, v14  }
0x32a: {  	v3 =	vsub.f32 v7, v14  }
0x32b: {  	(erf) = vpow2.f32 v1;
	v1 =	vmul.f32 $1.442695020e+00, v2;
	v2 =	vsub.f32 v6, v14;
	_ =	sdelay $0x1  }
0x32c: {  	(erf) = vpow2.f32 v1;
	v1 =	vmul.f32 $1.442695020e+00, v2  }
0x32d: {  	v2 =	vmul.f32 $1.442695020e+00, v3  }
0x32e: {  	v3 =	vpop (erf);
	(erf) = vpow2.f32 v1;
	v1 =	vsub.f32 v8, v14  }
0x32f: {  	v18 =	vpop (erf);
	(erf) = vpow2.f32 v2  }
0x330: {  	v2 =	vsub.f32 v9, v14;
	v1 =	vmul.f32 $1.442695020e+00, v1;
	v19 =	vadd.f32 v18, v3  }
0x331: {  	v20 =	vpop (erf)  }
0x332: {  	(erf) = vpow2.f32 v1;
	v1 =	vmul.f32 $1.442695020e+00, v2;
	v2 =	vadd.f32 v19, v20  }
0x333: {  	v21 =	vsub.f32 v10, v14;
	v22 =	vpop (erf)  }
0x334: {  	v2 =	vadd.f32 v2, v22  }
0x335: {  	v7 =	vmul.f32 $1.442695020e+00, v21;
	(erf) = vpow2.f32 v1;
	v1 =	vsub.f32 v11, v14;
	v23 =	vpop (erf)  }
0x336: {  	v2 =	vadd.f32 v2, v23  }
0x337: {  	v24 =	vsub.f32 v12, v14;
	(erf) = vpow2.f32 v7;
	v1 =	vmul.f32 $1.442695020e+00, v1;
	v25 =	vpop (erf)  }
0x338: {  	v26 =	vsub.f32 v13, v14;
	v2 =	vadd.f32 v2, v25  }
0x339: {  	(erf) = vpow2.f32 v1;
	v1 =	vmul.f32 $1.442695020e+00, v24  }
0x33a: {  	v10 =	vmul.f32 $1.442695020e+00, v26;
	v27 =	vpop (erf)  }
0x33b: {  	(erf) = vpow2.f32 v1;
	v1 =	vadd.f32 v2, v27  }
0x33c: {  	v2 =	vpop (erf);
	(erf) = vpow2.f32 v10  }
0x33d: {  	v1 =	vadd.f32 v1, v2  }
0x33e: {  	v28 =	vpop (erf)  }
0x33f: {  	v1 =	vadd.f32 v1, v28  }
0x340: {  	v29 =	vpop (erf)  }
0x341: {  	v1 =	vadd.f32 v1, v29  }
0x342: {  	v30 =	vpop (erf)  }
0x343: {  	v1 =	vadd.f32 v1, v30  }
0x344: {  	v31 =	vpop (erf)  }
0x345: {  	v32 =	vpop (erf);
	v1 =	vadd.f32 v1, v31  }
0x346: {  	v33 =	vsel vm0, $0x0, v32  }
0x347: {  	v1 =	vadd.f32 v1, v33;
	_ =	sdelay $0x1  }
0x348: {  	(xrf2) =	vadd.scan.msk.f32 $0xffff, v1;
	_ =	sdelay $0x9  }
0x349: {  	v1, _, _ =	vpop (xrf2)  }
0x34a: {  	v1 =	vbroadcast v1, $0xF;
	_ =	sdelay $0x1  }
0x34b: {  	(erf) = vrcp.f32 v1;
	_ =	sdelay $0x8  }
0x34c: {  	v1 =	vpop (erf)  }
0x34d: {  	v3 =	vmul.f32 v1, v3  }
0x34e: {  	v4 =	vmul.f32 v1, v18  }
0x34f: {  	v34 =	vmul.f32 v1, v22;
	[tilespmem:$0xDE80] =	vst v3  }
0x350: {  	v3 =	vmul.f32 v1, v20;
	[tilespmem:$0xDE90] =	vst v4  }
0x351: {  	v35 =	vmul.f32 v1, v25;
	[tilespmem:$0xDEB0] =	vst v34  }
0x352: {  	[tilespmem:$0xDEA0] =	vst v3;
	v3 =	vmul.f32 v1, v23  }
0x353: {  	v2 =	vmul.f32 v1, v2;
	[tilespmem:$0xDED0] =	vst v35  }
0x354: {  	[tilespmem:$0xDEC0] =	vst v3;
	v3 =	vmul.f32 v1, v27  }
0x355: {  	[tilespmem:$0xDEF0] =	vst v2;
	v2 =	vmul.f32 v1, v29  }
0x356: {  	[tilespmem:$0xDEE0] =	vst v3;
	v3 =	vmul.f32 v1, v28  }
0x357: {  	[tilespmem:$0xDF10] =	vst v2;
	v2 =	vmul.f32 v1, v31  }
0x358: {  	[tilespmem:$0xDF00] =	vst v3;
	v3 =	vmul.f32 v1, v30  }
0x359: {  	[tilespmem:$0xDF30] =	vst v2;
	v1 =	vmul.f32 v1, v32  }
0x35a: {  	[tilespmem:$0xDF20] =	vst v3  }
0x35b: {  	[tilespmem:$0xDF38] =	vst v1  }
0x35c: {  	v1 =	vld [tilespmem:s15+$0x9D80]  }
0x35d: {  	v2 =	vld [tilespmem:s15+$0x9D90]  }
0x35e: {  	v3 =	vld [tilespmem:s15+$0x9DA0]  }
0x35f: {  	v4 =	vld [tilespmem:s15+$0x9DB0]  }
0x360: {  	v36 =	vld [tilespmem:s15+$0x9DC0]  }
0x361: {  	v37 =	vld [tilespmem:s15+$0x9DD0]  }
0x362: {  	v38 =	vld [tilespmem:s15+$0x9DE0]  }
0x363: {  	v39 =	vld [tilespmem:s15+$0x9DF0]  }
0x364: {  	v40 =	vld [tilespmem:s15+$0xA180];
	v1 =	vadd.s32 $0x1A, v1  }
0x365: {  	v41 =	vld [tilespmem:s15+$0xA190];
	v2 =	vadd.s32 $0x1A, v2  }
0x366: {  	v42 =	vld [tilespmem:s15+$0xA1A0];
	v3 =	vadd.s32 $0x1A, v3  }
0x367: {  	v43 =	vld [tilespmem:s15+$0xA1B0];
	v4 =	vadd.s32 $0x1A, v4  }
0x368: {  	v44 =	vld [tilespmem:s15+$0xA1B8];
	v5 =	vadd.s32 $0x1A, v36  }
0x369: {  	v6 =	vadd.s32 $0x1A, v37;
	v1 =	vld.idx.msk [tilespmem:v1+s19+$0x0], $0xffff  }
0x36a: {  	v7 =	vadd.s32 $0x1A, v38;
	v2 =	vld.idx.msk [tilespmem:v2+s19+$0x0], $0xffff  }
0x36b: {  	v8 =	vadd.s32 $0x1A, v39;
	v3 =	vld.idx.msk [tilespmem:v3+s19+$0x0], $0xffff  }
0x36c: {  	v9 =	vadd.s32 $0x1A, v40;
	v4 =	vld.idx.msk [tilespmem:v4+s19+$0x0], $0xffff  }
0x36d: {  	v10 =	vadd.s32 $0x1A, v41;
	v5 =	vld.idx.msk [tilespmem:v5+s19+$0x0], $0xffff  }
0x36e: {  	v11 =	vadd.s32 $0x1A, v42;
	v6 =	vld.idx.msk [tilespmem:v6+s19+$0x0], $0xffff  }
0x36f: {  	v12 =	vadd.s32 $0x1A, v43;
	v7 =	vld.idx.msk [tilespmem:v7+s19+$0x0], $0xffff;
	v45 =	vmax.f32 v1, v2  }
0x370: {  	v13 =	vadd.s32 $0x1A, v44;
	v8 =	vld.idx.msk [tilespmem:v8+s19+$0x0], $0xffff;
	v14 =	vmax.f32 v45, v3  }
0x371: {  	v9 =	vld.idx.msk [tilespmem:v9+s19+$0x0], $0xffff;
	v14 =	vmax.f32 v14, v4  }
0x372: {  	v10 =	vld.idx.msk [tilespmem:v10+s19+$0x0], $0xffff;
	v14 =	vmax.f32 v14, v5  }
0x373: {  	v11 =	vld.idx.msk [tilespmem:v11+s19+$0x0], $0xffff;
	v14 =	vmax.f32 v14, v6  }
0x374: {  	v12 =	vld.idx.msk [tilespmem:v12+s19+$0x0], $0xffff;
	v14 =	vmax.f32 v14, v7  }
0x375: {  	v13 =	vld.idx.msk [tilespmem:v13+s19+$0x0], $0xffff;
	v14 =	vmax.f32 v14, v8  }
0x376: {  	v14 =	vmax.f32 v14, v9  }
0x377: {  	v14 =	vmax.f32 v14, v10  }
0x378: {  	v14 =	vmax.f32 v14, v11  }
0x379: {  	v14 =	vmax.f32 v14, v12  }
0x37a: {  	v14 =	vmax.f32 v14, v13  }
0x37b: {  	(xrf0) =	vmax.scan.msk.f32 $0xffff, v14;
	_ =	sdelay $0x5  }
0x37c: {  	v14, _, _ =	vpop (xrf0)  }
0x37d: {  	v14 =	vbroadcast v14, $0xF;
	_ =	sdelay $0x1  }
0x37e: {  	v1 =	vsub.f32 v1, v14  }
0x37f: {  	v2 =	vsub.f32 v2, v14  }
0x380: {  	v1 =	vmul.f32 $1.442695020e+00, v1  }
0x381: {  	v3 =	vsub.f32 v3, v14;
	v2 =	vmul.f32 $1.442695020e+00, v2  }
0x382: {  	(erf) = vpow2.f32 v1  }
0x383: {  	v1 =	vmul.f32 $1.442695020e+00, v3;
	(erf) = vpow2.f32 v2;
	v2 =	vsub.f32 v4, v14;
	_ =	sdelay $0x1  }
0x384: {  	(erf) = vpow2.f32 v1;
	v1 =	vmul.f32 $1.442695020e+00, v2;
	v2 =	vsub.f32 v5, v14  }
0x385: {  	v3 =	vsub.f32 v7, v14  }
0x386: {  	(erf) = vpow2.f32 v1;
	v1 =	vmul.f32 $1.442695020e+00, v2;
	v2 =	vsub.f32 v6, v14;
	_ =	sdelay $0x1  }
0x387: {  	(erf) = vpow2.f32 v1;
	v1 =	vmul.f32 $1.442695020e+00, v2  }
0x388: {  	v2 =	vmul.f32 $1.442695020e+00, v3  }
0x389: {  	v3 =	vpop (erf);
	(erf) = vpow2.f32 v1;
	v1 =	vsub.f32 v8, v14  }
0x38a: {  	v46 =	vpop (erf);
	(erf) = vpow2.f32 v2  }
0x38b: {  	v2 =	vsub.f32 v9, v14;
	v1 =	vmul.f32 $1.442695020e+00, v1;
	v47 =	vadd.f32 v46, v3  }
0x38c: {  	v48 =	vpop (erf)  }
0x38d: {  	(erf) = vpow2.f32 v1;
	v1 =	vmul.f32 $1.442695020e+00, v2;
	v2 =	vadd.f32 v47, v48  }
0x38e: {  	v49 =	vsub.f32 v10, v14;
	v50 =	vpop (erf)  }
0x38f: {  	v2 =	vadd.f32 v2, v50  }
0x390: {  	v7 =	vmul.f32 $1.442695020e+00, v49;
	(erf) = vpow2.f32 v1;
	v1 =	vsub.f32 v11, v14;
	v51 =	vpop (erf)  }
0x391: {  	v2 =	vadd.f32 v2, v51  }
0x392: {  	v52 =	vsub.f32 v12, v14;
	(erf) = vpow2.f32 v7;
	v1 =	vmul.f32 $1.442695020e+00, v1;
	v53 =	vpop (erf)  }
0x393: {  	v54 =	vsub.f32 v13, v14;
	v2 =	vadd.f32 v2, v53  }
0x394: {  	(erf) = vpow2.f32 v1;
	v1 =	vmul.f32 $1.442695020e+00, v52  }
0x395: {  	v10 =	vmul.f32 $1.442695020e+00, v54;
	v55 =	vpop (erf)  }
0x396: {  	(erf) = vpow2.f32 v1;
	v1 =	vadd.f32 v2, v55  }
0x397: {  	v2 =	vpop (erf);
	(erf) = vpow2.f32 v10  }
0x398: {  	v1 =	vadd.f32 v1, v2  }
0x399: {  	v56 =	vpop (erf)  }
0x39a: {  	v1 =	vadd.f32 v1, v56  }
0x39b: {  	v57 =	vpop (erf)  }
0x39c: {  	v1 =	vadd.f32 v1, v57  }
0x39d: {  	v58 =	vpop (erf)  }
0x39e: {  	v1 =	vadd.f32 v1, v58  }
0x39f: {  	v59 =	vpop (erf)  }
0x3a0: {  	v60 =	vpop (erf);
	v1 =	vadd.f32 v1, v59  }
0x3a1: {  	v61 =	vsel vm0, $0x0, v60  }
0x3a2: {  	v1 =	vadd.f32 v1, v61;
	_ =	sdelay $0x1  }
0x3a3: {  	(xrf2) =	vadd.scan.msk.f32 $0xffff, v1;
	_ =	sdelay $0x9  }
0x3a4: {  	v1, _, _ =	vpop (xrf2)  }
0x3a5: {  	v1 =	vbroadcast v1, $0xF;
	_ =	sdelay $0x1  }
0x3a6: {  	(erf) = vrcp.f32 v1;
	_ =	sdelay $0x8  }
0x3a7: {  	v1 =	vpop (erf)  }
0x3a8: {  	v3 =	vmul.f32 v1, v3  }
0x3a9: {  	v4 =	vmul.f32 v1, v46  }
0x3aa: {  	v62 =	vmul.f32 v1, v50;
	[tilespmem:$0xDF80] =	vst v3  }
0x3ab: {  	v3 =	vmul.f32 v1, v48;
	[tilespmem:$0xDF90] =	vst v4  }
0x3ac: {  	v63 =	vmul.f32 v1, v53;
	[tilespmem:$0xDFB0] =	vst v62  }
0x3ad: {  	[tilespmem:$0xDFA0] =	vst v3;
	v3 =	vmul.f32 v1, v51  }
0x3ae: {  	v2 =	vmul.f32 v1, v2;
	[tilespmem:$0xDFD0] =	vst v63  }
0x3af: {  	s12 =	sshll.u32 s30, $0x1;
	[tilespmem:$0xDFC0] =	vst v3;
	v3 =	vmul.f32 v1, v55  }
0x3b0: {  	s0 =	sadd.s32 s29, s12;
	[tilespmem:$0xDFF0] =	vst v2;
	v2 =	vmul.f32 v1, v57  }
0x3b1: {  	s0 =	sshrl.u32 s0, $0x3;
	[tilespmem:$0xDFE0] =	vst v3;
	v3 =	vmul.f32 v1, v56  }
0x3b2: {  	s0 =	smul.u32 $0x19000, s0;
	[tilespmem:$0xE010] =	vst v2;
	v2 =	vmul.f32 v1, v59  }
0x3b3: {  	[tilespmem:$0xE000] =	vst v3;
	v3 =	vmul.f32 v1, v58  }
0x3b4: {  	s26 =	sor.u32 s6, s0;
	[tilespmem:$0xE030] =	vst v2;
	v1 =	vmul.f32 v1, v60  }
0x3b5: {  	s5 =	sshrl.u32 s26, $0x3;
	[tilespmem:$0xE020] =	vst v3  }
0x3b6: {  	s7 =	simm.s32 $0x0;
	s5 =	sadd.s32 s9, s5;
	[tilespmem:$0xE038] =	vst v1  }
.LBB2_16:
0x3b7: {  	s8 =	sshll.u32 s7, $0x4  }
0x3b8: {  	s8 =	smin.u32 s8, $0xB8  }
0x3b9: {  	s12 =	sshll.u32 s8, $0x3  }
0x3ba: {  	s26 =	sand.u32 $0x78, s8;
	s12 =	sand.u32 $0x400, s12  }
0x3bb: {  	s12 =	sor.u32 s12, s26  }
0x3bc: {  	s12 =	sor.u32 s15, s12  }
0x3bd: {  	v1 =	vld [tilespmem:s12+$0x1D80]  }
0x3be: {  	v2 =	vld [tilespmem:s12+$0x5D80]  }
0x3bf: {  	v3 =	vld [tilespmem:s12+$0x9D80];
	_ =	sdelay $0x3  }
0x3c0: {  	v10 =	vlaneseq.u32;
	v4 =	vshll.u32 v1, $0x6;
	v1 =	vshll.u32 v2, $0x6  }
0x3c1: {  	v2 =	vshll.u32 v3, $0x6;
	v5 =	vadd.s32 $0x140, v1;
	v6 =	vor.u32 v4, v10  }
0x3c2: {  	v1 =	vadd.s32 $0x1, v10;
	v7 =	vadd.s32 $0x680, v2;
	v8 =	vor.u32 v5, v10  }
0x3c3: {  	v3 =	vld [tilespmem:s8+$0xDE80];
	v11 =	vand.u32 $0x3F, v1;
	v12 =	vor.u32 v7, v10  }
0x3c4: {  	v2 =	vld [tilespmem:s8+$0xDF80];
	v9 =	vor.u32 v5, v11  }
0x3c5: {  	v1 =	vld [tilespmem:s8+$0xDD80];
	v14 =	vor.u32 v7, v11  }
0x3c6: {  	v13 =	vmul.u32 $0x40, v10;
	v15 =	vld.idx.msk [tilespmem:v6+s2+$0x0], $0xffff;
	v6 =	vadd.s32 $0x2, v10  }
0x3c7: {  	s8 =	sshll.u32 s8, $0x6;
	v16 =	vor.u32 v4, v11;
	v17 =	vld.idx.msk [tilespmem:v8+s2+$0x0], $0xffff;
	v8 =	vand.u32 $0x3F, v6  }
0x3c8: {  	v13 =	vadd.s32 s8, v13;
	v6 =	vand.u32 $0x1, v10;
	v12 =	vld.idx.msk [tilespmem:v12+s2+$0x0], $0xffff;
	v19 =	vor.u32 v4, v8  }
0x3c9: {  	v18 =	vld.idx.msk [tilespmem:v9+s2+$0x0], $0xffff;
	v9 =	vadd.s32 $0x1, v8;
	v6 =	vmul.u32 $0x40, v6;
	v20 =	vor.u32 v5, v8  }
0x3ca: {  	v13 =	vand.u32 $0x7F80, v13;
	v21 =	vld.idx.msk [tilespmem:v14+s2+$0x0], $0xffff;
	v23 =	vor.u32 v7, v8;
	v9 =	vand.u32 $0x3F, v9  }
0x3cb: {  	v14 =	vor.u32 v5, v9;
	v6 =	vor.u32 v6, v13  }
0x3cc: {  	v16 =	vld.idx.msk [tilespmem:v16+s2+$0x0], $0xffff;
	v24 =	vor.u32 v7, v9;
	v22 =	vmul.f32 v15, v1;
	v25 =	vmul.f32 v17, v3  }
0x3cd: {  	v26 =	vor.u32 v4, v9;
	v27 =	vor.u32 v10, v6;
	v10 =	vor.u32 v11, v6;
	v13 =	vld.idx.msk [tilespmem:v19+s2+$0x0], $0xffff  }
0x3ce: {  	v28 =	vmul.f32 v12, v2;
	v19 =	vadd.s32 $0x2, v8;
	v15 =	vld.idx.msk [tilespmem:v20+s2+$0x0], $0xffff;
	v25 =	vadd.f32 v25, v22  }
0x3cf: {  	v17 =	vmul.f32 v18, v3;
	v18 =	vmul.f32 v21, v2;
	v20 =	vld.idx.msk [tilespmem:v23+s2+$0x0], $0xffff;
	v12 =	vand.u32 $0x3F, v19  }
0x3d0: {  	v14 =	vld.idx.msk [tilespmem:v14+s2+$0x0], $0xffff;
	v22 =	vor.u32 v4, v12;
	v11 =	vadd.s32 $0x1, v12;
	v28 =	vadd.f32 v28, v25  }
0x3d1: {  	v23 =	vor.u32 v5, v12;
	v19 =	vld.idx.msk [tilespmem:v24+s2+$0x0], $0xffff;
	v11 =	vand.u32 $0x3F, v11;
	v25 =	vmul.f32 v16, v1  }
0x3d2: {  	s8 =	simm.s32 $0x4;
	v16 =	vld.idx.msk [tilespmem:v26+s2+$0x0], $0xffff;
	v21 =	vor.u32 v4, v11;
	v24 =	vor.u32 v5, v11;
	[tilespmem:v27+s20+$0x0] =	vst.idx.msk $0xffff, v28  }
.LBB2_17:
0x3d3: {  	s8 =	sadd.s32 $0x2, s8;
	v26 =	vor.u32 v7, v12;
	v27 =	vor.u32 v7, v11;
	v25 =	vadd.f32 v17, v25  }
0x3d4: {  	v28 =	vmul.f32 v13, v1;
	v29 =	vmul.f32 v15, v3;
	v30 =	vor.u32 v8, v6;
	v8 =	vmovc v12;
	p1 =	slt.u32 s8, $0x3E  }
0x3d5: {  	v12 =	vadd.s32 $0x2, v12;
	v17 =	vmul.f32 v14, v3;
	v13 =	vld.idx.msk [tilespmem:v22+s2+$0x0], $0xffff;
	v22 =	vadd.f32 v18, v25  }
.Ltmp6:
0x3d6: {  	v25 =	vmul.f32 v20, v2;
	v15 =	vld.idx.msk [tilespmem:v23+s2+$0x0], $0xffff;
	v23 =	vadd.f32 v29, v28;
	v28 =	vor.u32 v9, v6;
	(pc) =	sbr.rel @p1 .LBB2_17-.Ltmp6, $4  }
0x3d7: {  	v12 =	vand.u32 $0x3F, v12;
	v18 =	vmul.f32 v19, v2;
	v14 =	vld.idx.msk [tilespmem:v24+s2+$0x0], $0xffff;
	[tilespmem:v10+s20+$0x0] =	vst.idx.msk $0xffff, v22;
	v10 =	vmov v28  }
0x3d8: {  	v19 =	vadd.s32 $0x1, v12;
	v9 =	vmovc v11;
	v22 =	vor.u32 v4, v12;
	v20 =	vld.idx.msk [tilespmem:v26+s2+$0x0], $0xffff;
	v26 =	vadd.f32 v25, v23  }
0x3d9: {  	v11 =	vand.u32 $0x3F, v19;
	v23 =	vor.u32 v5, v12;
	v25 =	vmul.f32 v16, v1;
	v19 =	vld.idx.msk [tilespmem:v27+s2+$0x0], $0xffff  }
0x3da: {  	v24 =	vor.u32 v5, v11;
	v16 =	vld.idx.msk [tilespmem:v21+s2+$0x0], $0xffff;
	v21 =	vor.u32 v4, v11;
	[tilespmem:v30+s20+$0x0] =	vst.idx.msk $0xffff, v26  }
0x3db: {  	_ =	sdelay $0x2  }
0x3dc: {  	v4 =	vor.u32 v7, v12  }
0x3dd: {  	v5 =	vor.u32 v7, v11;
	v53 =	vld.idx.msk [tilespmem:v22+s2+$0x0], $0xffff  }
0x3de: {  	v54 =	vld.idx.msk [tilespmem:v23+s2+$0x0], $0xffff  }
0x3df: {  	v17 =	vadd.f32 v17, v25;
	v55 =	vld.idx.msk [tilespmem:v24+s2+$0x0], $0xffff  }
0x3e0: {  	v13 =	vmul.f32 v13, v1;
	v15 =	vmul.f32 v15, v3;
	v8 =	vor.u32 v8, v6;
	v21 =	vld.idx.msk [tilespmem:v21+s2+$0x0], $0xffff  }
0x3e1: {  	v9 =	vor.u32 v9, v6;
	v61 =	vor.u32 v12, v6;
	v62 =	vor.u32 v11, v6;
	v4 =	vld.idx.msk [tilespmem:v4+s2+$0x0], $0xffff  }
0x3e2: {  	v14 =	vmul.f32 v14, v3;
	v17 =	vadd.f32 v18, v17;
	v56 =	vmul.f32 v20, v2;
	v5 =	vld.idx.msk [tilespmem:v5+s2+$0x0], $0xffff  }
0x3e3: {  	v13 =	vadd.f32 v15, v13;
	v57 =	vmul.f32 v19, v2;
	v16 =	vmul.f32 v16, v1  }
0x3e4: {  	[tilespmem:v10+s20+$0x0] =	vst.idx.msk $0xffff, v17;
	v7 =	vmul.f32 v53, v1;
	v60 =	vmul.f32 v54, v3  }
0x3e5: {  	s7 =	sadd.s32 $0x1, s7;
	v3 =	vmul.f32 v55, v3;
	v1 =	vmul.f32 v21, v1;
	v59 =	vadd.f32 v14, v16  }
0x3e6: {  	p1 =	sne.s32 s7, $0xD;
	v58 =	vadd.f32 v56, v13;
	v7 =	vadd.f32 v60, v7;
	v4 =	vmul.f32 v4, v2  }
.Ltmp7:
0x3e7: {  	v1 =	vadd.f32 v3, v1;
	v63 =	vadd.f32 v57, v59;
	v2 =	vmul.f32 v5, v2;
	(pc) =	sbr.rel @p1 .LBB2_16-.Ltmp7, $4  }
0x3e8: {  	[tilespmem:v8+s20+$0x0] =	vst.idx.msk $0xffff, v58;
	v3 =	vadd.f32 v4, v7  }
0x3e9: {  	[tilespmem:v9+s20+$0x0] =	vst.idx.msk $0xffff, v63;
	v1 =	vadd.f32 v2, v1  }
0x3ea: {  	[tilespmem:v61+s20+$0x0] =	vst.idx.msk $0xffff, v3  }
0x3eb: {  	[tilespmem:v62+s20+$0x0] =	vst.idx.msk $0xffff, v1  }
0x3ec: {  	[hbm4b:s5+s21] =	stream.strided.scatter [tilespmem:s20], [sflag:$0x1], $0x3200, s22, s21, $0x38;
	[tilespmem:$0x14480] =	vst v63  }
0x3ed: {  	_ =	swait.ge [sflag:s25], $0x3200  }
0x3ee: {  	s15 =	sor.u32 $0x80, s6;
	[sflag:s25] =	ssyncset.done $0x0  }
0x3ef: {  	s6 =	sor.u32 s31, s15;
	[sflag:s25] =	ssyncadd.s32 $0xFFFFCE00  }
0x3f0: {  	v1 =	vld [tilespmem:s6+$0x1D80]  }
0x3f1: {  	v2 =	vld [tilespmem:s6+$0x1D90]  }
0x3f2: {  	v3 =	vld [tilespmem:s6+$0x1DA0]  }
0x3f3: {  	v4 =	vld [tilespmem:s6+$0x1DB0]  }
0x3f4: {  	v5 =	vld [tilespmem:s6+$0x1DC0]  }
0x3f5: {  	v6 =	vld [tilespmem:s6+$0x1DD0]  }
0x3f6: {  	v7 =	vld [tilespmem:s6+$0x1DE0]  }
0x3f7: {  	v8 =	vld [tilespmem:s6+$0x1DF0]  }
0x3f8: {  	v9 =	vld [tilespmem:s6+$0x2180]  }
0x3f9: {  	v10 =	vld [tilespmem:s6+$0x2190]  }
0x3fa: {  	v11 =	vld [tilespmem:s6+$0x21A0]  }
0x3fb: {  	v12 =	vld [tilespmem:s6+$0x21B0]  }
0x3fc: {  	v13 =	vld [tilespmem:s6+$0x21B8]  }
0x3fd: {  	v1 =	vld.idx.msk [tilespmem:v1+s19+$0x0], $0xffff  }
0x3fe: {  	v2 =	vld.idx.msk [tilespmem:v2+s19+$0x0], $0xffff  }
0x3ff: {  	v3 =	vld.idx.msk [tilespmem:v3+s19+$0x0], $0xffff  }
0x400: {  	v4 =	vld.idx.msk [tilespmem:v4+s19+$0x0], $0xffff  }
0x401: {  	v5 =	vld.idx.msk [tilespmem:v5+s19+$0x0], $0xffff  }
0x402: {  	v6 =	vld.idx.msk [tilespmem:v6+s19+$0x0], $0xffff  }
0x403: {  	v7 =	vld.idx.msk [tilespmem:v7+s19+$0x0], $0xffff;
	v14 =	vmax.f32 v1, v2  }
0x404: {  	v8 =	vld.idx.msk [tilespmem:v8+s19+$0x0], $0xffff;
	v14 =	vmax.f32 v14, v3  }
0x405: {  	v9 =	vld.idx.msk [tilespmem:v9+s19+$0x0], $0xffff;
	v14 =	vmax.f32 v14, v4  }
0x406: {  	v10 =	vld.idx.msk [tilespmem:v10+s19+$0x0], $0xffff;
	v14 =	vmax.f32 v14, v5  }
0x407: {  	v11 =	vld.idx.msk [tilespmem:v11+s19+$0x0], $0xffff;
	v14 =	vmax.f32 v14, v6  }
0x408: {  	v12 =	vld.idx.msk [tilespmem:v12+s19+$0x0], $0xffff;
	v14 =	vmax.f32 v14, v7  }
0x409: {  	v13 =	vld.idx.msk [tilespmem:v13+s19+$0x0], $0xffff;
	v14 =	vmax.f32 v14, v8  }
0x40a: {  	v14 =	vmax.f32 v14, v9  }
0x40b: {  	v14 =	vmax.f32 v14, v10  }
0x40c: {  	v14 =	vmax.f32 v14, v11  }
0x40d: {  	v14 =	vmax.f32 v14, v12  }
0x40e: {  	v14 =	vmax.f32 v14, v13  }
0x40f: {  	(xrf0) =	vmax.scan.msk.f32 $0xffff, v14;
	_ =	sdelay $0x5  }
0x410: {  	v14, _, _ =	vpop (xrf0)  }
0x411: {  	v14 =	vbroadcast v14, $0xF;
	_ =	sdelay $0x1  }
0x412: {  	v1 =	vsub.f32 v1, v14  }
0x413: {  	v2 =	vsub.f32 v2, v14  }
0x414: {  	v1 =	vmul.f32 $1.442695020e+00, v1  }
0x415: {  	v3 =	vsub.f32 v3, v14;
	v2 =	vmul.f32 $1.442695020e+00, v2  }
0x416: {  	(erf) = vpow2.f32 v1  }
0x417: {  	v1 =	vmul.f32 $1.442695020e+00, v3;
	(erf) = vpow2.f32 v2;
	v2 =	vsub.f32 v4, v14;
	_ =	sdelay $0x1  }
0x418: {  	(erf) = vpow2.f32 v1;
	v1 =	vmul.f32 $1.442695020e+00, v2;
	v2 =	vsub.f32 v5, v14  }
0x419: {  	v3 =	vsub.f32 v7, v14  }
0x41a: {  	(erf) = vpow2.f32 v1;
	v1 =	vmul.f32 $1.442695020e+00, v2;
	v2 =	vsub.f32 v6, v14;
	_ =	sdelay $0x1  }
0x41b: {  	(erf) = vpow2.f32 v1;
	v1 =	vmul.f32 $1.442695020e+00, v2  }
0x41c: {  	v2 =	vmul.f32 $1.442695020e+00, v3  }
0x41d: {  	v3 =	vpop (erf);
	(erf) = vpow2.f32 v1;
	v1 =	vsub.f32 v8, v14  }
0x41e: {  	v39 =	vpop (erf);
	(erf) = vpow2.f32 v2  }
0x41f: {  	v2 =	vsub.f32 v9, v14;
	v1 =	vmul.f32 $1.442695020e+00, v1;
	v40 =	vadd.f32 v39, v3  }
0x420: {  	v41 =	vpop (erf)  }
0x421: {  	(erf) = vpow2.f32 v1;
	v1 =	vmul.f32 $1.442695020e+00, v2;
	v2 =	vadd.f32 v40, v41  }
0x422: {  	v42 =	vsub.f32 v10, v14;
	v43 =	vpop (erf)  }
0x423: {  	v2 =	vadd.f32 v2, v43  }
0x424: {  	v7 =	vmul.f32 $1.442695020e+00, v42;
	(erf) = vpow2.f32 v1;
	v1 =	vsub.f32 v11, v14;
	v44 =	vpop (erf)  }
0x425: {  	v2 =	vadd.f32 v2, v44  }
0x426: {  	v45 =	vsub.f32 v12, v14;
	(erf) = vpow2.f32 v7;
	v1 =	vmul.f32 $1.442695020e+00, v1;
	v46 =	vpop (erf)  }
0x427: {  	v47 =	vsub.f32 v13, v14;
	v2 =	vadd.f32 v2, v46  }
0x428: {  	(erf) = vpow2.f32 v1;
	v1 =	vmul.f32 $1.442695020e+00, v45  }
0x429: {  	v10 =	vmul.f32 $1.442695020e+00, v47;
	v48 =	vpop (erf)  }
0x42a: {  	(erf) = vpow2.f32 v1;
	v1 =	vadd.f32 v2, v48  }
0x42b: {  	v2 =	vpop (erf);
	(erf) = vpow2.f32 v10  }
0x42c: {  	v1 =	vadd.f32 v1, v2  }
0x42d: {  	v49 =	vpop (erf)  }
0x42e: {  	v1 =	vadd.f32 v1, v49  }
0x42f: {  	v50 =	vpop (erf)  }
0x430: {  	v1 =	vadd.f32 v1, v50  }
0x431: {  	v51 =	vpop (erf)  }
0x432: {  	v1 =	vadd.f32 v1, v51  }
0x433: {  	v52 =	vpop (erf)  }
0x434: {  	v53 =	vpop (erf);
	v1 =	vadd.f32 v1, v52  }
0x435: {  	v15 =	vsel vm0, $0x0, v53  }
0x436: {  	v1 =	vadd.f32 v1, v15;
	_ =	sdelay $0x1  }
0x437: {  	(xrf2) =	vadd.scan.msk.f32 $0xffff, v1;
	_ =	sdelay $0x9  }
0x438: {  	v1, _, _ =	vpop (xrf2)  }
0x439: {  	v1 =	vbroadcast v1, $0xF;
	_ =	sdelay $0x1  }
0x43a: {  	(erf) = vrcp.f32 v1;
	_ =	sdelay $0x8  }
0x43b: {  	v1 =	vpop (erf)  }
0x43c: {  	v3 =	vmul.f32 v1, v3  }
0x43d: {  	v4 =	vmul.f32 v1, v39  }
0x43e: {  	v54 =	vmul.f32 v1, v43;
	[tilespmem:$0xDD80] =	vst v3  }
0x43f: {  	v3 =	vmul.f32 v1, v41;
	[tilespmem:$0xDD90] =	vst v4  }
0x440: {  	v55 =	vmul.f32 v1, v46;
	[tilespmem:$0xDDB0] =	vst v54  }
0x441: {  	[tilespmem:$0xDDA0] =	vst v3;
	v3 =	vmul.f32 v1, v44  }
0x442: {  	v2 =	vmul.f32 v1, v2;
	[tilespmem:$0xDDD0] =	vst v55  }
0x443: {  	[tilespmem:$0xDDC0] =	vst v3;
	v3 =	vmul.f32 v1, v48  }
0x444: {  	[tilespmem:$0xDDF0] =	vst v2;
	v2 =	vmul.f32 v1, v50  }
0x445: {  	[tilespmem:$0xDDE0] =	vst v3;
	v3 =	vmul.f32 v1, v49  }
0x446: {  	[tilespmem:$0xDE10] =	vst v2;
	v2 =	vmul.f32 v1, v52  }
0x447: {  	[tilespmem:$0xDE00] =	vst v3;
	v3 =	vmul.f32 v1, v51  }
0x448: {  	[tilespmem:$0xDE30] =	vst v2;
	v1 =	vmul.f32 v1, v53  }
0x449: {  	[tilespmem:$0xDE20] =	vst v3  }
0x44a: {  	[tilespmem:$0xDE38] =	vst v1  }
0x44b: {  	v1 =	vld [tilespmem:s6+$0x5D80]  }
0x44c: {  	v2 =	vld [tilespmem:s6+$0x5D90]  }
0x44d: {  	v3 =	vld [tilespmem:s6+$0x5DA0]  }
0x44e: {  	v4 =	vld [tilespmem:s6+$0x5DB0]  }
0x44f: {  	v56 =	vld [tilespmem:s6+$0x5DC0]  }
0x450: {  	v57 =	vld [tilespmem:s6+$0x5DD0]  }
0x451: {  	v58 =	vld [tilespmem:s6+$0x5DE0]  }
0x452: {  	v59 =	vld [tilespmem:s6+$0x5DF0]  }
0x453: {  	v60 =	vld [tilespmem:s6+$0x6180];
	v1 =	vadd.s32 $0x5, v1  }
0x454: {  	v61 =	vld [tilespmem:s6+$0x6190];
	v2 =	vadd.s32 $0x5, v2  }
0x455: {  	v62 =	vld [tilespmem:s6+$0x61A0];
	v3 =	vadd.s32 $0x5, v3  }
0x456: {  	v63 =	vld [tilespmem:s6+$0x61B0];
	v4 =	vadd.s32 $0x5, v4  }
0x457: {  	v16 =	vld [tilespmem:s6+$0x61B8];
	v5 =	vadd.s32 $0x5, v56  }
0x458: {  	v6 =	vadd.s32 $0x5, v57;
	v1 =	vld.idx.msk [tilespmem:v1+s19+$0x0], $0xffff  }
0x459: {  	v7 =	vadd.s32 $0x5, v58;
	v2 =	vld.idx.msk [tilespmem:v2+s19+$0x0], $0xffff  }
0x45a: {  	v8 =	vadd.s32 $0x5, v59;
	v3 =	vld.idx.msk [tilespmem:v3+s19+$0x0], $0xffff  }
0x45b: {  	v9 =	vadd.s32 $0x5, v60;
	v4 =	vld.idx.msk [tilespmem:v4+s19+$0x0], $0xffff  }
0x45c: {  	v10 =	vadd.s32 $0x5, v61;
	v5 =	vld.idx.msk [tilespmem:v5+s19+$0x0], $0xffff  }
0x45d: {  	v11 =	vadd.s32 $0x5, v62;
	v6 =	vld.idx.msk [tilespmem:v6+s19+$0x0], $0xffff  }
0x45e: {  	v12 =	vadd.s32 $0x5, v63;
	v7 =	vld.idx.msk [tilespmem:v7+s19+$0x0], $0xffff;
	v17 =	vmax.f32 v1, v2  }
0x45f: {  	v13 =	vadd.s32 $0x5, v16;
	v8 =	vld.idx.msk [tilespmem:v8+s19+$0x0], $0xffff;
	v14 =	vmax.f32 v17, v3  }
0x460: {  	v9 =	vld.idx.msk [tilespmem:v9+s19+$0x0], $0xffff;
	v14 =	vmax.f32 v14, v4  }
0x461: {  	v10 =	vld.idx.msk [tilespmem:v10+s19+$0x0], $0xffff;
	v14 =	vmax.f32 v14, v5  }
0x462: {  	v11 =	vld.idx.msk [tilespmem:v11+s19+$0x0], $0xffff;
	v14 =	vmax.f32 v14, v6  }
0x463: {  	v12 =	vld.idx.msk [tilespmem:v12+s19+$0x0], $0xffff;
	v14 =	vmax.f32 v14, v7  }
0x464: {  	v13 =	vld.idx.msk [tilespmem:v13+s19+$0x0], $0xffff;
	v14 =	vmax.f32 v14, v8  }
0x465: {  	v14 =	vmax.f32 v14, v9  }
0x466: {  	v14 =	vmax.f32 v14, v10  }
0x467: {  	v14 =	vmax.f32 v14, v11  }
0x468: {  	v14 =	vmax.f32 v14, v12  }
0x469: {  	v14 =	vmax.f32 v14, v13  }
0x46a: {  	(xrf0) =	vmax.scan.msk.f32 $0xffff, v14;
	_ =	sdelay $0x5  }
0x46b: {  	v14, _, _ =	vpop (xrf0)  }
0x46c: {  	v14 =	vbroadcast v14, $0xF;
	_ =	sdelay $0x1  }
0x46d: {  	v1 =	vsub.f32 v1, v14  }
0x46e: {  	v2 =	vsub.f32 v2, v14  }
0x46f: {  	v1 =	vmul.f32 $1.442695020e+00, v1  }
0x470: {  	v3 =	vsub.f32 v3, v14;
	v2 =	vmul.f32 $1.442695020e+00, v2  }
0x471: {  	(erf) = vpow2.f32 v1  }
0x472: {  	v1 =	vmul.f32 $1.442695020e+00, v3;
	(erf) = vpow2.f32 v2;
	v2 =	vsub.f32 v4, v14;
	_ =	sdelay $0x1  }
0x473: {  	(erf) = vpow2.f32 v1;
	v1 =	vmul.f32 $1.442695020e+00, v2;
	v2 =	vsub.f32 v5, v14  }
0x474: {  	v3 =	vsub.f32 v7, v14  }
0x475: {  	(erf) = vpow2.f32 v1;
	v1 =	vmul.f32 $1.442695020e+00, v2;
	v2 =	vsub.f32 v6, v14;
	_ =	sdelay $0x1  }
0x476: {  	(erf) = vpow2.f32 v1;
	v1 =	vmul.f32 $1.442695020e+00, v2  }
0x477: {  	v2 =	vmul.f32 $1.442695020e+00, v3  }
0x478: {  	v3 =	vpop (erf);
	(erf) = vpow2.f32 v1;
	v1 =	vsub.f32 v8, v14  }
0x479: {  	v18 =	vpop (erf);
	(erf) = vpow2.f32 v2  }
0x47a: {  	v2 =	vsub.f32 v9, v14;
	v1 =	vmul.f32 $1.442695020e+00, v1;
	v19 =	vadd.f32 v18, v3  }
0x47b: {  	v20 =	vpop (erf)  }
0x47c: {  	(erf) = vpow2.f32 v1;
	v1 =	vmul.f32 $1.442695020e+00, v2;
	v2 =	vadd.f32 v19, v20  }
0x47d: {  	v21 =	vsub.f32 v10, v14;
	v22 =	vpop (erf)  }
0x47e: {  	v2 =	vadd.f32 v2, v22  }
0x47f: {  	v7 =	vmul.f32 $1.442695020e+00, v21;
	(erf) = vpow2.f32 v1;
	v1 =	vsub.f32 v11, v14;
	v23 =	vpop (erf)  }
0x480: {  	v2 =	vadd.f32 v2, v23  }
0x481: {  	v24 =	vsub.f32 v12, v14;
	(erf) = vpow2.f32 v7;
	v1 =	vmul.f32 $1.442695020e+00, v1;
	v25 =	vpop (erf)  }
0x482: {  	v26 =	vsub.f32 v13, v14;
	v2 =	vadd.f32 v2, v25  }
0x483: {  	(erf) = vpow2.f32 v1;
	v1 =	vmul.f32 $1.442695020e+00, v24  }
0x484: {  	v10 =	vmul.f32 $1.442695020e+00, v26;
	v27 =	vpop (erf)  }
0x485: {  	(erf) = vpow2.f32 v1;
	v1 =	vadd.f32 v2, v27  }
0x486: {  	v2 =	vpop (erf);
	(erf) = vpow2.f32 v10  }
0x487: {  	v1 =	vadd.f32 v1, v2  }
0x488: {  	v28 =	vpop (erf)  }
0x489: {  	v1 =	vadd.f32 v1, v28  }
0x48a: {  	v29 =	vpop (erf)  }
0x48b: {  	v1 =	vadd.f32 v1, v29  }
0x48c: {  	v30 =	vpop (erf)  }
0x48d: {  	v1 =	vadd.f32 v1, v30  }
0x48e: {  	v31 =	vpop (erf)  }
0x48f: {  	v32 =	vpop (erf);
	v1 =	vadd.f32 v1, v31  }
0x490: {  	v33 =	vsel vm0, $0x0, v32  }
0x491: {  	v1 =	vadd.f32 v1, v33;
	_ =	sdelay $0x1  }
0x492: {  	(xrf2) =	vadd.scan.msk.f32 $0xffff, v1;
	_ =	sdelay $0x9  }
0x493: {  	v1, _, _ =	vpop (xrf2)  }
0x494: {  	v1 =	vbroadcast v1, $0xF;
	_ =	sdelay $0x1  }
0x495: {  	(erf) = vrcp.f32 v1;
	_ =	sdelay $0x8  }
0x496: {  	v1 =	vpop (erf)  }
0x497: {  	v3 =	vmul.f32 v1, v3  }
0x498: {  	v4 =	vmul.f32 v1, v18  }
0x499: {  	v34 =	vmul.f32 v1, v22;
	[tilespmem:$0xDE80] =	vst v3  }
0x49a: {  	v3 =	vmul.f32 v1, v20;
	[tilespmem:$0xDE90] =	vst v4  }
0x49b: {  	v35 =	vmul.f32 v1, v25;
	[tilespmem:$0xDEB0] =	vst v34  }
0x49c: {  	[tilespmem:$0xDEA0] =	vst v3;
	v3 =	vmul.f32 v1, v23  }
0x49d: {  	v2 =	vmul.f32 v1, v2;
	[tilespmem:$0xDED0] =	vst v35  }
0x49e: {  	[tilespmem:$0xDEC0] =	vst v3;
	v3 =	vmul.f32 v1, v27  }
0x49f: {  	[tilespmem:$0xDEF0] =	vst v2;
	v2 =	vmul.f32 v1, v29  }
0x4a0: {  	[tilespmem:$0xDEE0] =	vst v3;
	v3 =	vmul.f32 v1, v28  }
0x4a1: {  	[tilespmem:$0xDF10] =	vst v2;
	v2 =	vmul.f32 v1, v31  }
0x4a2: {  	[tilespmem:$0xDF00] =	vst v3;
	v3 =	vmul.f32 v1, v30  }
0x4a3: {  	[tilespmem:$0xDF30] =	vst v2;
	v1 =	vmul.f32 v1, v32  }
0x4a4: {  	[tilespmem:$0xDF20] =	vst v3  }
0x4a5: {  	[tilespmem:$0xDF38] =	vst v1  }
0x4a6: {  	v1 =	vld [tilespmem:s6+$0x9D80]  }
0x4a7: {  	v2 =	vld [tilespmem:s6+$0x9D90]  }
0x4a8: {  	v3 =	vld [tilespmem:s6+$0x9DA0]  }
0x4a9: {  	v4 =	vld [tilespmem:s6+$0x9DB0]  }
0x4aa: {  	v36 =	vld [tilespmem:s6+$0x9DC0]  }
0x4ab: {  	v37 =	vld [tilespmem:s6+$0x9DD0]  }
0x4ac: {  	v38 =	vld [tilespmem:s6+$0x9DE0]  }
0x4ad: {  	v39 =	vld [tilespmem:s6+$0x9DF0]  }
0x4ae: {  	v40 =	vld [tilespmem:s6+$0xA180];
	v1 =	vadd.s32 $0x1A, v1  }
0x4af: {  	v41 =	vld [tilespmem:s6+$0xA190];
	v2 =	vadd.s32 $0x1A, v2  }
0x4b0: {  	v42 =	vld [tilespmem:s6+$0xA1A0];
	v3 =	vadd.s32 $0x1A, v3  }
0x4b1: {  	v43 =	vld [tilespmem:s6+$0xA1B0];
	v4 =	vadd.s32 $0x1A, v4  }
0x4b2: {  	v44 =	vld [tilespmem:s6+$0xA1B8];
	v5 =	vadd.s32 $0x1A, v36  }
0x4b3: {  	v6 =	vadd.s32 $0x1A, v37;
	v1 =	vld.idx.msk [tilespmem:v1+s19+$0x0], $0xffff  }
0x4b4: {  	v7 =	vadd.s32 $0x1A, v38;
	v2 =	vld.idx.msk [tilespmem:v2+s19+$0x0], $0xffff  }
0x4b5: {  	v8 =	vadd.s32 $0x1A, v39;
	v3 =	vld.idx.msk [tilespmem:v3+s19+$0x0], $0xffff  }
0x4b6: {  	v9 =	vadd.s32 $0x1A, v40;
	v4 =	vld.idx.msk [tilespmem:v4+s19+$0x0], $0xffff  }
0x4b7: {  	v10 =	vadd.s32 $0x1A, v41;
	v5 =	vld.idx.msk [tilespmem:v5+s19+$0x0], $0xffff  }
0x4b8: {  	v11 =	vadd.s32 $0x1A, v42;
	v6 =	vld.idx.msk [tilespmem:v6+s19+$0x0], $0xffff  }
0x4b9: {  	v12 =	vadd.s32 $0x1A, v43;
	v7 =	vld.idx.msk [tilespmem:v7+s19+$0x0], $0xffff;
	v45 =	vmax.f32 v1, v2  }
0x4ba: {  	v13 =	vadd.s32 $0x1A, v44;
	v8 =	vld.idx.msk [tilespmem:v8+s19+$0x0], $0xffff;
	v14 =	vmax.f32 v45, v3  }
0x4bb: {  	v9 =	vld.idx.msk [tilespmem:v9+s19+$0x0], $0xffff;
	v14 =	vmax.f32 v14, v4  }
0x4bc: {  	v10 =	vld.idx.msk [tilespmem:v10+s19+$0x0], $0xffff;
	v14 =	vmax.f32 v14, v5  }
0x4bd: {  	v11 =	vld.idx.msk [tilespmem:v11+s19+$0x0], $0xffff;
	v14 =	vmax.f32 v14, v6  }
0x4be: {  	v12 =	vld.idx.msk [tilespmem:v12+s19+$0x0], $0xffff;
	v14 =	vmax.f32 v14, v7  }
0x4bf: {  	v13 =	vld.idx.msk [tilespmem:v13+s19+$0x0], $0xffff;
	v14 =	vmax.f32 v14, v8  }
0x4c0: {  	v14 =	vmax.f32 v14, v9  }
0x4c1: {  	v14 =	vmax.f32 v14, v10  }
0x4c2: {  	v14 =	vmax.f32 v14, v11  }
0x4c3: {  	v14 =	vmax.f32 v14, v12  }
0x4c4: {  	v14 =	vmax.f32 v14, v13  }
0x4c5: {  	(xrf0) =	vmax.scan.msk.f32 $0xffff, v14;
	_ =	sdelay $0x5  }
0x4c6: {  	v14, _, _ =	vpop (xrf0)  }
0x4c7: {  	v14 =	vbroadcast v14, $0xF;
	_ =	sdelay $0x1  }
0x4c8: {  	v1 =	vsub.f32 v1, v14  }
0x4c9: {  	v2 =	vsub.f32 v2, v14  }
0x4ca: {  	v1 =	vmul.f32 $1.442695020e+00, v1  }
0x4cb: {  	v3 =	vsub.f32 v3, v14;
	v2 =	vmul.f32 $1.442695020e+00, v2  }
0x4cc: {  	(erf) = vpow2.f32 v1  }
0x4cd: {  	v1 =	vmul.f32 $1.442695020e+00, v3;
	(erf) = vpow2.f32 v2;
	v2 =	vsub.f32 v4, v14;
	_ =	sdelay $0x1  }
0x4ce: {  	(erf) = vpow2.f32 v1;
	v1 =	vmul.f32 $1.442695020e+00, v2;
	v2 =	vsub.f32 v5, v14  }
0x4cf: {  	v3 =	vsub.f32 v7, v14  }
0x4d0: {  	(erf) = vpow2.f32 v1;
	v1 =	vmul.f32 $1.442695020e+00, v2;
	v2 =	vsub.f32 v6, v14;
	_ =	sdelay $0x1  }
0x4d1: {  	(erf) = vpow2.f32 v1;
	v1 =	vmul.f32 $1.442695020e+00, v2  }
0x4d2: {  	v2 =	vmul.f32 $1.442695020e+00, v3  }
0x4d3: {  	v3 =	vpop (erf);
	(erf) = vpow2.f32 v1;
	v1 =	vsub.f32 v8, v14  }
0x4d4: {  	v46 =	vpop (erf);
	(erf) = vpow2.f32 v2  }
0x4d5: {  	v2 =	vsub.f32 v9, v14;
	v1 =	vmul.f32 $1.442695020e+00, v1;
	v47 =	vadd.f32 v46, v3  }
0x4d6: {  	v48 =	vpop (erf)  }
0x4d7: {  	(erf) = vpow2.f32 v1;
	v1 =	vmul.f32 $1.442695020e+00, v2;
	v2 =	vadd.f32 v47, v48  }
0x4d8: {  	v49 =	vsub.f32 v10, v14;
	v50 =	vpop (erf)  }
0x4d9: {  	v2 =	vadd.f32 v2, v50  }
0x4da: {  	v7 =	vmul.f32 $1.442695020e+00, v49;
	(erf) = vpow2.f32 v1;
	v1 =	vsub.f32 v11, v14;
	v51 =	vpop (erf)  }
0x4db: {  	v2 =	vadd.f32 v2, v51  }
0x4dc: {  	v52 =	vsub.f32 v12, v14;
	(erf) = vpow2.f32 v7;
	v1 =	vmul.f32 $1.442695020e+00, v1;
	v53 =	vpop (erf)  }
0x4dd: {  	v54 =	vsub.f32 v13, v14;
	v2 =	vadd.f32 v2, v53  }
0x4de: {  	(erf) = vpow2.f32 v1;
	v1 =	vmul.f32 $1.442695020e+00, v52  }
0x4df: {  	v10 =	vmul.f32 $1.442695020e+00, v54;
	v55 =	vpop (erf)  }
0x4e0: {  	(erf) = vpow2.f32 v1;
	v1 =	vadd.f32 v2, v55  }
0x4e1: {  	v2 =	vpop (erf);
	(erf) = vpow2.f32 v10  }
0x4e2: {  	v1 =	vadd.f32 v1, v2  }
0x4e3: {  	v56 =	vpop (erf)  }
0x4e4: {  	v1 =	vadd.f32 v1, v56  }
0x4e5: {  	v57 =	vpop (erf)  }
0x4e6: {  	v1 =	vadd.f32 v1, v57  }
0x4e7: {  	v58 =	vpop (erf)  }
0x4e8: {  	v1 =	vadd.f32 v1, v58  }
0x4e9: {  	v59 =	vpop (erf)  }
0x4ea: {  	v60 =	vpop (erf);
	v1 =	vadd.f32 v1, v59  }
0x4eb: {  	v61 =	vsel vm0, $0x0, v60  }
0x4ec: {  	v1 =	vadd.f32 v1, v61;
	_ =	sdelay $0x1  }
0x4ed: {  	(xrf2) =	vadd.scan.msk.f32 $0xffff, v1;
	_ =	sdelay $0x9  }
0x4ee: {  	v1, _, _ =	vpop (xrf2)  }
0x4ef: {  	v1 =	vbroadcast v1, $0xF;
	_ =	sdelay $0x1  }
0x4f0: {  	(erf) = vrcp.f32 v1;
	_ =	sdelay $0x8  }
0x4f1: {  	v1 =	vpop (erf)  }
0x4f2: {  	v3 =	vmul.f32 v1, v3  }
0x4f3: {  	v4 =	vmul.f32 v1, v46  }
0x4f4: {  	v62 =	vmul.f32 v1, v50;
	[tilespmem:$0xDF80] =	vst v3  }
0x4f5: {  	v3 =	vmul.f32 v1, v48;
	[tilespmem:$0xDF90] =	vst v4  }
0x4f6: {  	v63 =	vmul.f32 v1, v53;
	[tilespmem:$0xDFB0] =	vst v62  }
0x4f7: {  	[tilespmem:$0xDFA0] =	vst v3;
	v3 =	vmul.f32 v1, v51  }
0x4f8: {  	v2 =	vmul.f32 v1, v2;
	[tilespmem:$0xDFD0] =	vst v63  }
0x4f9: {  	[tilespmem:$0xDFC0] =	vst v3;
	v3 =	vmul.f32 v1, v55  }
0x4fa: {  	[tilespmem:$0xDFF0] =	vst v2;
	v2 =	vmul.f32 v1, v57  }
0x4fb: {  	[tilespmem:$0xDFE0] =	vst v3;
	v3 =	vmul.f32 v1, v56  }
0x4fc: {  	[tilespmem:$0xE010] =	vst v2;
	v2 =	vmul.f32 v1, v59  }
0x4fd: {  	[tilespmem:$0xE000] =	vst v3;
	v3 =	vmul.f32 v1, v58  }
0x4fe: {  	s0 =	sor.u32 s15, s0;
	[tilespmem:$0xE030] =	vst v2;
	v1 =	vmul.f32 v1, v60  }
0x4ff: {  	s0 =	sshrl.u32 s0, $0x3;
	[tilespmem:$0xE020] =	vst v3  }
0x500: {  	s5 =	simm.s32 $0x0;
	s0 =	sadd.s32 s9, s0;
	[tilespmem:$0xE038] =	vst v1  }
.LBB2_20:
0x501: {  	s7 =	sshll.u32 s5, $0x4  }
0x502: {  	s7 =	smin.u32 s7, $0xB8  }
0x503: {  	s8 =	sshll.u32 s7, $0x3  }
0x504: {  	s8 =	sand.u32 $0x400, s8  }
0x505: {  	s8 =	sor.u32 s6, s8  }
0x506: {  	s8 =	sor.u32 s7, s8  }
0x507: {  	v1 =	vld [tilespmem:s8+$0x1D80]  }
0x508: {  	v2 =	vld [tilespmem:s8+$0x5D80]  }
0x509: {  	v3 =	vld [tilespmem:s8+$0x9D80];
	_ =	sdelay $0x3  }
0x50a: {  	v10 =	vlaneseq.u32;
	v4 =	vshll.u32 v1, $0x6;
	v1 =	vshll.u32 v2, $0x6  }
0x50b: {  	v2 =	vshll.u32 v3, $0x6;
	v5 =	vadd.s32 $0x140, v1;
	v6 =	vor.u32 v4, v10  }
0x50c: {  	v1 =	vadd.s32 $0x1, v10;
	v7 =	vadd.s32 $0x680, v2;
	v8 =	vor.u32 v5, v10  }
0x50d: {  	v3 =	vld [tilespmem:s7+$0xDE80];
	v11 =	vand.u32 $0x3F, v1;
	v12 =	vor.u32 v7, v10  }
0x50e: {  	v2 =	vld [tilespmem:s7+$0xDF80];
	v9 =	vor.u32 v5, v11  }
0x50f: {  	v1 =	vld [tilespmem:s7+$0xDD80];
	v14 =	vor.u32 v7, v11  }
0x510: {  	v13 =	vmul.u32 $0x40, v10;
	v15 =	vld.idx.msk [tilespmem:v6+s2+$0x0], $0xffff;
	v6 =	vadd.s32 $0x2, v10  }
0x511: {  	s7 =	sshll.u32 s7, $0x6;
	v16 =	vor.u32 v4, v11;
	v17 =	vld.idx.msk [tilespmem:v8+s2+$0x0], $0xffff;
	v8 =	vand.u32 $0x3F, v6  }
0x512: {  	v13 =	vadd.s32 s7, v13;
	v6 =	vand.u32 $0x1, v10;
	v12 =	vld.idx.msk [tilespmem:v12+s2+$0x0], $0xffff;
	v19 =	vor.u32 v4, v8  }
0x513: {  	v18 =	vld.idx.msk [tilespmem:v9+s2+$0x0], $0xffff;
	v9 =	vadd.s32 $0x1, v8;
	v6 =	vmul.u32 $0x40, v6;
	v20 =	vor.u32 v5, v8  }
0x514: {  	v13 =	vand.u32 $0x7F80, v13;
	v21 =	vld.idx.msk [tilespmem:v14+s2+$0x0], $0xffff;
	v23 =	vor.u32 v7, v8;
	v9 =	vand.u32 $0x3F, v9  }
0x515: {  	v14 =	vor.u32 v5, v9;
	v6 =	vor.u32 v6, v13  }
0x516: {  	v16 =	vld.idx.msk [tilespmem:v16+s2+$0x0], $0xffff;
	v24 =	vor.u32 v7, v9;
	v22 =	vmul.f32 v15, v1;
	v25 =	vmul.f32 v17, v3  }
0x517: {  	v26 =	vor.u32 v4, v9;
	v27 =	vor.u32 v10, v6;
	v10 =	vor.u32 v11, v6;
	v13 =	vld.idx.msk [tilespmem:v19+s2+$0x0], $0xffff  }
0x518: {  	v28 =	vmul.f32 v12, v2;
	v19 =	vadd.s32 $0x2, v8;
	v15 =	vld.idx.msk [tilespmem:v20+s2+$0x0], $0xffff;
	v25 =	vadd.f32 v25, v22  }
0x519: {  	v17 =	vmul.f32 v18, v3;
	v18 =	vmul.f32 v21, v2;
	v20 =	vld.idx.msk [tilespmem:v23+s2+$0x0], $0xffff;
	v12 =	vand.u32 $0x3F, v19  }
0x51a: {  	v14 =	vld.idx.msk [tilespmem:v14+s2+$0x0], $0xffff;
	v22 =	vor.u32 v4, v12;
	v11 =	vadd.s32 $0x1, v12;
	v28 =	vadd.f32 v28, v25  }
0x51b: {  	v23 =	vor.u32 v5, v12;
	v19 =	vld.idx.msk [tilespmem:v24+s2+$0x0], $0xffff;
	v11 =	vand.u32 $0x3F, v11;
	v25 =	vmul.f32 v16, v1  }
0x51c: {  	s7 =	simm.s32 $0x4;
	v16 =	vld.idx.msk [tilespmem:v26+s2+$0x0], $0xffff;
	v21 =	vor.u32 v4, v11;
	v24 =	vor.u32 v5, v11;
	[tilespmem:v27+s23+$0x0] =	vst.idx.msk $0xffff, v28  }
.LBB2_21:
0x51d: {  	s7 =	sadd.s32 $0x2, s7;
	v26 =	vor.u32 v7, v12;
	v27 =	vor.u32 v7, v11;
	v25 =	vadd.f32 v17, v25  }
0x51e: {  	v28 =	vmul.f32 v13, v1;
	v29 =	vmul.f32 v15, v3;
	v30 =	vor.u32 v8, v6;
	v8 =	vmovc v12;
	p1 =	slt.u32 s7, $0x3E  }
0x51f: {  	v12 =	vadd.s32 $0x2, v12;
	v17 =	vmul.f32 v14, v3;
	v13 =	vld.idx.msk [tilespmem:v22+s2+$0x0], $0xffff;
	v22 =	vadd.f32 v18, v25  }
.Ltmp8:
0x520: {  	v25 =	vmul.f32 v20, v2;
	v15 =	vld.idx.msk [tilespmem:v23+s2+$0x0], $0xffff;
	v23 =	vadd.f32 v29, v28;
	v28 =	vor.u32 v9, v6;
	(pc) =	sbr.rel @p1 .LBB2_21-.Ltmp8, $4  }
0x521: {  	v12 =	vand.u32 $0x3F, v12;
	v18 =	vmul.f32 v19, v2;
	v14 =	vld.idx.msk [tilespmem:v24+s2+$0x0], $0xffff;
	[tilespmem:v10+s23+$0x0] =	vst.idx.msk $0xffff, v22;
	v10 =	vmov v28  }
0x522: {  	v19 =	vadd.s32 $0x1, v12;
	v9 =	vmovc v11;
	v22 =	vor.u32 v4, v12;
	v20 =	vld.idx.msk [tilespmem:v26+s2+$0x0], $0xffff;
	v26 =	vadd.f32 v25, v23  }
0x523: {  	v11 =	vand.u32 $0x3F, v19;
	v23 =	vor.u32 v5, v12;
	v25 =	vmul.f32 v16, v1;
	v19 =	vld.idx.msk [tilespmem:v27+s2+$0x0], $0xffff  }
0x524: {  	v24 =	vor.u32 v5, v11;
	v16 =	vld.idx.msk [tilespmem:v21+s2+$0x0], $0xffff;
	v21 =	vor.u32 v4, v11;
	[tilespmem:v30+s23+$0x0] =	vst.idx.msk $0xffff, v26  }
0x525: {  	_ =	sdelay $0x2  }
0x526: {  	v4 =	vor.u32 v7, v12  }
0x527: {  	v5 =	vor.u32 v7, v11;
	v53 =	vld.idx.msk [tilespmem:v22+s2+$0x0], $0xffff  }
0x528: {  	v54 =	vld.idx.msk [tilespmem:v23+s2+$0x0], $0xffff  }
0x529: {  	v17 =	vadd.f32 v17, v25;
	v55 =	vld.idx.msk [tilespmem:v24+s2+$0x0], $0xffff  }
0x52a: {  	v13 =	vmul.f32 v13, v1;
	v15 =	vmul.f32 v15, v3;
	v8 =	vor.u32 v8, v6;
	v21 =	vld.idx.msk [tilespmem:v21+s2+$0x0], $0xffff  }
0x52b: {  	v9 =	vor.u32 v9, v6;
	v61 =	vor.u32 v12, v6;
	v62 =	vor.u32 v11, v6;
	v4 =	vld.idx.msk [tilespmem:v4+s2+$0x0], $0xffff  }
0x52c: {  	v14 =	vmul.f32 v14, v3;
	v17 =	vadd.f32 v18, v17;
	v56 =	vmul.f32 v20, v2;
	v5 =	vld.idx.msk [tilespmem:v5+s2+$0x0], $0xffff  }
0x52d: {  	v13 =	vadd.f32 v15, v13;
	v57 =	vmul.f32 v19, v2;
	v16 =	vmul.f32 v16, v1  }
0x52e: {  	[tilespmem:v10+s23+$0x0] =	vst.idx.msk $0xffff, v17;
	v7 =	vmul.f32 v53, v1;
	v60 =	vmul.f32 v54, v3  }
0x52f: {  	s5 =	sadd.s32 $0x1, s5;
	v3 =	vmul.f32 v55, v3;
	v1 =	vmul.f32 v21, v1;
	v59 =	vadd.f32 v14, v16  }
0x530: {  	p1 =	sne.s32 s5, $0xD;
	v58 =	vadd.f32 v56, v13;
	v7 =	vadd.f32 v60, v7;
	v4 =	vmul.f32 v4, v2  }
.Ltmp9:
0x531: {  	v1 =	vadd.f32 v3, v1;
	v63 =	vadd.f32 v57, v59;
	v2 =	vmul.f32 v5, v2;
	(pc) =	sbr.rel @p1 .LBB2_20-.Ltmp9, $4  }
0x532: {  	[tilespmem:v8+s23+$0x0] =	vst.idx.msk $0xffff, v58;
	v3 =	vadd.f32 v4, v7  }
0x533: {  	[tilespmem:v9+s23+$0x0] =	vst.idx.msk $0xffff, v63;
	v1 =	vadd.f32 v2, v1  }
0x534: {  	[tilespmem:v61+s23+$0x0] =	vst.idx.msk $0xffff, v3  }
0x535: {  	[tilespmem:v62+s23+$0x0] =	vst.idx.msk $0xffff, v1  }
0x536: {  	s30 =	sadd.s32 $0x1, s30  }
0x537: {  	p1 =	sne.s32 s30, $0x20  }
.Ltmp10:
0x538: {  	_ = 	snop;
	(pc) =	sbr.rel @p1 .LBB2_15-.Ltmp10, $2  }
0x539: {  	_ =	sdelay $0x2  }
0x53a: {  	[hbm4b:s0+s21] =	stream.strided.scatter [tilespmem:s23], [sflag:$0x2], $0x3200, s22, s21, $0x38;
	[tilespmem:$0x14480] =	vst v63  }
0x53b: {  	_ =	swait.ge [sflag:s24], $0x3200  }
.Ltmp11:
0x53c: {  	[sflag:s24] =	ssyncset.done $0x0;
	(pc) =	sbr.rel @p0 .LBB2_6-.Ltmp11, $4  }
0x53d: {  	[sflag:s24] =	ssyncadd.s32 $0xFFFFCE00  }
0x53e: {  	_ =	swait.ge [sflag:s25], $0x3200  }
0x53f: {  	[sflag:s25] =	ssyncset.done $0x0  }
0x540: {  	s0 =	simm.s32 $0x40;
	p1 =	por $0x0, $0x0;
	[sflag:s25] =	ssyncadd.s32 $0xFFFFCE00  }
0x541: {  	s5 =	rddreg [dreg:$0x7]  }
0x542: {  	s0 =	rddreg [dreg:$0x6];
	s5 =	sadd.s32 $0x1, s5  }
0x543: {  	p0 =	sne.s32 s5, s0  }
.Ltmp12:
0x544: {  	_ = 	snop;
	(pc) =	sbr.rel @p0 .LBB2_1-.Ltmp12, $1  }
0x545: {  	_ =	sdelay $0x3  }
0x546: {  	_ =	sfence.sel $0x180000  }
0x547: {  	[bflag:$0x0] =	sbarrier.arrive $0xFFFF  }
0x548: {  	_ =	strace $0x90000047  }
0x549: {  	s0 =	stileid.u32;
	[bflag:$0x2] =	sbarrier.arrive $0xFFFF  }
0x54a: {  	p0 =	sne.s32 s0, $0x0;
	s0 =	rddreg [dreg:$0x2]  }
0x54b: {  	s0 =	sadd.s32 @!p0 $0x100000, s0  }
0x54c: {  	[sflag:s0] =	ssyncadd.tile.s32 @!p0 $0x1;
	_ =	shalt  }
.Lfunc_end2:
_tile_overlayer_lowered:
.L_overlay_start_2:
0x54d: {  	(tag) =	ssettag $0x2  }
0x54e: {  	s0 =	rddreg [dreg:$0x0];
	s2 =	stileid.u32  }
0x54f: {  	s1 =	rddreg [dreg:$0x1];
	p0 =	sne.s32 s2, $0x0  }
0x550: {  	s3 =	rddreg [dreg:$0x2];
	[bflag:$0x3] =	sbarrier.arrive $0xFFFF;
	s2 =	simm.s32 @!p0 $0x1C03  }
0x551: {  	[timem:s3], [sflag:s2] =	dma.local @!p0 [hbm:s0], s1  }
0x552: {  	s0 =	simm.s32 @!p0 $0x3  }
0x553: {  	_ =	swait.ge @!p0 [sflag:s0], s1  }
0x554: {  	s1 =	ssub.s32 @!p0 $0x0, s1;
	[sflag:s0] =	ssyncset.done @!p0 $0x0  }
0x555: {  	[sflag:s0] =	ssyncadd.s32 @!p0 s1  }
0x556: {  	[bflag:$0x3] =	sbarrier.arrive $0xFFFF  }
0x557: {  	_ =	shalt  }

</sc_bundles>
